<compile_context>
chip_gen: v7x
topology: tpu7x:2x2x1
jax: 0.10.2.dev20260603
libtpu: 0.0.44.dev20260713+nightly
codegen_flags: <defaults>
</compile_context>

<pallas_src>
import functools

import jax
import jax.numpy as jnp
from jax import lax
from jax.experimental import pallas as pl
from jax.experimental.pallas import tpu as pltpu
from jax.experimental.pallas import tpu_sc as plsc

_N_NODES = 10000
_N_EDGES = 320000
_NODE_DIM = 128
_E_DIM = 16
_E_VOCAB = 16

_INFO = plsc.get_sparse_core_info()
_NC, _NS = _INFO.num_cores, _INFO.num_subcores
_NW = _NC * _NS
_L = 16

_NODE_CHUNK = 320

_BLK = 128
_N_BLKS = _N_EDGES // _BLK
_NB_W = 79
_TB = 16
_CHUNK_SIZES = (16, 16, 16, 16, 15)
_CBUF_PLANE = _TB * _BLK * 8
_PLANE_STRIDE = _N_BLKS * _BLK * 8
_UNROLL = 4


def _sc_lookup(node_ids, edge_ids, node_table, edge_table):
    mesh = plsc.VectorSubcoreMesh(core_axis_name="c", subcore_axis_name="s")

    @functools.partial(
        pl.kernel,
        mesh=mesh,
        out_type=(
            jax.ShapeDtypeStruct((_N_NODES, _NODE_DIM), jnp.float32),
            jax.ShapeDtypeStruct((_N_EDGES * _E_DIM,), jnp.float32),
        ),
        scratch_types=[
            pltpu.VMEM((_NODE_CHUNK,), jnp.int32),
            pltpu.VMEM((_NODE_CHUNK, _NODE_DIM), jnp.float32),
            pltpu.VMEM((_TB * _BLK,), jnp.int32),
            pltpu.VMEM((_TB * _BLK,), jnp.int32),
            pltpu.VMEM((2 * _CBUF_PLANE,), jnp.float32),
            pltpu.VMEM((2 * _CBUF_PLANE,), jnp.float32),
            pltpu.VMEM((_E_VOCAB * _E_DIM * _L,), jnp.float32),
            pltpu.SemaphoreType.DMA,
            pltpu.SemaphoreType.DMA,
            pltpu.SemaphoreType.DMA,
            pltpu.SemaphoreType.DMA,
            pltpu.SemaphoreType.DMA,
            pltpu.SemaphoreType.DMA,
            pltpu.SemaphoreType.DMA,
        ],
        compiler_params=pltpu.CompilerParams(needs_layout_passes=False),
    )
    def k(node_ids_hbm, edge_ids_hbm, node_tab_hbm, edge_tab_hbm,
          node_out, edge_out, nidx_v, nrows_v, eidx0, eidx1, cbuf0, cbuf1,
          etab_v, sn_id, sn_g, sn_w, se_id0, se_id1, se_w0, se_w1):
        wid = lax.axis_index("s") * _NC + lax.axis_index("c")
        nbase = jnp.where(wid < _NW - 1,
                          wid * _NODE_CHUNK, _N_NODES - _NODE_CHUNK)
        bstart = (wid * _N_BLKS) // _NW

        nid_cp = pltpu.async_copy(
            node_ids_hbm.at[pl.ds(nbase, _NODE_CHUNK)], nidx_v, sn_id)
        eidx = (eidx0, eidx1)
        cbuf = (cbuf0, cbuf1)
        seid = (se_id0, se_id1)
        sew = (se_w0, se_w1)
        csum = [sum(_CHUNK_SIZES[:n]) for n in range(len(_CHUNK_SIZES))]
        ecp = [
            pltpu.async_copy(
                edge_ids_hbm.at[pl.ds((bstart + csum[c]) * _BLK,
                                      _CHUNK_SIZES[c] * _BLK)],
                eidx[c].at[pl.ds(0, _CHUNK_SIZES[c] * _BLK)], seid[c])
            for c in range(2)
        ]
        pltpu.sync_copy(edge_tab_hbm, etab_v)
        nid_cp.wait()
        ng = pltpu.async_copy(node_tab_hbm.at[nidx_v], nrows_v, sn_g)

        lanes = lax.iota(jnp.int32, _L)

        def expand_chunk(ids_ref, rows_ref, n_groups):
            def gather_group(g):
                idvec = ids_ref[pl.ds(g * _L, _L)]
                src = idvec * (_E_DIM * _L) + lanes
                return tuple(plsc.load_gather(etab_v, [src + j * _L])
                             for j in range(_E_DIM))

            def store_group(g, vals):
                dstb = (g // 8) * (8 * _BLK) + (g % 8) * _L
                for j in range(_E_DIM):
                    off = dstb + (j // 8) * _CBUF_PLANE + (j % 8) * _BLK
                    rows_ref[pl.ds(off, _L)] = vals[j]

            def body(it, _):
                g0 = it * _UNROLL
                prev = gather_group(g0)
                for u in range(1, _UNROLL):
                    cur = gather_group(g0 + u)
                    store_group(g0 + u - 1, prev)
                    prev = cur
                store_group(g0 + _UNROLL - 1, prev)
                return 0

            lax.fori_loop(0, n_groups // _UNROLL, body, 0)

        wr = [(), ()]
        nw = None
        n_chunks = len(_CHUNK_SIZES)
        for c in range(n_chunks):
            b = c & 1
            tb = _CHUNK_SIZES[c]
            ecp[b].wait()
            for h in wr[b]:
                h.wait()
            expand_chunk(eidx[b], cbuf[b], tb * 8)
            if c + 2 < n_chunks:
                nxt = c + 2
                ecp[b] = pltpu.async_copy(
                    edge_ids_hbm.at[pl.ds((bstart + csum[nxt]) * _BLK,
                                          _CHUNK_SIZES[nxt] * _BLK)],
                    eidx[b].at[pl.ds(0, _CHUNK_SIZES[nxt] * _BLK)], seid[b])
            cb0 = bstart + csum[c]
            wr[b] = tuple(
                pltpu.async_copy(
                    cbuf[b].at[pl.ds(tj * _CBUF_PLANE, tb * _BLK * 8)],
                    edge_out.at[pl.ds(tj * _PLANE_STRIDE + cb0 * (_BLK * 8),
                                      tb * _BLK * 8)],
                    sew[b])
                for tj in range(2)
            )
            if c == 1:
                ng.wait()
                nw = pltpu.async_copy(
                    nrows_v, node_out.at[pl.ds(nbase, _NODE_CHUNK)], sn_w)
        for hs in wr:
            for h in hs:
                h.wait()
        nw.wait()

    return k(node_ids, edge_ids, node_table, edge_table)


def kernel(node_ids, edge_ids, node_table, edge_table):
    etab_rep = jnp.repeat(edge_table.reshape(-1), _L)
    node_feat, edge_flat = _sc_lookup(node_ids, edge_ids, node_table,
                                      etab_rep)
    edge_feat = (edge_flat.reshape(2, _N_BLKS, 8, _BLK)
                 .transpose(1, 3, 0, 2)
                 .reshape(_N_EDGES, _E_DIM))
    return node_feat, edge_feat

# --- scband reference (transcript-rebuilt; emitter-appended) ---
"""Pipeline reference for scband-graph-embedding-84104049590826 (READ-ONLY COPY).

The authoritative reference and input builder live on the scoring server;
editing this copy changes nothing except your own understanding.
"""

import jax, jax.numpy as jnp
import numpy as np

N_NODES = 10000        # nodes in the batched graph
N_EDGES = 320000       # edges in the batched graph (avg_degree=32)
NODE_VOCAB = 100000    # rows in the pretrained node embedding table
NODE_DIM = 128         # pretrained node embedding dim
NUM_E_LABELS = 16      # edge label vocab
E_DIM = 16             # edge embedding dim


def setup_inputs(seed: int = 0) -> dict:
    key = jax.random.key(seed)
    k1, k2, k3, k4 = jax.random.split(key, 4)
    # forward args (the DGL graph is decomposed into its id tensors)
    node_ids = jax.random.randint(k1, (N_NODES,), 0, NODE_VOCAB)
    edge_ids = jax.random.randint(k2, (N_EDGES,), 0, NUM_E_LABELS)
    # learned parameters: pretrained node table (torch.load stand-in) + edge table
    node_table = jax.random.normal(k3, (NODE_VOCAB, NODE_DIM), dtype=jnp.float32)
    edge_table = jax.random.normal(k4, (NUM_E_LABELS, E_DIM), dtype=jnp.float32)
    return {"node_ids": node_ids, "edge_ids": edge_ids,
            "node_table": node_table, "edge_table": edge_table}


def reference(node_ids, edge_ids, node_table, edge_table):
    # bg.ndata['node_feat'] = self.node_embed(bg.ndata['node_ids'])
    node_feat = jnp.take(node_table, node_ids, axis=0)
    # bg.edata['edge_feat'] = self.edge_embed(bg.edata['edge_ids'])
    edge_feat = jnp.take(edge_table, edge_ids, axis=0)
    # returning the populated graph == returning the two feature tensors
    return node_feat, edge_feat

if __name__ == "__main__":
    import jax
    _d = setup_inputs()
    print(jax.jit(kernel)(*tuple(_d.values())))

</pallas_src>

<mosaic_0001>
#map = affine_map<(d0, d1) -> (0)>
#map1 = affine_map<(d0, d1) -> (0, 0)>
module attributes {stable_mosaic.version = 14 : i64} {
  func.func @k(%arg0: i32, %arg1: i32, %arg2: memref<10000xi32, #tpu.memory_space<hbm>>, %arg3: memref<320000xi32, #tpu.memory_space<hbm>>, %arg4: memref<100000x128xf32, #tpu.memory_space<hbm>>, %arg5: memref<4096xf32, #tpu.memory_space<hbm>>, %arg6: memref<10000x128xf32, #tpu.memory_space<hbm>>, %arg7: memref<5120000xf32, #tpu.memory_space<hbm>>, %arg8: memref<320xi32, #tpu.memory_space<vmem>>, %arg9: memref<320x128xf32, #tpu.memory_space<vmem>>, %arg10: memref<2048xi32, #tpu.memory_space<vmem>>, %arg11: memref<2048xi32, #tpu.memory_space<vmem>>, %arg12: memref<32768xf32, #tpu.memory_space<vmem>>, %arg13: memref<32768xf32, #tpu.memory_space<vmem>>, %arg14: memref<4096xf32, #tpu.memory_space<vmem>>, %arg15: memref<!tpu.dma_semaphore, #tpu.memory_space<semaphore_mem>>, %arg16: memref<!tpu.dma_semaphore, #tpu.memory_space<semaphore_mem>>, %arg17: memref<!tpu.dma_semaphore, #tpu.memory_space<semaphore_mem>>, %arg18: memref<!tpu.dma_semaphore, #tpu.memory_space<semaphore_mem>>, %arg19: memref<!tpu.dma_semaphore, #tpu.memory_space<semaphore_mem>>, %arg20: memref<!tpu.dma_semaphore, #tpu.memory_space<semaphore_mem>>, %arg21: memref<!tpu.dma_semaphore, #tpu.memory_space<semaphore_mem>>) attributes {dimension_semantics = [#tpu.dimension_semantics<core_parallel>, #tpu.dimension_semantics<subcore_parallel>], iteration_bounds = array<i64: 2, 16>, scalar_prefetch = 0 : i64, scratch_operands = 14 : i64, tpu.core_type = #tpu.core_type<sc_vector_subcore>, window_params = [{transform_indices = #map}, {transform_indices = #map}, {transform_indices = #map1}, {transform_indices = #map}, {transform_indices = #map1}, {transform_indices = #map}]} {
    %mul3A = arith.constant 2 : i32
    %mul3A_0 = arith.muli %arg1, %mul3A : i32
    %add3A = arith.addi %mul3A_0, %arg0 : i32
    %lt3A = arith.constant 31 : i32
    %lt3A_1 = arith.cmpi slt, %add3A, %lt3A : i32
    %mul3A_2 = arith.constant 320 : i32
    %mul3A_3 = arith.muli %add3A, %mul3A_2 : i32
    %jit3A = arith.constant 9680 : i32
    %select_n3A = arith.select %lt3A_1, %mul3A_3, %jit3A : i32
    %mul3A_4 = arith.constant 2500 : i32
    %mul3A_5 = arith.muli %add3A, %mul3A_4 : i32
    %jit3A_6 = arith.constant 32 : i32
    %div3A = arith.divsi %mul3A_5, %jit3A_6 : i32
    %sign3A = arith.constant 0 : i32
    %sign3A_7 = arith.cmpi sgt, %mul3A_5, %sign3A : i32
    %sign3A_8 = arith.extui %sign3A_7 : i1 to i32
    %sign3A_9 = arith.constant 0 : i32
    %sign3A_10 = arith.cmpi slt, %mul3A_5, %sign3A_9 : i32
    %sign3A_11 = arith.extui %sign3A_10 : i1 to i32
    %sign3A_12 = arith.subi %sign3A_8, %sign3A_11 : i32
    %sign3A_13 = arith.constant 0 : i32
    %sign3A_14 = arith.cmpi sgt, %jit3A_6, %sign3A_13 : i32
    %sign3A_15 = arith.extui %sign3A_14 : i1 to i32
    %sign3A_16 = arith.constant 0 : i32
    %sign3A_17 = arith.cmpi slt, %jit3A_6, %sign3A_16 : i32
    %sign3A_18 = arith.extui %sign3A_17 : i1 to i32
    %sign3A_19 = arith.subi %sign3A_15, %sign3A_18 : i32
    %ne3A = arith.cmpi ne, %sign3A_12, %sign3A_19 : i32
    %rem3A = arith.remsi %mul3A_5, %jit3A_6 : i32
    %ne3A_20 = arith.constant 0 : i32
    %ne3A_21 = arith.cmpi ne, %rem3A, %ne3A_20 : i32
    %and3A = arith.andi %ne3A, %ne3A_21 : i1
    %sub3A = arith.constant 1 : i32
    %sub3A_22 = arith.subi %div3A, %sub3A : i32
    %select_n3A_23 = arith.select %and3A, %sub3A_22, %div3A : i32
    %dma_start3A = tpu.memref_slice %arg2[%select_n3A] : memref<10000xi32, #tpu.memory_space<hbm>> -> memref<320xi32, #tpu.memory_space<hbm>>
    %dma_start3A_24 = tpu.memref_slice %arg2[%select_n3A] : memref<10000xi32, #tpu.memory_space<hbm>> -> memref<320xi32, #tpu.memory_space<hbm>>
    tpu.enqueue_dma source(%dma_start3A_24 : memref<320xi32, #tpu.memory_space<hbm>>) target(%arg8 : memref<320xi32, #tpu.memory_space<vmem>>) target_semaphore(%arg15 : memref<!tpu.dma_semaphore, #tpu.memory_space<semaphore_mem>>)
    %add3A_25 = arith.constant 0 : i32
    %add3A_26 = arith.addi %select_n3A_23, %add3A_25 : i32
    %mul3A_27 = arith.constant 128 : i32
    %mul3A_28 = arith.muli %add3A_26, %mul3A_27 : i32
    %dma_start3A_29 = arith.constant 0 : i32
    %dma_start3A_30 = tpu.memref_slice %arg10[%dma_start3A_29] : memref<2048xi32, #tpu.memory_space<vmem>> -> memref<2048xi32, #tpu.memory_space<vmem>>
    %dma_start3A_31 = tpu.memref_slice %arg3[%mul3A_28] : memref<320000xi32, #tpu.memory_space<hbm>> -> memref<2048xi32, #tpu.memory_space<hbm>>
    %dma_start3A_32 = arith.constant 0 : i32
    %dma_start3A_33 = tpu.memref_slice %arg10[%dma_start3A_32] : memref<2048xi32, #tpu.memory_space<vmem>> -> memref<2048xi32, #tpu.memory_space<vmem>>
    %dma_start3A_34 = tpu.memref_slice %arg3[%mul3A_28] : memref<320000xi32, #tpu.memory_space<hbm>> -> memref<2048xi32, #tpu.memory_space<hbm>>
    tpu.enqueue_dma source(%dma_start3A_34 : memref<2048xi32, #tpu.memory_space<hbm>>) target(%dma_start3A_33 : memref<2048xi32, #tpu.memory_space<vmem>>) target_semaphore(%arg18 : memref<!tpu.dma_semaphore, #tpu.memory_space<semaphore_mem>>)
    %add3A_35 = arith.constant 16 : i32
    %add3A_36 = arith.addi %select_n3A_23, %add3A_35 : i32
    %mul3A_37 = arith.constant 128 : i32
    %mul3A_38 = arith.muli %add3A_36, %mul3A_37 : i32
    %dma_start3A_39 = arith.constant 0 : i32
    %dma_start3A_40 = tpu.memref_slice %arg11[%dma_start3A_39] : memref<2048xi32, #tpu.memory_space<vmem>> -> memref<2048xi32, #tpu.memory_space<vmem>>
    %dma_start3A_41 = tpu.memref_slice %arg3[%mul3A_38] : memref<320000xi32, #tpu.memory_space<hbm>> -> memref<2048xi32, #tpu.memory_space<hbm>>
    %dma_start3A_42 = arith.constant 0 : i32
    %dma_start3A_43 = tpu.memref_slice %arg11[%dma_start3A_42] : memref<2048xi32, #tpu.memory_space<vmem>> -> memref<2048xi32, #tpu.memory_space<vmem>>
    %dma_start3A_44 = tpu.memref_slice %arg3[%mul3A_38] : memref<320000xi32, #tpu.memory_space<hbm>> -> memref<2048xi32, #tpu.memory_space<hbm>>
    tpu.enqueue_dma source(%dma_start3A_44 : memref<2048xi32, #tpu.memory_space<hbm>>) target(%dma_start3A_43 : memref<2048xi32, #tpu.memory_space<vmem>>) target_semaphore(%arg19 : memref<!tpu.dma_semaphore, #tpu.memory_space<semaphore_mem>>)
    "tpu.region"() ({
      %run_scoped3A = tpu.sem_alloc : memref<!tpu.dma_semaphore, #tpu.memory_space<semaphore_mem>>
      tpu.enqueue_dma source(%arg5 : memref<4096xf32, #tpu.memory_space<hbm>>) target(%arg14 : memref<4096xf32, #tpu.memory_space<vmem>>) target_semaphore(%run_scoped3A : memref<!tpu.dma_semaphore, #tpu.memory_space<semaphore_mem>>)
      tpu.wait_dma2 semaphore(%run_scoped3A : memref<!tpu.dma_semaphore, #tpu.memory_space<semaphore_mem>>) src(%arg5 : memref<4096xf32, #tpu.memory_space<hbm>>) dst(%arg14 : memref<4096xf32, #tpu.memory_space<vmem>>)
      tpu.yield
    }) : () -> ()
    %dma_wait3A = tpu.memref_slice %arg2[%select_n3A] : memref<10000xi32, #tpu.memory_space<hbm>> -> memref<320xi32, #tpu.memory_space<hbm>>
    %dma_wait3A_45 = tpu.memref_slice %arg2[%select_n3A] : memref<10000xi32, #tpu.memory_space<hbm>> -> memref<320xi32, #tpu.memory_space<hbm>>
    tpu.wait_dma2 semaphore(%arg15 : memref<!tpu.dma_semaphore, #tpu.memory_space<semaphore_mem>>) src(%dma_wait3A_45 : memref<320xi32, #tpu.memory_space<hbm>>) dst(%arg8 : memref<320xi32, #tpu.memory_space<vmem>>)
    %dma_start3A_46 = arith.constant 0 : i32
    %dma_start3A_47 = arith.constant 0 : i32
    %dma_start3A_48 = tpu.memref_slice %arg4[%dma_start3A_46, %dma_start3A_47] : memref<100000x128xf32, #tpu.memory_space<hbm>> -> memref<100000x128xf32, #tpu.memory_space<hbm>>
    tpu.enqueue_indirect_dma source(%dma_start3A_48 : memref<100000x128xf32, #tpu.memory_space<hbm>>) target(%arg9 : memref<320x128xf32, #tpu.memory_space<vmem>>) offsets(%arg8 : memref<320xi32, #tpu.memory_space<vmem>>) semaphore(%arg16 : memref<!tpu.dma_semaphore, #tpu.memory_space<semaphore_mem>>)
    %iota3A = tpu.iota {dimensions = array<i32: 0>} : vector<16xi32>
    %dma_wait3A_49 = arith.constant 0 : i32
    %dma_wait3A_50 = tpu.memref_slice %arg10[%dma_wait3A_49] : memref<2048xi32, #tpu.memory_space<vmem>> -> memref<2048xi32, #tpu.memory_space<vmem>>
    %dma_wait3A_51 = tpu.memref_slice %arg3[%mul3A_28] : memref<320000xi32, #tpu.memory_space<hbm>> -> memref<2048xi32, #tpu.memory_space<hbm>>
    %dma_wait3A_52 = arith.constant 0 : i32
    %dma_wait3A_53 = tpu.memref_slice %arg10[%dma_wait3A_52] : memref<2048xi32, #tpu.memory_space<vmem>> -> memref<2048xi32, #tpu.memory_space<vmem>>
    %dma_wait3A_54 = tpu.memref_slice %arg3[%mul3A_28] : memref<320000xi32, #tpu.memory_space<hbm>> -> memref<2048xi32, #tpu.memory_space<hbm>>
    tpu.wait_dma2 semaphore(%arg18 : memref<!tpu.dma_semaphore, #tpu.memory_space<semaphore_mem>>) src(%dma_wait3A_54 : memref<2048xi32, #tpu.memory_space<hbm>>) dst(%dma_wait3A_53 : memref<2048xi32, #tpu.memory_space<vmem>>)
    %scan3A = arith.constant 0 : i32
    %scan3A_55 = arith.constant 0 : i32
    %scan3A_56 = arith.constant 32 : i32
    %scan3A_57 = arith.addi %scan3A_55, %scan3A_56 : i32
    %scan3A_58 = arith.constant 1 : i32
    %scan3A_59 = scf.for %scan3A_324 = %scan3A_55 to %scan3A_57 step %scan3A_58 iter_args(%scan3A_325 = %scan3A) -> (i32)  : i32 {
      %mul3A_326 = arith.constant 4 : i32
      %mul3A_327 = arith.muli %scan3A_324, %mul3A_326 : i32
      %mul3A_328 = arith.constant 16 : i32
      %mul3A_329 = arith.muli %mul3A_327, %mul3A_328 : i32
      %get3A = arith.index_cast %mul3A_329 : i32 to index
      %get3A_330 = tpu.vector_load %arg10[%get3A] {strides = array<i32>} : memref<2048xi32, #tpu.memory_space<vmem>>, vector<16xi32>,
      %mul3A_331 = arith.constant 256 : i32
      %mul3A_332 = vector.broadcast %mul3A_331 : i32 to vector<16xi32>
      %mul3A_333 = arith.muli %get3A_330, %mul3A_332 : vector<16xi32>
      %add3A_334 = arith.addi %mul3A_333, %iota3A : vector<16xi32>
      %add3A_335 = arith.constant 0 : i32
      %add3A_336 = vector.broadcast %add3A_335 : i32 to vector<16xi32>
      %add3A_337 = arith.addi %add3A_334, %add3A_336 : vector<16xi32>
      %gather3A = tpu.vector_load_idx %arg14[%add3A_337] : memref<4096xf32, #tpu.memory_space<vmem>>[vector<16xi32>], vector<16xf32>,
      %add3A_338 = arith.constant 16 : i32
      %add3A_339 = vector.broadcast %add3A_338 : i32 to vector<16xi32>
      %add3A_340 = arith.addi %add3A_334, %add3A_339 : vector<16xi32>
      %gather3A_341 = tpu.vector_load_idx %arg14[%add3A_340] : memref<4096xf32, #tpu.memory_space<vmem>>[vector<16xi32>], vector<16xf32>,
      %add3A_342 = arith.constant 32 : i32
      %add3A_343 = vector.broadcast %add3A_342 : i32 to vector<16xi32>
      %add3A_344 = arith.addi %add3A_334, %add3A_343 : vector<16xi32>
      %gather3A_345 = tpu.vector_load_idx %arg14[%add3A_344] : memref<4096xf32, #tpu.memory_space<vmem>>[vector<16xi32>], vector<16xf32>,
      %add3A_346 = arith.constant 48 : i32
      %add3A_347 = vector.broadcast %add3A_346 : i32 to vector<16xi32>
      %add3A_348 = arith.addi %add3A_334, %add3A_347 : vector<16xi32>
      %gather3A_349 = tpu.vector_load_idx %arg14[%add3A_348] : memref<4096xf32, #tpu.memory_space<vmem>>[vector<16xi32>], vector<16xf32>,
      %add3A_350 = arith.constant 64 : i32
      %add3A_351 = vector.broadcast %add3A_350 : i32 to vector<16xi32>
      %add3A_352 = arith.addi %add3A_334, %add3A_351 : vector<16xi32>
      %gather3A_353 = tpu.vector_load_idx %arg14[%add3A_352] : memref<4096xf32, #tpu.memory_space<vmem>>[vector<16xi32>], vector<16xf32>,
      %add3A_354 = arith.constant 80 : i32
      %add3A_355 = vector.broadcast %add3A_354 : i32 to vector<16xi32>
      %add3A_356 = arith.addi %add3A_334, %add3A_355 : vector<16xi32>
      %gather3A_357 = tpu.vector_load_idx %arg14[%add3A_356] : memref<4096xf32, #tpu.memory_space<vmem>>[vector<16xi32>], vector<16xf32>,
      %add3A_358 = arith.constant 96 : i32
      %add3A_359 = vector.broadcast %add3A_358 : i32 to vector<16xi32>
      %add3A_360 = arith.addi %add3A_334, %add3A_359 : vector<16xi32>
      %gather3A_361 = tpu.vector_load_idx %arg14[%add3A_360] : memref<4096xf32, #tpu.memory_space<vmem>>[vector<16xi32>], vector<16xf32>,
      %add3A_362 = arith.constant 112 : i32
      %add3A_363 = vector.broadcast %add3A_362 : i32 to vector<16xi32>
      %add3A_364 = arith.addi %add3A_334, %add3A_363 : vector<16xi32>
      %gather3A_365 = tpu.vector_load_idx %arg14[%add3A_364] : memref<4096xf32, #tpu.memory_space<vmem>>[vector<16xi32>], vector<16xf32>,
      %add3A_366 = arith.constant 128 : i32
      %add3A_367 = vector.broadcast %add3A_366 : i32 to vector<16xi32>
      %add3A_368 = arith.addi %add3A_334, %add3A_367 : vector<16xi32>
      %gather3A_369 = tpu.vector_load_idx %arg14[%add3A_368] : memref<4096xf32, #tpu.memory_space<vmem>>[vector<16xi32>], vector<16xf32>,
      %add3A_370 = arith.constant 144 : i32
      %add3A_371 = vector.broadcast %add3A_370 : i32 to vector<16xi32>
      %add3A_372 = arith.addi %add3A_334, %add3A_371 : vector<16xi32>
      %gather3A_373 = tpu.vector_load_idx %arg14[%add3A_372] : memref<4096xf32, #tpu.memory_space<vmem>>[vector<16xi32>], vector<16xf32>,
      %add3A_374 = arith.constant 160 : i32
      %add3A_375 = vector.broadcast %add3A_374 : i32 to vector<16xi32>
      %add3A_376 = arith.addi %add3A_334, %add3A_375 : vector<16xi32>
      %gather3A_377 = tpu.vector_load_idx %arg14[%add3A_376] : memref<4096xf32, #tpu.memory_space<vmem>>[vector<16xi32>], vector<16xf32>,
      %add3A_378 = arith.constant 176 : i32
      %add3A_379 = vector.broadcast %add3A_378 : i32 to vector<16xi32>
      %add3A_380 = arith.addi %add3A_334, %add3A_379 : vector<16xi32>
      %gather3A_381 = tpu.vector_load_idx %arg14[%add3A_380] : memref<4096xf32, #tpu.memory_space<vmem>>[vector<16xi32>], vector<16xf32>,
      %add3A_382 = arith.constant 192 : i32
      %add3A_383 = vector.broadcast %add3A_382 : i32 to vector<16xi32>
      %add3A_384 = arith.addi %add3A_334, %add3A_383 : vector<16xi32>
      %gather3A_385 = tpu.vector_load_idx %arg14[%add3A_384] : memref<4096xf32, #tpu.memory_space<vmem>>[vector<16xi32>], vector<16xf32>,
      %add3A_386 = arith.constant 208 : i32
      %add3A_387 = vector.broadcast %add3A_386 : i32 to vector<16xi32>
      %add3A_388 = arith.addi %add3A_334, %add3A_387 : vector<16xi32>
      %gather3A_389 = tpu.vector_load_idx %arg14[%add3A_388] : memref<4096xf32, #tpu.memory_space<vmem>>[vector<16xi32>], vector<16xf32>,
      %add3A_390 = arith.constant 224 : i32
      %add3A_391 = vector.broadcast %add3A_390 : i32 to vector<16xi32>
      %add3A_392 = arith.addi %add3A_334, %add3A_391 : vector<16xi32>
      %gather3A_393 = tpu.vector_load_idx %arg14[%add3A_392] : memref<4096xf32, #tpu.memory_space<vmem>>[vector<16xi32>], vector<16xf32>,
      %add3A_394 = arith.constant 240 : i32
      %add3A_395 = vector.broadcast %add3A_394 : i32 to vector<16xi32>
      %add3A_396 = arith.addi %add3A_334, %add3A_395 : vector<16xi32>
      %gather3A_397 = tpu.vector_load_idx %arg14[%add3A_396] : memref<4096xf32, #tpu.memory_space<vmem>>[vector<16xi32>], vector<16xf32>,
      %add3A_398 = arith.constant 1 : i32
      %add3A_399 = arith.addi %mul3A_327, %add3A_398 : i32
      %mul3A_400 = arith.constant 16 : i32
      %mul3A_401 = arith.muli %add3A_399, %mul3A_400 : i32
      %get3A_402 = arith.index_cast %mul3A_401 : i32 to index
      %get3A_403 = tpu.vector_load %arg10[%get3A_402] {strides = array<i32>} : memref<2048xi32, #tpu.memory_space<vmem>>, vector<16xi32>,
      %mul3A_404 = arith.constant 256 : i32
      %mul3A_405 = vector.broadcast %mul3A_404 : i32 to vector<16xi32>
      %mul3A_406 = arith.muli %get3A_403, %mul3A_405 : vector<16xi32>
      %add3A_407 = arith.addi %mul3A_406, %iota3A : vector<16xi32>
      %add3A_408 = arith.constant 0 : i32
      %add3A_409 = vector.broadcast %add3A_408 : i32 to vector<16xi32>
      %add3A_410 = arith.addi %add3A_407, %add3A_409 : vector<16xi32>
      %gather3A_411 = tpu.vector_load_idx %arg14[%add3A_410] : memref<4096xf32, #tpu.memory_space<vmem>>[vector<16xi32>], vector<16xf32>,
      %add3A_412 = arith.constant 16 : i32
      %add3A_413 = vector.broadcast %add3A_412 : i32 to vector<16xi32>
      %add3A_414 = arith.addi %add3A_407, %add3A_413 : vector<16xi32>
      %gather3A_415 = tpu.vector_load_idx %arg14[%add3A_414] : memref<4096xf32, #tpu.memory_space<vmem>>[vector<16xi32>], vector<16xf32>,
      %add3A_416 = arith.constant 32 : i32
      %add3A_417 = vector.broadcast %add3A_416 : i32 to vector<16xi32>
      %add3A_418 = arith.addi %add3A_407, %add3A_417 : vector<16xi32>
      %gather3A_419 = tpu.vector_load_idx %arg14[%add3A_418] : memref<4096xf32, #tpu.memory_space<vmem>>[vector<16xi32>], vector<16xf32>,
      %add3A_420 = arith.constant 48 : i32
      %add3A_421 = vector.broadcast %add3A_420 : i32 to vector<16xi32>
      %add3A_422 = arith.addi %add3A_407, %add3A_421 : vector<16xi32>
      %gather3A_423 = tpu.vector_load_idx %arg14[%add3A_422] : memref<4096xf32, #tpu.memory_space<vmem>>[vector<16xi32>], vector<16xf32>,
      %add3A_424 = arith.constant 64 : i32
      %add3A_425 = vector.broadcast %add3A_424 : i32 to vector<16xi32>
      %add3A_426 = arith.addi %add3A_407, %add3A_425 : vector<16xi32>
      %gather3A_427 = tpu.vector_load_idx %arg14[%add3A_426] : memref<4096xf32, #tpu.memory_space<vmem>>[vector<16xi32>], vector<16xf32>,
      %add3A_428 = arith.constant 80 : i32
      %add3A_429 = vector.broadcast %add3A_428 : i32 to vector<16xi32>
      %add3A_430 = arith.addi %add3A_407, %add3A_429 : vector<16xi32>
      %gather3A_431 = tpu.vector_load_idx %arg14[%add3A_430] : memref<4096xf32, #tpu.memory_space<vmem>>[vector<16xi32>], vector<16xf32>,
      %add3A_432 = arith.constant 96 : i32
      %add3A_433 = vector.broadcast %add3A_432 : i32 to vector<16xi32>
      %add3A_434 = arith.addi %add3A_407, %add3A_433 : vector<16xi32>
      %gather3A_435 = tpu.vector_load_idx %arg14[%add3A_434] : memref<4096xf32, #tpu.memory_space<vmem>>[vector<16xi32>], vector<16xf32>,
      %add3A_436 = arith.constant 112 : i32
      %add3A_437 = vector.broadcast %add3A_436 : i32 to vector<16xi32>
      %add3A_438 = arith.addi %add3A_407, %add3A_437 : vector<16xi32>
      %gather3A_439 = tpu.vector_load_idx %arg14[%add3A_438] : memref<4096xf32, #tpu.memory_space<vmem>>[vector<16xi32>], vector<16xf32>,
      %add3A_440 = arith.constant 128 : i32
      %add3A_441 = vector.broadcast %add3A_440 : i32 to vector<16xi32>
      %add3A_442 = arith.addi %add3A_407, %add3A_441 : vector<16xi32>
      %gather3A_443 = tpu.vector_load_idx %arg14[%add3A_442] : memref<4096xf32, #tpu.memory_space<vmem>>[vector<16xi32>], vector<16xf32>,
      %add3A_444 = arith.constant 144 : i32
      %add3A_445 = vector.broadcast %add3A_444 : i32 to vector<16xi32>
      %add3A_446 = arith.addi %add3A_407, %add3A_445 : vector<16xi32>
      %gather3A_447 = tpu.vector_load_idx %arg14[%add3A_446] : memref<4096xf32, #tpu.memory_space<vmem>>[vector<16xi32>], vector<16xf32>,
      %add3A_448 = arith.constant 160 : i32
      %add3A_449 = vector.broadcast %add3A_448 : i32 to vector<16xi32>
      %add3A_450 = arith.addi %add3A_407, %add3A_449 : vector<16xi32>
      %gather3A_451 = tpu.vector_load_idx %arg14[%add3A_450] : memref<4096xf32, #tpu.memory_space<vmem>>[vector<16xi32>], vector<16xf32>,
      %add3A_452 = arith.constant 176 : i32
      %add3A_453 = vector.broadcast %add3A_452 : i32 to vector<16xi32>
      %add3A_454 = arith.addi %add3A_407, %add3A_453 : vector<16xi32>
      %gather3A_455 = tpu.vector_load_idx %arg14[%add3A_454] : memref<4096xf32, #tpu.memory_space<vmem>>[vector<16xi32>], vector<16xf32>,
      %add3A_456 = arith.constant 192 : i32
      %add3A_457 = vector.broadcast %add3A_456 : i32 to vector<16xi32>
      %add3A_458 = arith.addi %add3A_407, %add3A_457 : vector<16xi32>
      %gather3A_459 = tpu.vector_load_idx %arg14[%add3A_458] : memref<4096xf32, #tpu.memory_space<vmem>>[vector<16xi32>], vector<16xf32>,
      %add3A_460 = arith.constant 208 : i32
      %add3A_461 = vector.broadcast %add3A_460 : i32 to vector<16xi32>
      %add3A_462 = arith.addi %add3A_407, %add3A_461 : vector<16xi32>
      %gather3A_463 = tpu.vector_load_idx %arg14[%add3A_462] : memref<4096xf32, #tpu.memory_space<vmem>>[vector<16xi32>], vector<16xf32>,
      %add3A_464 = arith.constant 224 : i32
      %add3A_465 = vector.broadcast %add3A_464 : i32 to vector<16xi32>
      %add3A_466 = arith.addi %add3A_407, %add3A_465 : vector<16xi32>
      %gather3A_467 = tpu.vector_load_idx %arg14[%add3A_466] : memref<4096xf32, #tpu.memory_space<vmem>>[vector<16xi32>], vector<16xf32>,
      %add3A_468 = arith.constant 240 : i32
      %add3A_469 = vector.broadcast %add3A_468 : i32 to vector<16xi32>
      %add3A_470 = arith.addi %add3A_407, %add3A_469 : vector<16xi32>
      %gather3A_471 = tpu.vector_load_idx %arg14[%add3A_470] : memref<4096xf32, #tpu.memory_space<vmem>>[vector<16xi32>], vector<16xf32>,
      %add3A_472 = arith.constant 1 : i32
      %add3A_473 = arith.addi %mul3A_327, %add3A_472 : i32
      %sub3A_474 = arith.constant 1 : i32
      %sub3A_475 = arith.subi %add3A_473, %sub3A_474 : i32
      %jit3A_476 = arith.constant 8 : i32
      %div3A_477 = arith.divsi %sub3A_475, %jit3A_476 : i32
      %sign3A_478 = arith.constant 0 : i32
      %sign3A_479 = arith.cmpi sgt, %sub3A_475, %sign3A_478 : i32
      %sign3A_480 = arith.extui %sign3A_479 : i1 to i32
      %sign3A_481 = arith.constant 0 : i32
      %sign3A_482 = arith.cmpi slt, %sub3A_475, %sign3A_481 : i32
      %sign3A_483 = arith.extui %sign3A_482 : i1 to i32
      %sign3A_484 = arith.subi %sign3A_480, %sign3A_483 : i32
      %sign3A_485 = arith.constant 0 : i32
      %sign3A_486 = arith.cmpi sgt, %jit3A_476, %sign3A_485 : i32
      %sign3A_487 = arith.extui %sign3A_486 : i1 to i32
      %sign3A_488 = arith.constant 0 : i32
      %sign3A_489 = arith.cmpi slt, %jit3A_476, %sign3A_488 : i32
      %sign3A_490 = arith.extui %sign3A_489 : i1 to i32
      %sign3A_491 = arith.subi %sign3A_487, %sign3A_490 : i32
      %ne3A_492 = arith.cmpi ne, %sign3A_484, %sign3A_491 : i32
      %rem3A_493 = arith.remsi %sub3A_475, %jit3A_476 : i32
      %ne3A_494 = arith.constant 0 : i32
      %ne3A_495 = arith.cmpi ne, %rem3A_493, %ne3A_494 : i32
      %and3A_496 = arith.andi %ne3A_492, %ne3A_495 : i1
      %sub3A_497 = arith.constant 1 : i32
      %sub3A_498 = arith.subi %div3A_477, %sub3A_497 : i32
      %select_n3A_499 = arith.select %and3A_496, %sub3A_498, %div3A_477 : i32
      %mul3A_500 = arith.constant 1024 : i32
      %mul3A_501 = arith.muli %select_n3A_499, %mul3A_500 : i32
      %jit3A_502 = arith.constant 8 : i32
      %eq3A = arith.constant 0 : i32
      %eq3A_503 = arith.cmpi eq, %jit3A_502, %eq3A : i32
      %jit3A_504 = arith.constant 1 : i32
      %select_n3A_505 = arith.select %eq3A_503, %jit3A_504, %jit3A_502 : i32
      %rem3A_506 = arith.remsi %sub3A_475, %select_n3A_505 : i32
      %ne3A_507 = arith.constant 0 : i32
      %ne3A_508 = arith.cmpi ne, %rem3A_506, %ne3A_507 : i32
      %lt3A_509 = arith.constant 0 : i32
      %lt3A_510 = arith.cmpi slt, %rem3A_506, %lt3A_509 : i32
      %lt3A_511 = arith.constant 0 : i32
      %lt3A_512 = arith.cmpi slt, %select_n3A_505, %lt3A_511 : i32
      %ne3A_513 = arith.xori %lt3A_510, %lt3A_512 : i1
      %and3A_514 = arith.andi %ne3A_513, %ne3A_508 : i1
      %add3A_515 = arith.addi %rem3A_506, %select_n3A_505 : i32
      %select_n3A_516 = arith.select %and3A_514, %add3A_515, %rem3A_506 : i32
      %mul3A_517 = arith.constant 16 : i32
      %mul3A_518 = arith.muli %select_n3A_516, %mul3A_517 : i32
      %add3A_519 = arith.addi %mul3A_501, %mul3A_518 : i32
      %add3A_520 = arith.constant 0 : i32
      %add3A_521 = arith.addi %add3A_519, %add3A_520 : i32
      %add3A_522 = arith.constant 0 : i32
      %add3A_523 = arith.addi %add3A_521, %add3A_522 : i32
      %swap3A = arith.index_cast %add3A_523 : i32 to index
      %swap3A_524 = tpu.vector_load %arg12[%swap3A] {strides = array<i32>} : memref<32768xf32, #tpu.memory_space<vmem>>, vector<16xf32>,
      tpu.vector_store %arg12[%swap3A], %gather3A {strides = array<i32>} : memref<32768xf32, #tpu.memory_space<vmem>>, vector<16xf32>,
      %add3A_525 = arith.constant 0 : i32
      %add3A_526 = arith.addi %add3A_519, %add3A_525 : i32
      %add3A_527 = arith.constant 128 : i32
      %add3A_528 = arith.addi %add3A_526, %add3A_527 : i32
      %swap3A_529 = arith.index_cast %add3A_528 : i32 to index
      %swap3A_530 = tpu.vector_load %arg12[%swap3A_529] {strides = array<i32>} : memref<32768xf32, #tpu.memory_space<vmem>>, vector<16xf32>,
      tpu.vector_store %arg12[%swap3A_529], %gather3A_341 {strides = array<i32>} : memref<32768xf32, #tpu.memory_space<vmem>>, vector<16xf32>,
      %add3A_531 = arith.constant 0 : i32
      %add3A_532 = arith.addi %add3A_519, %add3A_531 : i32
      %add3A_533 = arith.constant 256 : i32
      %add3A_534 = arith.addi %add3A_532, %add3A_533 : i32
      %swap3A_535 = arith.index_cast %add3A_534 : i32 to index
      %swap3A_536 = tpu.vector_load %arg12[%swap3A_535] {strides = array<i32>} : memref<32768xf32, #tpu.memory_space<vmem>>, vector<16xf32>,
      tpu.vector_store %arg12[%swap3A_535], %gather3A_345 {strides = array<i32>} : memref<32768xf32, #tpu.memory_space<vmem>>, vector<16xf32>,
      %add3A_537 = arith.constant 0 : i32
      %add3A_538 = arith.addi %add3A_519, %add3A_537 : i32
      %add3A_539 = arith.constant 384 : i32
      %add3A_540 = arith.addi %add3A_538, %add3A_539 : i32
      %swap3A_541 = arith.index_cast %add3A_540 : i32 to index
      %swap3A_542 = tpu.vector_load %arg12[%swap3A_541] {strides = array<i32>} : memref<32768xf32, #tpu.memory_space<vmem>>, vector<16xf32>,
      tpu.vector_store %arg12[%swap3A_541], %gather3A_349 {strides = array<i32>} : memref<32768xf32, #tpu.memory_space<vmem>>, vector<16xf32>,
      %add3A_543 = arith.constant 0 : i32
      %add3A_544 = arith.addi %add3A_519, %add3A_543 : i32
      %add3A_545 = arith.constant 512 : i32
      %add3A_546 = arith.addi %add3A_544, %add3A_545 : i32
      %swap3A_547 = arith.index_cast %add3A_546 : i32 to index
      %swap3A_548 = tpu.vector_load %arg12[%swap3A_547] {strides = array<i32>} : memref<32768xf32, #tpu.memory_space<vmem>>, vector<16xf32>,
      tpu.vector_store %arg12[%swap3A_547], %gather3A_353 {strides = array<i32>} : memref<32768xf32, #tpu.memory_space<vmem>>, vector<16xf32>,
      %add3A_549 = arith.constant 0 : i32
      %add3A_550 = arith.addi %add3A_519, %add3A_549 : i32
      %add3A_551 = arith.constant 640 : i32
      %add3A_552 = arith.addi %add3A_550, %add3A_551 : i32
      %swap3A_553 = arith.index_cast %add3A_552 : i32 to index
      %swap3A_554 = tpu.vector_load %arg12[%swap3A_553] {strides = array<i32>} : memref<32768xf32, #tpu.memory_space<vmem>>, vector<16xf32>,
      tpu.vector_store %arg12[%swap3A_553], %gather3A_357 {strides = array<i32>} : memref<32768xf32, #tpu.memory_space<vmem>>, vector<16xf32>,
      %add3A_555 = arith.constant 0 : i32
      %add3A_556 = arith.addi %add3A_519, %add3A_555 : i32
      %add3A_557 = arith.constant 768 : i32
      %add3A_558 = arith.addi %add3A_556, %add3A_557 : i32
      %swap3A_559 = arith.index_cast %add3A_558 : i32 to index
      %swap3A_560 = tpu.vector_load %arg12[%swap3A_559] {strides = array<i32>} : memref<32768xf32, #tpu.memory_space<vmem>>, vector<16xf32>,
      tpu.vector_store %arg12[%swap3A_559], %gather3A_361 {strides = array<i32>} : memref<32768xf32, #tpu.memory_space<vmem>>, vector<16xf32>,
      %add3A_561 = arith.constant 0 : i32
      %add3A_562 = arith.addi %add3A_519, %add3A_561 : i32
      %add3A_563 = arith.constant 896 : i32
      %add3A_564 = arith.addi %add3A_562, %add3A_563 : i32
      %swap3A_565 = arith.index_cast %add3A_564 : i32 to index
      %swap3A_566 = tpu.vector_load %arg12[%swap3A_565] {strides = array<i32>} : memref<32768xf32, #tpu.memory_space<vmem>>, vector<16xf32>,
      tpu.vector_store %arg12[%swap3A_565], %gather3A_365 {strides = array<i32>} : memref<32768xf32, #tpu.memory_space<vmem>>, vector<16xf32>,
      %add3A_567 = arith.constant 16384 : i32
      %add3A_568 = arith.addi %add3A_519, %add3A_567 : i32
      %add3A_569 = arith.constant 0 : i32
      %add3A_570 = arith.addi %add3A_568, %add3A_569 : i32
      %swap3A_571 = arith.index_cast %add3A_570 : i32 to index
      %swap3A_572 = tpu.vector_load %arg12[%swap3A_571] {strides = array<i32>} : memref<32768xf32, #tpu.memory_space<vmem>>, vector<16xf32>,
      tpu.vector_store %arg12[%swap3A_571], %gather3A_369 {strides = array<i32>} : memref<32768xf32, #tpu.memory_space<vmem>>, vector<16xf32>,
      %add3A_573 = arith.constant 16384 : i32
      %add3A_574 = arith.addi %add3A_519, %add3A_573 : i32
      %add3A_575 = arith.constant 128 : i32
      %add3A_576 = arith.addi %add3A_574, %add3A_575 : i32
      %swap3A_577 = arith.index_cast %add3A_576 : i32 to index
      %swap3A_578 = tpu.vector_load %arg12[%swap3A_577] {strides = array<i32>} : memref<32768xf32, #tpu.memory_space<vmem>>, vector<16xf32>,
      tpu.vector_store %arg12[%swap3A_577], %gather3A_373 {strides = array<i32>} : memref<32768xf32, #tpu.memory_space<vmem>>, vector<16xf32>,
      %add3A_579 = arith.constant 16384 : i32
      %add3A_580 = arith.addi %add3A_519, %add3A_579 : i32
      %add3A_581 = arith.constant 256 : i32
      %add3A_582 = arith.addi %add3A_580, %add3A_581 : i32
      %swap3A_583 = arith.index_cast %add3A_582 : i32 to index
      %swap3A_584 = tpu.vector_load %arg12[%swap3A_583] {strides = array<i32>} : memref<32768xf32, #tpu.memory_space<vmem>>, vector<16xf32>,
      tpu.vector_store %arg12[%swap3A_583], %gather3A_377 {strides = array<i32>} : memref<32768xf32, #tpu.memory_space<vmem>>, vector<16xf32>,
      %add3A_585 = arith.constant 16384 : i32
      %add3A_586 = arith.addi %add3A_519, %add3A_585 : i32
      %add3A_587 = arith.constant 384 : i32
      %add3A_588 = arith.addi %add3A_586, %add3A_587 : i32
      %swap3A_589 = arith.index_cast %add3A_588 : i32 to index
      %swap3A_590 = tpu.vector_load %arg12[%swap3A_589] {strides = array<i32>} : memref<32768xf32, #tpu.memory_space<vmem>>, vector<16xf32>,
      tpu.vector_store %arg12[%swap3A_589], %gather3A_381 {strides = array<i32>} : memref<32768xf32, #tpu.memory_space<vmem>>, vector<16xf32>,
      %add3A_591 = arith.constant 16384 : i32
      %add3A_592 = arith.addi %add3A_519, %add3A_591 : i32
      %add3A_593 = arith.constant 512 : i32
      %add3A_594 = arith.addi %add3A_592, %add3A_593 : i32
      %swap3A_595 = arith.index_cast %add3A_594 : i32 to index
      %swap3A_596 = tpu.vector_load %arg12[%swap3A_595] {strides = array<i32>} : memref<32768xf32, #tpu.memory_space<vmem>>, vector<16xf32>,
      tpu.vector_store %arg12[%swap3A_595], %gather3A_385 {strides = array<i32>} : memref<32768xf32, #tpu.memory_space<vmem>>, vector<16xf32>,
      %add3A_597 = arith.constant 16384 : i32
      %add3A_598 = arith.addi %add3A_519, %add3A_597 : i32
      %add3A_599 = arith.constant 640 : i32
      %add3A_600 = arith.addi %add3A_598, %add3A_599 : i32
      %swap3A_601 = arith.index_cast %add3A_600 : i32 to index
      %swap3A_602 = tpu.vector_load %arg12[%swap3A_601] {strides = array<i32>} : memref<32768xf32, #tpu.memory_space<vmem>>, vector<16xf32>,
      tpu.vector_store %arg12[%swap3A_601], %gather3A_389 {strides = array<i32>} : memref<32768xf32, #tpu.memory_space<vmem>>, vector<16xf32>,
      %add3A_603 = arith.constant 16384 : i32
      %add3A_604 = arith.addi %add3A_519, %add3A_603 : i32
      %add3A_605 = arith.constant 768 : i32
      %add3A_606 = arith.addi %add3A_604, %add3A_605 : i32
      %swap3A_607 = arith.index_cast %add3A_606 : i32 to index
      %swap3A_608 = tpu.vector_load %arg12[%swap3A_607] {strides = array<i32>} : memref<32768xf32, #tpu.memory_space<vmem>>, vector<16xf32>,
      tpu.vector_store %arg12[%swap3A_607], %gather3A_393 {strides = array<i32>} : memref<32768xf32, #tpu.memory_space<vmem>>, vector<16xf32>,
      %add3A_609 = arith.constant 16384 : i32
      %add3A_610 = arith.addi %add3A_519, %add3A_609 : i32
      %add3A_611 = arith.constant 896 : i32
      %add3A_612 = arith.addi %add3A_610, %add3A_611 : i32
      %swap3A_613 = arith.index_cast %add3A_612 : i32 to index
      %swap3A_614 = tpu.vector_load %arg12[%swap3A_613] {strides = array<i32>} : memref<32768xf32, #tpu.memory_space<vmem>>, vector<16xf32>,
      tpu.vector_store %arg12[%swap3A_613], %gather3A_397 {strides = array<i32>} : memref<32768xf32, #tpu.memory_space<vmem>>, vector<16xf32>,
      %add3A_615 = arith.constant 2 : i32
      %add3A_616 = arith.addi %mul3A_327, %add3A_615 : i32
      %mul3A_617 = arith.constant 16 : i32
      %mul3A_618 = arith.muli %add3A_616, %mul3A_617 : i32
      %get3A_619 = arith.index_cast %mul3A_618 : i32 to index
      %get3A_620 = tpu.vector_load %arg10[%get3A_619] {strides = array<i32>} : memref<2048xi32, #tpu.memory_space<vmem>>, vector<16xi32>,
      %mul3A_621 = arith.constant 256 : i32
      %mul3A_622 = vector.broadcast %mul3A_621 : i32 to vector<16xi32>
      %mul3A_623 = arith.muli %get3A_620, %mul3A_622 : vector<16xi32>
      %add3A_624 = arith.addi %mul3A_623, %iota3A : vector<16xi32>
      %add3A_625 = arith.constant 0 : i32
      %add3A_626 = vector.broadcast %add3A_625 : i32 to vector<16xi32>
      %add3A_627 = arith.addi %add3A_624, %add3A_626 : vector<16xi32>
      %gather3A_628 = tpu.vector_load_idx %arg14[%add3A_627] : memref<4096xf32, #tpu.memory_space<vmem>>[vector<16xi32>], vector<16xf32>,
      %add3A_629 = arith.constant 16 : i32
      %add3A_630 = vector.broadcast %add3A_629 : i32 to vector<16xi32>
      %add3A_631 = arith.addi %add3A_624, %add3A_630 : vector<16xi32>
      %gather3A_632 = tpu.vector_load_idx %arg14[%add3A_631] : memref<4096xf32, #tpu.memory_space<vmem>>[vector<16xi32>], vector<16xf32>,
      %add3A_633 = arith.constant 32 : i32
      %add3A_634 = vector.broadcast %add3A_633 : i32 to vector<16xi32>
      %add3A_635 = arith.addi %add3A_624, %add3A_634 : vector<16xi32>
      %gather3A_636 = tpu.vector_load_idx %arg14[%add3A_635] : memref<4096xf32, #tpu.memory_space<vmem>>[vector<16xi32>], vector<16xf32>,
      %add3A_637 = arith.constant 48 : i32
      %add3A_638 = vector.broadcast %add3A_637 : i32 to vector<16xi32>
      %add3A_639 = arith.addi %add3A_624, %add3A_638 : vector<16xi32>
      %gather3A_640 = tpu.vector_load_idx %arg14[%add3A_639] : memref<4096xf32, #tpu.memory_space<vmem>>[vector<16xi32>], vector<16xf32>,
      %add3A_641 = arith.constant 64 : i32
      %add3A_642 = vector.broadcast %add3A_641 : i32 to vector<16xi32>
      %add3A_643 = arith.addi %add3A_624, %add3A_642 : vector<16xi32>
      %gather3A_644 = tpu.vector_load_idx %arg14[%add3A_643] : memref<4096xf32, #tpu.memory_space<vmem>>[vector<16xi32>], vector<16xf32>,
      %add3A_645 = arith.constant 80 : i32
      %add3A_646 = vector.broadcast %add3A_645 : i32 to vector<16xi32>
      %add3A_647 = arith.addi %add3A_624, %add3A_646 : vector<16xi32>
      %gather3A_648 = tpu.vector_load_idx %arg14[%add3A_647] : memref<4096xf32, #tpu.memory_space<vmem>>[vector<16xi32>], vector<16xf32>,
      %add3A_649 = arith.constant 96 : i32
      %add3A_650 = vector.broadcast %add3A_649 : i32 to vector<16xi32>
      %add3A_651 = arith.addi %add3A_624, %add3A_650 : vector<16xi32>
      %gather3A_652 = tpu.vector_load_idx %arg14[%add3A_651] : memref<4096xf32, #tpu.memory_space<vmem>>[vector<16xi32>], vector<16xf32>,
      %add3A_653 = arith.constant 112 : i32
      %add3A_654 = vector.broadcast %add3A_653 : i32 to vector<16xi32>
      %add3A_655 = arith.addi %add3A_624, %add3A_654 : vector<16xi32>
      %gather3A_656 = tpu.vector_load_idx %arg14[%add3A_655] : memref<4096xf32, #tpu.memory_space<vmem>>[vector<16xi32>], vector<16xf32>,
      %add3A_657 = arith.constant 128 : i32
      %add3A_658 = vector.broadcast %add3A_657 : i32 to vector<16xi32>
      %add3A_659 = arith.addi %add3A_624, %add3A_658 : vector<16xi32>
      %gather3A_660 = tpu.vector_load_idx %arg14[%add3A_659] : memref<4096xf32, #tpu.memory_space<vmem>>[vector<16xi32>], vector<16xf32>,
      %add3A_661 = arith.constant 144 : i32
      %add3A_662 = vector.broadcast %add3A_661 : i32 to vector<16xi32>
      %add3A_663 = arith.addi %add3A_624, %add3A_662 : vector<16xi32>
      %gather3A_664 = tpu.vector_load_idx %arg14[%add3A_663] : memref<4096xf32, #tpu.memory_space<vmem>>[vector<16xi32>], vector<16xf32>,
      %add3A_665 = arith.constant 160 : i32
      %add3A_666 = vector.broadcast %add3A_665 : i32 to vector<16xi32>
      %add3A_667 = arith.addi %add3A_624, %add3A_666 : vector<16xi32>
      %gather3A_668 = tpu.vector_load_idx %arg14[%add3A_667] : memref<4096xf32, #tpu.memory_space<vmem>>[vector<16xi32>], vector<16xf32>,
      %add3A_669 = arith.constant 176 : i32
      %add3A_670 = vector.broadcast %add3A_669 : i32 to vector<16xi32>
      %add3A_671 = arith.addi %add3A_624, %add3A_670 : vector<16xi32>
      %gather3A_672 = tpu.vector_load_idx %arg14[%add3A_671] : memref<4096xf32, #tpu.memory_space<vmem>>[vector<16xi32>], vector<16xf32>,
      %add3A_673 = arith.constant 192 : i32
      %add3A_674 = vector.broadcast %add3A_673 : i32 to vector<16xi32>
      %add3A_675 = arith.addi %add3A_624, %add3A_674 : vector<16xi32>
      %gather3A_676 = tpu.vector_load_idx %arg14[%add3A_675] : memref<4096xf32, #tpu.memory_space<vmem>>[vector<16xi32>], vector<16xf32>,
      %add3A_677 = arith.constant 208 : i32
      %add3A_678 = vector.broadcast %add3A_677 : i32 to vector<16xi32>
      %add3A_679 = arith.addi %add3A_624, %add3A_678 : vector<16xi32>
      %gather3A_680 = tpu.vector_load_idx %arg14[%add3A_679] : memref<4096xf32, #tpu.memory_space<vmem>>[vector<16xi32>], vector<16xf32>,
      %add3A_681 = arith.constant 224 : i32
      %add3A_682 = vector.broadcast %add3A_681 : i32 to vector<16xi32>
      %add3A_683 = arith.addi %add3A_624, %add3A_682 : vector<16xi32>
      %gather3A_684 = tpu.vector_load_idx %arg14[%add3A_683] : memref<4096xf32, #tpu.memory_space<vmem>>[vector<16xi32>], vector<16xf32>,
      %add3A_685 = arith.constant 240 : i32
      %add3A_686 = vector.broadcast %add3A_685 : i32 to vector<16xi32>
      %add3A_687 = arith.addi %add3A_624, %add3A_686 : vector<16xi32>
      %gather3A_688 = tpu.vector_load_idx %arg14[%add3A_687] : memref<4096xf32, #tpu.memory_space<vmem>>[vector<16xi32>], vector<16xf32>,
      %add3A_689 = arith.constant 2 : i32
      %add3A_690 = arith.addi %mul3A_327, %add3A_689 : i32
      %sub3A_691 = arith.constant 1 : i32
      %sub3A_692 = arith.subi %add3A_690, %sub3A_691 : i32
      %jit3A_693 = arith.constant 8 : i32
      %div3A_694 = arith.divsi %sub3A_692, %jit3A_693 : i32
      %sign3A_695 = arith.constant 0 : i32
      %sign3A_696 = arith.cmpi sgt, %sub3A_692, %sign3A_695 : i32
      %sign3A_697 = arith.extui %sign3A_696 : i1 to i32
      %sign3A_698 = arith.constant 0 : i32
      %sign3A_699 = arith.cmpi slt, %sub3A_692, %sign3A_698 : i32
      %sign3A_700 = arith.extui %sign3A_699 : i1 to i32
      %sign3A_701 = arith.subi %sign3A_697, %sign3A_700 : i32
      %sign3A_702 = arith.constant 0 : i32
      %sign3A_703 = arith.cmpi sgt, %jit3A_693, %sign3A_702 : i32
      %sign3A_704 = arith.extui %sign3A_703 : i1 to i32
      %sign3A_705 = arith.constant 0 : i32
      %sign3A_706 = arith.cmpi slt, %jit3A_693, %sign3A_705 : i32
      %sign3A_707 = arith.extui %sign3A_706 : i1 to i32
      %sign3A_708 = arith.subi %sign3A_704, %sign3A_707 : i32
      %ne3A_709 = arith.cmpi ne, %sign3A_701, %sign3A_708 : i32
      %rem3A_710 = arith.remsi %sub3A_692, %jit3A_693 : i32
      %ne3A_711 = arith.constant 0 : i32
      %ne3A_712 = arith.cmpi ne, %rem3A_710, %ne3A_711 : i32
      %and3A_713 = arith.andi %ne3A_709, %ne3A_712 : i1
      %sub3A_714 = arith.constant 1 : i32
      %sub3A_715 = arith.subi %div3A_694, %sub3A_714 : i32
      %select_n3A_716 = arith.select %and3A_713, %sub3A_715, %div3A_694 : i32
      %mul3A_717 = arith.constant 1024 : i32
      %mul3A_718 = arith.muli %select_n3A_716, %mul3A_717 : i32
      %jit3A_719 = arith.constant 8 : i32
      %eq3A_720 = arith.constant 0 : i32
      %eq3A_721 = arith.cmpi eq, %jit3A_719, %eq3A_720 : i32
      %jit3A_722 = arith.constant 1 : i32
      %select_n3A_723 = arith.select %eq3A_721, %jit3A_722, %jit3A_719 : i32
      %rem3A_724 = arith.remsi %sub3A_692, %select_n3A_723 : i32
      %ne3A_725 = arith.constant 0 : i32
      %ne3A_726 = arith.cmpi ne, %rem3A_724, %ne3A_725 : i32
      %lt3A_727 = arith.constant 0 : i32
      %lt3A_728 = arith.cmpi slt, %rem3A_724, %lt3A_727 : i32
      %lt3A_729 = arith.constant 0 : i32
      %lt3A_730 = arith.cmpi slt, %select_n3A_723, %lt3A_729 : i32
      %ne3A_731 = arith.xori %lt3A_728, %lt3A_730 : i1
      %and3A_732 = arith.andi %ne3A_731, %ne3A_726 : i1
      %add3A_733 = arith.addi %rem3A_724, %select_n3A_723 : i32
      %select_n3A_734 = arith.select %and3A_732, %add3A_733, %rem3A_724 : i32
      %mul3A_735 = arith.constant 16 : i32
      %mul3A_736 = arith.muli %select_n3A_734, %mul3A_735 : i32
      %add3A_737 = arith.addi %mul3A_718, %mul3A_736 : i32
      %add3A_738 = arith.constant 0 : i32
      %add3A_739 = arith.addi %add3A_737, %add3A_738 : i32
      %add3A_740 = arith.constant 0 : i32
      %add3A_741 = arith.addi %add3A_739, %add3A_740 : i32
      %swap3A_742 = arith.index_cast %add3A_741 : i32 to index
      %swap3A_743 = tpu.vector_load %arg12[%swap3A_742] {strides = array<i32>} : memref<32768xf32, #tpu.memory_space<vmem>>, vector<16xf32>,
      tpu.vector_store %arg12[%swap3A_742], %gather3A_411 {strides = array<i32>} : memref<32768xf32, #tpu.memory_space<vmem>>, vector<16xf32>,
      %add3A_744 = arith.constant 0 : i32
      %add3A_745 = arith.addi %add3A_737, %add3A_744 : i32
      %add3A_746 = arith.constant 128 : i32
      %add3A_747 = arith.addi %add3A_745, %add3A_746 : i32
      %swap3A_748 = arith.index_cast %add3A_747 : i32 to index
      %swap3A_749 = tpu.vector_load %arg12[%swap3A_748] {strides = array<i32>} : memref<32768xf32, #tpu.memory_space<vmem>>, vector<16xf32>,
      tpu.vector_store %arg12[%swap3A_748], %gather3A_415 {strides = array<i32>} : memref<32768xf32, #tpu.memory_space<vmem>>, vector<16xf32>,
      %add3A_750 = arith.constant 0 : i32
      %add3A_751 = arith.addi %add3A_737, %add3A_750 : i32
      %add3A_752 = arith.constant 256 : i32
      %add3A_753 = arith.addi %add3A_751, %add3A_752 : i32
      %swap3A_754 = arith.index_cast %add3A_753 : i32 to index
      %swap3A_755 = tpu.vector_load %arg12[%swap3A_754] {strides = array<i32>} : memref<32768xf32, #tpu.memory_space<vmem>>, vector<16xf32>,
      tpu.vector_store %arg12[%swap3A_754], %gather3A_419 {strides = array<i32>} : memref<32768xf32, #tpu.memory_space<vmem>>, vector<16xf32>,
      %add3A_756 = arith.constant 0 : i32
      %add3A_757 = arith.addi %add3A_737, %add3A_756 : i32
      %add3A_758 = arith.constant 384 : i32
      %add3A_759 = arith.addi %add3A_757, %add3A_758 : i32
      %swap3A_760 = arith.index_cast %add3A_759 : i32 to index
      %swap3A_761 = tpu.vector_load %arg12[%swap3A_760] {strides = array<i32>} : memref<32768xf32, #tpu.memory_space<vmem>>, vector<16xf32>,
      tpu.vector_store %arg12[%swap3A_760], %gather3A_423 {strides = array<i32>} : memref<32768xf32, #tpu.memory_space<vmem>>, vector<16xf32>,
      %add3A_762 = arith.constant 0 : i32
      %add3A_763 = arith.addi %add3A_737, %add3A_762 : i32
      %add3A_764 = arith.constant 512 : i32
      %add3A_765 = arith.addi %add3A_763, %add3A_764 : i32
      %swap3A_766 = arith.index_cast %add3A_765 : i32 to index
      %swap3A_767 = tpu.vector_load %arg12[%swap3A_766] {strides = array<i32>} : memref<32768xf32, #tpu.memory_space<vmem>>, vector<16xf32>,
      tpu.vector_store %arg12[%swap3A_766], %gather3A_427 {strides = array<i32>} : memref<32768xf32, #tpu.memory_space<vmem>>, vector<16xf32>,
      %add3A_768 = arith.constant 0 : i32
      %add3A_769 = arith.addi %add3A_737, %add3A_768 : i32
      %add3A_770 = arith.constant 640 : i32
      %add3A_771 = arith.addi %add3A_769, %add3A_770 : i32
      %swap3A_772 = arith.index_cast %add3A_771 : i32 to index
      %swap3A_773 = tpu.vector_load %arg12[%swap3A_772] {strides = array<i32>} : memref<32768xf32, #tpu.memory_space<vmem>>, vector<16xf32>,
      tpu.vector_store %arg12[%swap3A_772], %gather3A_431 {strides = array<i32>} : memref<32768xf32, #tpu.memory_space<vmem>>, vector<16xf32>,
      %add3A_774 = arith.constant 0 : i32
      %add3A_775 = arith.addi %add3A_737, %add3A_774 : i32
      %add3A_776 = arith.constant 768 : i32
      %add3A_777 = arith.addi %add3A_775, %add3A_776 : i32
      %swap3A_778 = arith.index_cast %add3A_777 : i32 to index
      %swap3A_779 = tpu.vector_load %arg12[%swap3A_778] {strides = array<i32>} : memref<32768xf32, #tpu.memory_space<vmem>>, vector<16xf32>,
      tpu.vector_store %arg12[%swap3A_778], %gather3A_435 {strides = array<i32>} : memref<32768xf32, #tpu.memory_space<vmem>>, vector<16xf32>,
      %add3A_780 = arith.constant 0 : i32
      %add3A_781 = arith.addi %add3A_737, %add3A_780 : i32
      %add3A_782 = arith.constant 896 : i32
      %add3A_783 = arith.addi %add3A_781, %add3A_782 : i32
      %swap3A_784 = arith.index_cast %add3A_783 : i32 to index
      %swap3A_785 = tpu.vector_load %arg12[%swap3A_784] {strides = array<i32>} : memref<32768xf32, #tpu.memory_space<vmem>>, vector<16xf32>,
      tpu.vector_store %arg12[%swap3A_784], %gather3A_439 {strides = array<i32>} : memref<32768xf32, #tpu.memory_space<vmem>>, vector<16xf32>,
      %add3A_786 = arith.constant 16384 : i32
      %add3A_787 = arith.addi %add3A_737, %add3A_786 : i32
      %add3A_788 = arith.constant 0 : i32
      %add3A_789 = arith.addi %add3A_787, %add3A_788 : i32
      %swap3A_790 = arith.index_cast %add3A_789 : i32 to index
      %swap3A_791 = tpu.vector_load %arg12[%swap3A_790] {strides = array<i32>} : memref<32768xf32, #tpu.memory_space<vmem>>, vector<16xf32>,
      tpu.vector_store %arg12[%swap3A_790], %gather3A_443 {strides = array<i32>} : memref<32768xf32, #tpu.memory_space<vmem>>, vector<16xf32>,
      %add3A_792 = arith.constant 16384 : i32
      %add3A_793 = arith.addi %add3A_737, %add3A_792 : i32
      %add3A_794 = arith.constant 128 : i32
      %add3A_795 = arith.addi %add3A_793, %add3A_794 : i32
      %swap3A_796 = arith.index_cast %add3A_795 : i32 to index
      %swap3A_797 = tpu.vector_load %arg12[%swap3A_796] {strides = array<i32>} : memref<32768xf32, #tpu.memory_space<vmem>>, vector<16xf32>,
      tpu.vector_store %arg12[%swap3A_796], %gather3A_447 {strides = array<i32>} : memref<32768xf32, #tpu.memory_space<vmem>>, vector<16xf32>,
      %add3A_798 = arith.constant 16384 : i32
      %add3A_799 = arith.addi %add3A_737, %add3A_798 : i32
      %add3A_800 = arith.constant 256 : i32
      %add3A_801 = arith.addi %add3A_799, %add3A_800 : i32
      %swap3A_802 = arith.index_cast %add3A_801 : i32 to index
      %swap3A_803 = tpu.vector_load %arg12[%swap3A_802] {strides = array<i32>} : memref<32768xf32, #tpu.memory_space<vmem>>, vector<16xf32>,
      tpu.vector_store %arg12[%swap3A_802], %gather3A_451 {strides = array<i32>} : memref<32768xf32, #tpu.memory_space<vmem>>, vector<16xf32>,
      %add3A_804 = arith.constant 16384 : i32
      %add3A_805 = arith.addi %add3A_737, %add3A_804 : i32
      %add3A_806 = arith.constant 384 : i32
      %add3A_807 = arith.addi %add3A_805, %add3A_806 : i32
      %swap3A_808 = arith.index_cast %add3A_807 : i32 to index
      %swap3A_809 = tpu.vector_load %arg12[%swap3A_808] {strides = array<i32>} : memref<32768xf32, #tpu.memory_space<vmem>>, vector<16xf32>,
      tpu.vector_store %arg12[%swap3A_808], %gather3A_455 {strides = array<i32>} : memref<32768xf32, #tpu.memory_space<vmem>>, vector<16xf32>,
      %add3A_810 = arith.constant 16384 : i32
      %add3A_811 = arith.addi %add3A_737, %add3A_810 : i32
      %add3A_812 = arith.constant 512 : i32
      %add3A_813 = arith.addi %add3A_811, %add3A_812 : i32
      %swap3A_814 = arith.index_cast %add3A_813 : i32 to index
      %swap3A_815 = tpu.vector_load %arg12[%swap3A_814] {strides = array<i32>} : memref<32768xf32, #tpu.memory_space<vmem>>, vector<16xf32>,
      tpu.vector_store %arg12[%swap3A_814], %gather3A_459 {strides = array<i32>} : memref<32768xf32, #tpu.memory_space<vmem>>, vector<16xf32>,
      %add3A_816 = arith.constant 16384 : i32
      %add3A_817 = arith.addi %add3A_737, %add3A_816 : i32
      %add3A_818 = arith.constant 640 : i32
      %add3A_819 = arith.addi %add3A_817, %add3A_818 : i32
      %swap3A_820 = arith.index_cast %add3A_819 : i32 to index
      %swap3A_821 = tpu.vector_load %arg12[%swap3A_820] {strides = array<i32>} : memref<32768xf32, #tpu.memory_space<vmem>>, vector<16xf32>,
      tpu.vector_store %arg12[%swap3A_820], %gather3A_463 {strides = array<i32>} : memref<32768xf32, #tpu.memory_space<vmem>>, vector<16xf32>,
      %add3A_822 = arith.constant 16384 : i32
      %add3A_823 = arith.addi %add3A_737, %add3A_822 : i32
      %add3A_824 = arith.constant 768 : i32
      %add3A_825 = arith.addi %add3A_823, %add3A_824 : i32
      %swap3A_826 = arith.index_cast %add3A_825 : i32 to index
      %swap3A_827 = tpu.vector_load %arg12[%swap3A_826] {strides = array<i32>} : memref<32768xf32, #tpu.memory_space<vmem>>, vector<16xf32>,
      tpu.vector_store %arg12[%swap3A_826], %gather3A_467 {strides = array<i32>} : memref<32768xf32, #tpu.memory_space<vmem>>, vector<16xf32>,
      %add3A_828 = arith.constant 16384 : i32
      %add3A_829 = arith.addi %add3A_737, %add3A_828 : i32
      %add3A_830 = arith.constant 896 : i32
      %add3A_831 = arith.addi %add3A_829, %add3A_830 : i32
      %swap3A_832 = arith.index_cast %add3A_831 : i32 to index
      %swap3A_833 = tpu.vector_load %arg12[%swap3A_832] {strides = array<i32>} : memref<32768xf32, #tpu.memory_space<vmem>>, vector<16xf32>,
      tpu.vector_store %arg12[%swap3A_832], %gather3A_471 {strides = array<i32>} : memref<32768xf32, #tpu.memory_space<vmem>>, vector<16xf32>,
      %add3A_834 = arith.constant 3 : i32
      %add3A_835 = arith.addi %mul3A_327, %add3A_834 : i32
      %mul3A_836 = arith.constant 16 : i32
      %mul3A_837 = arith.muli %add3A_835, %mul3A_836 : i32
      %get3A_838 = arith.index_cast %mul3A_837 : i32 to index
      %get3A_839 = tpu.vector_load %arg10[%get3A_838] {strides = array<i32>} : memref<2048xi32, #tpu.memory_space<vmem>>, vector<16xi32>,
      %mul3A_840 = arith.constant 256 : i32
      %mul3A_841 = vector.broadcast %mul3A_840 : i32 to vector<16xi32>
      %mul3A_842 = arith.muli %get3A_839, %mul3A_841 : vector<16xi32>
      %add3A_843 = arith.addi %mul3A_842, %iota3A : vector<16xi32>
      %add3A_844 = arith.constant 0 : i32
      %add3A_845 = vector.broadcast %add3A_844 : i32 to vector<16xi32>
      %add3A_846 = arith.addi %add3A_843, %add3A_845 : vector<16xi32>
      %gather3A_847 = tpu.vector_load_idx %arg14[%add3A_846] : memref<4096xf32, #tpu.memory_space<vmem>>[vector<16xi32>], vector<16xf32>,
      %add3A_848 = arith.constant 16 : i32
      %add3A_849 = vector.broadcast %add3A_848 : i32 to vector<16xi32>
      %add3A_850 = arith.addi %add3A_843, %add3A_849 : vector<16xi32>
      %gather3A_851 = tpu.vector_load_idx %arg14[%add3A_850] : memref<4096xf32, #tpu.memory_space<vmem>>[vector<16xi32>], vector<16xf32>,
      %add3A_852 = arith.constant 32 : i32
      %add3A_853 = vector.broadcast %add3A_852 : i32 to vector<16xi32>
      %add3A_854 = arith.addi %add3A_843, %add3A_853 : vector<16xi32>
      %gather3A_855 = tpu.vector_load_idx %arg14[%add3A_854] : memref<4096xf32, #tpu.memory_space<vmem>>[vector<16xi32>], vector<16xf32>,
      %add3A_856 = arith.constant 48 : i32
      %add3A_857 = vector.broadcast %add3A_856 : i32 to vector<16xi32>
      %add3A_858 = arith.addi %add3A_843, %add3A_857 : vector<16xi32>
      %gather3A_859 = tpu.vector_load_idx %arg14[%add3A_858] : memref<4096xf32, #tpu.memory_space<vmem>>[vector<16xi32>], vector<16xf32>,
      %add3A_860 = arith.constant 64 : i32
      %add3A_861 = vector.broadcast %add3A_860 : i32 to vector<16xi32>
      %add3A_862 = arith.addi %add3A_843, %add3A_861 : vector<16xi32>
      %gather3A_863 = tpu.vector_load_idx %arg14[%add3A_862] : memref<4096xf32, #tpu.memory_space<vmem>>[vector<16xi32>], vector<16xf32>,
      %add3A_864 = arith.constant 80 : i32
      %add3A_865 = vector.broadcast %add3A_864 : i32 to vector<16xi32>
      %add3A_866 = arith.addi %add3A_843, %add3A_865 : vector<16xi32>
      %gather3A_867 = tpu.vector_load_idx %arg14[%add3A_866] : memref<4096xf32, #tpu.memory_space<vmem>>[vector<16xi32>], vector<16xf32>,
      %add3A_868 = arith.constant 96 : i32
      %add3A_869 = vector.broadcast %add3A_868 : i32 to vector<16xi32>
      %add3A_870 = arith.addi %add3A_843, %add3A_869 : vector<16xi32>
      %gather3A_871 = tpu.vector_load_idx %arg14[%add3A_870] : memref<4096xf32, #tpu.memory_space<vmem>>[vector<16xi32>], vector<16xf32>,
      %add3A_872 = arith.constant 112 : i32
      %add3A_873 = vector.broadcast %add3A_872 : i32 to vector<16xi32>
      %add3A_874 = arith.addi %add3A_843, %add3A_873 : vector<16xi32>
      %gather3A_875 = tpu.vector_load_idx %arg14[%add3A_874] : memref<4096xf32, #tpu.memory_space<vmem>>[vector<16xi32>], vector<16xf32>,
      %add3A_876 = arith.constant 128 : i32
      %add3A_877 = vector.broadcast %add3A_876 : i32 to vector<16xi32>
      %add3A_878 = arith.addi %add3A_843, %add3A_877 : vector<16xi32>
      %gather3A_879 = tpu.vector_load_idx %arg14[%add3A_878] : memref<4096xf32, #tpu.memory_space<vmem>>[vector<16xi32>], vector<16xf32>,
      %add3A_880 = arith.constant 144 : i32
      %add3A_881 = vector.broadcast %add3A_880 : i32 to vector<16xi32>
      %add3A_882 = arith.addi %add3A_843, %add3A_881 : vector<16xi32>
      %gather3A_883 = tpu.vector_load_idx %arg14[%add3A_882] : memref<4096xf32, #tpu.memory_space<vmem>>[vector<16xi32>], vector<16xf32>,
      %add3A_884 = arith.constant 160 : i32
      %add3A_885 = vector.broadcast %add3A_884 : i32 to vector<16xi32>
      %add3A_886 = arith.addi %add3A_843, %add3A_885 : vector<16xi32>
      %gather3A_887 = tpu.vector_load_idx %arg14[%add3A_886] : memref<4096xf32, #tpu.memory_space<vmem>>[vector<16xi32>], vector<16xf32>,
      %add3A_888 = arith.constant 176 : i32
      %add3A_889 = vector.broadcast %add3A_888 : i32 to vector<16xi32>
      %add3A_890 = arith.addi %add3A_843, %add3A_889 : vector<16xi32>
      %gather3A_891 = tpu.vector_load_idx %arg14[%add3A_890] : memref<4096xf32, #tpu.memory_space<vmem>>[vector<16xi32>], vector<16xf32>,
      %add3A_892 = arith.constant 192 : i32
      %add3A_893 = vector.broadcast %add3A_892 : i32 to vector<16xi32>
      %add3A_894 = arith.addi %add3A_843, %add3A_893 : vector<16xi32>
      %gather3A_895 = tpu.vector_load_idx %arg14[%add3A_894] : memref<4096xf32, #tpu.memory_space<vmem>>[vector<16xi32>], vector<16xf32>,
      %add3A_896 = arith.constant 208 : i32
      %add3A_897 = vector.broadcast %add3A_896 : i32 to vector<16xi32>
      %add3A_898 = arith.addi %add3A_843, %add3A_897 : vector<16xi32>
      %gather3A_899 = tpu.vector_load_idx %arg14[%add3A_898] : memref<4096xf32, #tpu.memory_space<vmem>>[vector<16xi32>], vector<16xf32>,
      %add3A_900 = arith.constant 224 : i32
      %add3A_901 = vector.broadcast %add3A_900 : i32 to vector<16xi32>
      %add3A_902 = arith.addi %add3A_843, %add3A_901 : vector<16xi32>
      %gather3A_903 = tpu.vector_load_idx %arg14[%add3A_902] : memref<4096xf32, #tpu.memory_space<vmem>>[vector<16xi32>], vector<16xf32>,
      %add3A_904 = arith.constant 240 : i32
      %add3A_905 = vector.broadcast %add3A_904 : i32 to vector<16xi32>
      %add3A_906 = arith.addi %add3A_843, %add3A_905 : vector<16xi32>
      %gather3A_907 = tpu.vector_load_idx %arg14[%add3A_906] : memref<4096xf32, #tpu.memory_space<vmem>>[vector<16xi32>], vector<16xf32>,
      %add3A_908 = arith.constant 3 : i32
      %add3A_909 = arith.addi %mul3A_327, %add3A_908 : i32
      %sub3A_910 = arith.constant 1 : i32
      %sub3A_911 = arith.subi %add3A_909, %sub3A_910 : i32
      %jit3A_912 = arith.constant 8 : i32
      %div3A_913 = arith.divsi %sub3A_911, %jit3A_912 : i32
      %sign3A_914 = arith.constant 0 : i32
      %sign3A_915 = arith.cmpi sgt, %sub3A_911, %sign3A_914 : i32
      %sign3A_916 = arith.extui %sign3A_915 : i1 to i32
      %sign3A_917 = arith.constant 0 : i32
      %sign3A_918 = arith.cmpi slt, %sub3A_911, %sign3A_917 : i32
      %sign3A_919 = arith.extui %sign3A_918 : i1 to i32
      %sign3A_920 = arith.subi %sign3A_916, %sign3A_919 : i32
      %sign3A_921 = arith.constant 0 : i32
      %sign3A_922 = arith.cmpi sgt, %jit3A_912, %sign3A_921 : i32
      %sign3A_923 = arith.extui %sign3A_922 : i1 to i32
      %sign3A_924 = arith.constant 0 : i32
      %sign3A_925 = arith.cmpi slt, %jit3A_912, %sign3A_924 : i32
      %sign3A_926 = arith.extui %sign3A_925 : i1 to i32
      %sign3A_927 = arith.subi %sign3A_923, %sign3A_926 : i32
      %ne3A_928 = arith.cmpi ne, %sign3A_920, %sign3A_927 : i32
      %rem3A_929 = arith.remsi %sub3A_911, %jit3A_912 : i32
      %ne3A_930 = arith.constant 0 : i32
      %ne3A_931 = arith.cmpi ne, %rem3A_929, %ne3A_930 : i32
      %and3A_932 = arith.andi %ne3A_928, %ne3A_931 : i1
      %sub3A_933 = arith.constant 1 : i32
      %sub3A_934 = arith.subi %div3A_913, %sub3A_933 : i32
      %select_n3A_935 = arith.select %and3A_932, %sub3A_934, %div3A_913 : i32
      %mul3A_936 = arith.constant 1024 : i32
      %mul3A_937 = arith.muli %select_n3A_935, %mul3A_936 : i32
      %jit3A_938 = arith.constant 8 : i32
      %eq3A_939 = arith.constant 0 : i32
      %eq3A_940 = arith.cmpi eq, %jit3A_938, %eq3A_939 : i32
      %jit3A_941 = arith.constant 1 : i32
      %select_n3A_942 = arith.select %eq3A_940, %jit3A_941, %jit3A_938 : i32
      %rem3A_943 = arith.remsi %sub3A_911, %select_n3A_942 : i32
      %ne3A_944 = arith.constant 0 : i32
      %ne3A_945 = arith.cmpi ne, %rem3A_943, %ne3A_944 : i32
      %lt3A_946 = arith.constant 0 : i32
      %lt3A_947 = arith.cmpi slt, %rem3A_943, %lt3A_946 : i32
      %lt3A_948 = arith.constant 0 : i32
      %lt3A_949 = arith.cmpi slt, %select_n3A_942, %lt3A_948 : i32
      %ne3A_950 = arith.xori %lt3A_947, %lt3A_949 : i1
      %and3A_951 = arith.andi %ne3A_950, %ne3A_945 : i1
      %add3A_952 = arith.addi %rem3A_943, %select_n3A_942 : i32
      %select_n3A_953 = arith.select %and3A_951, %add3A_952, %rem3A_943 : i32
      %mul3A_954 = arith.constant 16 : i32
      %mul3A_955 = arith.muli %select_n3A_953, %mul3A_954 : i32
      %add3A_956 = arith.addi %mul3A_937, %mul3A_955 : i32
      %add3A_957 = arith.constant 0 : i32
      %add3A_958 = arith.addi %add3A_956, %add3A_957 : i32
      %add3A_959 = arith.constant 0 : i32
      %add3A_960 = arith.addi %add3A_958, %add3A_959 : i32
      %swap3A_961 = arith.index_cast %add3A_960 : i32 to index
      %swap3A_962 = tpu.vector_load %arg12[%swap3A_961] {strides = array<i32>} : memref<32768xf32, #tpu.memory_space<vmem>>, vector<16xf32>,
      tpu.vector_store %arg12[%swap3A_961], %gather3A_628 {strides = array<i32>} : memref<32768xf32, #tpu.memory_space<vmem>>, vector<16xf32>,
      %add3A_963 = arith.constant 0 : i32
      %add3A_964 = arith.addi %add3A_956, %add3A_963 : i32
      %add3A_965 = arith.constant 128 : i32
      %add3A_966 = arith.addi %add3A_964, %add3A_965 : i32
      %swap3A_967 = arith.index_cast %add3A_966 : i32 to index
      %swap3A_968 = tpu.vector_load %arg12[%swap3A_967] {strides = array<i32>} : memref<32768xf32, #tpu.memory_space<vmem>>, vector<16xf32>,
      tpu.vector_store %arg12[%swap3A_967], %gather3A_632 {strides = array<i32>} : memref<32768xf32, #tpu.memory_space<vmem>>, vector<16xf32>,
      %add3A_969 = arith.constant 0 : i32
      %add3A_970 = arith.addi %add3A_956, %add3A_969 : i32
      %add3A_971 = arith.constant 256 : i32
      %add3A_972 = arith.addi %add3A_970, %add3A_971 : i32
      %swap3A_973 = arith.index_cast %add3A_972 : i32 to index
      %swap3A_974 = tpu.vector_load %arg12[%swap3A_973] {strides = array<i32>} : memref<32768xf32, #tpu.memory_space<vmem>>, vector<16xf32>,
      tpu.vector_store %arg12[%swap3A_973], %gather3A_636 {strides = array<i32>} : memref<32768xf32, #tpu.memory_space<vmem>>, vector<16xf32>,
      %add3A_975 = arith.constant 0 : i32
      %add3A_976 = arith.addi %add3A_956, %add3A_975 : i32
      %add3A_977 = arith.constant 384 : i32
      %add3A_978 = arith.addi %add3A_976, %add3A_977 : i32
      %swap3A_979 = arith.index_cast %add3A_978 : i32 to index
      %swap3A_980 = tpu.vector_load %arg12[%swap3A_979] {strides = array<i32>} : memref<32768xf32, #tpu.memory_space<vmem>>, vector<16xf32>,
      tpu.vector_store %arg12[%swap3A_979], %gather3A_640 {strides = array<i32>} : memref<32768xf32, #tpu.memory_space<vmem>>, vector<16xf32>,
      %add3A_981 = arith.constant 0 : i32
      %add3A_982 = arith.addi %add3A_956, %add3A_981 : i32
      %add3A_983 = arith.constant 512 : i32
      %add3A_984 = arith.addi %add3A_982, %add3A_983 : i32
      %swap3A_985 = arith.index_cast %add3A_984 : i32 to index
      %swap3A_986 = tpu.vector_load %arg12[%swap3A_985] {strides = array<i32>} : memref<32768xf32, #tpu.memory_space<vmem>>, vector<16xf32>,
      tpu.vector_store %arg12[%swap3A_985], %gather3A_644 {strides = array<i32>} : memref<32768xf32, #tpu.memory_space<vmem>>, vector<16xf32>,
      %add3A_987 = arith.constant 0 : i32
      %add3A_988 = arith.addi %add3A_956, %add3A_987 : i32
      %add3A_989 = arith.constant 640 : i32
      %add3A_990 = arith.addi %add3A_988, %add3A_989 : i32
      %swap3A_991 = arith.index_cast %add3A_990 : i32 to index
      %swap3A_992 = tpu.vector_load %arg12[%swap3A_991] {strides = array<i32>} : memref<32768xf32, #tpu.memory_space<vmem>>, vector<16xf32>,
      tpu.vector_store %arg12[%swap3A_991], %gather3A_648 {strides = array<i32>} : memref<32768xf32, #tpu.memory_space<vmem>>, vector<16xf32>,
      %add3A_993 = arith.constant 0 : i32
      %add3A_994 = arith.addi %add3A_956, %add3A_993 : i32
      %add3A_995 = arith.constant 768 : i32
      %add3A_996 = arith.addi %add3A_994, %add3A_995 : i32
      %swap3A_997 = arith.index_cast %add3A_996 : i32 to index
      %swap3A_998 = tpu.vector_load %arg12[%swap3A_997] {strides = array<i32>} : memref<32768xf32, #tpu.memory_space<vmem>>, vector<16xf32>,
      tpu.vector_store %arg12[%swap3A_997], %gather3A_652 {strides = array<i32>} : memref<32768xf32, #tpu.memory_space<vmem>>, vector<16xf32>,
      %add3A_999 = arith.constant 0 : i32
      %add3A_1000 = arith.addi %add3A_956, %add3A_999 : i32
      %add3A_1001 = arith.constant 896 : i32
      %add3A_1002 = arith.addi %add3A_1000, %add3A_1001 : i32
      %swap3A_1003 = arith.index_cast %add3A_1002 : i32 to index
      %swap3A_1004 = tpu.vector_load %arg12[%swap3A_1003] {strides = array<i32>} : memref<32768xf32, #tpu.memory_space<vmem>>, vector<16xf32>,
      tpu.vector_store %arg12[%swap3A_1003], %gather3A_656 {strides = array<i32>} : memref<32768xf32, #tpu.memory_space<vmem>>, vector<16xf32>,
      %add3A_1005 = arith.constant 16384 : i32
      %add3A_1006 = arith.addi %add3A_956, %add3A_1005 : i32
      %add3A_1007 = arith.constant 0 : i32
      %add3A_1008 = arith.addi %add3A_1006, %add3A_1007 : i32
      %swap3A_1009 = arith.index_cast %add3A_1008 : i32 to index
      %swap3A_1010 = tpu.vector_load %arg12[%swap3A_1009] {strides = array<i32>} : memref<32768xf32, #tpu.memory_space<vmem>>, vector<16xf32>,
      tpu.vector_store %arg12[%swap3A_1009], %gather3A_660 {strides = array<i32>} : memref<32768xf32, #tpu.memory_space<vmem>>, vector<16xf32>,
      %add3A_1011 = arith.constant 16384 : i32
      %add3A_1012 = arith.addi %add3A_956, %add3A_1011 : i32
      %add3A_1013 = arith.constant 128 : i32
      %add3A_1014 = arith.addi %add3A_1012, %add3A_1013 : i32
      %swap3A_1015 = arith.index_cast %add3A_1014 : i32 to index
      %swap3A_1016 = tpu.vector_load %arg12[%swap3A_1015] {strides = array<i32>} : memref<32768xf32, #tpu.memory_space<vmem>>, vector<16xf32>,
      tpu.vector_store %arg12[%swap3A_1015], %gather3A_664 {strides = array<i32>} : memref<32768xf32, #tpu.memory_space<vmem>>, vector<16xf32>,
      %add3A_1017 = arith.constant 16384 : i32
      %add3A_1018 = arith.addi %add3A_956, %add3A_1017 : i32
      %add3A_1019 = arith.constant 256 : i32
      %add3A_1020 = arith.addi %add3A_1018, %add3A_1019 : i32
      %swap3A_1021 = arith.index_cast %add3A_1020 : i32 to index
      %swap3A_1022 = tpu.vector_load %arg12[%swap3A_1021] {strides = array<i32>} : memref<32768xf32, #tpu.memory_space<vmem>>, vector<16xf32>,
      tpu.vector_store %arg12[%swap3A_1021], %gather3A_668 {strides = array<i32>} : memref<32768xf32, #tpu.memory_space<vmem>>, vector<16xf32>,
      %add3A_1023 = arith.constant 16384 : i32
      %add3A_1024 = arith.addi %add3A_956, %add3A_1023 : i32
      %add3A_1025 = arith.constant 384 : i32
      %add3A_1026 = arith.addi %add3A_1024, %add3A_1025 : i32
      %swap3A_1027 = arith.index_cast %add3A_1026 : i32 to index
      %swap3A_1028 = tpu.vector_load %arg12[%swap3A_1027] {strides = array<i32>} : memref<32768xf32, #tpu.memory_space<vmem>>, vector<16xf32>,
      tpu.vector_store %arg12[%swap3A_1027], %gather3A_672 {strides = array<i32>} : memref<32768xf32, #tpu.memory_space<vmem>>, vector<16xf32>,
      %add3A_1029 = arith.constant 16384 : i32
      %add3A_1030 = arith.addi %add3A_956, %add3A_1029 : i32
      %add3A_1031 = arith.constant 512 : i32
      %add3A_1032 = arith.addi %add3A_1030, %add3A_1031 : i32
      %swap3A_1033 = arith.index_cast %add3A_1032 : i32 to index
      %swap3A_1034 = tpu.vector_load %arg12[%swap3A_1033] {strides = array<i32>} : memref<32768xf32, #tpu.memory_space<vmem>>, vector<16xf32>,
      tpu.vector_store %arg12[%swap3A_1033], %gather3A_676 {strides = array<i32>} : memref<32768xf32, #tpu.memory_space<vmem>>, vector<16xf32>,
      %add3A_1035 = arith.constant 16384 : i32
      %add3A_1036 = arith.addi %add3A_956, %add3A_1035 : i32
      %add3A_1037 = arith.constant 640 : i32
      %add3A_1038 = arith.addi %add3A_1036, %add3A_1037 : i32
      %swap3A_1039 = arith.index_cast %add3A_1038 : i32 to index
      %swap3A_1040 = tpu.vector_load %arg12[%swap3A_1039] {strides = array<i32>} : memref<32768xf32, #tpu.memory_space<vmem>>, vector<16xf32>,
      tpu.vector_store %arg12[%swap3A_1039], %gather3A_680 {strides = array<i32>} : memref<32768xf32, #tpu.memory_space<vmem>>, vector<16xf32>,
      %add3A_1041 = arith.constant 16384 : i32
      %add3A_1042 = arith.addi %add3A_956, %add3A_1041 : i32
      %add3A_1043 = arith.constant 768 : i32
      %add3A_1044 = arith.addi %add3A_1042, %add3A_1043 : i32
      %swap3A_1045 = arith.index_cast %add3A_1044 : i32 to index
      %swap3A_1046 = tpu.vector_load %arg12[%swap3A_1045] {strides = array<i32>} : memref<32768xf32, #tpu.memory_space<vmem>>, vector<16xf32>,
      tpu.vector_store %arg12[%swap3A_1045], %gather3A_684 {strides = array<i32>} : memref<32768xf32, #tpu.memory_space<vmem>>, vector<16xf32>,
      %add3A_1047 = arith.constant 16384 : i32
      %add3A_1048 = arith.addi %add3A_956, %add3A_1047 : i32
      %add3A_1049 = arith.constant 896 : i32
      %add3A_1050 = arith.addi %add3A_1048, %add3A_1049 : i32
      %swap3A_1051 = arith.index_cast %add3A_1050 : i32 to index
      %swap3A_1052 = tpu.vector_load %arg12[%swap3A_1051] {strides = array<i32>} : memref<32768xf32, #tpu.memory_space<vmem>>, vector<16xf32>,
      tpu.vector_store %arg12[%swap3A_1051], %gather3A_688 {strides = array<i32>} : memref<32768xf32, #tpu.memory_space<vmem>>, vector<16xf32>,
      %add3A_1053 = arith.constant 4 : i32
      %add3A_1054 = arith.addi %mul3A_327, %add3A_1053 : i32
      %sub3A_1055 = arith.constant 1 : i32
      %sub3A_1056 = arith.subi %add3A_1054, %sub3A_1055 : i32
      %jit3A_1057 = arith.constant 8 : i32
      %div3A_1058 = arith.divsi %sub3A_1056, %jit3A_1057 : i32
      %sign3A_1059 = arith.constant 0 : i32
      %sign3A_1060 = arith.cmpi sgt, %sub3A_1056, %sign3A_1059 : i32
      %sign3A_1061 = arith.extui %sign3A_1060 : i1 to i32
      %sign3A_1062 = arith.constant 0 : i32
      %sign3A_1063 = arith.cmpi slt, %sub3A_1056, %sign3A_1062 : i32
      %sign3A_1064 = arith.extui %sign3A_1063 : i1 to i32
      %sign3A_1065 = arith.subi %sign3A_1061, %sign3A_1064 : i32
      %sign3A_1066 = arith.constant 0 : i32
      %sign3A_1067 = arith.cmpi sgt, %jit3A_1057, %sign3A_1066 : i32
      %sign3A_1068 = arith.extui %sign3A_1067 : i1 to i32
      %sign3A_1069 = arith.constant 0 : i32
      %sign3A_1070 = arith.cmpi slt, %jit3A_1057, %sign3A_1069 : i32
      %sign3A_1071 = arith.extui %sign3A_1070 : i1 to i32
      %sign3A_1072 = arith.subi %sign3A_1068, %sign3A_1071 : i32
      %ne3A_1073 = arith.cmpi ne, %sign3A_1065, %sign3A_1072 : i32
      %rem3A_1074 = arith.remsi %sub3A_1056, %jit3A_1057 : i32
      %ne3A_1075 = arith.constant 0 : i32
      %ne3A_1076 = arith.cmpi ne, %rem3A_1074, %ne3A_1075 : i32
      %and3A_1077 = arith.andi %ne3A_1073, %ne3A_1076 : i1
      %sub3A_1078 = arith.constant 1 : i32
      %sub3A_1079 = arith.subi %div3A_1058, %sub3A_1078 : i32
      %select_n3A_1080 = arith.select %and3A_1077, %sub3A_1079, %div3A_1058 : i32
      %mul3A_1081 = arith.constant 1024 : i32
      %mul3A_1082 = arith.muli %select_n3A_1080, %mul3A_1081 : i32
      %jit3A_1083 = arith.constant 8 : i32
      %eq3A_1084 = arith.constant 0 : i32
      %eq3A_1085 = arith.cmpi eq, %jit3A_1083, %eq3A_1084 : i32
      %jit3A_1086 = arith.constant 1 : i32
      %select_n3A_1087 = arith.select %eq3A_1085, %jit3A_1086, %jit3A_1083 : i32
      %rem3A_1088 = arith.remsi %sub3A_1056, %select_n3A_1087 : i32
      %ne3A_1089 = arith.constant 0 : i32
      %ne3A_1090 = arith.cmpi ne, %rem3A_1088, %ne3A_1089 : i32
      %lt3A_1091 = arith.constant 0 : i32
      %lt3A_1092 = arith.cmpi slt, %rem3A_1088, %lt3A_1091 : i32
      %lt3A_1093 = arith.constant 0 : i32
      %lt3A_1094 = arith.cmpi slt, %select_n3A_1087, %lt3A_1093 : i32
      %ne3A_1095 = arith.xori %lt3A_1092, %lt3A_1094 : i1
      %and3A_1096 = arith.andi %ne3A_1095, %ne3A_1090 : i1
      %add3A_1097 = arith.addi %rem3A_1088, %select_n3A_1087 : i32
      %select_n3A_1098 = arith.select %and3A_1096, %add3A_1097, %rem3A_1088 : i32
      %mul3A_1099 = arith.constant 16 : i32
      %mul3A_1100 = arith.muli %select_n3A_1098, %mul3A_1099 : i32
      %add3A_1101 = arith.addi %mul3A_1082, %mul3A_1100 : i32
      %add3A_1102 = arith.constant 0 : i32
      %add3A_1103 = arith.addi %add3A_1101, %add3A_1102 : i32
      %add3A_1104 = arith.constant 0 : i32
      %add3A_1105 = arith.addi %add3A_1103, %add3A_1104 : i32
      %swap3A_1106 = arith.index_cast %add3A_1105 : i32 to index
      %swap3A_1107 = tpu.vector_load %arg12[%swap3A_1106] {strides = array<i32>} : memref<32768xf32, #tpu.memory_space<vmem>>, vector<16xf32>,
      tpu.vector_store %arg12[%swap3A_1106], %gather3A_847 {strides = array<i32>} : memref<32768xf32, #tpu.memory_space<vmem>>, vector<16xf32>,
      %add3A_1108 = arith.constant 0 : i32
      %add3A_1109 = arith.addi %add3A_1101, %add3A_1108 : i32
      %add3A_1110 = arith.constant 128 : i32
      %add3A_1111 = arith.addi %add3A_1109, %add3A_1110 : i32
      %swap3A_1112 = arith.index_cast %add3A_1111 : i32 to index
      %swap3A_1113 = tpu.vector_load %arg12[%swap3A_1112] {strides = array<i32>} : memref<32768xf32, #tpu.memory_space<vmem>>, vector<16xf32>,
      tpu.vector_store %arg12[%swap3A_1112], %gather3A_851 {strides = array<i32>} : memref<32768xf32, #tpu.memory_space<vmem>>, vector<16xf32>,
      %add3A_1114 = arith.constant 0 : i32
      %add3A_1115 = arith.addi %add3A_1101, %add3A_1114 : i32
      %add3A_1116 = arith.constant 256 : i32
      %add3A_1117 = arith.addi %add3A_1115, %add3A_1116 : i32
      %swap3A_1118 = arith.index_cast %add3A_1117 : i32 to index
      %swap3A_1119 = tpu.vector_load %arg12[%swap3A_1118] {strides = array<i32>} : memref<32768xf32, #tpu.memory_space<vmem>>, vector<16xf32>,
      tpu.vector_store %arg12[%swap3A_1118], %gather3A_855 {strides = array<i32>} : memref<32768xf32, #tpu.memory_space<vmem>>, vector<16xf32>,
      %add3A_1120 = arith.constant 0 : i32
      %add3A_1121 = arith.addi %add3A_1101, %add3A_1120 : i32
      %add3A_1122 = arith.constant 384 : i32
      %add3A_1123 = arith.addi %add3A_1121, %add3A_1122 : i32
      %swap3A_1124 = arith.index_cast %add3A_1123 : i32 to index
      %swap3A_1125 = tpu.vector_load %arg12[%swap3A_1124] {strides = array<i32>} : memref<32768xf32, #tpu.memory_space<vmem>>, vector<16xf32>,
      tpu.vector_store %arg12[%swap3A_1124], %gather3A_859 {strides = array<i32>} : memref<32768xf32, #tpu.memory_space<vmem>>, vector<16xf32>,
      %add3A_1126 = arith.constant 0 : i32
      %add3A_1127 = arith.addi %add3A_1101, %add3A_1126 : i32
      %add3A_1128 = arith.constant 512 : i32
      %add3A_1129 = arith.addi %add3A_1127, %add3A_1128 : i32
      %swap3A_1130 = arith.index_cast %add3A_1129 : i32 to index
      %swap3A_1131 = tpu.vector_load %arg12[%swap3A_1130] {strides = array<i32>} : memref<32768xf32, #tpu.memory_space<vmem>>, vector<16xf32>,
      tpu.vector_store %arg12[%swap3A_1130], %gather3A_863 {strides = array<i32>} : memref<32768xf32, #tpu.memory_space<vmem>>, vector<16xf32>,
      %add3A_1132 = arith.constant 0 : i32
      %add3A_1133 = arith.addi %add3A_1101, %add3A_1132 : i32
      %add3A_1134 = arith.constant 640 : i32
      %add3A_1135 = arith.addi %add3A_1133, %add3A_1134 : i32
      %swap3A_1136 = arith.index_cast %add3A_1135 : i32 to index
      %swap3A_1137 = tpu.vector_load %arg12[%swap3A_1136] {strides = array<i32>} : memref<32768xf32, #tpu.memory_space<vmem>>, vector<16xf32>,
      tpu.vector_store %arg12[%swap3A_1136], %gather3A_867 {strides = array<i32>} : memref<32768xf32, #tpu.memory_space<vmem>>, vector<16xf32>,
      %add3A_1138 = arith.constant 0 : i32
      %add3A_1139 = arith.addi %add3A_1101, %add3A_1138 : i32
      %add3A_1140 = arith.constant 768 : i32
      %add3A_1141 = arith.addi %add3A_1139, %add3A_1140 : i32
      %swap3A_1142 = arith.index_cast %add3A_1141 : i32 to index
      %swap3A_1143 = tpu.vector_load %arg12[%swap3A_1142] {strides = array<i32>} : memref<32768xf32, #tpu.memory_space<vmem>>, vector<16xf32>,
      tpu.vector_store %arg12[%swap3A_1142], %gather3A_871 {strides = array<i32>} : memref<32768xf32, #tpu.memory_space<vmem>>, vector<16xf32>,
      %add3A_1144 = arith.constant 0 : i32
      %add3A_1145 = arith.addi %add3A_1101, %add3A_1144 : i32
      %add3A_1146 = arith.constant 896 : i32
      %add3A_1147 = arith.addi %add3A_1145, %add3A_1146 : i32
      %swap3A_1148 = arith.index_cast %add3A_1147 : i32 to index
      %swap3A_1149 = tpu.vector_load %arg12[%swap3A_1148] {strides = array<i32>} : memref<32768xf32, #tpu.memory_space<vmem>>, vector<16xf32>,
      tpu.vector_store %arg12[%swap3A_1148], %gather3A_875 {strides = array<i32>} : memref<32768xf32, #tpu.memory_space<vmem>>, vector<16xf32>,
      %add3A_1150 = arith.constant 16384 : i32
      %add3A_1151 = arith.addi %add3A_1101, %add3A_1150 : i32
      %add3A_1152 = arith.constant 0 : i32
      %add3A_1153 = arith.addi %add3A_1151, %add3A_1152 : i32
      %swap3A_1154 = arith.index_cast %add3A_1153 : i32 to index
      %swap3A_1155 = tpu.vector_load %arg12[%swap3A_1154] {strides = array<i32>} : memref<32768xf32, #tpu.memory_space<vmem>>, vector<16xf32>,
      tpu.vector_store %arg12[%swap3A_1154], %gather3A_879 {strides = array<i32>} : memref<32768xf32, #tpu.memory_space<vmem>>, vector<16xf32>,
      %add3A_1156 = arith.constant 16384 : i32
      %add3A_1157 = arith.addi %add3A_1101, %add3A_1156 : i32
      %add3A_1158 = arith.constant 128 : i32
      %add3A_1159 = arith.addi %add3A_1157, %add3A_1158 : i32
      %swap3A_1160 = arith.index_cast %add3A_1159 : i32 to index
      %swap3A_1161 = tpu.vector_load %arg12[%swap3A_1160] {strides = array<i32>} : memref<32768xf32, #tpu.memory_space<vmem>>, vector<16xf32>,
      tpu.vector_store %arg12[%swap3A_1160], %gather3A_883 {strides = array<i32>} : memref<32768xf32, #tpu.memory_space<vmem>>, vector<16xf32>,
      %add3A_1162 = arith.constant 16384 : i32
      %add3A_1163 = arith.addi %add3A_1101, %add3A_1162 : i32
      %add3A_1164 = arith.constant 256 : i32
      %add3A_1165 = arith.addi %add3A_1163, %add3A_1164 : i32
      %swap3A_1166 = arith.index_cast %add3A_1165 : i32 to index
      %swap3A_1167 = tpu.vector_load %arg12[%swap3A_1166] {strides = array<i32>} : memref<32768xf32, #tpu.memory_space<vmem>>, vector<16xf32>,
      tpu.vector_store %arg12[%swap3A_1166], %gather3A_887 {strides = array<i32>} : memref<32768xf32, #tpu.memory_space<vmem>>, vector<16xf32>,
      %add3A_1168 = arith.constant 16384 : i32
      %add3A_1169 = arith.addi %add3A_1101, %add3A_1168 : i32
      %add3A_1170 = arith.constant 384 : i32
      %add3A_1171 = arith.addi %add3A_1169, %add3A_1170 : i32
      %swap3A_1172 = arith.index_cast %add3A_1171 : i32 to index
      %swap3A_1173 = tpu.vector_load %arg12[%swap3A_1172] {strides = array<i32>} : memref<32768xf32, #tpu.memory_space<vmem>>, vector<16xf32>,
      tpu.vector_store %arg12[%swap3A_1172], %gather3A_891 {strides = array<i32>} : memref<32768xf32, #tpu.memory_space<vmem>>, vector<16xf32>,
      %add3A_1174 = arith.constant 16384 : i32
      %add3A_1175 = arith.addi %add3A_1101, %add3A_1174 : i32
      %add3A_1176 = arith.constant 512 : i32
      %add3A_1177 = arith.addi %add3A_1175, %add3A_1176 : i32
      %swap3A_1178 = arith.index_cast %add3A_1177 : i32 to index
      %swap3A_1179 = tpu.vector_load %arg12[%swap3A_1178] {strides = array<i32>} : memref<32768xf32, #tpu.memory_space<vmem>>, vector<16xf32>,
      tpu.vector_store %arg12[%swap3A_1178], %gather3A_895 {strides = array<i32>} : memref<32768xf32, #tpu.memory_space<vmem>>, vector<16xf32>,
      %add3A_1180 = arith.constant 16384 : i32
      %add3A_1181 = arith.addi %add3A_1101, %add3A_1180 : i32
      %add3A_1182 = arith.constant 640 : i32
      %add3A_1183 = arith.addi %add3A_1181, %add3A_1182 : i32
      %swap3A_1184 = arith.index_cast %add3A_1183 : i32 to index
      %swap3A_1185 = tpu.vector_load %arg12[%swap3A_1184] {strides = array<i32>} : memref<32768xf32, #tpu.memory_space<vmem>>, vector<16xf32>,
      tpu.vector_store %arg12[%swap3A_1184], %gather3A_899 {strides = array<i32>} : memref<32768xf32, #tpu.memory_space<vmem>>, vector<16xf32>,
      %add3A_1186 = arith.constant 16384 : i32
      %add3A_1187 = arith.addi %add3A_1101, %add3A_1186 : i32
      %add3A_1188 = arith.constant 768 : i32
      %add3A_1189 = arith.addi %add3A_1187, %add3A_1188 : i32
      %swap3A_1190 = arith.index_cast %add3A_1189 : i32 to index
      %swap3A_1191 = tpu.vector_load %arg12[%swap3A_1190] {strides = array<i32>} : memref<32768xf32, #tpu.memory_space<vmem>>, vector<16xf32>,
      tpu.vector_store %arg12[%swap3A_1190], %gather3A_903 {strides = array<i32>} : memref<32768xf32, #tpu.memory_space<vmem>>, vector<16xf32>,
      %add3A_1192 = arith.constant 16384 : i32
      %add3A_1193 = arith.addi %add3A_1101, %add3A_1192 : i32
      %add3A_1194 = arith.constant 896 : i32
      %add3A_1195 = arith.addi %add3A_1193, %add3A_1194 : i32
      %swap3A_1196 = arith.index_cast %add3A_1195 : i32 to index
      %swap3A_1197 = tpu.vector_load %arg12[%swap3A_1196] {strides = array<i32>} : memref<32768xf32, #tpu.memory_space<vmem>>, vector<16xf32>,
      tpu.vector_store %arg12[%swap3A_1196], %gather3A_907 {strides = array<i32>} : memref<32768xf32, #tpu.memory_space<vmem>>, vector<16xf32>,
      %scan3A_1198 = arith.constant 0 : i32
      scf.yield %scan3A_1198 : i32
    }
    %scan3A_60 = arith.constant 32 : i32
    %add3A_61 = arith.constant 32 : i32
    %add3A_62 = arith.addi %select_n3A_23, %add3A_61 : i32
    %mul3A_63 = arith.constant 128 : i32
    %mul3A_64 = arith.muli %add3A_62, %mul3A_63 : i32
    %dma_start3A_65 = arith.constant 0 : i32
    %dma_start3A_66 = tpu.memref_slice %arg10[%dma_start3A_65] : memref<2048xi32, #tpu.memory_space<vmem>> -> memref<2048xi32, #tpu.memory_space<vmem>>
    %dma_start3A_67 = tpu.memref_slice %arg3[%mul3A_64] : memref<320000xi32, #tpu.memory_space<hbm>> -> memref<2048xi32, #tpu.memory_space<hbm>>
    %dma_start3A_68 = arith.constant 0 : i32
    %dma_start3A_69 = tpu.memref_slice %arg10[%dma_start3A_68] : memref<2048xi32, #tpu.memory_space<vmem>> -> memref<2048xi32, #tpu.memory_space<vmem>>
    %dma_start3A_70 = tpu.memref_slice %arg3[%mul3A_64] : memref<320000xi32, #tpu.memory_space<hbm>> -> memref<2048xi32, #tpu.memory_space<hbm>>
    tpu.enqueue_dma source(%dma_start3A_70 : memref<2048xi32, #tpu.memory_space<hbm>>) target(%dma_start3A_69 : memref<2048xi32, #tpu.memory_space<vmem>>) target_semaphore(%arg18 : memref<!tpu.dma_semaphore, #tpu.memory_space<semaphore_mem>>)
    %add3A_71 = arith.constant 0 : i32
    %add3A_72 = arith.addi %select_n3A_23, %add3A_71 : i32
    %mul3A_73 = arith.constant 1024 : i32
    %mul3A_74 = arith.muli %add3A_72, %mul3A_73 : i32
    %add3A_75 = arith.constant 0 : i32
    %add3A_76 = arith.addi %add3A_75, %mul3A_74 : i32
    %dma_start3A_77 = arith.constant 0 : i32
    %dma_start3A_78 = tpu.memref_slice %arg12[%dma_start3A_77] : memref<32768xf32, #tpu.memory_space<vmem>> -> memref<16384xf32, #tpu.memory_space<vmem>>
    %dma_start3A_79 = tpu.memref_slice %arg7[%add3A_76] : memref<5120000xf32, #tpu.memory_space<hbm>> -> memref<16384xf32, #tpu.memory_space<hbm>>
    %dma_start3A_80 = tpu.memref_slice %arg7[%add3A_76] : memref<5120000xf32, #tpu.memory_space<hbm>> -> memref<16384xf32, #tpu.memory_space<hbm>>
    %dma_start3A_81 = arith.constant 0 : i32
    %dma_start3A_82 = tpu.memref_slice %arg12[%dma_start3A_81] : memref<32768xf32, #tpu.memory_space<vmem>> -> memref<16384xf32, #tpu.memory_space<vmem>>
    tpu.enqueue_dma source(%dma_start3A_82 : memref<16384xf32, #tpu.memory_space<vmem>>) target(%dma_start3A_80 : memref<16384xf32, #tpu.memory_space<hbm>>) target_semaphore(%arg20 : memref<!tpu.dma_semaphore, #tpu.memory_space<semaphore_mem>>)
    %mul3A_83 = arith.constant 1024 : i32
    %mul3A_84 = arith.muli %add3A_72, %mul3A_83 : i32
    %add3A_85 = arith.constant 2560000 : i32
    %add3A_86 = arith.addi %add3A_85, %mul3A_84 : i32
    %dma_start3A_87 = arith.constant 16384 : i32
    %dma_start3A_88 = tpu.memref_slice %arg12[%dma_start3A_87] : memref<32768xf32, #tpu.memory_space<vmem>> -> memref<16384xf32, #tpu.memory_space<vmem>>
    %dma_start3A_89 = tpu.memref_slice %arg7[%add3A_86] : memref<5120000xf32, #tpu.memory_space<hbm>> -> memref<16384xf32, #tpu.memory_space<hbm>>
    %dma_start3A_90 = tpu.memref_slice %arg7[%add3A_86] : memref<5120000xf32, #tpu.memory_space<hbm>> -> memref<16384xf32, #tpu.memory_space<hbm>>
    %dma_start3A_91 = arith.constant 16384 : i32
    %dma_start3A_92 = tpu.memref_slice %arg12[%dma_start3A_91] : memref<32768xf32, #tpu.memory_space<vmem>> -> memref<16384xf32, #tpu.memory_space<vmem>>
    tpu.enqueue_dma source(%dma_start3A_92 : memref<16384xf32, #tpu.memory_space<vmem>>) target(%dma_start3A_90 : memref<16384xf32, #tpu.memory_space<hbm>>) target_semaphore(%arg20 : memref<!tpu.dma_semaphore, #tpu.memory_space<semaphore_mem>>)
    %dma_wait3A_93 = arith.constant 0 : i32
    %dma_wait3A_94 = tpu.memref_slice %arg11[%dma_wait3A_93] : memref<2048xi32, #tpu.memory_space<vmem>> -> memref<2048xi32, #tpu.memory_space<vmem>>
    %dma_wait3A_95 = tpu.memref_slice %arg3[%mul3A_38] : memref<320000xi32, #tpu.memory_space<hbm>> -> memref<2048xi32, #tpu.memory_space<hbm>>
    %dma_wait3A_96 = arith.constant 0 : i32
    %dma_wait3A_97 = tpu.memref_slice %arg11[%dma_wait3A_96] : memref<2048xi32, #tpu.memory_space<vmem>> -> memref<2048xi32, #tpu.memory_space<vmem>>
    %dma_wait3A_98 = tpu.memref_slice %arg3[%mul3A_38] : memref<320000xi32, #tpu.memory_space<hbm>> -> memref<2048xi32, #tpu.memory_space<hbm>>
    tpu.wait_dma2 semaphore(%arg19 : memref<!tpu.dma_semaphore, #tpu.memory_space<semaphore_mem>>) src(%dma_wait3A_98 : memref<2048xi32, #tpu.memory_space<hbm>>) dst(%dma_wait3A_97 : memref<2048xi32, #tpu.memory_space<vmem>>)
    %scan3A_99 = arith.constant 0 : i32
    %scan3A_100 = arith.constant 0 : i32
    %scan3A_101 = arith.constant 32 : i32
    %scan3A_102 = arith.addi %scan3A_100, %scan3A_101 : i32
    %scan3A_103 = arith.constant 1 : i32
    %scan3A_104 = scf.for %scan3A_324 = %scan3A_100 to %scan3A_102 step %scan3A_103 iter_args(%scan3A_325 = %scan3A_99) -> (i32)  : i32 {
      %mul3A_326 = arith.constant 4 : i32
      %mul3A_327 = arith.muli %scan3A_324, %mul3A_326 : i32
      %mul3A_328 = arith.constant 16 : i32
      %mul3A_329 = arith.muli %mul3A_327, %mul3A_328 : i32
      %get3A = arith.index_cast %mul3A_329 : i32 to index
      %get3A_330 = tpu.vector_load %arg11[%get3A] {strides = array<i32>} : memref<2048xi32, #tpu.memory_space<vmem>>, vector<16xi32>,
      %mul3A_331 = arith.constant 256 : i32
      %mul3A_332 = vector.broadcast %mul3A_331 : i32 to vector<16xi32>
      %mul3A_333 = arith.muli %get3A_330, %mul3A_332 : vector<16xi32>
      %add3A_334 = arith.addi %mul3A_333, %iota3A : vector<16xi32>
      %add3A_335 = arith.constant 0 : i32
      %add3A_336 = vector.broadcast %add3A_335 : i32 to vector<16xi32>
      %add3A_337 = arith.addi %add3A_334, %add3A_336 : vector<16xi32>
      %gather3A = tpu.vector_load_idx %arg14[%add3A_337] : memref<4096xf32, #tpu.memory_space<vmem>>[vector<16xi32>], vector<16xf32>,
      %add3A_338 = arith.constant 16 : i32
      %add3A_339 = vector.broadcast %add3A_338 : i32 to vector<16xi32>
      %add3A_340 = arith.addi %add3A_334, %add3A_339 : vector<16xi32>
      %gather3A_341 = tpu.vector_load_idx %arg14[%add3A_340] : memref<4096xf32, #tpu.memory_space<vmem>>[vector<16xi32>], vector<16xf32>,
      %add3A_342 = arith.constant 32 : i32
      %add3A_343 = vector.broadcast %add3A_342 : i32 to vector<16xi32>
      %add3A_344 = arith.addi %add3A_334, %add3A_343 : vector<16xi32>
      %gather3A_345 = tpu.vector_load_idx %arg14[%add3A_344] : memref<4096xf32, #tpu.memory_space<vmem>>[vector<16xi32>], vector<16xf32>,
      %add3A_346 = arith.constant 48 : i32
      %add3A_347 = vector.broadcast %add3A_346 : i32 to vector<16xi32>
      %add3A_348 = arith.addi %add3A_334, %add3A_347 : vector<16xi32>
      %gather3A_349 = tpu.vector_load_idx %arg14[%add3A_348] : memref<4096xf32, #tpu.memory_space<vmem>>[vector<16xi32>], vector<16xf32>,
      %add3A_350 = arith.constant 64 : i32
      %add3A_351 = vector.broadcast %add3A_350 : i32 to vector<16xi32>
      %add3A_352 = arith.addi %add3A_334, %add3A_351 : vector<16xi32>
      %gather3A_353 = tpu.vector_load_idx %arg14[%add3A_352] : memref<4096xf32, #tpu.memory_space<vmem>>[vector<16xi32>], vector<16xf32>,
      %add3A_354 = arith.constant 80 : i32
      %add3A_355 = vector.broadcast %add3A_354 : i32 to vector<16xi32>
      %add3A_356 = arith.addi %add3A_334, %add3A_355 : vector<16xi32>
      %gather3A_357 = tpu.vector_load_idx %arg14[%add3A_356] : memref<4096xf32, #tpu.memory_space<vmem>>[vector<16xi32>], vector<16xf32>,
      %add3A_358 = arith.constant 96 : i32
      %add3A_359 = vector.broadcast %add3A_358 : i32 to vector<16xi32>
      %add3A_360 = arith.addi %add3A_334, %add3A_359 : vector<16xi32>
      %gather3A_361 = tpu.vector_load_idx %arg14[%add3A_360] : memref<4096xf32, #tpu.memory_space<vmem>>[vector<16xi32>], vector<16xf32>,
      %add3A_362 = arith.constant 112 : i32
      %add3A_363 = vector.broadcast %add3A_362 : i32 to vector<16xi32>
      %add3A_364 = arith.addi %add3A_334, %add3A_363 : vector<16xi32>
      %gather3A_365 = tpu.vector_load_idx %arg14[%add3A_364] : memref<4096xf32, #tpu.memory_space<vmem>>[vector<16xi32>], vector<16xf32>,
      %add3A_366 = arith.constant 128 : i32
      %add3A_367 = vector.broadcast %add3A_366 : i32 to vector<16xi32>
      %add3A_368 = arith.addi %add3A_334, %add3A_367 : vector<16xi32>
      %gather3A_369 = tpu.vector_load_idx %arg14[%add3A_368] : memref<4096xf32, #tpu.memory_space<vmem>>[vector<16xi32>], vector<16xf32>,
      %add3A_370 = arith.constant 144 : i32
      %add3A_371 = vector.broadcast %add3A_370 : i32 to vector<16xi32>
      %add3A_372 = arith.addi %add3A_334, %add3A_371 : vector<16xi32>
      %gather3A_373 = tpu.vector_load_idx %arg14[%add3A_372] : memref<4096xf32, #tpu.memory_space<vmem>>[vector<16xi32>], vector<16xf32>,
      %add3A_374 = arith.constant 160 : i32
      %add3A_375 = vector.broadcast %add3A_374 : i32 to vector<16xi32>
      %add3A_376 = arith.addi %add3A_334, %add3A_375 : vector<16xi32>
      %gather3A_377 = tpu.vector_load_idx %arg14[%add3A_376] : memref<4096xf32, #tpu.memory_space<vmem>>[vector<16xi32>], vector<16xf32>,
      %add3A_378 = arith.constant 176 : i32
      %add3A_379 = vector.broadcast %add3A_378 : i32 to vector<16xi32>
      %add3A_380 = arith.addi %add3A_334, %add3A_379 : vector<16xi32>
      %gather3A_381 = tpu.vector_load_idx %arg14[%add3A_380] : memref<4096xf32, #tpu.memory_space<vmem>>[vector<16xi32>], vector<16xf32>,
      %add3A_382 = arith.constant 192 : i32
      %add3A_383 = vector.broadcast %add3A_382 : i32 to vector<16xi32>
      %add3A_384 = arith.addi %add3A_334, %add3A_383 : vector<16xi32>
      %gather3A_385 = tpu.vector_load_idx %arg14[%add3A_384] : memref<4096xf32, #tpu.memory_space<vmem>>[vector<16xi32>], vector<16xf32>,
      %add3A_386 = arith.constant 208 : i32
      %add3A_387 = vector.broadcast %add3A_386 : i32 to vector<16xi32>
      %add3A_388 = arith.addi %add3A_334, %add3A_387 : vector<16xi32>
      %gather3A_389 = tpu.vector_load_idx %arg14[%add3A_388] : memref<4096xf32, #tpu.memory_space<vmem>>[vector<16xi32>], vector<16xf32>,
      %add3A_390 = arith.constant 224 : i32
      %add3A_391 = vector.broadcast %add3A_390 : i32 to vector<16xi32>
      %add3A_392 = arith.addi %add3A_334, %add3A_391 : vector<16xi32>
      %gather3A_393 = tpu.vector_load_idx %arg14[%add3A_392] : memref<4096xf32, #tpu.memory_space<vmem>>[vector<16xi32>], vector<16xf32>,
      %add3A_394 = arith.constant 240 : i32
      %add3A_395 = vector.broadcast %add3A_394 : i32 to vector<16xi32>
      %add3A_396 = arith.addi %add3A_334, %add3A_395 : vector<16xi32>
      %gather3A_397 = tpu.vector_load_idx %arg14[%add3A_396] : memref<4096xf32, #tpu.memory_space<vmem>>[vector<16xi32>], vector<16xf32>,
      %add3A_398 = arith.constant 1 : i32
      %add3A_399 = arith.addi %mul3A_327, %add3A_398 : i32
      %mul3A_400 = arith.constant 16 : i32
      %mul3A_401 = arith.muli %add3A_399, %mul3A_400 : i32
      %get3A_402 = arith.index_cast %mul3A_401 : i32 to index
      %get3A_403 = tpu.vector_load %arg11[%get3A_402] {strides = array<i32>} : memref<2048xi32, #tpu.memory_space<vmem>>, vector<16xi32>,
      %mul3A_404 = arith.constant 256 : i32
      %mul3A_405 = vector.broadcast %mul3A_404 : i32 to vector<16xi32>
      %mul3A_406 = arith.muli %get3A_403, %mul3A_405 : vector<16xi32>
      %add3A_407 = arith.addi %mul3A_406, %iota3A : vector<16xi32>
      %add3A_408 = arith.constant 0 : i32
      %add3A_409 = vector.broadcast %add3A_408 : i32 to vector<16xi32>
      %add3A_410 = arith.addi %add3A_407, %add3A_409 : vector<16xi32>
      %gather3A_411 = tpu.vector_load_idx %arg14[%add3A_410] : memref<4096xf32, #tpu.memory_space<vmem>>[vector<16xi32>], vector<16xf32>,
      %add3A_412 = arith.constant 16 : i32
      %add3A_413 = vector.broadcast %add3A_412 : i32 to vector<16xi32>
      %add3A_414 = arith.addi %add3A_407, %add3A_413 : vector<16xi32>
      %gather3A_415 = tpu.vector_load_idx %arg14[%add3A_414] : memref<4096xf32, #tpu.memory_space<vmem>>[vector<16xi32>], vector<16xf32>,
      %add3A_416 = arith.constant 32 : i32
      %add3A_417 = vector.broadcast %add3A_416 : i32 to vector<16xi32>
      %add3A_418 = arith.addi %add3A_407, %add3A_417 : vector<16xi32>
      %gather3A_419 = tpu.vector_load_idx %arg14[%add3A_418] : memref<4096xf32, #tpu.memory_space<vmem>>[vector<16xi32>], vector<16xf32>,
      %add3A_420 = arith.constant 48 : i32
      %add3A_421 = vector.broadcast %add3A_420 : i32 to vector<16xi32>
      %add3A_422 = arith.addi %add3A_407, %add3A_421 : vector<16xi32>
      %gather3A_423 = tpu.vector_load_idx %arg14[%add3A_422] : memref<4096xf32, #tpu.memory_space<vmem>>[vector<16xi32>], vector<16xf32>,
      %add3A_424 = arith.constant 64 : i32
      %add3A_425 = vector.broadcast %add3A_424 : i32 to vector<16xi32>
      %add3A_426 = arith.addi %add3A_407, %add3A_425 : vector<16xi32>
      %gather3A_427 = tpu.vector_load_idx %arg14[%add3A_426] : memref<4096xf32, #tpu.memory_space<vmem>>[vector<16xi32>], vector<16xf32>,
      %add3A_428 = arith.constant 80 : i32
      %add3A_429 = vector.broadcast %add3A_428 : i32 to vector<16xi32>
      %add3A_430 = arith.addi %add3A_407, %add3A_429 : vector<16xi32>
      %gather3A_431 = tpu.vector_load_idx %arg14[%add3A_430] : memref<4096xf32, #tpu.memory_space<vmem>>[vector<16xi32>], vector<16xf32>,
      %add3A_432 = arith.constant 96 : i32
      %add3A_433 = vector.broadcast %add3A_432 : i32 to vector<16xi32>
      %add3A_434 = arith.addi %add3A_407, %add3A_433 : vector<16xi32>
      %gather3A_435 = tpu.vector_load_idx %arg14[%add3A_434] : memref<4096xf32, #tpu.memory_space<vmem>>[vector<16xi32>], vector<16xf32>,
      %add3A_436 = arith.constant 112 : i32
      %add3A_437 = vector.broadcast %add3A_436 : i32 to vector<16xi32>
      %add3A_438 = arith.addi %add3A_407, %add3A_437 : vector<16xi32>
      %gather3A_439 = tpu.vector_load_idx %arg14[%add3A_438] : memref<4096xf32, #tpu.memory_space<vmem>>[vector<16xi32>], vector<16xf32>,
      %add3A_440 = arith.constant 128 : i32
      %add3A_441 = vector.broadcast %add3A_440 : i32 to vector<16xi32>
      %add3A_442 = arith.addi %add3A_407, %add3A_441 : vector<16xi32>
      %gather3A_443 = tpu.vector_load_idx %arg14[%add3A_442] : memref<4096xf32, #tpu.memory_space<vmem>>[vector<16xi32>], vector<16xf32>,
      %add3A_444 = arith.constant 144 : i32
      %add3A_445 = vector.broadcast %add3A_444 : i32 to vector<16xi32>
      %add3A_446 = arith.addi %add3A_407, %add3A_445 : vector<16xi32>
      %gather3A_447 = tpu.vector_load_idx %arg14[%add3A_446] : memref<4096xf32, #tpu.memory_space<vmem>>[vector<16xi32>], vector<16xf32>,
      %add3A_448 = arith.constant 160 : i32
      %add3A_449 = vector.broadcast %add3A_448 : i32 to vector<16xi32>
      %add3A_450 = arith.addi %add3A_407, %add3A_449 : vector<16xi32>
      %gather3A_451 = tpu.vector_load_idx %arg14[%add3A_450] : memref<4096xf32, #tpu.memory_space<vmem>>[vector<16xi32>], vector<16xf32>,
      %add3A_452 = arith.constant 176 : i32
      %add3A_453 = vector.broadcast %add3A_452 : i32 to vector<16xi32>
      %add3A_454 = arith.addi %add3A_407, %add3A_453 : vector<16xi32>
      %gather3A_455 = tpu.vector_load_idx %arg14[%add3A_454] : memref<4096xf32, #tpu.memory_space<vmem>>[vector<16xi32>], vector<16xf32>,
      %add3A_456 = arith.constant 192 : i32
      %add3A_457 = vector.broadcast %add3A_456 : i32 to vector<16xi32>
      %add3A_458 = arith.addi %add3A_407, %add3A_457 : vector<16xi32>
      %gather3A_459 = tpu.vector_load_idx %arg14[%add3A_458] : memref<4096xf32, #tpu.memory_space<vmem>>[vector<16xi32>], vector<16xf32>,
      %add3A_460 = arith.constant 208 : i32
      %add3A_461 = vector.broadcast %add3A_460 : i32 to vector<16xi32>
      %add3A_462 = arith.addi %add3A_407, %add3A_461 : vector<16xi32>
      %gather3A_463 = tpu.vector_load_idx %arg14[%add3A_462] : memref<4096xf32, #tpu.memory_space<vmem>>[vector<16xi32>], vector<16xf32>,
      %add3A_464 = arith.constant 224 : i32
      %add3A_465 = vector.broadcast %add3A_464 : i32 to vector<16xi32>
      %add3A_466 = arith.addi %add3A_407, %add3A_465 : vector<16xi32>
      %gather3A_467 = tpu.vector_load_idx %arg14[%add3A_466] : memref<4096xf32, #tpu.memory_space<vmem>>[vector<16xi32>], vector<16xf32>,
      %add3A_468 = arith.constant 240 : i32
      %add3A_469 = vector.broadcast %add3A_468 : i32 to vector<16xi32>
      %add3A_470 = arith.addi %add3A_407, %add3A_469 : vector<16xi32>
      %gather3A_471 = tpu.vector_load_idx %arg14[%add3A_470] : memref<4096xf32, #tpu.memory_space<vmem>>[vector<16xi32>], vector<16xf32>,
      %add3A_472 = arith.constant 1 : i32
      %add3A_473 = arith.addi %mul3A_327, %add3A_472 : i32
      %sub3A_474 = arith.constant 1 : i32
      %sub3A_475 = arith.subi %add3A_473, %sub3A_474 : i32
      %jit3A_476 = arith.constant 8 : i32
      %div3A_477 = arith.divsi %sub3A_475, %jit3A_476 : i32
      %sign3A_478 = arith.constant 0 : i32
      %sign3A_479 = arith.cmpi sgt, %sub3A_475, %sign3A_478 : i32
      %sign3A_480 = arith.extui %sign3A_479 : i1 to i32
      %sign3A_481 = arith.constant 0 : i32
      %sign3A_482 = arith.cmpi slt, %sub3A_475, %sign3A_481 : i32
      %sign3A_483 = arith.extui %sign3A_482 : i1 to i32
      %sign3A_484 = arith.subi %sign3A_480, %sign3A_483 : i32
      %sign3A_485 = arith.constant 0 : i32
      %sign3A_486 = arith.cmpi sgt, %jit3A_476, %sign3A_485 : i32
      %sign3A_487 = arith.extui %sign3A_486 : i1 to i32
      %sign3A_488 = arith.constant 0 : i32
      %sign3A_489 = arith.cmpi slt, %jit3A_476, %sign3A_488 : i32
      %sign3A_490 = arith.extui %sign3A_489 : i1 to i32
      %sign3A_491 = arith.subi %sign3A_487, %sign3A_490 : i32
      %ne3A_492 = arith.cmpi ne, %sign3A_484, %sign3A_491 : i32
      %rem3A_493 = arith.remsi %sub3A_475, %jit3A_476 : i32
      %ne3A_494 = arith.constant 0 : i32
      %ne3A_495 = arith.cmpi ne, %rem3A_493, %ne3A_494 : i32
      %and3A_496 = arith.andi %ne3A_492, %ne3A_495 : i1
      %sub3A_497 = arith.constant 1 : i32
      %sub3A_498 = arith.subi %div3A_477, %sub3A_497 : i32
      %select_n3A_499 = arith.select %and3A_496, %sub3A_498, %div3A_477 : i32
      %mul3A_500 = arith.constant 1024 : i32
      %mul3A_501 = arith.muli %select_n3A_499, %mul3A_500 : i32
      %jit3A_502 = arith.constant 8 : i32
      %eq3A = arith.constant 0 : i32
      %eq3A_503 = arith.cmpi eq, %jit3A_502, %eq3A : i32
      %jit3A_504 = arith.constant 1 : i32
      %select_n3A_505 = arith.select %eq3A_503, %jit3A_504, %jit3A_502 : i32
      %rem3A_506 = arith.remsi %sub3A_475, %select_n3A_505 : i32
      %ne3A_507 = arith.constant 0 : i32
      %ne3A_508 = arith.cmpi ne, %rem3A_506, %ne3A_507 : i32
      %lt3A_509 = arith.constant 0 : i32
      %lt3A_510 = arith.cmpi slt, %rem3A_506, %lt3A_509 : i32
      %lt3A_511 = arith.constant 0 : i32
      %lt3A_512 = arith.cmpi slt, %select_n3A_505, %lt3A_511 : i32
      %ne3A_513 = arith.xori %lt3A_510, %lt3A_512 : i1
      %and3A_514 = arith.andi %ne3A_513, %ne3A_508 : i1
      %add3A_515 = arith.addi %rem3A_506, %select_n3A_505 : i32
      %select_n3A_516 = arith.select %and3A_514, %add3A_515, %rem3A_506 : i32
      %mul3A_517 = arith.constant 16 : i32
      %mul3A_518 = arith.muli %select_n3A_516, %mul3A_517 : i32
      %add3A_519 = arith.addi %mul3A_501, %mul3A_518 : i32
      %add3A_520 = arith.constant 0 : i32
      %add3A_521 = arith.addi %add3A_519, %add3A_520 : i32
      %add3A_522 = arith.constant 0 : i32
      %add3A_523 = arith.addi %add3A_521, %add3A_522 : i32
      %swap3A = arith.index_cast %add3A_523 : i32 to index
      %swap3A_524 = tpu.vector_load %arg13[%swap3A] {strides = array<i32>} : memref<32768xf32, #tpu.memory_space<vmem>>, vector<16xf32>,
      tpu.vector_store %arg13[%swap3A], %gather3A {strides = array<i32>} : memref<32768xf32, #tpu.memory_space<vmem>>, vector<16xf32>,
      %add3A_525 = arith.constant 0 : i32
      %add3A_526 = arith.addi %add3A_519, %add3A_525 : i32
      %add3A_527 = arith.constant 128 : i32
      %add3A_528 = arith.addi %add3A_526, %add3A_527 : i32
      %swap3A_529 = arith.index_cast %add3A_528 : i32 to index
      %swap3A_530 = tpu.vector_load %arg13[%swap3A_529] {strides = array<i32>} : memref<32768xf32, #tpu.memory_space<vmem>>, vector<16xf32>,
      tpu.vector_store %arg13[%swap3A_529], %gather3A_341 {strides = array<i32>} : memref<32768xf32, #tpu.memory_space<vmem>>, vector<16xf32>,
      %add3A_531 = arith.constant 0 : i32
      %add3A_532 = arith.addi %add3A_519, %add3A_531 : i32
      %add3A_533 = arith.constant 256 : i32
      %add3A_534 = arith.addi %add3A_532, %add3A_533 : i32
      %swap3A_535 = arith.index_cast %add3A_534 : i32 to index
      %swap3A_536 = tpu.vector_load %arg13[%swap3A_535] {strides = array<i32>} : memref<32768xf32, #tpu.memory_space<vmem>>, vector<16xf32>,
      tpu.vector_store %arg13[%swap3A_535], %gather3A_345 {strides = array<i32>} : memref<32768xf32, #tpu.memory_space<vmem>>, vector<16xf32>,
      %add3A_537 = arith.constant 0 : i32
      %add3A_538 = arith.addi %add3A_519, %add3A_537 : i32
      %add3A_539 = arith.constant 384 : i32
      %add3A_540 = arith.addi %add3A_538, %add3A_539 : i32
      %swap3A_541 = arith.index_cast %add3A_540 : i32 to index
      %swap3A_542 = tpu.vector_load %arg13[%swap3A_541] {strides = array<i32>} : memref<32768xf32, #tpu.memory_space<vmem>>, vector<16xf32>,
      tpu.vector_store %arg13[%swap3A_541], %gather3A_349 {strides = array<i32>} : memref<32768xf32, #tpu.memory_space<vmem>>, vector<16xf32>,
      %add3A_543 = arith.constant 0 : i32
      %add3A_544 = arith.addi %add3A_519, %add3A_543 : i32
      %add3A_545 = arith.constant 512 : i32
      %add3A_546 = arith.addi %add3A_544, %add3A_545 : i32
      %swap3A_547 = arith.index_cast %add3A_546 : i32 to index
      %swap3A_548 = tpu.vector_load %arg13[%swap3A_547] {strides = array<i32>} : memref<32768xf32, #tpu.memory_space<vmem>>, vector<16xf32>,
      tpu.vector_store %arg13[%swap3A_547], %gather3A_353 {strides = array<i32>} : memref<32768xf32, #tpu.memory_space<vmem>>, vector<16xf32>,
      %add3A_549 = arith.constant 0 : i32
      %add3A_550 = arith.addi %add3A_519, %add3A_549 : i32
      %add3A_551 = arith.constant 640 : i32
      %add3A_552 = arith.addi %add3A_550, %add3A_551 : i32
      %swap3A_553 = arith.index_cast %add3A_552 : i32 to index
      %swap3A_554 = tpu.vector_load %arg13[%swap3A_553] {strides = array<i32>} : memref<32768xf32, #tpu.memory_space<vmem>>, vector<16xf32>,
      tpu.vector_store %arg13[%swap3A_553], %gather3A_357 {strides = array<i32>} : memref<32768xf32, #tpu.memory_space<vmem>>, vector<16xf32>,
      %add3A_555 = arith.constant 0 : i32
      %add3A_556 = arith.addi %add3A_519, %add3A_555 : i32
      %add3A_557 = arith.constant 768 : i32
      %add3A_558 = arith.addi %add3A_556, %add3A_557 : i32
      %swap3A_559 = arith.index_cast %add3A_558 : i32 to index
      %swap3A_560 = tpu.vector_load %arg13[%swap3A_559] {strides = array<i32>} : memref<32768xf32, #tpu.memory_space<vmem>>, vector<16xf32>,
      tpu.vector_store %arg13[%swap3A_559], %gather3A_361 {strides = array<i32>} : memref<32768xf32, #tpu.memory_space<vmem>>, vector<16xf32>,
      %add3A_561 = arith.constant 0 : i32
      %add3A_562 = arith.addi %add3A_519, %add3A_561 : i32
      %add3A_563 = arith.constant 896 : i32
      %add3A_564 = arith.addi %add3A_562, %add3A_563 : i32
      %swap3A_565 = arith.index_cast %add3A_564 : i32 to index
      %swap3A_566 = tpu.vector_load %arg13[%swap3A_565] {strides = array<i32>} : memref<32768xf32, #tpu.memory_space<vmem>>, vector<16xf32>,
      tpu.vector_store %arg13[%swap3A_565], %gather3A_365 {strides = array<i32>} : memref<32768xf32, #tpu.memory_space<vmem>>, vector<16xf32>,
      %add3A_567 = arith.constant 16384 : i32
      %add3A_568 = arith.addi %add3A_519, %add3A_567 : i32
      %add3A_569 = arith.constant 0 : i32
      %add3A_570 = arith.addi %add3A_568, %add3A_569 : i32
      %swap3A_571 = arith.index_cast %add3A_570 : i32 to index
      %swap3A_572 = tpu.vector_load %arg13[%swap3A_571] {strides = array<i32>} : memref<32768xf32, #tpu.memory_space<vmem>>, vector<16xf32>,
      tpu.vector_store %arg13[%swap3A_571], %gather3A_369 {strides = array<i32>} : memref<32768xf32, #tpu.memory_space<vmem>>, vector<16xf32>,
      %add3A_573 = arith.constant 16384 : i32
      %add3A_574 = arith.addi %add3A_519, %add3A_573 : i32
      %add3A_575 = arith.constant 128 : i32
      %add3A_576 = arith.addi %add3A_574, %add3A_575 : i32
      %swap3A_577 = arith.index_cast %add3A_576 : i32 to index
      %swap3A_578 = tpu.vector_load %arg13[%swap3A_577] {strides = array<i32>} : memref<32768xf32, #tpu.memory_space<vmem>>, vector<16xf32>,
      tpu.vector_store %arg13[%swap3A_577], %gather3A_373 {strides = array<i32>} : memref<32768xf32, #tpu.memory_space<vmem>>, vector<16xf32>,
      %add3A_579 = arith.constant 16384 : i32
      %add3A_580 = arith.addi %add3A_519, %add3A_579 : i32
      %add3A_581 = arith.constant 256 : i32
      %add3A_582 = arith.addi %add3A_580, %add3A_581 : i32
      %swap3A_583 = arith.index_cast %add3A_582 : i32 to index
      %swap3A_584 = tpu.vector_load %arg13[%swap3A_583] {strides = array<i32>} : memref<32768xf32, #tpu.memory_space<vmem>>, vector<16xf32>,
      tpu.vector_store %arg13[%swap3A_583], %gather3A_377 {strides = array<i32>} : memref<32768xf32, #tpu.memory_space<vmem>>, vector<16xf32>,
      %add3A_585 = arith.constant 16384 : i32
      %add3A_586 = arith.addi %add3A_519, %add3A_585 : i32
      %add3A_587 = arith.constant 384 : i32
      %add3A_588 = arith.addi %add3A_586, %add3A_587 : i32
      %swap3A_589 = arith.index_cast %add3A_588 : i32 to index
      %swap3A_590 = tpu.vector_load %arg13[%swap3A_589] {strides = array<i32>} : memref<32768xf32, #tpu.memory_space<vmem>>, vector<16xf32>,
      tpu.vector_store %arg13[%swap3A_589], %gather3A_381 {strides = array<i32>} : memref<32768xf32, #tpu.memory_space<vmem>>, vector<16xf32>,
      %add3A_591 = arith.constant 16384 : i32
      %add3A_592 = arith.addi %add3A_519, %add3A_591 : i32
      %add3A_593 = arith.constant 512 : i32
      %add3A_594 = arith.addi %add3A_592, %add3A_593 : i32
      %swap3A_595 = arith.index_cast %add3A_594 : i32 to index
      %swap3A_596 = tpu.vector_load %arg13[%swap3A_595] {strides = array<i32>} : memref<32768xf32, #tpu.memory_space<vmem>>, vector<16xf32>,
      tpu.vector_store %arg13[%swap3A_595], %gather3A_385 {strides = array<i32>} : memref<32768xf32, #tpu.memory_space<vmem>>, vector<16xf32>,
      %add3A_597 = arith.constant 16384 : i32
      %add3A_598 = arith.addi %add3A_519, %add3A_597 : i32
      %add3A_599 = arith.constant 640 : i32
      %add3A_600 = arith.addi %add3A_598, %add3A_599 : i32
      %swap3A_601 = arith.index_cast %add3A_600 : i32 to index
      %swap3A_602 = tpu.vector_load %arg13[%swap3A_601] {strides = array<i32>} : memref<32768xf32, #tpu.memory_space<vmem>>, vector<16xf32>,
      tpu.vector_store %arg13[%swap3A_601], %gather3A_389 {strides = array<i32>} : memref<32768xf32, #tpu.memory_space<vmem>>, vector<16xf32>,
      %add3A_603 = arith.constant 16384 : i32
      %add3A_604 = arith.addi %add3A_519, %add3A_603 : i32
      %add3A_605 = arith.constant 768 : i32
      %add3A_606 = arith.addi %add3A_604, %add3A_605 : i32
      %swap3A_607 = arith.index_cast %add3A_606 : i32 to index
      %swap3A_608 = tpu.vector_load %arg13[%swap3A_607] {strides = array<i32>} : memref<32768xf32, #tpu.memory_space<vmem>>, vector<16xf32>,
      tpu.vector_store %arg13[%swap3A_607], %gather3A_393 {strides = array<i32>} : memref<32768xf32, #tpu.memory_space<vmem>>, vector<16xf32>,
      %add3A_609 = arith.constant 16384 : i32
      %add3A_610 = arith.addi %add3A_519, %add3A_609 : i32
      %add3A_611 = arith.constant 896 : i32
      %add3A_612 = arith.addi %add3A_610, %add3A_611 : i32
      %swap3A_613 = arith.index_cast %add3A_612 : i32 to index
      %swap3A_614 = tpu.vector_load %arg13[%swap3A_613] {strides = array<i32>} : memref<32768xf32, #tpu.memory_space<vmem>>, vector<16xf32>,
      tpu.vector_store %arg13[%swap3A_613], %gather3A_397 {strides = array<i32>} : memref<32768xf32, #tpu.memory_space<vmem>>, vector<16xf32>,
      %add3A_615 = arith.constant 2 : i32
      %add3A_616 = arith.addi %mul3A_327, %add3A_615 : i32
      %mul3A_617 = arith.constant 16 : i32
      %mul3A_618 = arith.muli %add3A_616, %mul3A_617 : i32
      %get3A_619 = arith.index_cast %mul3A_618 : i32 to index
      %get3A_620 = tpu.vector_load %arg11[%get3A_619] {strides = array<i32>} : memref<2048xi32, #tpu.memory_space<vmem>>, vector<16xi32>,
      %mul3A_621 = arith.constant 256 : i32
      %mul3A_622 = vector.broadcast %mul3A_621 : i32 to vector<16xi32>
      %mul3A_623 = arith.muli %get3A_620, %mul3A_622 : vector<16xi32>
      %add3A_624 = arith.addi %mul3A_623, %iota3A : vector<16xi32>
      %add3A_625 = arith.constant 0 : i32
      %add3A_626 = vector.broadcast %add3A_625 : i32 to vector<16xi32>
      %add3A_627 = arith.addi %add3A_624, %add3A_626 : vector<16xi32>
      %gather3A_628 = tpu.vector_load_idx %arg14[%add3A_627] : memref<4096xf32, #tpu.memory_space<vmem>>[vector<16xi32>], vector<16xf32>,
      %add3A_629 = arith.constant 16 : i32
      %add3A_630 = vector.broadcast %add3A_629 : i32 to vector<16xi32>
      %add3A_631 = arith.addi %add3A_624, %add3A_630 : vector<16xi32>
      %gather3A_632 = tpu.vector_load_idx %arg14[%add3A_631] : memref<4096xf32, #tpu.memory_space<vmem>>[vector<16xi32>], vector<16xf32>,
      %add3A_633 = arith.constant 32 : i32
      %add3A_634 = vector.broadcast %add3A_633 : i32 to vector<16xi32>
      %add3A_635 = arith.addi %add3A_624, %add3A_634 : vector<16xi32>
      %gather3A_636 = tpu.vector_load_idx %arg14[%add3A_635] : memref<4096xf32, #tpu.memory_space<vmem>>[vector<16xi32>], vector<16xf32>,
      %add3A_637 = arith.constant 48 : i32
      %add3A_638 = vector.broadcast %add3A_637 : i32 to vector<16xi32>
      %add3A_639 = arith.addi %add3A_624, %add3A_638 : vector<16xi32>
      %gather3A_640 = tpu.vector_load_idx %arg14[%add3A_639] : memref<4096xf32, #tpu.memory_space<vmem>>[vector<16xi32>], vector<16xf32>,
      %add3A_641 = arith.constant 64 : i32
      %add3A_642 = vector.broadcast %add3A_641 : i32 to vector<16xi32>
      %add3A_643 = arith.addi %add3A_624, %add3A_642 : vector<16xi32>
      %gather3A_644 = tpu.vector_load_idx %arg14[%add3A_643] : memref<4096xf32, #tpu.memory_space<vmem>>[vector<16xi32>], vector<16xf32>,
      %add3A_645 = arith.constant 80 : i32
      %add3A_646 = vector.broadcast %add3A_645 : i32 to vector<16xi32>
      %add3A_647 = arith.addi %add3A_624, %add3A_646 : vector<16xi32>
      %gather3A_648 = tpu.vector_load_idx %arg14[%add3A_647] : memref<4096xf32, #tpu.memory_space<vmem>>[vector<16xi32>], vector<16xf32>,
      %add3A_649 = arith.constant 96 : i32
      %add3A_650 = vector.broadcast %add3A_649 : i32 to vector<16xi32>
      %add3A_651 = arith.addi %add3A_624, %add3A_650 : vector<16xi32>
      %gather3A_652 = tpu.vector_load_idx %arg14[%add3A_651] : memref<4096xf32, #tpu.memory_space<vmem>>[vector<16xi32>], vector<16xf32>,
      %add3A_653 = arith.constant 112 : i32
      %add3A_654 = vector.broadcast %add3A_653 : i32 to vector<16xi32>
      %add3A_655 = arith.addi %add3A_624, %add3A_654 : vector<16xi32>
      %gather3A_656 = tpu.vector_load_idx %arg14[%add3A_655] : memref<4096xf32, #tpu.memory_space<vmem>>[vector<16xi32>], vector<16xf32>,
      %add3A_657 = arith.constant 128 : i32
      %add3A_658 = vector.broadcast %add3A_657 : i32 to vector<16xi32>
      %add3A_659 = arith.addi %add3A_624, %add3A_658 : vector<16xi32>
      %gather3A_660 = tpu.vector_load_idx %arg14[%add3A_659] : memref<4096xf32, #tpu.memory_space<vmem>>[vector<16xi32>], vector<16xf32>,
      %add3A_661 = arith.constant 144 : i32
      %add3A_662 = vector.broadcast %add3A_661 : i32 to vector<16xi32>
      %add3A_663 = arith.addi %add3A_624, %add3A_662 : vector<16xi32>
      %gather3A_664 = tpu.vector_load_idx %arg14[%add3A_663] : memref<4096xf32, #tpu.memory_space<vmem>>[vector<16xi32>], vector<16xf32>,
      %add3A_665 = arith.constant 160 : i32
      %add3A_666 = vector.broadcast %add3A_665 : i32 to vector<16xi32>
      %add3A_667 = arith.addi %add3A_624, %add3A_666 : vector<16xi32>
      %gather3A_668 = tpu.vector_load_idx %arg14[%add3A_667] : memref<4096xf32, #tpu.memory_space<vmem>>[vector<16xi32>], vector<16xf32>,
      %add3A_669 = arith.constant 176 : i32
      %add3A_670 = vector.broadcast %add3A_669 : i32 to vector<16xi32>
      %add3A_671 = arith.addi %add3A_624, %add3A_670 : vector<16xi32>
      %gather3A_672 = tpu.vector_load_idx %arg14[%add3A_671] : memref<4096xf32, #tpu.memory_space<vmem>>[vector<16xi32>], vector<16xf32>,
      %add3A_673 = arith.constant 192 : i32
      %add3A_674 = vector.broadcast %add3A_673 : i32 to vector<16xi32>
      %add3A_675 = arith.addi %add3A_624, %add3A_674 : vector<16xi32>
      %gather3A_676 = tpu.vector_load_idx %arg14[%add3A_675] : memref<4096xf32, #tpu.memory_space<vmem>>[vector<16xi32>], vector<16xf32>,
      %add3A_677 = arith.constant 208 : i32
      %add3A_678 = vector.broadcast %add3A_677 : i32 to vector<16xi32>
      %add3A_679 = arith.addi %add3A_624, %add3A_678 : vector<16xi32>
      %gather3A_680 = tpu.vector_load_idx %arg14[%add3A_679] : memref<4096xf32, #tpu.memory_space<vmem>>[vector<16xi32>], vector<16xf32>,
      %add3A_681 = arith.constant 224 : i32
      %add3A_682 = vector.broadcast %add3A_681 : i32 to vector<16xi32>
      %add3A_683 = arith.addi %add3A_624, %add3A_682 : vector<16xi32>
      %gather3A_684 = tpu.vector_load_idx %arg14[%add3A_683] : memref<4096xf32, #tpu.memory_space<vmem>>[vector<16xi32>], vector<16xf32>,
      %add3A_685 = arith.constant 240 : i32
      %add3A_686 = vector.broadcast %add3A_685 : i32 to vector<16xi32>
      %add3A_687 = arith.addi %add3A_624, %add3A_686 : vector<16xi32>
      %gather3A_688 = tpu.vector_load_idx %arg14[%add3A_687] : memref<4096xf32, #tpu.memory_space<vmem>>[vector<16xi32>], vector<16xf32>,
      %add3A_689 = arith.constant 2 : i32
      %add3A_690 = arith.addi %mul3A_327, %add3A_689 : i32
      %sub3A_691 = arith.constant 1 : i32
      %sub3A_692 = arith.subi %add3A_690, %sub3A_691 : i32
      %jit3A_693 = arith.constant 8 : i32
      %div3A_694 = arith.divsi %sub3A_692, %jit3A_693 : i32
      %sign3A_695 = arith.constant 0 : i32
      %sign3A_696 = arith.cmpi sgt, %sub3A_692, %sign3A_695 : i32
      %sign3A_697 = arith.extui %sign3A_696 : i1 to i32
      %sign3A_698 = arith.constant 0 : i32
      %sign3A_699 = arith.cmpi slt, %sub3A_692, %sign3A_698 : i32
      %sign3A_700 = arith.extui %sign3A_699 : i1 to i32
      %sign3A_701 = arith.subi %sign3A_697, %sign3A_700 : i32
      %sign3A_702 = arith.constant 0 : i32
      %sign3A_703 = arith.cmpi sgt, %jit3A_693, %sign3A_702 : i32
      %sign3A_704 = arith.extui %sign3A_703 : i1 to i32
      %sign3A_705 = arith.constant 0 : i32
      %sign3A_706 = arith.cmpi slt, %jit3A_693, %sign3A_705 : i32
      %sign3A_707 = arith.extui %sign3A_706 : i1 to i32
      %sign3A_708 = arith.subi %sign3A_704, %sign3A_707 : i32
      %ne3A_709 = arith.cmpi ne, %sign3A_701, %sign3A_708 : i32
      %rem3A_710 = arith.remsi %sub3A_692, %jit3A_693 : i32
      %ne3A_711 = arith.constant 0 : i32
      %ne3A_712 = arith.cmpi ne, %rem3A_710, %ne3A_711 : i32
      %and3A_713 = arith.andi %ne3A_709, %ne3A_712 : i1
      %sub3A_714 = arith.constant 1 : i32
      %sub3A_715 = arith.subi %div3A_694, %sub3A_714 : i32
      %select_n3A_716 = arith.select %and3A_713, %sub3A_715, %div3A_694 : i32
      %mul3A_717 = arith.constant 1024 : i32
      %mul3A_718 = arith.muli %select_n3A_716, %mul3A_717 : i32
      %jit3A_719 = arith.constant 8 : i32
      %eq3A_720 = arith.constant 0 : i32
      %eq3A_721 = arith.cmpi eq, %jit3A_719, %eq3A_720 : i32
      %jit3A_722 = arith.constant 1 : i32
      %select_n3A_723 = arith.select %eq3A_721, %jit3A_722, %jit3A_719 : i32
      %rem3A_724 = arith.remsi %sub3A_692, %select_n3A_723 : i32
      %ne3A_725 = arith.constant 0 : i32
      %ne3A_726 = arith.cmpi ne, %rem3A_724, %ne3A_725 : i32
      %lt3A_727 = arith.constant 0 : i32
      %lt3A_728 = arith.cmpi slt, %rem3A_724, %lt3A_727 : i32
      %lt3A_729 = arith.constant 0 : i32
      %lt3A_730 = arith.cmpi slt, %select_n3A_723, %lt3A_729 : i32
      %ne3A_731 = arith.xori %lt3A_728, %lt3A_730 : i1
      %and3A_732 = arith.andi %ne3A_731, %ne3A_726 : i1
      %add3A_733 = arith.addi %rem3A_724, %select_n3A_723 : i32
      %select_n3A_734 = arith.select %and3A_732, %add3A_733, %rem3A_724 : i32
      %mul3A_735 = arith.constant 16 : i32
      %mul3A_736 = arith.muli %select_n3A_734, %mul3A_735 : i32
      %add3A_737 = arith.addi %mul3A_718, %mul3A_736 : i32
      %add3A_738 = arith.constant 0 : i32
      %add3A_739 = arith.addi %add3A_737, %add3A_738 : i32
      %add3A_740 = arith.constant 0 : i32
      %add3A_741 = arith.addi %add3A_739, %add3A_740 : i32
      %swap3A_742 = arith.index_cast %add3A_741 : i32 to index
      %swap3A_743 = tpu.vector_load %arg13[%swap3A_742] {strides = array<i32>} : memref<32768xf32, #tpu.memory_space<vmem>>, vector<16xf32>,
      tpu.vector_store %arg13[%swap3A_742], %gather3A_411 {strides = array<i32>} : memref<32768xf32, #tpu.memory_space<vmem>>, vector<16xf32>,
      %add3A_744 = arith.constant 0 : i32
      %add3A_745 = arith.addi %add3A_737, %add3A_744 : i32
      %add3A_746 = arith.constant 128 : i32
      %add3A_747 = arith.addi %add3A_745, %add3A_746 : i32
      %swap3A_748 = arith.index_cast %add3A_747 : i32 to index
      %swap3A_749 = tpu.vector_load %arg13[%swap3A_748] {strides = array<i32>} : memref<32768xf32, #tpu.memory_space<vmem>>, vector<16xf32>,
      tpu.vector_store %arg13[%swap3A_748], %gather3A_415 {strides = array<i32>} : memref<32768xf32, #tpu.memory_space<vmem>>, vector<16xf32>,
      %add3A_750 = arith.constant 0 : i32
      %add3A_751 = arith.addi %add3A_737, %add3A_750 : i32
      %add3A_752 = arith.constant 256 : i32
      %add3A_753 = arith.addi %add3A_751, %add3A_752 : i32
      %swap3A_754 = arith.index_cast %add3A_753 : i32 to index
      %swap3A_755 = tpu.vector_load %arg13[%swap3A_754] {strides = array<i32>} : memref<32768xf32, #tpu.memory_space<vmem>>, vector<16xf32>,
      tpu.vector_store %arg13[%swap3A_754], %gather3A_419 {strides = array<i32>} : memref<32768xf32, #tpu.memory_space<vmem>>, vector<16xf32>,
      %add3A_756 = arith.constant 0 : i32
      %add3A_757 = arith.addi %add3A_737, %add3A_756 : i32
      %add3A_758 = arith.constant 384 : i32
      %add3A_759 = arith.addi %add3A_757, %add3A_758 : i32
      %swap3A_760 = arith.index_cast %add3A_759 : i32 to index
      %swap3A_761 = tpu.vector_load %arg13[%swap3A_760] {strides = array<i32>} : memref<32768xf32, #tpu.memory_space<vmem>>, vector<16xf32>,
      tpu.vector_store %arg13[%swap3A_760], %gather3A_423 {strides = array<i32>} : memref<32768xf32, #tpu.memory_space<vmem>>, vector<16xf32>,
      %add3A_762 = arith.constant 0 : i32
      %add3A_763 = arith.addi %add3A_737, %add3A_762 : i32
      %add3A_764 = arith.constant 512 : i32
      %add3A_765 = arith.addi %add3A_763, %add3A_764 : i32
      %swap3A_766 = arith.index_cast %add3A_765 : i32 to index
      %swap3A_767 = tpu.vector_load %arg13[%swap3A_766] {strides = array<i32>} : memref<32768xf32, #tpu.memory_space<vmem>>, vector<16xf32>,
      tpu.vector_store %arg13[%swap3A_766], %gather3A_427 {strides = array<i32>} : memref<32768xf32, #tpu.memory_space<vmem>>, vector<16xf32>,
      %add3A_768 = arith.constant 0 : i32
      %add3A_769 = arith.addi %add3A_737, %add3A_768 : i32
      %add3A_770 = arith.constant 640 : i32
      %add3A_771 = arith.addi %add3A_769, %add3A_770 : i32
      %swap3A_772 = arith.index_cast %add3A_771 : i32 to index
      %swap3A_773 = tpu.vector_load %arg13[%swap3A_772] {strides = array<i32>} : memref<32768xf32, #tpu.memory_space<vmem>>, vector<16xf32>,
      tpu.vector_store %arg13[%swap3A_772], %gather3A_431 {strides = array<i32>} : memref<32768xf32, #tpu.memory_space<vmem>>, vector<16xf32>,
      %add3A_774 = arith.constant 0 : i32
      %add3A_775 = arith.addi %add3A_737, %add3A_774 : i32
      %add3A_776 = arith.constant 768 : i32
      %add3A_777 = arith.addi %add3A_775, %add3A_776 : i32
      %swap3A_778 = arith.index_cast %add3A_777 : i32 to index
      %swap3A_779 = tpu.vector_load %arg13[%swap3A_778] {strides = array<i32>} : memref<32768xf32, #tpu.memory_space<vmem>>, vector<16xf32>,
      tpu.vector_store %arg13[%swap3A_778], %gather3A_435 {strides = array<i32>} : memref<32768xf32, #tpu.memory_space<vmem>>, vector<16xf32>,
      %add3A_780 = arith.constant 0 : i32
      %add3A_781 = arith.addi %add3A_737, %add3A_780 : i32
      %add3A_782 = arith.constant 896 : i32
      %add3A_783 = arith.addi %add3A_781, %add3A_782 : i32
      %swap3A_784 = arith.index_cast %add3A_783 : i32 to index
      %swap3A_785 = tpu.vector_load %arg13[%swap3A_784] {strides = array<i32>} : memref<32768xf32, #tpu.memory_space<vmem>>, vector<16xf32>,
      tpu.vector_store %arg13[%swap3A_784], %gather3A_439 {strides = array<i32>} : memref<32768xf32, #tpu.memory_space<vmem>>, vector<16xf32>,
      %add3A_786 = arith.constant 16384 : i32
      %add3A_787 = arith.addi %add3A_737, %add3A_786 : i32
      %add3A_788 = arith.constant 0 : i32
      %add3A_789 = arith.addi %add3A_787, %add3A_788 : i32
      %swap3A_790 = arith.index_cast %add3A_789 : i32 to index
      %swap3A_791 = tpu.vector_load %arg13[%swap3A_790] {strides = array<i32>} : memref<32768xf32, #tpu.memory_space<vmem>>, vector<16xf32>,
      tpu.vector_store %arg13[%swap3A_790], %gather3A_443 {strides = array<i32>} : memref<32768xf32, #tpu.memory_space<vmem>>, vector<16xf32>,
      %add3A_792 = arith.constant 16384 : i32
      %add3A_793 = arith.addi %add3A_737, %add3A_792 : i32
      %add3A_794 = arith.constant 128 : i32
      %add3A_795 = arith.addi %add3A_793, %add3A_794 : i32
      %swap3A_796 = arith.index_cast %add3A_795 : i32 to index
      %swap3A_797 = tpu.vector_load %arg13[%swap3A_796] {strides = array<i32>} : memref<32768xf32, #tpu.memory_space<vmem>>, vector<16xf32>,
      tpu.vector_store %arg13[%swap3A_796], %gather3A_447 {strides = array<i32>} : memref<32768xf32, #tpu.memory_space<vmem>>, vector<16xf32>,
      %add3A_798 = arith.constant 16384 : i32
      %add3A_799 = arith.addi %add3A_737, %add3A_798 : i32
      %add3A_800 = arith.constant 256 : i32
      %add3A_801 = arith.addi %add3A_799, %add3A_800 : i32
      %swap3A_802 = arith.index_cast %add3A_801 : i32 to index
      %swap3A_803 = tpu.vector_load %arg13[%swap3A_802] {strides = array<i32>} : memref<32768xf32, #tpu.memory_space<vmem>>, vector<16xf32>,
      tpu.vector_store %arg13[%swap3A_802], %gather3A_451 {strides = array<i32>} : memref<32768xf32, #tpu.memory_space<vmem>>, vector<16xf32>,
      %add3A_804 = arith.constant 16384 : i32
      %add3A_805 = arith.addi %add3A_737, %add3A_804 : i32
      %add3A_806 = arith.constant 384 : i32
      %add3A_807 = arith.addi %add3A_805, %add3A_806 : i32
      %swap3A_808 = arith.index_cast %add3A_807 : i32 to index
      %swap3A_809 = tpu.vector_load %arg13[%swap3A_808] {strides = array<i32>} : memref<32768xf32, #tpu.memory_space<vmem>>, vector<16xf32>,
      tpu.vector_store %arg13[%swap3A_808], %gather3A_455 {strides = array<i32>} : memref<32768xf32, #tpu.memory_space<vmem>>, vector<16xf32>,
      %add3A_810 = arith.constant 16384 : i32
      %add3A_811 = arith.addi %add3A_737, %add3A_810 : i32
      %add3A_812 = arith.constant 512 : i32
      %add3A_813 = arith.addi %add3A_811, %add3A_812 : i32
      %swap3A_814 = arith.index_cast %add3A_813 : i32 to index
      %swap3A_815 = tpu.vector_load %arg13[%swap3A_814] {strides = array<i32>} : memref<32768xf32, #tpu.memory_space<vmem>>, vector<16xf32>,
      tpu.vector_store %arg13[%swap3A_814], %gather3A_459 {strides = array<i32>} : memref<32768xf32, #tpu.memory_space<vmem>>, vector<16xf32>,
      %add3A_816 = arith.constant 16384 : i32
      %add3A_817 = arith.addi %add3A_737, %add3A_816 : i32
      %add3A_818 = arith.constant 640 : i32
      %add3A_819 = arith.addi %add3A_817, %add3A_818 : i32
      %swap3A_820 = arith.index_cast %add3A_819 : i32 to index
      %swap3A_821 = tpu.vector_load %arg13[%swap3A_820] {strides = array<i32>} : memref<32768xf32, #tpu.memory_space<vmem>>, vector<16xf32>,
      tpu.vector_store %arg13[%swap3A_820], %gather3A_463 {strides = array<i32>} : memref<32768xf32, #tpu.memory_space<vmem>>, vector<16xf32>,
      %add3A_822 = arith.constant 16384 : i32
      %add3A_823 = arith.addi %add3A_737, %add3A_822 : i32
      %add3A_824 = arith.constant 768 : i32
      %add3A_825 = arith.addi %add3A_823, %add3A_824 : i32
      %swap3A_826 = arith.index_cast %add3A_825 : i32 to index
      %swap3A_827 = tpu.vector_load %arg13[%swap3A_826] {strides = array<i32>} : memref<32768xf32, #tpu.memory_space<vmem>>, vector<16xf32>,
      tpu.vector_store %arg13[%swap3A_826], %gather3A_467 {strides = array<i32>} : memref<32768xf32, #tpu.memory_space<vmem>>, vector<16xf32>,
      %add3A_828 = arith.constant 16384 : i32
      %add3A_829 = arith.addi %add3A_737, %add3A_828 : i32
      %add3A_830 = arith.constant 896 : i32
      %add3A_831 = arith.addi %add3A_829, %add3A_830 : i32
      %swap3A_832 = arith.index_cast %add3A_831 : i32 to index
      %swap3A_833 = tpu.vector_load %arg13[%swap3A_832] {strides = array<i32>} : memref<32768xf32, #tpu.memory_space<vmem>>, vector<16xf32>,
      tpu.vector_store %arg13[%swap3A_832], %gather3A_471 {strides = array<i32>} : memref<32768xf32, #tpu.memory_space<vmem>>, vector<16xf32>,
      %add3A_834 = arith.constant 3 : i32
      %add3A_835 = arith.addi %mul3A_327, %add3A_834 : i32
      %mul3A_836 = arith.constant 16 : i32
      %mul3A_837 = arith.muli %add3A_835, %mul3A_836 : i32
      %get3A_838 = arith.index_cast %mul3A_837 : i32 to index
      %get3A_839 = tpu.vector_load %arg11[%get3A_838] {strides = array<i32>} : memref<2048xi32, #tpu.memory_space<vmem>>, vector<16xi32>,
      %mul3A_840 = arith.constant 256 : i32
      %mul3A_841 = vector.broadcast %mul3A_840 : i32 to vector<16xi32>
      %mul3A_842 = arith.muli %get3A_839, %mul3A_841 : vector<16xi32>
      %add3A_843 = arith.addi %mul3A_842, %iota3A : vector<16xi32>
      %add3A_844 = arith.constant 0 : i32
      %add3A_845 = vector.broadcast %add3A_844 : i32 to vector<16xi32>
      %add3A_846 = arith.addi %add3A_843, %add3A_845 : vector<16xi32>
      %gather3A_847 = tpu.vector_load_idx %arg14[%add3A_846] : memref<4096xf32, #tpu.memory_space<vmem>>[vector<16xi32>], vector<16xf32>,
      %add3A_848 = arith.constant 16 : i32
      %add3A_849 = vector.broadcast %add3A_848 : i32 to vector<16xi32>
      %add3A_850 = arith.addi %add3A_843, %add3A_849 : vector<16xi32>
      %gather3A_851 = tpu.vector_load_idx %arg14[%add3A_850] : memref<4096xf32, #tpu.memory_space<vmem>>[vector<16xi32>], vector<16xf32>,
      %add3A_852 = arith.constant 32 : i32
      %add3A_853 = vector.broadcast %add3A_852 : i32 to vector<16xi32>
      %add3A_854 = arith.addi %add3A_843, %add3A_853 : vector<16xi32>
      %gather3A_855 = tpu.vector_load_idx %arg14[%add3A_854] : memref<4096xf32, #tpu.memory_space<vmem>>[vector<16xi32>], vector<16xf32>,
      %add3A_856 = arith.constant 48 : i32
      %add3A_857 = vector.broadcast %add3A_856 : i32 to vector<16xi32>
      %add3A_858 = arith.addi %add3A_843, %add3A_857 : vector<16xi32>
      %gather3A_859 = tpu.vector_load_idx %arg14[%add3A_858] : memref<4096xf32, #tpu.memory_space<vmem>>[vector<16xi32>], vector<16xf32>,
      %add3A_860 = arith.constant 64 : i32
      %add3A_861 = vector.broadcast %add3A_860 : i32 to vector<16xi32>
      %add3A_862 = arith.addi %add3A_843, %add3A_861 : vector<16xi32>
      %gather3A_863 = tpu.vector_load_idx %arg14[%add3A_862] : memref<4096xf32, #tpu.memory_space<vmem>>[vector<16xi32>], vector<16xf32>,
      %add3A_864 = arith.constant 80 : i32
      %add3A_865 = vector.broadcast %add3A_864 : i32 to vector<16xi32>
      %add3A_866 = arith.addi %add3A_843, %add3A_865 : vector<16xi32>
      %gather3A_867 = tpu.vector_load_idx %arg14[%add3A_866] : memref<4096xf32, #tpu.memory_space<vmem>>[vector<16xi32>], vector<16xf32>,
      %add3A_868 = arith.constant 96 : i32
      %add3A_869 = vector.broadcast %add3A_868 : i32 to vector<16xi32>
      %add3A_870 = arith.addi %add3A_843, %add3A_869 : vector<16xi32>
      %gather3A_871 = tpu.vector_load_idx %arg14[%add3A_870] : memref<4096xf32, #tpu.memory_space<vmem>>[vector<16xi32>], vector<16xf32>,
      %add3A_872 = arith.constant 112 : i32
      %add3A_873 = vector.broadcast %add3A_872 : i32 to vector<16xi32>
      %add3A_874 = arith.addi %add3A_843, %add3A_873 : vector<16xi32>
      %gather3A_875 = tpu.vector_load_idx %arg14[%add3A_874] : memref<4096xf32, #tpu.memory_space<vmem>>[vector<16xi32>], vector<16xf32>,
      %add3A_876 = arith.constant 128 : i32
      %add3A_877 = vector.broadcast %add3A_876 : i32 to vector<16xi32>
      %add3A_878 = arith.addi %add3A_843, %add3A_877 : vector<16xi32>
      %gather3A_879 = tpu.vector_load_idx %arg14[%add3A_878] : memref<4096xf32, #tpu.memory_space<vmem>>[vector<16xi32>], vector<16xf32>,
      %add3A_880 = arith.constant 144 : i32
      %add3A_881 = vector.broadcast %add3A_880 : i32 to vector<16xi32>
      %add3A_882 = arith.addi %add3A_843, %add3A_881 : vector<16xi32>
      %gather3A_883 = tpu.vector_load_idx %arg14[%add3A_882] : memref<4096xf32, #tpu.memory_space<vmem>>[vector<16xi32>], vector<16xf32>,
      %add3A_884 = arith.constant 160 : i32
      %add3A_885 = vector.broadcast %add3A_884 : i32 to vector<16xi32>
      %add3A_886 = arith.addi %add3A_843, %add3A_885 : vector<16xi32>
      %gather3A_887 = tpu.vector_load_idx %arg14[%add3A_886] : memref<4096xf32, #tpu.memory_space<vmem>>[vector<16xi32>], vector<16xf32>,
      %add3A_888 = arith.constant 176 : i32
      %add3A_889 = vector.broadcast %add3A_888 : i32 to vector<16xi32>
      %add3A_890 = arith.addi %add3A_843, %add3A_889 : vector<16xi32>
      %gather3A_891 = tpu.vector_load_idx %arg14[%add3A_890] : memref<4096xf32, #tpu.memory_space<vmem>>[vector<16xi32>], vector<16xf32>,
      %add3A_892 = arith.constant 192 : i32
      %add3A_893 = vector.broadcast %add3A_892 : i32 to vector<16xi32>
      %add3A_894 = arith.addi %add3A_843, %add3A_893 : vector<16xi32>
      %gather3A_895 = tpu.vector_load_idx %arg14[%add3A_894] : memref<4096xf32, #tpu.memory_space<vmem>>[vector<16xi32>], vector<16xf32>,
      %add3A_896 = arith.constant 208 : i32
      %add3A_897 = vector.broadcast %add3A_896 : i32 to vector<16xi32>
      %add3A_898 = arith.addi %add3A_843, %add3A_897 : vector<16xi32>
      %gather3A_899 = tpu.vector_load_idx %arg14[%add3A_898] : memref<4096xf32, #tpu.memory_space<vmem>>[vector<16xi32>], vector<16xf32>,
      %add3A_900 = arith.constant 224 : i32
      %add3A_901 = vector.broadcast %add3A_900 : i32 to vector<16xi32>
      %add3A_902 = arith.addi %add3A_843, %add3A_901 : vector<16xi32>
      %gather3A_903 = tpu.vector_load_idx %arg14[%add3A_902] : memref<4096xf32, #tpu.memory_space<vmem>>[vector<16xi32>], vector<16xf32>,
      %add3A_904 = arith.constant 240 : i32
      %add3A_905 = vector.broadcast %add3A_904 : i32 to vector<16xi32>
      %add3A_906 = arith.addi %add3A_843, %add3A_905 : vector<16xi32>
      %gather3A_907 = tpu.vector_load_idx %arg14[%add3A_906] : memref<4096xf32, #tpu.memory_space<vmem>>[vector<16xi32>], vector<16xf32>,
      %add3A_908 = arith.constant 3 : i32
      %add3A_909 = arith.addi %mul3A_327, %add3A_908 : i32
      %sub3A_910 = arith.constant 1 : i32
      %sub3A_911 = arith.subi %add3A_909, %sub3A_910 : i32
      %jit3A_912 = arith.constant 8 : i32
      %div3A_913 = arith.divsi %sub3A_911, %jit3A_912 : i32
      %sign3A_914 = arith.constant 0 : i32
      %sign3A_915 = arith.cmpi sgt, %sub3A_911, %sign3A_914 : i32
      %sign3A_916 = arith.extui %sign3A_915 : i1 to i32
      %sign3A_917 = arith.constant 0 : i32
      %sign3A_918 = arith.cmpi slt, %sub3A_911, %sign3A_917 : i32
      %sign3A_919 = arith.extui %sign3A_918 : i1 to i32
      %sign3A_920 = arith.subi %sign3A_916, %sign3A_919 : i32
      %sign3A_921 = arith.constant 0 : i32
      %sign3A_922 = arith.cmpi sgt, %jit3A_912, %sign3A_921 : i32
      %sign3A_923 = arith.extui %sign3A_922 : i1 to i32
      %sign3A_924 = arith.constant 0 : i32
      %sign3A_925 = arith.cmpi slt, %jit3A_912, %sign3A_924 : i32
      %sign3A_926 = arith.extui %sign3A_925 : i1 to i32
      %sign3A_927 = arith.subi %sign3A_923, %sign3A_926 : i32
      %ne3A_928 = arith.cmpi ne, %sign3A_920, %sign3A_927 : i32
      %rem3A_929 = arith.remsi %sub3A_911, %jit3A_912 : i32
      %ne3A_930 = arith.constant 0 : i32
      %ne3A_931 = arith.cmpi ne, %rem3A_929, %ne3A_930 : i32
      %and3A_932 = arith.andi %ne3A_928, %ne3A_931 : i1
      %sub3A_933 = arith.constant 1 : i32
      %sub3A_934 = arith.subi %div3A_913, %sub3A_933 : i32
      %select_n3A_935 = arith.select %and3A_932, %sub3A_934, %div3A_913 : i32
      %mul3A_936 = arith.constant 1024 : i32
      %mul3A_937 = arith.muli %select_n3A_935, %mul3A_936 : i32
      %jit3A_938 = arith.constant 8 : i32
      %eq3A_939 = arith.constant 0 : i32
      %eq3A_940 = arith.cmpi eq, %jit3A_938, %eq3A_939 : i32
      %jit3A_941 = arith.constant 1 : i32
      %select_n3A_942 = arith.select %eq3A_940, %jit3A_941, %jit3A_938 : i32
      %rem3A_943 = arith.remsi %sub3A_911, %select_n3A_942 : i32
      %ne3A_944 = arith.constant 0 : i32
      %ne3A_945 = arith.cmpi ne, %rem3A_943, %ne3A_944 : i32
      %lt3A_946 = arith.constant 0 : i32
      %lt3A_947 = arith.cmpi slt, %rem3A_943, %lt3A_946 : i32
      %lt3A_948 = arith.constant 0 : i32
      %lt3A_949 = arith.cmpi slt, %select_n3A_942, %lt3A_948 : i32
      %ne3A_950 = arith.xori %lt3A_947, %lt3A_949 : i1
      %and3A_951 = arith.andi %ne3A_950, %ne3A_945 : i1
      %add3A_952 = arith.addi %rem3A_943, %select_n3A_942 : i32
      %select_n3A_953 = arith.select %and3A_951, %add3A_952, %rem3A_943 : i32
      %mul3A_954 = arith.constant 16 : i32
      %mul3A_955 = arith.muli %select_n3A_953, %mul3A_954 : i32
      %add3A_956 = arith.addi %mul3A_937, %mul3A_955 : i32
      %add3A_957 = arith.constant 0 : i32
      %add3A_958 = arith.addi %add3A_956, %add3A_957 : i32
      %add3A_959 = arith.constant 0 : i32
      %add3A_960 = arith.addi %add3A_958, %add3A_959 : i32
      %swap3A_961 = arith.index_cast %add3A_960 : i32 to index
      %swap3A_962 = tpu.vector_load %arg13[%swap3A_961] {strides = array<i32>} : memref<32768xf32, #tpu.memory_space<vmem>>, vector<16xf32>,
      tpu.vector_store %arg13[%swap3A_961], %gather3A_628 {strides = array<i32>} : memref<32768xf32, #tpu.memory_space<vmem>>, vector<16xf32>,
      %add3A_963 = arith.constant 0 : i32
      %add3A_964 = arith.addi %add3A_956, %add3A_963 : i32
      %add3A_965 = arith.constant 128 : i32
      %add3A_966 = arith.addi %add3A_964, %add3A_965 : i32
      %swap3A_967 = arith.index_cast %add3A_966 : i32 to index
      %swap3A_968 = tpu.vector_load %arg13[%swap3A_967] {strides = array<i32>} : memref<32768xf32, #tpu.memory_space<vmem>>, vector<16xf32>,
      tpu.vector_store %arg13[%swap3A_967], %gather3A_632 {strides = array<i32>} : memref<32768xf32, #tpu.memory_space<vmem>>, vector<16xf32>,
      %add3A_969 = arith.constant 0 : i32
      %add3A_970 = arith.addi %add3A_956, %add3A_969 : i32
      %add3A_971 = arith.constant 256 : i32
      %add3A_972 = arith.addi %add3A_970, %add3A_971 : i32
      %swap3A_973 = arith.index_cast %add3A_972 : i32 to index
      %swap3A_974 = tpu.vector_load %arg13[%swap3A_973] {strides = array<i32>} : memref<32768xf32, #tpu.memory_space<vmem>>, vector<16xf32>,
      tpu.vector_store %arg13[%swap3A_973], %gather3A_636 {strides = array<i32>} : memref<32768xf32, #tpu.memory_space<vmem>>, vector<16xf32>,
      %add3A_975 = arith.constant 0 : i32
      %add3A_976 = arith.addi %add3A_956, %add3A_975 : i32
      %add3A_977 = arith.constant 384 : i32
      %add3A_978 = arith.addi %add3A_976, %add3A_977 : i32
      %swap3A_979 = arith.index_cast %add3A_978 : i32 to index
      %swap3A_980 = tpu.vector_load %arg13[%swap3A_979] {strides = array<i32>} : memref<32768xf32, #tpu.memory_space<vmem>>, vector<16xf32>,
      tpu.vector_store %arg13[%swap3A_979], %gather3A_640 {strides = array<i32>} : memref<32768xf32, #tpu.memory_space<vmem>>, vector<16xf32>,
      %add3A_981 = arith.constant 0 : i32
      %add3A_982 = arith.addi %add3A_956, %add3A_981 : i32
      %add3A_983 = arith.constant 512 : i32
      %add3A_984 = arith.addi %add3A_982, %add3A_983 : i32
      %swap3A_985 = arith.index_cast %add3A_984 : i32 to index
      %swap3A_986 = tpu.vector_load %arg13[%swap3A_985] {strides = array<i32>} : memref<32768xf32, #tpu.memory_space<vmem>>, vector<16xf32>,
      tpu.vector_store %arg13[%swap3A_985], %gather3A_644 {strides = array<i32>} : memref<32768xf32, #tpu.memory_space<vmem>>, vector<16xf32>,
      %add3A_987 = arith.constant 0 : i32
      %add3A_988 = arith.addi %add3A_956, %add3A_987 : i32
      %add3A_989 = arith.constant 640 : i32
      %add3A_990 = arith.addi %add3A_988, %add3A_989 : i32
      %swap3A_991 = arith.index_cast %add3A_990 : i32 to index
      %swap3A_992 = tpu.vector_load %arg13[%swap3A_991] {strides = array<i32>} : memref<32768xf32, #tpu.memory_space<vmem>>, vector<16xf32>,
      tpu.vector_store %arg13[%swap3A_991], %gather3A_648 {strides = array<i32>} : memref<32768xf32, #tpu.memory_space<vmem>>, vector<16xf32>,
      %add3A_993 = arith.constant 0 : i32
      %add3A_994 = arith.addi %add3A_956, %add3A_993 : i32
      %add3A_995 = arith.constant 768 : i32
      %add3A_996 = arith.addi %add3A_994, %add3A_995 : i32
      %swap3A_997 = arith.index_cast %add3A_996 : i32 to index
      %swap3A_998 = tpu.vector_load %arg13[%swap3A_997] {strides = array<i32>} : memref<32768xf32, #tpu.memory_space<vmem>>, vector<16xf32>,
      tpu.vector_store %arg13[%swap3A_997], %gather3A_652 {strides = array<i32>} : memref<32768xf32, #tpu.memory_space<vmem>>, vector<16xf32>,
      %add3A_999 = arith.constant 0 : i32
      %add3A_1000 = arith.addi %add3A_956, %add3A_999 : i32
      %add3A_1001 = arith.constant 896 : i32
      %add3A_1002 = arith.addi %add3A_1000, %add3A_1001 : i32
      %swap3A_1003 = arith.index_cast %add3A_1002 : i32 to index
      %swap3A_1004 = tpu.vector_load %arg13[%swap3A_1003] {strides = array<i32>} : memref<32768xf32, #tpu.memory_space<vmem>>, vector<16xf32>,
      tpu.vector_store %arg13[%swap3A_1003], %gather3A_656 {strides = array<i32>} : memref<32768xf32, #tpu.memory_space<vmem>>, vector<16xf32>,
      %add3A_1005 = arith.constant 16384 : i32
      %add3A_1006 = arith.addi %add3A_956, %add3A_1005 : i32
      %add3A_1007 = arith.constant 0 : i32
      %add3A_1008 = arith.addi %add3A_1006, %add3A_1007 : i32
      %swap3A_1009 = arith.index_cast %add3A_1008 : i32 to index
      %swap3A_1010 = tpu.vector_load %arg13[%swap3A_1009] {strides = array<i32>} : memref<32768xf32, #tpu.memory_space<vmem>>, vector<16xf32>,
      tpu.vector_store %arg13[%swap3A_1009], %gather3A_660 {strides = array<i32>} : memref<32768xf32, #tpu.memory_space<vmem>>, vector<16xf32>,
      %add3A_1011 = arith.constant 16384 : i32
      %add3A_1012 = arith.addi %add3A_956, %add3A_1011 : i32
      %add3A_1013 = arith.constant 128 : i32
      %add3A_1014 = arith.addi %add3A_1012, %add3A_1013 : i32
      %swap3A_1015 = arith.index_cast %add3A_1014 : i32 to index
      %swap3A_1016 = tpu.vector_load %arg13[%swap3A_1015] {strides = array<i32>} : memref<32768xf32, #tpu.memory_space<vmem>>, vector<16xf32>,
      tpu.vector_store %arg13[%swap3A_1015], %gather3A_664 {strides = array<i32>} : memref<32768xf32, #tpu.memory_space<vmem>>, vector<16xf32>,
      %add3A_1017 = arith.constant 16384 : i32
      %add3A_1018 = arith.addi %add3A_956, %add3A_1017 : i32
      %add3A_1019 = arith.constant 256 : i32
      %add3A_1020 = arith.addi %add3A_1018, %add3A_1019 : i32
      %swap3A_1021 = arith.index_cast %add3A_1020 : i32 to index
      %swap3A_1022 = tpu.vector_load %arg13[%swap3A_1021] {strides = array<i32>} : memref<32768xf32, #tpu.memory_space<vmem>>, vector<16xf32>,
      tpu.vector_store %arg13[%swap3A_1021], %gather3A_668 {strides = array<i32>} : memref<32768xf32, #tpu.memory_space<vmem>>, vector<16xf32>,
      %add3A_1023 = arith.constant 16384 : i32
      %add3A_1024 = arith.addi %add3A_956, %add3A_1023 : i32
      %add3A_1025 = arith.constant 384 : i32
      %add3A_1026 = arith.addi %add3A_1024, %add3A_1025 : i32
      %swap3A_1027 = arith.index_cast %add3A_1026 : i32 to index
      %swap3A_1028 = tpu.vector_load %arg13[%swap3A_1027] {strides = array<i32>} : memref<32768xf32, #tpu.memory_space<vmem>>, vector<16xf32>,
      tpu.vector_store %arg13[%swap3A_1027], %gather3A_672 {strides = array<i32>} : memref<32768xf32, #tpu.memory_space<vmem>>, vector<16xf32>,
      %add3A_1029 = arith.constant 16384 : i32
      %add3A_1030 = arith.addi %add3A_956, %add3A_1029 : i32
      %add3A_1031 = arith.constant 512 : i32
      %add3A_1032 = arith.addi %add3A_1030, %add3A_1031 : i32
      %swap3A_1033 = arith.index_cast %add3A_1032 : i32 to index
      %swap3A_1034 = tpu.vector_load %arg13[%swap3A_1033] {strides = array<i32>} : memref<32768xf32, #tpu.memory_space<vmem>>, vector<16xf32>,
      tpu.vector_store %arg13[%swap3A_1033], %gather3A_676 {strides = array<i32>} : memref<32768xf32, #tpu.memory_space<vmem>>, vector<16xf32>,
      %add3A_1035 = arith.constant 16384 : i32
      %add3A_1036 = arith.addi %add3A_956, %add3A_1035 : i32
      %add3A_1037 = arith.constant 640 : i32
      %add3A_1038 = arith.addi %add3A_1036, %add3A_1037 : i32
      %swap3A_1039 = arith.index_cast %add3A_1038 : i32 to index
      %swap3A_1040 = tpu.vector_load %arg13[%swap3A_1039] {strides = array<i32>} : memref<32768xf32, #tpu.memory_space<vmem>>, vector<16xf32>,
      tpu.vector_store %arg13[%swap3A_1039], %gather3A_680 {strides = array<i32>} : memref<32768xf32, #tpu.memory_space<vmem>>, vector<16xf32>,
      %add3A_1041 = arith.constant 16384 : i32
      %add3A_1042 = arith.addi %add3A_956, %add3A_1041 : i32
      %add3A_1043 = arith.constant 768 : i32
      %add3A_1044 = arith.addi %add3A_1042, %add3A_1043 : i32
      %swap3A_1045 = arith.index_cast %add3A_1044 : i32 to index
      %swap3A_1046 = tpu.vector_load %arg13[%swap3A_1045] {strides = array<i32>} : memref<32768xf32, #tpu.memory_space<vmem>>, vector<16xf32>,
      tpu.vector_store %arg13[%swap3A_1045], %gather3A_684 {strides = array<i32>} : memref<32768xf32, #tpu.memory_space<vmem>>, vector<16xf32>,
      %add3A_1047 = arith.constant 16384 : i32
      %add3A_1048 = arith.addi %add3A_956, %add3A_1047 : i32
      %add3A_1049 = arith.constant 896 : i32
      %add3A_1050 = arith.addi %add3A_1048, %add3A_1049 : i32
      %swap3A_1051 = arith.index_cast %add3A_1050 : i32 to index
      %swap3A_1052 = tpu.vector_load %arg13[%swap3A_1051] {strides = array<i32>} : memref<32768xf32, #tpu.memory_space<vmem>>, vector<16xf32>,
      tpu.vector_store %arg13[%swap3A_1051], %gather3A_688 {strides = array<i32>} : memref<32768xf32, #tpu.memory_space<vmem>>, vector<16xf32>,
      %add3A_1053 = arith.constant 4 : i32
      %add3A_1054 = arith.addi %mul3A_327, %add3A_1053 : i32
      %sub3A_1055 = arith.constant 1 : i32
      %sub3A_1056 = arith.subi %add3A_1054, %sub3A_1055 : i32
      %jit3A_1057 = arith.constant 8 : i32
      %div3A_1058 = arith.divsi %sub3A_1056, %jit3A_1057 : i32
      %sign3A_1059 = arith.constant 0 : i32
      %sign3A_1060 = arith.cmpi sgt, %sub3A_1056, %sign3A_1059 : i32
      %sign3A_1061 = arith.extui %sign3A_1060 : i1 to i32
      %sign3A_1062 = arith.constant 0 : i32
      %sign3A_1063 = arith.cmpi slt, %sub3A_1056, %sign3A_1062 : i32
      %sign3A_1064 = arith.extui %sign3A_1063 : i1 to i32
      %sign3A_1065 = arith.subi %sign3A_1061, %sign3A_1064 : i32
      %sign3A_1066 = arith.constant 0 : i32
      %sign3A_1067 = arith.cmpi sgt, %jit3A_1057, %sign3A_1066 : i32
      %sign3A_1068 = arith.extui %sign3A_1067 : i1 to i32
      %sign3A_1069 = arith.constant 0 : i32
      %sign3A_1070 = arith.cmpi slt, %jit3A_1057, %sign3A_1069 : i32
      %sign3A_1071 = arith.extui %sign3A_1070 : i1 to i32
      %sign3A_1072 = arith.subi %sign3A_1068, %sign3A_1071 : i32
      %ne3A_1073 = arith.cmpi ne, %sign3A_1065, %sign3A_1072 : i32
      %rem3A_1074 = arith.remsi %sub3A_1056, %jit3A_1057 : i32
      %ne3A_1075 = arith.constant 0 : i32
      %ne3A_1076 = arith.cmpi ne, %rem3A_1074, %ne3A_1075 : i32
      %and3A_1077 = arith.andi %ne3A_1073, %ne3A_1076 : i1
      %sub3A_1078 = arith.constant 1 : i32
      %sub3A_1079 = arith.subi %div3A_1058, %sub3A_1078 : i32
      %select_n3A_1080 = arith.select %and3A_1077, %sub3A_1079, %div3A_1058 : i32
      %mul3A_1081 = arith.constant 1024 : i32
      %mul3A_1082 = arith.muli %select_n3A_1080, %mul3A_1081 : i32
      %jit3A_1083 = arith.constant 8 : i32
      %eq3A_1084 = arith.constant 0 : i32
      %eq3A_1085 = arith.cmpi eq, %jit3A_1083, %eq3A_1084 : i32
      %jit3A_1086 = arith.constant 1 : i32
      %select_n3A_1087 = arith.select %eq3A_1085, %jit3A_1086, %jit3A_1083 : i32
      %rem3A_1088 = arith.remsi %sub3A_1056, %select_n3A_1087 : i32
      %ne3A_1089 = arith.constant 0 : i32
      %ne3A_1090 = arith.cmpi ne, %rem3A_1088, %ne3A_1089 : i32
      %lt3A_1091 = arith.constant 0 : i32
      %lt3A_1092 = arith.cmpi slt, %rem3A_1088, %lt3A_1091 : i32
      %lt3A_1093 = arith.constant 0 : i32
      %lt3A_1094 = arith.cmpi slt, %select_n3A_1087, %lt3A_1093 : i32
      %ne3A_1095 = arith.xori %lt3A_1092, %lt3A_1094 : i1
      %and3A_1096 = arith.andi %ne3A_1095, %ne3A_1090 : i1
      %add3A_1097 = arith.addi %rem3A_1088, %select_n3A_1087 : i32
      %select_n3A_1098 = arith.select %and3A_1096, %add3A_1097, %rem3A_1088 : i32
      %mul3A_1099 = arith.constant 16 : i32
      %mul3A_1100 = arith.muli %select_n3A_1098, %mul3A_1099 : i32
      %add3A_1101 = arith.addi %mul3A_1082, %mul3A_1100 : i32
      %add3A_1102 = arith.constant 0 : i32
      %add3A_1103 = arith.addi %add3A_1101, %add3A_1102 : i32
      %add3A_1104 = arith.constant 0 : i32
      %add3A_1105 = arith.addi %add3A_1103, %add3A_1104 : i32
      %swap3A_1106 = arith.index_cast %add3A_1105 : i32 to index
      %swap3A_1107 = tpu.vector_load %arg13[%swap3A_1106] {strides = array<i32>} : memref<32768xf32, #tpu.memory_space<vmem>>, vector<16xf32>,
      tpu.vector_store %arg13[%swap3A_1106], %gather3A_847 {strides = array<i32>} : memref<32768xf32, #tpu.memory_space<vmem>>, vector<16xf32>,
      %add3A_1108 = arith.constant 0 : i32
      %add3A_1109 = arith.addi %add3A_1101, %add3A_1108 : i32
      %add3A_1110 = arith.constant 128 : i32
      %add3A_1111 = arith.addi %add3A_1109, %add3A_1110 : i32
      %swap3A_1112 = arith.index_cast %add3A_1111 : i32 to index
      %swap3A_1113 = tpu.vector_load %arg13[%swap3A_1112] {strides = array<i32>} : memref<32768xf32, #tpu.memory_space<vmem>>, vector<16xf32>,
      tpu.vector_store %arg13[%swap3A_1112], %gather3A_851 {strides = array<i32>} : memref<32768xf32, #tpu.memory_space<vmem>>, vector<16xf32>,
      %add3A_1114 = arith.constant 0 : i32
      %add3A_1115 = arith.addi %add3A_1101, %add3A_1114 : i32
      %add3A_1116 = arith.constant 256 : i32
      %add3A_1117 = arith.addi %add3A_1115, %add3A_1116 : i32
      %swap3A_1118 = arith.index_cast %add3A_1117 : i32 to index
      %swap3A_1119 = tpu.vector_load %arg13[%swap3A_1118] {strides = array<i32>} : memref<32768xf32, #tpu.memory_space<vmem>>, vector<16xf32>,
      tpu.vector_store %arg13[%swap3A_1118], %gather3A_855 {strides = array<i32>} : memref<32768xf32, #tpu.memory_space<vmem>>, vector<16xf32>,
      %add3A_1120 = arith.constant 0 : i32
      %add3A_1121 = arith.addi %add3A_1101, %add3A_1120 : i32
      %add3A_1122 = arith.constant 384 : i32
      %add3A_1123 = arith.addi %add3A_1121, %add3A_1122 : i32
      %swap3A_1124 = arith.index_cast %add3A_1123 : i32 to index
      %swap3A_1125 = tpu.vector_load %arg13[%swap3A_1124] {strides = array<i32>} : memref<32768xf32, #tpu.memory_space<vmem>>, vector<16xf32>,
      tpu.vector_store %arg13[%swap3A_1124], %gather3A_859 {strides = array<i32>} : memref<32768xf32, #tpu.memory_space<vmem>>, vector<16xf32>,
      %add3A_1126 = arith.constant 0 : i32
      %add3A_1127 = arith.addi %add3A_1101, %add3A_1126 : i32
      %add3A_1128 = arith.constant 512 : i32
      %add3A_1129 = arith.addi %add3A_1127, %add3A_1128 : i32
      %swap3A_1130 = arith.index_cast %add3A_1129 : i32 to index
      %swap3A_1131 = tpu.vector_load %arg13[%swap3A_1130] {strides = array<i32>} : memref<32768xf32, #tpu.memory_space<vmem>>, vector<16xf32>,
      tpu.vector_store %arg13[%swap3A_1130], %gather3A_863 {strides = array<i32>} : memref<32768xf32, #tpu.memory_space<vmem>>, vector<16xf32>,
      %add3A_1132 = arith.constant 0 : i32
      %add3A_1133 = arith.addi %add3A_1101, %add3A_1132 : i32
      %add3A_1134 = arith.constant 640 : i32
      %add3A_1135 = arith.addi %add3A_1133, %add3A_1134 : i32
      %swap3A_1136 = arith.index_cast %add3A_1135 : i32 to index
      %swap3A_1137 = tpu.vector_load %arg13[%swap3A_1136] {strides = array<i32>} : memref<32768xf32, #tpu.memory_space<vmem>>, vector<16xf32>,
      tpu.vector_store %arg13[%swap3A_1136], %gather3A_867 {strides = array<i32>} : memref<32768xf32, #tpu.memory_space<vmem>>, vector<16xf32>,
      %add3A_1138 = arith.constant 0 : i32
      %add3A_1139 = arith.addi %add3A_1101, %add3A_1138 : i32
      %add3A_1140 = arith.constant 768 : i32
      %add3A_1141 = arith.addi %add3A_1139, %add3A_1140 : i32
      %swap3A_1142 = arith.index_cast %add3A_1141 : i32 to index
      %swap3A_1143 = tpu.vector_load %arg13[%swap3A_1142] {strides = array<i32>} : memref<32768xf32, #tpu.memory_space<vmem>>, vector<16xf32>,
      tpu.vector_store %arg13[%swap3A_1142], %gather3A_871 {strides = array<i32>} : memref<32768xf32, #tpu.memory_space<vmem>>, vector<16xf32>,
      %add3A_1144 = arith.constant 0 : i32
      %add3A_1145 = arith.addi %add3A_1101, %add3A_1144 : i32
      %add3A_1146 = arith.constant 896 : i32
      %add3A_1147 = arith.addi %add3A_1145, %add3A_1146 : i32
      %swap3A_1148 = arith.index_cast %add3A_1147 : i32 to index
      %swap3A_1149 = tpu.vector_load %arg13[%swap3A_1148] {strides = array<i32>} : memref<32768xf32, #tpu.memory_space<vmem>>, vector<16xf32>,
      tpu.vector_store %arg13[%swap3A_1148], %gather3A_875 {strides = array<i32>} : memref<32768xf32, #tpu.memory_space<vmem>>, vector<16xf32>,
      %add3A_1150 = arith.constant 16384 : i32
      %add3A_1151 = arith.addi %add3A_1101, %add3A_1150 : i32
      %add3A_1152 = arith.constant 0 : i32
      %add3A_1153 = arith.addi %add3A_1151, %add3A_1152 : i32
      %swap3A_1154 = arith.index_cast %add3A_1153 : i32 to index
      %swap3A_1155 = tpu.vector_load %arg13[%swap3A_1154] {strides = array<i32>} : memref<32768xf32, #tpu.memory_space<vmem>>, vector<16xf32>,
      tpu.vector_store %arg13[%swap3A_1154], %gather3A_879 {strides = array<i32>} : memref<32768xf32, #tpu.memory_space<vmem>>, vector<16xf32>,
      %add3A_1156 = arith.constant 16384 : i32
      %add3A_1157 = arith.addi %add3A_1101, %add3A_1156 : i32
      %add3A_1158 = arith.constant 128 : i32
      %add3A_1159 = arith.addi %add3A_1157, %add3A_1158 : i32
      %swap3A_1160 = arith.index_cast %add3A_1159 : i32 to index
      %swap3A_1161 = tpu.vector_load %arg13[%swap3A_1160] {strides = array<i32>} : memref<32768xf32, #tpu.memory_space<vmem>>, vector<16xf32>,
      tpu.vector_store %arg13[%swap3A_1160], %gather3A_883 {strides = array<i32>} : memref<32768xf32, #tpu.memory_space<vmem>>, vector<16xf32>,
      %add3A_1162 = arith.constant 16384 : i32
      %add3A_1163 = arith.addi %add3A_1101, %add3A_1162 : i32
      %add3A_1164 = arith.constant 256 : i32
      %add3A_1165 = arith.addi %add3A_1163, %add3A_1164 : i32
      %swap3A_1166 = arith.index_cast %add3A_1165 : i32 to index
      %swap3A_1167 = tpu.vector_load %arg13[%swap3A_1166] {strides = array<i32>} : memref<32768xf32, #tpu.memory_space<vmem>>, vector<16xf32>,
      tpu.vector_store %arg13[%swap3A_1166], %gather3A_887 {strides = array<i32>} : memref<32768xf32, #tpu.memory_space<vmem>>, vector<16xf32>,
      %add3A_1168 = arith.constant 16384 : i32
      %add3A_1169 = arith.addi %add3A_1101, %add3A_1168 : i32
      %add3A_1170 = arith.constant 384 : i32
      %add3A_1171 = arith.addi %add3A_1169, %add3A_1170 : i32
      %swap3A_1172 = arith.index_cast %add3A_1171 : i32 to index
      %swap3A_1173 = tpu.vector_load %arg13[%swap3A_1172] {strides = array<i32>} : memref<32768xf32, #tpu.memory_space<vmem>>, vector<16xf32>,
      tpu.vector_store %arg13[%swap3A_1172], %gather3A_891 {strides = array<i32>} : memref<32768xf32, #tpu.memory_space<vmem>>, vector<16xf32>,
      %add3A_1174 = arith.constant 16384 : i32
      %add3A_1175 = arith.addi %add3A_1101, %add3A_1174 : i32
      %add3A_1176 = arith.constant 512 : i32
      %add3A_1177 = arith.addi %add3A_1175, %add3A_1176 : i32
      %swap3A_1178 = arith.index_cast %add3A_1177 : i32 to index
      %swap3A_1179 = tpu.vector_load %arg13[%swap3A_1178] {strides = array<i32>} : memref<32768xf32, #tpu.memory_space<vmem>>, vector<16xf32>,
      tpu.vector_store %arg13[%swap3A_1178], %gather3A_895 {strides = array<i32>} : memref<32768xf32, #tpu.memory_space<vmem>>, vector<16xf32>,
      %add3A_1180 = arith.constant 16384 : i32
      %add3A_1181 = arith.addi %add3A_1101, %add3A_1180 : i32
      %add3A_1182 = arith.constant 640 : i32
      %add3A_1183 = arith.addi %add3A_1181, %add3A_1182 : i32
      %swap3A_1184 = arith.index_cast %add3A_1183 : i32 to index
      %swap3A_1185 = tpu.vector_load %arg13[%swap3A_1184] {strides = array<i32>} : memref<32768xf32, #tpu.memory_space<vmem>>, vector<16xf32>,
      tpu.vector_store %arg13[%swap3A_1184], %gather3A_899 {strides = array<i32>} : memref<32768xf32, #tpu.memory_space<vmem>>, vector<16xf32>,
      %add3A_1186 = arith.constant 16384 : i32
      %add3A_1187 = arith.addi %add3A_1101, %add3A_1186 : i32
      %add3A_1188 = arith.constant 768 : i32
      %add3A_1189 = arith.addi %add3A_1187, %add3A_1188 : i32
      %swap3A_1190 = arith.index_cast %add3A_1189 : i32 to index
      %swap3A_1191 = tpu.vector_load %arg13[%swap3A_1190] {strides = array<i32>} : memref<32768xf32, #tpu.memory_space<vmem>>, vector<16xf32>,
      tpu.vector_store %arg13[%swap3A_1190], %gather3A_903 {strides = array<i32>} : memref<32768xf32, #tpu.memory_space<vmem>>, vector<16xf32>,
      %add3A_1192 = arith.constant 16384 : i32
      %add3A_1193 = arith.addi %add3A_1101, %add3A_1192 : i32
      %add3A_1194 = arith.constant 896 : i32
      %add3A_1195 = arith.addi %add3A_1193, %add3A_1194 : i32
      %swap3A_1196 = arith.index_cast %add3A_1195 : i32 to index
      %swap3A_1197 = tpu.vector_load %arg13[%swap3A_1196] {strides = array<i32>} : memref<32768xf32, #tpu.memory_space<vmem>>, vector<16xf32>,
      tpu.vector_store %arg13[%swap3A_1196], %gather3A_907 {strides = array<i32>} : memref<32768xf32, #tpu.memory_space<vmem>>, vector<16xf32>,
      %scan3A_1198 = arith.constant 0 : i32
      scf.yield %scan3A_1198 : i32
    }
    %scan3A_105 = arith.constant 32 : i32
    %add3A_106 = arith.constant 48 : i32
    %add3A_107 = arith.addi %select_n3A_23, %add3A_106 : i32
    %mul3A_108 = arith.constant 128 : i32
    %mul3A_109 = arith.muli %add3A_107, %mul3A_108 : i32
    %dma_start3A_110 = arith.constant 0 : i32
    %dma_start3A_111 = tpu.memref_slice %arg11[%dma_start3A_110] : memref<2048xi32, #tpu.memory_space<vmem>> -> memref<2048xi32, #tpu.memory_space<vmem>>
    %dma_start3A_112 = tpu.memref_slice %arg3[%mul3A_109] : memref<320000xi32, #tpu.memory_space<hbm>> -> memref<2048xi32, #tpu.memory_space<hbm>>
    %dma_start3A_113 = arith.constant 0 : i32
    %dma_start3A_114 = tpu.memref_slice %arg11[%dma_start3A_113] : memref<2048xi32, #tpu.memory_space<vmem>> -> memref<2048xi32, #tpu.memory_space<vmem>>
    %dma_start3A_115 = tpu.memref_slice %arg3[%mul3A_109] : memref<320000xi32, #tpu.memory_space<hbm>> -> memref<2048xi32, #tpu.memory_space<hbm>>
    tpu.enqueue_dma source(%dma_start3A_115 : memref<2048xi32, #tpu.memory_space<hbm>>) target(%dma_start3A_114 : memref<2048xi32, #tpu.memory_space<vmem>>) target_semaphore(%arg19 : memref<!tpu.dma_semaphore, #tpu.memory_space<semaphore_mem>>)
    %add3A_116 = arith.constant 16 : i32
    %add3A_117 = arith.addi %select_n3A_23, %add3A_116 : i32
    %mul3A_118 = arith.constant 1024 : i32
    %mul3A_119 = arith.muli %add3A_117, %mul3A_118 : i32
    %add3A_120 = arith.constant 0 : i32
    %add3A_121 = arith.addi %add3A_120, %mul3A_119 : i32
    %dma_start3A_122 = arith.constant 0 : i32
    %dma_start3A_123 = tpu.memref_slice %arg13[%dma_start3A_122] : memref<32768xf32, #tpu.memory_space<vmem>> -> memref<16384xf32, #tpu.memory_space<vmem>>
    %dma_start3A_124 = tpu.memref_slice %arg7[%add3A_121] : memref<5120000xf32, #tpu.memory_space<hbm>> -> memref<16384xf32, #tpu.memory_space<hbm>>
    %dma_start3A_125 = tpu.memref_slice %arg7[%add3A_121] : memref<5120000xf32, #tpu.memory_space<hbm>> -> memref<16384xf32, #tpu.memory_space<hbm>>
    %dma_start3A_126 = arith.constant 0 : i32
    %dma_start3A_127 = tpu.memref_slice %arg13[%dma_start3A_126] : memref<32768xf32, #tpu.memory_space<vmem>> -> memref<16384xf32, #tpu.memory_space<vmem>>
    tpu.enqueue_dma source(%dma_start3A_127 : memref<16384xf32, #tpu.memory_space<vmem>>) target(%dma_start3A_125 : memref<16384xf32, #tpu.memory_space<hbm>>) target_semaphore(%arg21 : memref<!tpu.dma_semaphore, #tpu.memory_space<semaphore_mem>>)
    %mul3A_128 = arith.constant 1024 : i32
    %mul3A_129 = arith.muli %add3A_117, %mul3A_128 : i32
    %add3A_130 = arith.constant 2560000 : i32
    %add3A_131 = arith.addi %add3A_130, %mul3A_129 : i32
    %dma_start3A_132 = arith.constant 16384 : i32
    %dma_start3A_133 = tpu.memref_slice %arg13[%dma_start3A_132] : memref<32768xf32, #tpu.memory_space<vmem>> -> memref<16384xf32, #tpu.memory_space<vmem>>
    %dma_start3A_134 = tpu.memref_slice %arg7[%add3A_131] : memref<5120000xf32, #tpu.memory_space<hbm>> -> memref<16384xf32, #tpu.memory_space<hbm>>
    %dma_start3A_135 = tpu.memref_slice %arg7[%add3A_131] : memref<5120000xf32, #tpu.memory_space<hbm>> -> memref<16384xf32, #tpu.memory_space<hbm>>
    %dma_start3A_136 = arith.constant 16384 : i32
    %dma_start3A_137 = tpu.memref_slice %arg13[%dma_start3A_136] : memref<32768xf32, #tpu.memory_space<vmem>> -> memref<16384xf32, #tpu.memory_space<vmem>>
    tpu.enqueue_dma source(%dma_start3A_137 : memref<16384xf32, #tpu.memory_space<vmem>>) target(%dma_start3A_135 : memref<16384xf32, #tpu.memory_space<hbm>>) target_semaphore(%arg21 : memref<!tpu.dma_semaphore, #tpu.memory_space<semaphore_mem>>)
    %dma_wait3A_138 = arith.constant 0 : i32
    %dma_wait3A_139 = arith.constant 0 : i32
    %dma_wait3A_140 = tpu.memref_slice %arg4[%dma_wait3A_138, %dma_wait3A_139] : memref<100000x128xf32, #tpu.memory_space<hbm>> -> memref<100000x128xf32, #tpu.memory_space<hbm>>
    tpu.wait_indirect_dma semaphore(%arg16 : memref<!tpu.dma_semaphore, #tpu.memory_space<semaphore_mem>>) src(%dma_wait3A_140 : memref<100000x128xf32, #tpu.memory_space<hbm>>) dst(%arg9 : memref<320x128xf32, #tpu.memory_space<vmem>>)
    %dma_start3A_141 = arith.constant 0 : i32
    %dma_start3A_142 = tpu.memref_slice %arg6[%select_n3A, %dma_start3A_141] : memref<10000x128xf32, #tpu.memory_space<hbm>> -> memref<320x128xf32, #tpu.memory_space<hbm>>
    %dma_start3A_143 = arith.constant 0 : i32
    %dma_start3A_144 = tpu.memref_slice %arg6[%select_n3A, %dma_start3A_143] : memref<10000x128xf32, #tpu.memory_space<hbm>> -> memref<320x128xf32, #tpu.memory_space<hbm>>
    tpu.enqueue_dma source(%arg9 : memref<320x128xf32, #tpu.memory_space<vmem>>) target(%dma_start3A_144 : memref<320x128xf32, #tpu.memory_space<hbm>>) target_semaphore(%arg17 : memref<!tpu.dma_semaphore, #tpu.memory_space<semaphore_mem>>)
    %dma_wait3A_145 = arith.constant 0 : i32
    %dma_wait3A_146 = tpu.memref_slice %arg10[%dma_wait3A_145] : memref<2048xi32, #tpu.memory_space<vmem>> -> memref<2048xi32, #tpu.memory_space<vmem>>
    %dma_wait3A_147 = tpu.memref_slice %arg3[%mul3A_64] : memref<320000xi32, #tpu.memory_space<hbm>> -> memref<2048xi32, #tpu.memory_space<hbm>>
    %dma_wait3A_148 = arith.constant 0 : i32
    %dma_wait3A_149 = tpu.memref_slice %arg10[%dma_wait3A_148] : memref<2048xi32, #tpu.memory_space<vmem>> -> memref<2048xi32, #tpu.memory_space<vmem>>
    %dma_wait3A_150 = tpu.memref_slice %arg3[%mul3A_64] : memref<320000xi32, #tpu.memory_space<hbm>> -> memref<2048xi32, #tpu.memory_space<hbm>>
    tpu.wait_dma2 semaphore(%arg18 : memref<!tpu.dma_semaphore, #tpu.memory_space<semaphore_mem>>) src(%dma_wait3A_150 : memref<2048xi32, #tpu.memory_space<hbm>>) dst(%dma_wait3A_149 : memref<2048xi32, #tpu.memory_space<vmem>>)
    %dma_wait3A_151 = arith.constant 0 : i32
    %dma_wait3A_152 = tpu.memref_slice %arg12[%dma_wait3A_151] : memref<32768xf32, #tpu.memory_space<vmem>> -> memref<16384xf32, #tpu.memory_space<vmem>>
    %dma_wait3A_153 = tpu.memref_slice %arg7[%add3A_76] : memref<5120000xf32, #tpu.memory_space<hbm>> -> memref<16384xf32, #tpu.memory_space<hbm>>
    %dma_wait3A_154 = tpu.memref_slice %arg7[%add3A_76] : memref<5120000xf32, #tpu.memory_space<hbm>> -> memref<16384xf32, #tpu.memory_space<hbm>>
    %dma_wait3A_155 = arith.constant 0 : i32
    %dma_wait3A_156 = tpu.memref_slice %arg12[%dma_wait3A_155] : memref<32768xf32, #tpu.memory_space<vmem>> -> memref<16384xf32, #tpu.memory_space<vmem>>
    tpu.wait_dma2 semaphore(%arg20 : memref<!tpu.dma_semaphore, #tpu.memory_space<semaphore_mem>>) src(%dma_wait3A_156 : memref<16384xf32, #tpu.memory_space<vmem>>) dst(%dma_wait3A_154 : memref<16384xf32, #tpu.memory_space<hbm>>)
    %dma_wait3A_157 = arith.constant 16384 : i32
    %dma_wait3A_158 = tpu.memref_slice %arg12[%dma_wait3A_157] : memref<32768xf32, #tpu.memory_space<vmem>> -> memref<16384xf32, #tpu.memory_space<vmem>>
    %dma_wait3A_159 = tpu.memref_slice %arg7[%add3A_86] : memref<5120000xf32, #tpu.memory_space<hbm>> -> memref<16384xf32, #tpu.memory_space<hbm>>
    %dma_wait3A_160 = tpu.memref_slice %arg7[%add3A_86] : memref<5120000xf32, #tpu.memory_space<hbm>> -> memref<16384xf32, #tpu.memory_space<hbm>>
    %dma_wait3A_161 = arith.constant 16384 : i32
    %dma_wait3A_162 = tpu.memref_slice %arg12[%dma_wait3A_161] : memref<32768xf32, #tpu.memory_space<vmem>> -> memref<16384xf32, #tpu.memory_space<vmem>>
    tpu.wait_dma2 semaphore(%arg20 : memref<!tpu.dma_semaphore, #tpu.memory_space<semaphore_mem>>) src(%dma_wait3A_162 : memref<16384xf32, #tpu.memory_space<vmem>>) dst(%dma_wait3A_160 : memref<16384xf32, #tpu.memory_space<hbm>>)
    %scan3A_163 = arith.constant 0 : i32
    %scan3A_164 = arith.constant 0 : i32
    %scan3A_165 = arith.constant 32 : i32
    %scan3A_166 = arith.addi %scan3A_164, %scan3A_165 : i32
    %scan3A_167 = arith.constant 1 : i32
    %scan3A_168 = scf.for %scan3A_324 = %scan3A_164 to %scan3A_166 step %scan3A_167 iter_args(%scan3A_325 = %scan3A_163) -> (i32)  : i32 {
      %mul3A_326 = arith.constant 4 : i32
      %mul3A_327 = arith.muli %scan3A_324, %mul3A_326 : i32
      %mul3A_328 = arith.constant 16 : i32
      %mul3A_329 = arith.muli %mul3A_327, %mul3A_328 : i32
      %get3A = arith.index_cast %mul3A_329 : i32 to index
      %get3A_330 = tpu.vector_load %arg10[%get3A] {strides = array<i32>} : memref<2048xi32, #tpu.memory_space<vmem>>, vector<16xi32>,
      %mul3A_331 = arith.constant 256 : i32
      %mul3A_332 = vector.broadcast %mul3A_331 : i32 to vector<16xi32>
      %mul3A_333 = arith.muli %get3A_330, %mul3A_332 : vector<16xi32>
      %add3A_334 = arith.addi %mul3A_333, %iota3A : vector<16xi32>
      %add3A_335 = arith.constant 0 : i32
      %add3A_336 = vector.broadcast %add3A_335 : i32 to vector<16xi32>
      %add3A_337 = arith.addi %add3A_334, %add3A_336 : vector<16xi32>
      %gather3A = tpu.vector_load_idx %arg14[%add3A_337] : memref<4096xf32, #tpu.memory_space<vmem>>[vector<16xi32>], vector<16xf32>,
      %add3A_338 = arith.constant 16 : i32
      %add3A_339 = vector.broadcast %add3A_338 : i32 to vector<16xi32>
      %add3A_340 = arith.addi %add3A_334, %add3A_339 : vector<16xi32>
      %gather3A_341 = tpu.vector_load_idx %arg14[%add3A_340] : memref<4096xf32, #tpu.memory_space<vmem>>[vector<16xi32>], vector<16xf32>,
      %add3A_342 = arith.constant 32 : i32
      %add3A_343 = vector.broadcast %add3A_342 : i32 to vector<16xi32>
      %add3A_344 = arith.addi %add3A_334, %add3A_343 : vector<16xi32>
      %gather3A_345 = tpu.vector_load_idx %arg14[%add3A_344] : memref<4096xf32, #tpu.memory_space<vmem>>[vector<16xi32>], vector<16xf32>,
      %add3A_346 = arith.constant 48 : i32
      %add3A_347 = vector.broadcast %add3A_346 : i32 to vector<16xi32>
      %add3A_348 = arith.addi %add3A_334, %add3A_347 : vector<16xi32>
      %gather3A_349 = tpu.vector_load_idx %arg14[%add3A_348] : memref<4096xf32, #tpu.memory_space<vmem>>[vector<16xi32>], vector<16xf32>,
      %add3A_350 = arith.constant 64 : i32
      %add3A_351 = vector.broadcast %add3A_350 : i32 to vector<16xi32>
      %add3A_352 = arith.addi %add3A_334, %add3A_351 : vector<16xi32>
      %gather3A_353 = tpu.vector_load_idx %arg14[%add3A_352] : memref<4096xf32, #tpu.memory_space<vmem>>[vector<16xi32>], vector<16xf32>,
      %add3A_354 = arith.constant 80 : i32
      %add3A_355 = vector.broadcast %add3A_354 : i32 to vector<16xi32>
      %add3A_356 = arith.addi %add3A_334, %add3A_355 : vector<16xi32>
      %gather3A_357 = tpu.vector_load_idx %arg14[%add3A_356] : memref<4096xf32, #tpu.memory_space<vmem>>[vector<16xi32>], vector<16xf32>,
      %add3A_358 = arith.constant 96 : i32
      %add3A_359 = vector.broadcast %add3A_358 : i32 to vector<16xi32>
      %add3A_360 = arith.addi %add3A_334, %add3A_359 : vector<16xi32>
      %gather3A_361 = tpu.vector_load_idx %arg14[%add3A_360] : memref<4096xf32, #tpu.memory_space<vmem>>[vector<16xi32>], vector<16xf32>,
      %add3A_362 = arith.constant 112 : i32
      %add3A_363 = vector.broadcast %add3A_362 : i32 to vector<16xi32>
      %add3A_364 = arith.addi %add3A_334, %add3A_363 : vector<16xi32>
      %gather3A_365 = tpu.vector_load_idx %arg14[%add3A_364] : memref<4096xf32, #tpu.memory_space<vmem>>[vector<16xi32>], vector<16xf32>,
      %add3A_366 = arith.constant 128 : i32
      %add3A_367 = vector.broadcast %add3A_366 : i32 to vector<16xi32>
      %add3A_368 = arith.addi %add3A_334, %add3A_367 : vector<16xi32>
      %gather3A_369 = tpu.vector_load_idx %arg14[%add3A_368] : memref<4096xf32, #tpu.memory_space<vmem>>[vector<16xi32>], vector<16xf32>,
      %add3A_370 = arith.constant 144 : i32
      %add3A_371 = vector.broadcast %add3A_370 : i32 to vector<16xi32>
      %add3A_372 = arith.addi %add3A_334, %add3A_371 : vector<16xi32>
      %gather3A_373 = tpu.vector_load_idx %arg14[%add3A_372] : memref<4096xf32, #tpu.memory_space<vmem>>[vector<16xi32>], vector<16xf32>,
      %add3A_374 = arith.constant 160 : i32
      %add3A_375 = vector.broadcast %add3A_374 : i32 to vector<16xi32>
      %add3A_376 = arith.addi %add3A_334, %add3A_375 : vector<16xi32>
      %gather3A_377 = tpu.vector_load_idx %arg14[%add3A_376] : memref<4096xf32, #tpu.memory_space<vmem>>[vector<16xi32>], vector<16xf32>,
      %add3A_378 = arith.constant 176 : i32
      %add3A_379 = vector.broadcast %add3A_378 : i32 to vector<16xi32>
      %add3A_380 = arith.addi %add3A_334, %add3A_379 : vector<16xi32>
      %gather3A_381 = tpu.vector_load_idx %arg14[%add3A_380] : memref<4096xf32, #tpu.memory_space<vmem>>[vector<16xi32>], vector<16xf32>,
      %add3A_382 = arith.constant 192 : i32
      %add3A_383 = vector.broadcast %add3A_382 : i32 to vector<16xi32>
      %add3A_384 = arith.addi %add3A_334, %add3A_383 : vector<16xi32>
      %gather3A_385 = tpu.vector_load_idx %arg14[%add3A_384] : memref<4096xf32, #tpu.memory_space<vmem>>[vector<16xi32>], vector<16xf32>,
      %add3A_386 = arith.constant 208 : i32
      %add3A_387 = vector.broadcast %add3A_386 : i32 to vector<16xi32>
      %add3A_388 = arith.addi %add3A_334, %add3A_387 : vector<16xi32>
      %gather3A_389 = tpu.vector_load_idx %arg14[%add3A_388] : memref<4096xf32, #tpu.memory_space<vmem>>[vector<16xi32>], vector<16xf32>,
      %add3A_390 = arith.constant 224 : i32
      %add3A_391 = vector.broadcast %add3A_390 : i32 to vector<16xi32>
      %add3A_392 = arith.addi %add3A_334, %add3A_391 : vector<16xi32>
      %gather3A_393 = tpu.vector_load_idx %arg14[%add3A_392] : memref<4096xf32, #tpu.memory_space<vmem>>[vector<16xi32>], vector<16xf32>,
      %add3A_394 = arith.constant 240 : i32
      %add3A_395 = vector.broadcast %add3A_394 : i32 to vector<16xi32>
      %add3A_396 = arith.addi %add3A_334, %add3A_395 : vector<16xi32>
      %gather3A_397 = tpu.vector_load_idx %arg14[%add3A_396] : memref<4096xf32, #tpu.memory_space<vmem>>[vector<16xi32>], vector<16xf32>,
      %add3A_398 = arith.constant 1 : i32
      %add3A_399 = arith.addi %mul3A_327, %add3A_398 : i32
      %mul3A_400 = arith.constant 16 : i32
      %mul3A_401 = arith.muli %add3A_399, %mul3A_400 : i32
      %get3A_402 = arith.index_cast %mul3A_401 : i32 to index
      %get3A_403 = tpu.vector_load %arg10[%get3A_402] {strides = array<i32>} : memref<2048xi32, #tpu.memory_space<vmem>>, vector<16xi32>,
      %mul3A_404 = arith.constant 256 : i32
      %mul3A_405 = vector.broadcast %mul3A_404 : i32 to vector<16xi32>
      %mul3A_406 = arith.muli %get3A_403, %mul3A_405 : vector<16xi32>
      %add3A_407 = arith.addi %mul3A_406, %iota3A : vector<16xi32>
      %add3A_408 = arith.constant 0 : i32
      %add3A_409 = vector.broadcast %add3A_408 : i32 to vector<16xi32>
      %add3A_410 = arith.addi %add3A_407, %add3A_409 : vector<16xi32>
      %gather3A_411 = tpu.vector_load_idx %arg14[%add3A_410] : memref<4096xf32, #tpu.memory_space<vmem>>[vector<16xi32>], vector<16xf32>,
      %add3A_412 = arith.constant 16 : i32
      %add3A_413 = vector.broadcast %add3A_412 : i32 to vector<16xi32>
      %add3A_414 = arith.addi %add3A_407, %add3A_413 : vector<16xi32>
      %gather3A_415 = tpu.vector_load_idx %arg14[%add3A_414] : memref<4096xf32, #tpu.memory_space<vmem>>[vector<16xi32>], vector<16xf32>,
      %add3A_416 = arith.constant 32 : i32
      %add3A_417 = vector.broadcast %add3A_416 : i32 to vector<16xi32>
      %add3A_418 = arith.addi %add3A_407, %add3A_417 : vector<16xi32>
      %gather3A_419 = tpu.vector_load_idx %arg14[%add3A_418] : memref<4096xf32, #tpu.memory_space<vmem>>[vector<16xi32>], vector<16xf32>,
      %add3A_420 = arith.constant 48 : i32
      %add3A_421 = vector.broadcast %add3A_420 : i32 to vector<16xi32>
      %add3A_422 = arith.addi %add3A_407, %add3A_421 : vector<16xi32>
      %gather3A_423 = tpu.vector_load_idx %arg14[%add3A_422] : memref<4096xf32, #tpu.memory_space<vmem>>[vector<16xi32>], vector<16xf32>,
      %add3A_424 = arith.constant 64 : i32
      %add3A_425 = vector.broadcast %add3A_424 : i32 to vector<16xi32>
      %add3A_426 = arith.addi %add3A_407, %add3A_425 : vector<16xi32>
      %gather3A_427 = tpu.vector_load_idx %arg14[%add3A_426] : memref<4096xf32, #tpu.memory_space<vmem>>[vector<16xi32>], vector<16xf32>,
      %add3A_428 = arith.constant 80 : i32
      %add3A_429 = vector.broadcast %add3A_428 : i32 to vector<16xi32>
      %add3A_430 = arith.addi %add3A_407, %add3A_429 : vector<16xi32>
      %gather3A_431 = tpu.vector_load_idx %arg14[%add3A_430] : memref<4096xf32, #tpu.memory_space<vmem>>[vector<16xi32>], vector<16xf32>,
      %add3A_432 = arith.constant 96 : i32
      %add3A_433 = vector.broadcast %add3A_432 : i32 to vector<16xi32>
      %add3A_434 = arith.addi %add3A_407, %add3A_433 : vector<16xi32>
      %gather3A_435 = tpu.vector_load_idx %arg14[%add3A_434] : memref<4096xf32, #tpu.memory_space<vmem>>[vector<16xi32>], vector<16xf32>,
      %add3A_436 = arith.constant 112 : i32
      %add3A_437 = vector.broadcast %add3A_436 : i32 to vector<16xi32>
      %add3A_438 = arith.addi %add3A_407, %add3A_437 : vector<16xi32>
      %gather3A_439 = tpu.vector_load_idx %arg14[%add3A_438] : memref<4096xf32, #tpu.memory_space<vmem>>[vector<16xi32>], vector<16xf32>,
      %add3A_440 = arith.constant 128 : i32
      %add3A_441 = vector.broadcast %add3A_440 : i32 to vector<16xi32>
      %add3A_442 = arith.addi %add3A_407, %add3A_441 : vector<16xi32>
      %gather3A_443 = tpu.vector_load_idx %arg14[%add3A_442] : memref<4096xf32, #tpu.memory_space<vmem>>[vector<16xi32>], vector<16xf32>,
      %add3A_444 = arith.constant 144 : i32
      %add3A_445 = vector.broadcast %add3A_444 : i32 to vector<16xi32>
      %add3A_446 = arith.addi %add3A_407, %add3A_445 : vector<16xi32>
      %gather3A_447 = tpu.vector_load_idx %arg14[%add3A_446] : memref<4096xf32, #tpu.memory_space<vmem>>[vector<16xi32>], vector<16xf32>,
      %add3A_448 = arith.constant 160 : i32
      %add3A_449 = vector.broadcast %add3A_448 : i32 to vector<16xi32>
      %add3A_450 = arith.addi %add3A_407, %add3A_449 : vector<16xi32>
      %gather3A_451 = tpu.vector_load_idx %arg14[%add3A_450] : memref<4096xf32, #tpu.memory_space<vmem>>[vector<16xi32>], vector<16xf32>,
      %add3A_452 = arith.constant 176 : i32
      %add3A_453 = vector.broadcast %add3A_452 : i32 to vector<16xi32>
      %add3A_454 = arith.addi %add3A_407, %add3A_453 : vector<16xi32>
      %gather3A_455 = tpu.vector_load_idx %arg14[%add3A_454] : memref<4096xf32, #tpu.memory_space<vmem>>[vector<16xi32>], vector<16xf32>,
      %add3A_456 = arith.constant 192 : i32
      %add3A_457 = vector.broadcast %add3A_456 : i32 to vector<16xi32>
      %add3A_458 = arith.addi %add3A_407, %add3A_457 : vector<16xi32>
      %gather3A_459 = tpu.vector_load_idx %arg14[%add3A_458] : memref<4096xf32, #tpu.memory_space<vmem>>[vector<16xi32>], vector<16xf32>,
      %add3A_460 = arith.constant 208 : i32
      %add3A_461 = vector.broadcast %add3A_460 : i32 to vector<16xi32>
      %add3A_462 = arith.addi %add3A_407, %add3A_461 : vector<16xi32>
      %gather3A_463 = tpu.vector_load_idx %arg14[%add3A_462] : memref<4096xf32, #tpu.memory_space<vmem>>[vector<16xi32>], vector<16xf32>,
      %add3A_464 = arith.constant 224 : i32
      %add3A_465 = vector.broadcast %add3A_464 : i32 to vector<16xi32>
      %add3A_466 = arith.addi %add3A_407, %add3A_465 : vector<16xi32>
      %gather3A_467 = tpu.vector_load_idx %arg14[%add3A_466] : memref<4096xf32, #tpu.memory_space<vmem>>[vector<16xi32>], vector<16xf32>,
      %add3A_468 = arith.constant 240 : i32
      %add3A_469 = vector.broadcast %add3A_468 : i32 to vector<16xi32>
      %add3A_470 = arith.addi %add3A_407, %add3A_469 : vector<16xi32>
      %gather3A_471 = tpu.vector_load_idx %arg14[%add3A_470] : memref<4096xf32, #tpu.memory_space<vmem>>[vector<16xi32>], vector<16xf32>,
      %add3A_472 = arith.constant 1 : i32
      %add3A_473 = arith.addi %mul3A_327, %add3A_472 : i32
      %sub3A_474 = arith.constant 1 : i32
      %sub3A_475 = arith.subi %add3A_473, %sub3A_474 : i32
      %jit3A_476 = arith.constant 8 : i32
      %div3A_477 = arith.divsi %sub3A_475, %jit3A_476 : i32
      %sign3A_478 = arith.constant 0 : i32
      %sign3A_479 = arith.cmpi sgt, %sub3A_475, %sign3A_478 : i32
      %sign3A_480 = arith.extui %sign3A_479 : i1 to i32
      %sign3A_481 = arith.constant 0 : i32
      %sign3A_482 = arith.cmpi slt, %sub3A_475, %sign3A_481 : i32
      %sign3A_483 = arith.extui %sign3A_482 : i1 to i32
      %sign3A_484 = arith.subi %sign3A_480, %sign3A_483 : i32
      %sign3A_485 = arith.constant 0 : i32
      %sign3A_486 = arith.cmpi sgt, %jit3A_476, %sign3A_485 : i32
      %sign3A_487 = arith.extui %sign3A_486 : i1 to i32
      %sign3A_488 = arith.constant 0 : i32
      %sign3A_489 = arith.cmpi slt, %jit3A_476, %sign3A_488 : i32
      %sign3A_490 = arith.extui %sign3A_489 : i1 to i32
      %sign3A_491 = arith.subi %sign3A_487, %sign3A_490 : i32
      %ne3A_492 = arith.cmpi ne, %sign3A_484, %sign3A_491 : i32
      %rem3A_493 = arith.remsi %sub3A_475, %jit3A_476 : i32
      %ne3A_494 = arith.constant 0 : i32
      %ne3A_495 = arith.cmpi ne, %rem3A_493, %ne3A_494 : i32
      %and3A_496 = arith.andi %ne3A_492, %ne3A_495 : i1
      %sub3A_497 = arith.constant 1 : i32
      %sub3A_498 = arith.subi %div3A_477, %sub3A_497 : i32
      %select_n3A_499 = arith.select %and3A_496, %sub3A_498, %div3A_477 : i32
      %mul3A_500 = arith.constant 1024 : i32
      %mul3A_501 = arith.muli %select_n3A_499, %mul3A_500 : i32
      %jit3A_502 = arith.constant 8 : i32
      %eq3A = arith.constant 0 : i32
      %eq3A_503 = arith.cmpi eq, %jit3A_502, %eq3A : i32
      %jit3A_504 = arith.constant 1 : i32
      %select_n3A_505 = arith.select %eq3A_503, %jit3A_504, %jit3A_502 : i32
      %rem3A_506 = arith.remsi %sub3A_475, %select_n3A_505 : i32
      %ne3A_507 = arith.constant 0 : i32
      %ne3A_508 = arith.cmpi ne, %rem3A_506, %ne3A_507 : i32
      %lt3A_509 = arith.constant 0 : i32
      %lt3A_510 = arith.cmpi slt, %rem3A_506, %lt3A_509 : i32
      %lt3A_511 = arith.constant 0 : i32
      %lt3A_512 = arith.cmpi slt, %select_n3A_505, %lt3A_511 : i32
      %ne3A_513 = arith.xori %lt3A_510, %lt3A_512 : i1
      %and3A_514 = arith.andi %ne3A_513, %ne3A_508 : i1
      %add3A_515 = arith.addi %rem3A_506, %select_n3A_505 : i32
      %select_n3A_516 = arith.select %and3A_514, %add3A_515, %rem3A_506 : i32
      %mul3A_517 = arith.constant 16 : i32
      %mul3A_518 = arith.muli %select_n3A_516, %mul3A_517 : i32
      %add3A_519 = arith.addi %mul3A_501, %mul3A_518 : i32
      %add3A_520 = arith.constant 0 : i32
      %add3A_521 = arith.addi %add3A_519, %add3A_520 : i32
      %add3A_522 = arith.constant 0 : i32
      %add3A_523 = arith.addi %add3A_521, %add3A_522 : i32
      %swap3A = arith.index_cast %add3A_523 : i32 to index
      %swap3A_524 = tpu.vector_load %arg12[%swap3A] {strides = array<i32>} : memref<32768xf32, #tpu.memory_space<vmem>>, vector<16xf32>,
      tpu.vector_store %arg12[%swap3A], %gather3A {strides = array<i32>} : memref<32768xf32, #tpu.memory_space<vmem>>, vector<16xf32>,
      %add3A_525 = arith.constant 0 : i32
      %add3A_526 = arith.addi %add3A_519, %add3A_525 : i32
      %add3A_527 = arith.constant 128 : i32
      %add3A_528 = arith.addi %add3A_526, %add3A_527 : i32
      %swap3A_529 = arith.index_cast %add3A_528 : i32 to index
      %swap3A_530 = tpu.vector_load %arg12[%swap3A_529] {strides = array<i32>} : memref<32768xf32, #tpu.memory_space<vmem>>, vector<16xf32>,
      tpu.vector_store %arg12[%swap3A_529], %gather3A_341 {strides = array<i32>} : memref<32768xf32, #tpu.memory_space<vmem>>, vector<16xf32>,
      %add3A_531 = arith.constant 0 : i32
      %add3A_532 = arith.addi %add3A_519, %add3A_531 : i32
      %add3A_533 = arith.constant 256 : i32
      %add3A_534 = arith.addi %add3A_532, %add3A_533 : i32
      %swap3A_535 = arith.index_cast %add3A_534 : i32 to index
      %swap3A_536 = tpu.vector_load %arg12[%swap3A_535] {strides = array<i32>} : memref<32768xf32, #tpu.memory_space<vmem>>, vector<16xf32>,
      tpu.vector_store %arg12[%swap3A_535], %gather3A_345 {strides = array<i32>} : memref<32768xf32, #tpu.memory_space<vmem>>, vector<16xf32>,
      %add3A_537 = arith.constant 0 : i32
      %add3A_538 = arith.addi %add3A_519, %add3A_537 : i32
      %add3A_539 = arith.constant 384 : i32
      %add3A_540 = arith.addi %add3A_538, %add3A_539 : i32
      %swap3A_541 = arith.index_cast %add3A_540 : i32 to index
      %swap3A_542 = tpu.vector_load %arg12[%swap3A_541] {strides = array<i32>} : memref<32768xf32, #tpu.memory_space<vmem>>, vector<16xf32>,
      tpu.vector_store %arg12[%swap3A_541], %gather3A_349 {strides = array<i32>} : memref<32768xf32, #tpu.memory_space<vmem>>, vector<16xf32>,
      %add3A_543 = arith.constant 0 : i32
      %add3A_544 = arith.addi %add3A_519, %add3A_543 : i32
      %add3A_545 = arith.constant 512 : i32
      %add3A_546 = arith.addi %add3A_544, %add3A_545 : i32
      %swap3A_547 = arith.index_cast %add3A_546 : i32 to index
      %swap3A_548 = tpu.vector_load %arg12[%swap3A_547] {strides = array<i32>} : memref<32768xf32, #tpu.memory_space<vmem>>, vector<16xf32>,
      tpu.vector_store %arg12[%swap3A_547], %gather3A_353 {strides = array<i32>} : memref<32768xf32, #tpu.memory_space<vmem>>, vector<16xf32>,
      %add3A_549 = arith.constant 0 : i32
      %add3A_550 = arith.addi %add3A_519, %add3A_549 : i32
      %add3A_551 = arith.constant 640 : i32
      %add3A_552 = arith.addi %add3A_550, %add3A_551 : i32
      %swap3A_553 = arith.index_cast %add3A_552 : i32 to index
      %swap3A_554 = tpu.vector_load %arg12[%swap3A_553] {strides = array<i32>} : memref<32768xf32, #tpu.memory_space<vmem>>, vector<16xf32>,
      tpu.vector_store %arg12[%swap3A_553], %gather3A_357 {strides = array<i32>} : memref<32768xf32, #tpu.memory_space<vmem>>, vector<16xf32>,
      %add3A_555 = arith.constant 0 : i32
      %add3A_556 = arith.addi %add3A_519, %add3A_555 : i32
      %add3A_557 = arith.constant 768 : i32
      %add3A_558 = arith.addi %add3A_556, %add3A_557 : i32
      %swap3A_559 = arith.index_cast %add3A_558 : i32 to index
      %swap3A_560 = tpu.vector_load %arg12[%swap3A_559] {strides = array<i32>} : memref<32768xf32, #tpu.memory_space<vmem>>, vector<16xf32>,
      tpu.vector_store %arg12[%swap3A_559], %gather3A_361 {strides = array<i32>} : memref<32768xf32, #tpu.memory_space<vmem>>, vector<16xf32>,
      %add3A_561 = arith.constant 0 : i32
      %add3A_562 = arith.addi %add3A_519, %add3A_561 : i32
      %add3A_563 = arith.constant 896 : i32
      %add3A_564 = arith.addi %add3A_562, %add3A_563 : i32
      %swap3A_565 = arith.index_cast %add3A_564 : i32 to index
      %swap3A_566 = tpu.vector_load %arg12[%swap3A_565] {strides = array<i32>} : memref<32768xf32, #tpu.memory_space<vmem>>, vector<16xf32>,
      tpu.vector_store %arg12[%swap3A_565], %gather3A_365 {strides = array<i32>} : memref<32768xf32, #tpu.memory_space<vmem>>, vector<16xf32>,
      %add3A_567 = arith.constant 16384 : i32
      %add3A_568 = arith.addi %add3A_519, %add3A_567 : i32
      %add3A_569 = arith.constant 0 : i32
      %add3A_570 = arith.addi %add3A_568, %add3A_569 : i32
      %swap3A_571 = arith.index_cast %add3A_570 : i32 to index
      %swap3A_572 = tpu.vector_load %arg12[%swap3A_571] {strides = array<i32>} : memref<32768xf32, #tpu.memory_space<vmem>>, vector<16xf32>,
      tpu.vector_store %arg12[%swap3A_571], %gather3A_369 {strides = array<i32>} : memref<32768xf32, #tpu.memory_space<vmem>>, vector<16xf32>,
      %add3A_573 = arith.constant 16384 : i32
      %add3A_574 = arith.addi %add3A_519, %add3A_573 : i32
      %add3A_575 = arith.constant 128 : i32
      %add3A_576 = arith.addi %add3A_574, %add3A_575 : i32
      %swap3A_577 = arith.index_cast %add3A_576 : i32 to index
      %swap3A_578 = tpu.vector_load %arg12[%swap3A_577] {strides = array<i32>} : memref<32768xf32, #tpu.memory_space<vmem>>, vector<16xf32>,
      tpu.vector_store %arg12[%swap3A_577], %gather3A_373 {strides = array<i32>} : memref<32768xf32, #tpu.memory_space<vmem>>, vector<16xf32>,
      %add3A_579 = arith.constant 16384 : i32
      %add3A_580 = arith.addi %add3A_519, %add3A_579 : i32
      %add3A_581 = arith.constant 256 : i32
      %add3A_582 = arith.addi %add3A_580, %add3A_581 : i32
      %swap3A_583 = arith.index_cast %add3A_582 : i32 to index
      %swap3A_584 = tpu.vector_load %arg12[%swap3A_583] {strides = array<i32>} : memref<32768xf32, #tpu.memory_space<vmem>>, vector<16xf32>,
      tpu.vector_store %arg12[%swap3A_583], %gather3A_377 {strides = array<i32>} : memref<32768xf32, #tpu.memory_space<vmem>>, vector<16xf32>,
      %add3A_585 = arith.constant 16384 : i32
      %add3A_586 = arith.addi %add3A_519, %add3A_585 : i32
      %add3A_587 = arith.constant 384 : i32
      %add3A_588 = arith.addi %add3A_586, %add3A_587 : i32
      %swap3A_589 = arith.index_cast %add3A_588 : i32 to index
      %swap3A_590 = tpu.vector_load %arg12[%swap3A_589] {strides = array<i32>} : memref<32768xf32, #tpu.memory_space<vmem>>, vector<16xf32>,
      tpu.vector_store %arg12[%swap3A_589], %gather3A_381 {strides = array<i32>} : memref<32768xf32, #tpu.memory_space<vmem>>, vector<16xf32>,
      %add3A_591 = arith.constant 16384 : i32
      %add3A_592 = arith.addi %add3A_519, %add3A_591 : i32
      %add3A_593 = arith.constant 512 : i32
      %add3A_594 = arith.addi %add3A_592, %add3A_593 : i32
      %swap3A_595 = arith.index_cast %add3A_594 : i32 to index
      %swap3A_596 = tpu.vector_load %arg12[%swap3A_595] {strides = array<i32>} : memref<32768xf32, #tpu.memory_space<vmem>>, vector<16xf32>,
      tpu.vector_store %arg12[%swap3A_595], %gather3A_385 {strides = array<i32>} : memref<32768xf32, #tpu.memory_space<vmem>>, vector<16xf32>,
      %add3A_597 = arith.constant 16384 : i32
      %add3A_598 = arith.addi %add3A_519, %add3A_597 : i32
      %add3A_599 = arith.constant 640 : i32
      %add3A_600 = arith.addi %add3A_598, %add3A_599 : i32
      %swap3A_601 = arith.index_cast %add3A_600 : i32 to index
      %swap3A_602 = tpu.vector_load %arg12[%swap3A_601] {strides = array<i32>} : memref<32768xf32, #tpu.memory_space<vmem>>, vector<16xf32>,
      tpu.vector_store %arg12[%swap3A_601], %gather3A_389 {strides = array<i32>} : memref<32768xf32, #tpu.memory_space<vmem>>, vector<16xf32>,
      %add3A_603 = arith.constant 16384 : i32
      %add3A_604 = arith.addi %add3A_519, %add3A_603 : i32
      %add3A_605 = arith.constant 768 : i32
      %add3A_606 = arith.addi %add3A_604, %add3A_605 : i32
      %swap3A_607 = arith.index_cast %add3A_606 : i32 to index
      %swap3A_608 = tpu.vector_load %arg12[%swap3A_607] {strides = array<i32>} : memref<32768xf32, #tpu.memory_space<vmem>>, vector<16xf32>,
      tpu.vector_store %arg12[%swap3A_607], %gather3A_393 {strides = array<i32>} : memref<32768xf32, #tpu.memory_space<vmem>>, vector<16xf32>,
      %add3A_609 = arith.constant 16384 : i32
      %add3A_610 = arith.addi %add3A_519, %add3A_609 : i32
      %add3A_611 = arith.constant 896 : i32
      %add3A_612 = arith.addi %add3A_610, %add3A_611 : i32
      %swap3A_613 = arith.index_cast %add3A_612 : i32 to index
      %swap3A_614 = tpu.vector_load %arg12[%swap3A_613] {strides = array<i32>} : memref<32768xf32, #tpu.memory_space<vmem>>, vector<16xf32>,
      tpu.vector_store %arg12[%swap3A_613], %gather3A_397 {strides = array<i32>} : memref<32768xf32, #tpu.memory_space<vmem>>, vector<16xf32>,
      %add3A_615 = arith.constant 2 : i32
      %add3A_616 = arith.addi %mul3A_327, %add3A_615 : i32
      %mul3A_617 = arith.constant 16 : i32
      %mul3A_618 = arith.muli %add3A_616, %mul3A_617 : i32
      %get3A_619 = arith.index_cast %mul3A_618 : i32 to index
      %get3A_620 = tpu.vector_load %arg10[%get3A_619] {strides = array<i32>} : memref<2048xi32, #tpu.memory_space<vmem>>, vector<16xi32>,
      %mul3A_621 = arith.constant 256 : i32
      %mul3A_622 = vector.broadcast %mul3A_621 : i32 to vector<16xi32>
      %mul3A_623 = arith.muli %get3A_620, %mul3A_622 : vector<16xi32>
      %add3A_624 = arith.addi %mul3A_623, %iota3A : vector<16xi32>
      %add3A_625 = arith.constant 0 : i32
      %add3A_626 = vector.broadcast %add3A_625 : i32 to vector<16xi32>
      %add3A_627 = arith.addi %add3A_624, %add3A_626 : vector<16xi32>
      %gather3A_628 = tpu.vector_load_idx %arg14[%add3A_627] : memref<4096xf32, #tpu.memory_space<vmem>>[vector<16xi32>], vector<16xf32>,
      %add3A_629 = arith.constant 16 : i32
      %add3A_630 = vector.broadcast %add3A_629 : i32 to vector<16xi32>
      %add3A_631 = arith.addi %add3A_624, %add3A_630 : vector<16xi32>
      %gather3A_632 = tpu.vector_load_idx %arg14[%add3A_631] : memref<4096xf32, #tpu.memory_space<vmem>>[vector<16xi32>], vector<16xf32>,
      %add3A_633 = arith.constant 32 : i32
      %add3A_634 = vector.broadcast %add3A_633 : i32 to vector<16xi32>
      %add3A_635 = arith.addi %add3A_624, %add3A_634 : vector<16xi32>
      %gather3A_636 = tpu.vector_load_idx %arg14[%add3A_635] : memref<4096xf32, #tpu.memory_space<vmem>>[vector<16xi32>], vector<16xf32>,
      %add3A_637 = arith.constant 48 : i32
      %add3A_638 = vector.broadcast %add3A_637 : i32 to vector<16xi32>
      %add3A_639 = arith.addi %add3A_624, %add3A_638 : vector<16xi32>
      %gather3A_640 = tpu.vector_load_idx %arg14[%add3A_639] : memref<4096xf32, #tpu.memory_space<vmem>>[vector<16xi32>], vector<16xf32>,
      %add3A_641 = arith.constant 64 : i32
      %add3A_642 = vector.broadcast %add3A_641 : i32 to vector<16xi32>
      %add3A_643 = arith.addi %add3A_624, %add3A_642 : vector<16xi32>
      %gather3A_644 = tpu.vector_load_idx %arg14[%add3A_643] : memref<4096xf32, #tpu.memory_space<vmem>>[vector<16xi32>], vector<16xf32>,
      %add3A_645 = arith.constant 80 : i32
      %add3A_646 = vector.broadcast %add3A_645 : i32 to vector<16xi32>
      %add3A_647 = arith.addi %add3A_624, %add3A_646 : vector<16xi32>
      %gather3A_648 = tpu.vector_load_idx %arg14[%add3A_647] : memref<4096xf32, #tpu.memory_space<vmem>>[vector<16xi32>], vector<16xf32>,
      %add3A_649 = arith.constant 96 : i32
      %add3A_650 = vector.broadcast %add3A_649 : i32 to vector<16xi32>
      %add3A_651 = arith.addi %add3A_624, %add3A_650 : vector<16xi32>
      %gather3A_652 = tpu.vector_load_idx %arg14[%add3A_651] : memref<4096xf32, #tpu.memory_space<vmem>>[vector<16xi32>], vector<16xf32>,
      %add3A_653 = arith.constant 112 : i32
      %add3A_654 = vector.broadcast %add3A_653 : i32 to vector<16xi32>
      %add3A_655 = arith.addi %add3A_624, %add3A_654 : vector<16xi32>
      %gather3A_656 = tpu.vector_load_idx %arg14[%add3A_655] : memref<4096xf32, #tpu.memory_space<vmem>>[vector<16xi32>], vector<16xf32>,
      %add3A_657 = arith.constant 128 : i32
      %add3A_658 = vector.broadcast %add3A_657 : i32 to vector<16xi32>
      %add3A_659 = arith.addi %add3A_624, %add3A_658 : vector<16xi32>
      %gather3A_660 = tpu.vector_load_idx %arg14[%add3A_659] : memref<4096xf32, #tpu.memory_space<vmem>>[vector<16xi32>], vector<16xf32>,
      %add3A_661 = arith.constant 144 : i32
      %add3A_662 = vector.broadcast %add3A_661 : i32 to vector<16xi32>
      %add3A_663 = arith.addi %add3A_624, %add3A_662 : vector<16xi32>
      %gather3A_664 = tpu.vector_load_idx %arg14[%add3A_663] : memref<4096xf32, #tpu.memory_space<vmem>>[vector<16xi32>], vector<16xf32>,
      %add3A_665 = arith.constant 160 : i32
      %add3A_666 = vector.broadcast %add3A_665 : i32 to vector<16xi32>
      %add3A_667 = arith.addi %add3A_624, %add3A_666 : vector<16xi32>
      %gather3A_668 = tpu.vector_load_idx %arg14[%add3A_667] : memref<4096xf32, #tpu.memory_space<vmem>>[vector<16xi32>], vector<16xf32>,
      %add3A_669 = arith.constant 176 : i32
      %add3A_670 = vector.broadcast %add3A_669 : i32 to vector<16xi32>
      %add3A_671 = arith.addi %add3A_624, %add3A_670 : vector<16xi32>
      %gather3A_672 = tpu.vector_load_idx %arg14[%add3A_671] : memref<4096xf32, #tpu.memory_space<vmem>>[vector<16xi32>], vector<16xf32>,
      %add3A_673 = arith.constant 192 : i32
      %add3A_674 = vector.broadcast %add3A_673 : i32 to vector<16xi32>
      %add3A_675 = arith.addi %add3A_624, %add3A_674 : vector<16xi32>
      %gather3A_676 = tpu.vector_load_idx %arg14[%add3A_675] : memref<4096xf32, #tpu.memory_space<vmem>>[vector<16xi32>], vector<16xf32>,
      %add3A_677 = arith.constant 208 : i32
      %add3A_678 = vector.broadcast %add3A_677 : i32 to vector<16xi32>
      %add3A_679 = arith.addi %add3A_624, %add3A_678 : vector<16xi32>
      %gather3A_680 = tpu.vector_load_idx %arg14[%add3A_679] : memref<4096xf32, #tpu.memory_space<vmem>>[vector<16xi32>], vector<16xf32>,
      %add3A_681 = arith.constant 224 : i32
      %add3A_682 = vector.broadcast %add3A_681 : i32 to vector<16xi32>
      %add3A_683 = arith.addi %add3A_624, %add3A_682 : vector<16xi32>
      %gather3A_684 = tpu.vector_load_idx %arg14[%add3A_683] : memref<4096xf32, #tpu.memory_space<vmem>>[vector<16xi32>], vector<16xf32>,
      %add3A_685 = arith.constant 240 : i32
      %add3A_686 = vector.broadcast %add3A_685 : i32 to vector<16xi32>
      %add3A_687 = arith.addi %add3A_624, %add3A_686 : vector<16xi32>
      %gather3A_688 = tpu.vector_load_idx %arg14[%add3A_687] : memref<4096xf32, #tpu.memory_space<vmem>>[vector<16xi32>], vector<16xf32>,
      %add3A_689 = arith.constant 2 : i32
      %add3A_690 = arith.addi %mul3A_327, %add3A_689 : i32
      %sub3A_691 = arith.constant 1 : i32
      %sub3A_692 = arith.subi %add3A_690, %sub3A_691 : i32
      %jit3A_693 = arith.constant 8 : i32
      %div3A_694 = arith.divsi %sub3A_692, %jit3A_693 : i32
      %sign3A_695 = arith.constant 0 : i32
      %sign3A_696 = arith.cmpi sgt, %sub3A_692, %sign3A_695 : i32
      %sign3A_697 = arith.extui %sign3A_696 : i1 to i32
      %sign3A_698 = arith.constant 0 : i32
      %sign3A_699 = arith.cmpi slt, %sub3A_692, %sign3A_698 : i32
      %sign3A_700 = arith.extui %sign3A_699 : i1 to i32
      %sign3A_701 = arith.subi %sign3A_697, %sign3A_700 : i32
      %sign3A_702 = arith.constant 0 : i32
      %sign3A_703 = arith.cmpi sgt, %jit3A_693, %sign3A_702 : i32
      %sign3A_704 = arith.extui %sign3A_703 : i1 to i32
      %sign3A_705 = arith.constant 0 : i32
      %sign3A_706 = arith.cmpi slt, %jit3A_693, %sign3A_705 : i32
      %sign3A_707 = arith.extui %sign3A_706 : i1 to i32
      %sign3A_708 = arith.subi %sign3A_704, %sign3A_707 : i32
      %ne3A_709 = arith.cmpi ne, %sign3A_701, %sign3A_708 : i32
      %rem3A_710 = arith.remsi %sub3A_692, %jit3A_693 : i32
      %ne3A_711 = arith.constant 0 : i32
      %ne3A_712 = arith.cmpi ne, %rem3A_710, %ne3A_711 : i32
      %and3A_713 = arith.andi %ne3A_709, %ne3A_712 : i1
      %sub3A_714 = arith.constant 1 : i32
      %sub3A_715 = arith.subi %div3A_694, %sub3A_714 : i32
      %select_n3A_716 = arith.select %and3A_713, %sub3A_715, %div3A_694 : i32
      %mul3A_717 = arith.constant 1024 : i32
      %mul3A_718 = arith.muli %select_n3A_716, %mul3A_717 : i32
      %jit3A_719 = arith.constant 8 : i32
      %eq3A_720 = arith.constant 0 : i32
      %eq3A_721 = arith.cmpi eq, %jit3A_719, %eq3A_720 : i32
      %jit3A_722 = arith.constant 1 : i32
      %select_n3A_723 = arith.select %eq3A_721, %jit3A_722, %jit3A_719 : i32
      %rem3A_724 = arith.remsi %sub3A_692, %select_n3A_723 : i32
      %ne3A_725 = arith.constant 0 : i32
      %ne3A_726 = arith.cmpi ne, %rem3A_724, %ne3A_725 : i32
      %lt3A_727 = arith.constant 0 : i32
      %lt3A_728 = arith.cmpi slt, %rem3A_724, %lt3A_727 : i32
      %lt3A_729 = arith.constant 0 : i32
      %lt3A_730 = arith.cmpi slt, %select_n3A_723, %lt3A_729 : i32
      %ne3A_731 = arith.xori %lt3A_728, %lt3A_730 : i1
      %and3A_732 = arith.andi %ne3A_731, %ne3A_726 : i1
      %add3A_733 = arith.addi %rem3A_724, %select_n3A_723 : i32
      %select_n3A_734 = arith.select %and3A_732, %add3A_733, %rem3A_724 : i32
      %mul3A_735 = arith.constant 16 : i32
      %mul3A_736 = arith.muli %select_n3A_734, %mul3A_735 : i32
      %add3A_737 = arith.addi %mul3A_718, %mul3A_736 : i32
      %add3A_738 = arith.constant 0 : i32
      %add3A_739 = arith.addi %add3A_737, %add3A_738 : i32
      %add3A_740 = arith.constant 0 : i32
      %add3A_741 = arith.addi %add3A_739, %add3A_740 : i32
      %swap3A_742 = arith.index_cast %add3A_741 : i32 to index
      %swap3A_743 = tpu.vector_load %arg12[%swap3A_742] {strides = array<i32>} : memref<32768xf32, #tpu.memory_space<vmem>>, vector<16xf32>,
      tpu.vector_store %arg12[%swap3A_742], %gather3A_411 {strides = array<i32>} : memref<32768xf32, #tpu.memory_space<vmem>>, vector<16xf32>,
      %add3A_744 = arith.constant 0 : i32
      %add3A_745 = arith.addi %add3A_737, %add3A_744 : i32
      %add3A_746 = arith.constant 128 : i32
      %add3A_747 = arith.addi %add3A_745, %add3A_746 : i32
      %swap3A_748 = arith.index_cast %add3A_747 : i32 to index
      %swap3A_749 = tpu.vector_load %arg12[%swap3A_748] {strides = array<i32>} : memref<32768xf32, #tpu.memory_space<vmem>>, vector<16xf32>,
      tpu.vector_store %arg12[%swap3A_748], %gather3A_415 {strides = array<i32>} : memref<32768xf32, #tpu.memory_space<vmem>>, vector<16xf32>,
      %add3A_750 = arith.constant 0 : i32
      %add3A_751 = arith.addi %add3A_737, %add3A_750 : i32
      %add3A_752 = arith.constant 256 : i32
      %add3A_753 = arith.addi %add3A_751, %add3A_752 : i32
      %swap3A_754 = arith.index_cast %add3A_753 : i32 to index
      %swap3A_755 = tpu.vector_load %arg12[%swap3A_754] {strides = array<i32>} : memref<32768xf32, #tpu.memory_space<vmem>>, vector<16xf32>,
      tpu.vector_store %arg12[%swap3A_754], %gather3A_419 {strides = array<i32>} : memref<32768xf32, #tpu.memory_space<vmem>>, vector<16xf32>,
      %add3A_756 = arith.constant 0 : i32
      %add3A_757 = arith.addi %add3A_737, %add3A_756 : i32
      %add3A_758 = arith.constant 384 : i32
      %add3A_759 = arith.addi %add3A_757, %add3A_758 : i32
      %swap3A_760 = arith.index_cast %add3A_759 : i32 to index
      %swap3A_761 = tpu.vector_load %arg12[%swap3A_760] {strides = array<i32>} : memref<32768xf32, #tpu.memory_space<vmem>>, vector<16xf32>,
      tpu.vector_store %arg12[%swap3A_760], %gather3A_423 {strides = array<i32>} : memref<32768xf32, #tpu.memory_space<vmem>>, vector<16xf32>,
      %add3A_762 = arith.constant 0 : i32
      %add3A_763 = arith.addi %add3A_737, %add3A_762 : i32
      %add3A_764 = arith.constant 512 : i32
      %add3A_765 = arith.addi %add3A_763, %add3A_764 : i32
      %swap3A_766 = arith.index_cast %add3A_765 : i32 to index
      %swap3A_767 = tpu.vector_load %arg12[%swap3A_766] {strides = array<i32>} : memref<32768xf32, #tpu.memory_space<vmem>>, vector<16xf32>,
      tpu.vector_store %arg12[%swap3A_766], %gather3A_427 {strides = array<i32>} : memref<32768xf32, #tpu.memory_space<vmem>>, vector<16xf32>,
      %add3A_768 = arith.constant 0 : i32
      %add3A_769 = arith.addi %add3A_737, %add3A_768 : i32
      %add3A_770 = arith.constant 640 : i32
      %add3A_771 = arith.addi %add3A_769, %add3A_770 : i32
      %swap3A_772 = arith.index_cast %add3A_771 : i32 to index
      %swap3A_773 = tpu.vector_load %arg12[%swap3A_772] {strides = array<i32>} : memref<32768xf32, #tpu.memory_space<vmem>>, vector<16xf32>,
      tpu.vector_store %arg12[%swap3A_772], %gather3A_431 {strides = array<i32>} : memref<32768xf32, #tpu.memory_space<vmem>>, vector<16xf32>,
      %add3A_774 = arith.constant 0 : i32
      %add3A_775 = arith.addi %add3A_737, %add3A_774 : i32
      %add3A_776 = arith.constant 768 : i32
      %add3A_777 = arith.addi %add3A_775, %add3A_776 : i32
      %swap3A_778 = arith.index_cast %add3A_777 : i32 to index
      %swap3A_779 = tpu.vector_load %arg12[%swap3A_778] {strides = array<i32>} : memref<32768xf32, #tpu.memory_space<vmem>>, vector<16xf32>,
      tpu.vector_store %arg12[%swap3A_778], %gather3A_435 {strides = array<i32>} : memref<32768xf32, #tpu.memory_space<vmem>>, vector<16xf32>,
      %add3A_780 = arith.constant 0 : i32
      %add3A_781 = arith.addi %add3A_737, %add3A_780 : i32
      %add3A_782 = arith.constant 896 : i32
      %add3A_783 = arith.addi %add3A_781, %add3A_782 : i32
      %swap3A_784 = arith.index_cast %add3A_783 : i32 to index
      %swap3A_785 = tpu.vector_load %arg12[%swap3A_784] {strides = array<i32>} : memref<32768xf32, #tpu.memory_space<vmem>>, vector<16xf32>,
      tpu.vector_store %arg12[%swap3A_784], %gather3A_439 {strides = array<i32>} : memref<32768xf32, #tpu.memory_space<vmem>>, vector<16xf32>,
      %add3A_786 = arith.constant 16384 : i32
      %add3A_787 = arith.addi %add3A_737, %add3A_786 : i32
      %add3A_788 = arith.constant 0 : i32
      %add3A_789 = arith.addi %add3A_787, %add3A_788 : i32
      %swap3A_790 = arith.index_cast %add3A_789 : i32 to index
      %swap3A_791 = tpu.vector_load %arg12[%swap3A_790] {strides = array<i32>} : memref<32768xf32, #tpu.memory_space<vmem>>, vector<16xf32>,
      tpu.vector_store %arg12[%swap3A_790], %gather3A_443 {strides = array<i32>} : memref<32768xf32, #tpu.memory_space<vmem>>, vector<16xf32>,
      %add3A_792 = arith.constant 16384 : i32
      %add3A_793 = arith.addi %add3A_737, %add3A_792 : i32
      %add3A_794 = arith.constant 128 : i32
      %add3A_795 = arith.addi %add3A_793, %add3A_794 : i32
      %swap3A_796 = arith.index_cast %add3A_795 : i32 to index
      %swap3A_797 = tpu.vector_load %arg12[%swap3A_796] {strides = array<i32>} : memref<32768xf32, #tpu.memory_space<vmem>>, vector<16xf32>,
      tpu.vector_store %arg12[%swap3A_796], %gather3A_447 {strides = array<i32>} : memref<32768xf32, #tpu.memory_space<vmem>>, vector<16xf32>,
      %add3A_798 = arith.constant 16384 : i32
      %add3A_799 = arith.addi %add3A_737, %add3A_798 : i32
      %add3A_800 = arith.constant 256 : i32
      %add3A_801 = arith.addi %add3A_799, %add3A_800 : i32
      %swap3A_802 = arith.index_cast %add3A_801 : i32 to index
      %swap3A_803 = tpu.vector_load %arg12[%swap3A_802] {strides = array<i32>} : memref<32768xf32, #tpu.memory_space<vmem>>, vector<16xf32>,
      tpu.vector_store %arg12[%swap3A_802], %gather3A_451 {strides = array<i32>} : memref<32768xf32, #tpu.memory_space<vmem>>, vector<16xf32>,
      %add3A_804 = arith.constant 16384 : i32
      %add3A_805 = arith.addi %add3A_737, %add3A_804 : i32
      %add3A_806 = arith.constant 384 : i32
      %add3A_807 = arith.addi %add3A_805, %add3A_806 : i32
      %swap3A_808 = arith.index_cast %add3A_807 : i32 to index
      %swap3A_809 = tpu.vector_load %arg12[%swap3A_808] {strides = array<i32>} : memref<32768xf32, #tpu.memory_space<vmem>>, vector<16xf32>,
      tpu.vector_store %arg12[%swap3A_808], %gather3A_455 {strides = array<i32>} : memref<32768xf32, #tpu.memory_space<vmem>>, vector<16xf32>,
      %add3A_810 = arith.constant 16384 : i32
      %add3A_811 = arith.addi %add3A_737, %add3A_810 : i32
      %add3A_812 = arith.constant 512 : i32
      %add3A_813 = arith.addi %add3A_811, %add3A_812 : i32
      %swap3A_814 = arith.index_cast %add3A_813 : i32 to index
      %swap3A_815 = tpu.vector_load %arg12[%swap3A_814] {strides = array<i32>} : memref<32768xf32, #tpu.memory_space<vmem>>, vector<16xf32>,
      tpu.vector_store %arg12[%swap3A_814], %gather3A_459 {strides = array<i32>} : memref<32768xf32, #tpu.memory_space<vmem>>, vector<16xf32>,
      %add3A_816 = arith.constant 16384 : i32
      %add3A_817 = arith.addi %add3A_737, %add3A_816 : i32
      %add3A_818 = arith.constant 640 : i32
      %add3A_819 = arith.addi %add3A_817, %add3A_818 : i32
      %swap3A_820 = arith.index_cast %add3A_819 : i32 to index
      %swap3A_821 = tpu.vector_load %arg12[%swap3A_820] {strides = array<i32>} : memref<32768xf32, #tpu.memory_space<vmem>>, vector<16xf32>,
      tpu.vector_store %arg12[%swap3A_820], %gather3A_463 {strides = array<i32>} : memref<32768xf32, #tpu.memory_space<vmem>>, vector<16xf32>,
      %add3A_822 = arith.constant 16384 : i32
      %add3A_823 = arith.addi %add3A_737, %add3A_822 : i32
      %add3A_824 = arith.constant 768 : i32
      %add3A_825 = arith.addi %add3A_823, %add3A_824 : i32
      %swap3A_826 = arith.index_cast %add3A_825 : i32 to index
      %swap3A_827 = tpu.vector_load %arg12[%swap3A_826] {strides = array<i32>} : memref<32768xf32, #tpu.memory_space<vmem>>, vector<16xf32>,
      tpu.vector_store %arg12[%swap3A_826], %gather3A_467 {strides = array<i32>} : memref<32768xf32, #tpu.memory_space<vmem>>, vector<16xf32>,
      %add3A_828 = arith.constant 16384 : i32
      %add3A_829 = arith.addi %add3A_737, %add3A_828 : i32
      %add3A_830 = arith.constant 896 : i32
      %add3A_831 = arith.addi %add3A_829, %add3A_830 : i32
      %swap3A_832 = arith.index_cast %add3A_831 : i32 to index
      %swap3A_833 = tpu.vector_load %arg12[%swap3A_832] {strides = array<i32>} : memref<32768xf32, #tpu.memory_space<vmem>>, vector<16xf32>,
      tpu.vector_store %arg12[%swap3A_832], %gather3A_471 {strides = array<i32>} : memref<32768xf32, #tpu.memory_space<vmem>>, vector<16xf32>,
      %add3A_834 = arith.constant 3 : i32
      %add3A_835 = arith.addi %mul3A_327, %add3A_834 : i32
      %mul3A_836 = arith.constant 16 : i32
      %mul3A_837 = arith.muli %add3A_835, %mul3A_836 : i32
      %get3A_838 = arith.index_cast %mul3A_837 : i32 to index
      %get3A_839 = tpu.vector_load %arg10[%get3A_838] {strides = array<i32>} : memref<2048xi32, #tpu.memory_space<vmem>>, vector<16xi32>,
      %mul3A_840 = arith.constant 256 : i32
      %mul3A_841 = vector.broadcast %mul3A_840 : i32 to vector<16xi32>
      %mul3A_842 = arith.muli %get3A_839, %mul3A_841 : vector<16xi32>
      %add3A_843 = arith.addi %mul3A_842, %iota3A : vector<16xi32>
      %add3A_844 = arith.constant 0 : i32
      %add3A_845 = vector.broadcast %add3A_844 : i32 to vector<16xi32>
      %add3A_846 = arith.addi %add3A_843, %add3A_845 : vector<16xi32>
      %gather3A_847 = tpu.vector_load_idx %arg14[%add3A_846] : memref<4096xf32, #tpu.memory_space<vmem>>[vector<16xi32>], vector<16xf32>,
      %add3A_848 = arith.constant 16 : i32
      %add3A_849 = vector.broadcast %add3A_848 : i32 to vector<16xi32>
      %add3A_850 = arith.addi %add3A_843, %add3A_849 : vector<16xi32>
      %gather3A_851 = tpu.vector_load_idx %arg14[%add3A_850] : memref<4096xf32, #tpu.memory_space<vmem>>[vector<16xi32>], vector<16xf32>,
      %add3A_852 = arith.constant 32 : i32
      %add3A_853 = vector.broadcast %add3A_852 : i32 to vector<16xi32>
      %add3A_854 = arith.addi %add3A_843, %add3A_853 : vector<16xi32>
      %gather3A_855 = tpu.vector_load_idx %arg14[%add3A_854] : memref<4096xf32, #tpu.memory_space<vmem>>[vector<16xi32>], vector<16xf32>,
      %add3A_856 = arith.constant 48 : i32
      %add3A_857 = vector.broadcast %add3A_856 : i32 to vector<16xi32>
      %add3A_858 = arith.addi %add3A_843, %add3A_857 : vector<16xi32>
      %gather3A_859 = tpu.vector_load_idx %arg14[%add3A_858] : memref<4096xf32, #tpu.memory_space<vmem>>[vector<16xi32>], vector<16xf32>,
      %add3A_860 = arith.constant 64 : i32
      %add3A_861 = vector.broadcast %add3A_860 : i32 to vector<16xi32>
      %add3A_862 = arith.addi %add3A_843, %add3A_861 : vector<16xi32>
      %gather3A_863 = tpu.vector_load_idx %arg14[%add3A_862] : memref<4096xf32, #tpu.memory_space<vmem>>[vector<16xi32>], vector<16xf32>,
      %add3A_864 = arith.constant 80 : i32
      %add3A_865 = vector.broadcast %add3A_864 : i32 to vector<16xi32>
      %add3A_866 = arith.addi %add3A_843, %add3A_865 : vector<16xi32>
      %gather3A_867 = tpu.vector_load_idx %arg14[%add3A_866] : memref<4096xf32, #tpu.memory_space<vmem>>[vector<16xi32>], vector<16xf32>,
      %add3A_868 = arith.constant 96 : i32
      %add3A_869 = vector.broadcast %add3A_868 : i32 to vector<16xi32>
      %add3A_870 = arith.addi %add3A_843, %add3A_869 : vector<16xi32>
      %gather3A_871 = tpu.vector_load_idx %arg14[%add3A_870] : memref<4096xf32, #tpu.memory_space<vmem>>[vector<16xi32>], vector<16xf32>,
      %add3A_872 = arith.constant 112 : i32
      %add3A_873 = vector.broadcast %add3A_872 : i32 to vector<16xi32>
      %add3A_874 = arith.addi %add3A_843, %add3A_873 : vector<16xi32>
      %gather3A_875 = tpu.vector_load_idx %arg14[%add3A_874] : memref<4096xf32, #tpu.memory_space<vmem>>[vector<16xi32>], vector<16xf32>,
      %add3A_876 = arith.constant 128 : i32
      %add3A_877 = vector.broadcast %add3A_876 : i32 to vector<16xi32>
      %add3A_878 = arith.addi %add3A_843, %add3A_877 : vector<16xi32>
      %gather3A_879 = tpu.vector_load_idx %arg14[%add3A_878] : memref<4096xf32, #tpu.memory_space<vmem>>[vector<16xi32>], vector<16xf32>,
      %add3A_880 = arith.constant 144 : i32
      %add3A_881 = vector.broadcast %add3A_880 : i32 to vector<16xi32>
      %add3A_882 = arith.addi %add3A_843, %add3A_881 : vector<16xi32>
      %gather3A_883 = tpu.vector_load_idx %arg14[%add3A_882] : memref<4096xf32, #tpu.memory_space<vmem>>[vector<16xi32>], vector<16xf32>,
      %add3A_884 = arith.constant 160 : i32
      %add3A_885 = vector.broadcast %add3A_884 : i32 to vector<16xi32>
      %add3A_886 = arith.addi %add3A_843, %add3A_885 : vector<16xi32>
      %gather3A_887 = tpu.vector_load_idx %arg14[%add3A_886] : memref<4096xf32, #tpu.memory_space<vmem>>[vector<16xi32>], vector<16xf32>,
      %add3A_888 = arith.constant 176 : i32
      %add3A_889 = vector.broadcast %add3A_888 : i32 to vector<16xi32>
      %add3A_890 = arith.addi %add3A_843, %add3A_889 : vector<16xi32>
      %gather3A_891 = tpu.vector_load_idx %arg14[%add3A_890] : memref<4096xf32, #tpu.memory_space<vmem>>[vector<16xi32>], vector<16xf32>,
      %add3A_892 = arith.constant 192 : i32
      %add3A_893 = vector.broadcast %add3A_892 : i32 to vector<16xi32>
      %add3A_894 = arith.addi %add3A_843, %add3A_893 : vector<16xi32>
      %gather3A_895 = tpu.vector_load_idx %arg14[%add3A_894] : memref<4096xf32, #tpu.memory_space<vmem>>[vector<16xi32>], vector<16xf32>,
      %add3A_896 = arith.constant 208 : i32
      %add3A_897 = vector.broadcast %add3A_896 : i32 to vector<16xi32>
      %add3A_898 = arith.addi %add3A_843, %add3A_897 : vector<16xi32>
      %gather3A_899 = tpu.vector_load_idx %arg14[%add3A_898] : memref<4096xf32, #tpu.memory_space<vmem>>[vector<16xi32>], vector<16xf32>,
      %add3A_900 = arith.constant 224 : i32
      %add3A_901 = vector.broadcast %add3A_900 : i32 to vector<16xi32>
      %add3A_902 = arith.addi %add3A_843, %add3A_901 : vector<16xi32>
      %gather3A_903 = tpu.vector_load_idx %arg14[%add3A_902] : memref<4096xf32, #tpu.memory_space<vmem>>[vector<16xi32>], vector<16xf32>,
      %add3A_904 = arith.constant 240 : i32
      %add3A_905 = vector.broadcast %add3A_904 : i32 to vector<16xi32>
      %add3A_906 = arith.addi %add3A_843, %add3A_905 : vector<16xi32>
      %gather3A_907 = tpu.vector_load_idx %arg14[%add3A_906] : memref<4096xf32, #tpu.memory_space<vmem>>[vector<16xi32>], vector<16xf32>,
      %add3A_908 = arith.constant 3 : i32
      %add3A_909 = arith.addi %mul3A_327, %add3A_908 : i32
      %sub3A_910 = arith.constant 1 : i32
      %sub3A_911 = arith.subi %add3A_909, %sub3A_910 : i32
      %jit3A_912 = arith.constant 8 : i32
      %div3A_913 = arith.divsi %sub3A_911, %jit3A_912 : i32
      %sign3A_914 = arith.constant 0 : i32
      %sign3A_915 = arith.cmpi sgt, %sub3A_911, %sign3A_914 : i32
      %sign3A_916 = arith.extui %sign3A_915 : i1 to i32
      %sign3A_917 = arith.constant 0 : i32
      %sign3A_918 = arith.cmpi slt, %sub3A_911, %sign3A_917 : i32
      %sign3A_919 = arith.extui %sign3A_918 : i1 to i32
      %sign3A_920 = arith.subi %sign3A_916, %sign3A_919 : i32
      %sign3A_921 = arith.constant 0 : i32
      %sign3A_922 = arith.cmpi sgt, %jit3A_912, %sign3A_921 : i32
      %sign3A_923 = arith.extui %sign3A_922 : i1 to i32
      %sign3A_924 = arith.constant 0 : i32
      %sign3A_925 = arith.cmpi slt, %jit3A_912, %sign3A_924 : i32
      %sign3A_926 = arith.extui %sign3A_925 : i1 to i32
      %sign3A_927 = arith.subi %sign3A_923, %sign3A_926 : i32
      %ne3A_928 = arith.cmpi ne, %sign3A_920, %sign3A_927 : i32
      %rem3A_929 = arith.remsi %sub3A_911, %jit3A_912 : i32
      %ne3A_930 = arith.constant 0 : i32
      %ne3A_931 = arith.cmpi ne, %rem3A_929, %ne3A_930 : i32
      %and3A_932 = arith.andi %ne3A_928, %ne3A_931 : i1
      %sub3A_933 = arith.constant 1 : i32
      %sub3A_934 = arith.subi %div3A_913, %sub3A_933 : i32
      %select_n3A_935 = arith.select %and3A_932, %sub3A_934, %div3A_913 : i32
      %mul3A_936 = arith.constant 1024 : i32
      %mul3A_937 = arith.muli %select_n3A_935, %mul3A_936 : i32
      %jit3A_938 = arith.constant 8 : i32
      %eq3A_939 = arith.constant 0 : i32
      %eq3A_940 = arith.cmpi eq, %jit3A_938, %eq3A_939 : i32
      %jit3A_941 = arith.constant 1 : i32
      %select_n3A_942 = arith.select %eq3A_940, %jit3A_941, %jit3A_938 : i32
      %rem3A_943 = arith.remsi %sub3A_911, %select_n3A_942 : i32
      %ne3A_944 = arith.constant 0 : i32
      %ne3A_945 = arith.cmpi ne, %rem3A_943, %ne3A_944 : i32
      %lt3A_946 = arith.constant 0 : i32
      %lt3A_947 = arith.cmpi slt, %rem3A_943, %lt3A_946 : i32
      %lt3A_948 = arith.constant 0 : i32
      %lt3A_949 = arith.cmpi slt, %select_n3A_942, %lt3A_948 : i32
      %ne3A_950 = arith.xori %lt3A_947, %lt3A_949 : i1
      %and3A_951 = arith.andi %ne3A_950, %ne3A_945 : i1
      %add3A_952 = arith.addi %rem3A_943, %select_n3A_942 : i32
      %select_n3A_953 = arith.select %and3A_951, %add3A_952, %rem3A_943 : i32
      %mul3A_954 = arith.constant 16 : i32
      %mul3A_955 = arith.muli %select_n3A_953, %mul3A_954 : i32
      %add3A_956 = arith.addi %mul3A_937, %mul3A_955 : i32
      %add3A_957 = arith.constant 0 : i32
      %add3A_958 = arith.addi %add3A_956, %add3A_957 : i32
      %add3A_959 = arith.constant 0 : i32
      %add3A_960 = arith.addi %add3A_958, %add3A_959 : i32
      %swap3A_961 = arith.index_cast %add3A_960 : i32 to index
      %swap3A_962 = tpu.vector_load %arg12[%swap3A_961] {strides = array<i32>} : memref<32768xf32, #tpu.memory_space<vmem>>, vector<16xf32>,
      tpu.vector_store %arg12[%swap3A_961], %gather3A_628 {strides = array<i32>} : memref<32768xf32, #tpu.memory_space<vmem>>, vector<16xf32>,
      %add3A_963 = arith.constant 0 : i32
      %add3A_964 = arith.addi %add3A_956, %add3A_963 : i32
      %add3A_965 = arith.constant 128 : i32
      %add3A_966 = arith.addi %add3A_964, %add3A_965 : i32
      %swap3A_967 = arith.index_cast %add3A_966 : i32 to index
      %swap3A_968 = tpu.vector_load %arg12[%swap3A_967] {strides = array<i32>} : memref<32768xf32, #tpu.memory_space<vmem>>, vector<16xf32>,
      tpu.vector_store %arg12[%swap3A_967], %gather3A_632 {strides = array<i32>} : memref<32768xf32, #tpu.memory_space<vmem>>, vector<16xf32>,
      %add3A_969 = arith.constant 0 : i32
      %add3A_970 = arith.addi %add3A_956, %add3A_969 : i32
      %add3A_971 = arith.constant 256 : i32
      %add3A_972 = arith.addi %add3A_970, %add3A_971 : i32
      %swap3A_973 = arith.index_cast %add3A_972 : i32 to index
      %swap3A_974 = tpu.vector_load %arg12[%swap3A_973] {strides = array<i32>} : memref<32768xf32, #tpu.memory_space<vmem>>, vector<16xf32>,
      tpu.vector_store %arg12[%swap3A_973], %gather3A_636 {strides = array<i32>} : memref<32768xf32, #tpu.memory_space<vmem>>, vector<16xf32>,
      %add3A_975 = arith.constant 0 : i32
      %add3A_976 = arith.addi %add3A_956, %add3A_975 : i32
      %add3A_977 = arith.constant 384 : i32
      %add3A_978 = arith.addi %add3A_976, %add3A_977 : i32
      %swap3A_979 = arith.index_cast %add3A_978 : i32 to index
      %swap3A_980 = tpu.vector_load %arg12[%swap3A_979] {strides = array<i32>} : memref<32768xf32, #tpu.memory_space<vmem>>, vector<16xf32>,
      tpu.vector_store %arg12[%swap3A_979], %gather3A_640 {strides = array<i32>} : memref<32768xf32, #tpu.memory_space<vmem>>, vector<16xf32>,
      %add3A_981 = arith.constant 0 : i32
      %add3A_982 = arith.addi %add3A_956, %add3A_981 : i32
      %add3A_983 = arith.constant 512 : i32
      %add3A_984 = arith.addi %add3A_982, %add3A_983 : i32
      %swap3A_985 = arith.index_cast %add3A_984 : i32 to index
      %swap3A_986 = tpu.vector_load %arg12[%swap3A_985] {strides = array<i32>} : memref<32768xf32, #tpu.memory_space<vmem>>, vector<16xf32>,
      tpu.vector_store %arg12[%swap3A_985], %gather3A_644 {strides = array<i32>} : memref<32768xf32, #tpu.memory_space<vmem>>, vector<16xf32>,
      %add3A_987 = arith.constant 0 : i32
      %add3A_988 = arith.addi %add3A_956, %add3A_987 : i32
      %add3A_989 = arith.constant 640 : i32
      %add3A_990 = arith.addi %add3A_988, %add3A_989 : i32
      %swap3A_991 = arith.index_cast %add3A_990 : i32 to index
      %swap3A_992 = tpu.vector_load %arg12[%swap3A_991] {strides = array<i32>} : memref<32768xf32, #tpu.memory_space<vmem>>, vector<16xf32>,
      tpu.vector_store %arg12[%swap3A_991], %gather3A_648 {strides = array<i32>} : memref<32768xf32, #tpu.memory_space<vmem>>, vector<16xf32>,
      %add3A_993 = arith.constant 0 : i32
      %add3A_994 = arith.addi %add3A_956, %add3A_993 : i32
      %add3A_995 = arith.constant 768 : i32
      %add3A_996 = arith.addi %add3A_994, %add3A_995 : i32
      %swap3A_997 = arith.index_cast %add3A_996 : i32 to index
      %swap3A_998 = tpu.vector_load %arg12[%swap3A_997] {strides = array<i32>} : memref<32768xf32, #tpu.memory_space<vmem>>, vector<16xf32>,
      tpu.vector_store %arg12[%swap3A_997], %gather3A_652 {strides = array<i32>} : memref<32768xf32, #tpu.memory_space<vmem>>, vector<16xf32>,
      %add3A_999 = arith.constant 0 : i32
      %add3A_1000 = arith.addi %add3A_956, %add3A_999 : i32
      %add3A_1001 = arith.constant 896 : i32
      %add3A_1002 = arith.addi %add3A_1000, %add3A_1001 : i32
      %swap3A_1003 = arith.index_cast %add3A_1002 : i32 to index
      %swap3A_1004 = tpu.vector_load %arg12[%swap3A_1003] {strides = array<i32>} : memref<32768xf32, #tpu.memory_space<vmem>>, vector<16xf32>,
      tpu.vector_store %arg12[%swap3A_1003], %gather3A_656 {strides = array<i32>} : memref<32768xf32, #tpu.memory_space<vmem>>, vector<16xf32>,
      %add3A_1005 = arith.constant 16384 : i32
      %add3A_1006 = arith.addi %add3A_956, %add3A_1005 : i32
      %add3A_1007 = arith.constant 0 : i32
      %add3A_1008 = arith.addi %add3A_1006, %add3A_1007 : i32
      %swap3A_1009 = arith.index_cast %add3A_1008 : i32 to index
      %swap3A_1010 = tpu.vector_load %arg12[%swap3A_1009] {strides = array<i32>} : memref<32768xf32, #tpu.memory_space<vmem>>, vector<16xf32>,
      tpu.vector_store %arg12[%swap3A_1009], %gather3A_660 {strides = array<i32>} : memref<32768xf32, #tpu.memory_space<vmem>>, vector<16xf32>,
      %add3A_1011 = arith.constant 16384 : i32
      %add3A_1012 = arith.addi %add3A_956, %add3A_1011 : i32
      %add3A_1013 = arith.constant 128 : i32
      %add3A_1014 = arith.addi %add3A_1012, %add3A_1013 : i32
      %swap3A_1015 = arith.index_cast %add3A_1014 : i32 to index
      %swap3A_1016 = tpu.vector_load %arg12[%swap3A_1015] {strides = array<i32>} : memref<32768xf32, #tpu.memory_space<vmem>>, vector<16xf32>,
      tpu.vector_store %arg12[%swap3A_1015], %gather3A_664 {strides = array<i32>} : memref<32768xf32, #tpu.memory_space<vmem>>, vector<16xf32>,
      %add3A_1017 = arith.constant 16384 : i32
      %add3A_1018 = arith.addi %add3A_956, %add3A_1017 : i32
      %add3A_1019 = arith.constant 256 : i32
      %add3A_1020 = arith.addi %add3A_1018, %add3A_1019 : i32
      %swap3A_1021 = arith.index_cast %add3A_1020 : i32 to index
      %swap3A_1022 = tpu.vector_load %arg12[%swap3A_1021] {strides = array<i32>} : memref<32768xf32, #tpu.memory_space<vmem>>, vector<16xf32>,
      tpu.vector_store %arg12[%swap3A_1021], %gather3A_668 {strides = array<i32>} : memref<32768xf32, #tpu.memory_space<vmem>>, vector<16xf32>,
      %add3A_1023 = arith.constant 16384 : i32
      %add3A_1024 = arith.addi %add3A_956, %add3A_1023 : i32
      %add3A_1025 = arith.constant 384 : i32
      %add3A_1026 = arith.addi %add3A_1024, %add3A_1025 : i32
      %swap3A_1027 = arith.index_cast %add3A_1026 : i32 to index
      %swap3A_1028 = tpu.vector_load %arg12[%swap3A_1027] {strides = array<i32>} : memref<32768xf32, #tpu.memory_space<vmem>>, vector<16xf32>,
      tpu.vector_store %arg12[%swap3A_1027], %gather3A_672 {strides = array<i32>} : memref<32768xf32, #tpu.memory_space<vmem>>, vector<16xf32>,
      %add3A_1029 = arith.constant 16384 : i32
      %add3A_1030 = arith.addi %add3A_956, %add3A_1029 : i32
      %add3A_1031 = arith.constant 512 : i32
      %add3A_1032 = arith.addi %add3A_1030, %add3A_1031 : i32
      %swap3A_1033 = arith.index_cast %add3A_1032 : i32 to index
      %swap3A_1034 = tpu.vector_load %arg12[%swap3A_1033] {strides = array<i32>} : memref<32768xf32, #tpu.memory_space<vmem>>, vector<16xf32>,
      tpu.vector_store %arg12[%swap3A_1033], %gather3A_676 {strides = array<i32>} : memref<32768xf32, #tpu.memory_space<vmem>>, vector<16xf32>,
      %add3A_1035 = arith.constant 16384 : i32
      %add3A_1036 = arith.addi %add3A_956, %add3A_1035 : i32
      %add3A_1037 = arith.constant 640 : i32
      %add3A_1038 = arith.addi %add3A_1036, %add3A_1037 : i32
      %swap3A_1039 = arith.index_cast %add3A_1038 : i32 to index
      %swap3A_1040 = tpu.vector_load %arg12[%swap3A_1039] {strides = array<i32>} : memref<32768xf32, #tpu.memory_space<vmem>>, vector<16xf32>,
      tpu.vector_store %arg12[%swap3A_1039], %gather3A_680 {strides = array<i32>} : memref<32768xf32, #tpu.memory_space<vmem>>, vector<16xf32>,
      %add3A_1041 = arith.constant 16384 : i32
      %add3A_1042 = arith.addi %add3A_956, %add3A_1041 : i32
      %add3A_1043 = arith.constant 768 : i32
      %add3A_1044 = arith.addi %add3A_1042, %add3A_1043 : i32
      %swap3A_1045 = arith.index_cast %add3A_1044 : i32 to index
      %swap3A_1046 = tpu.vector_load %arg12[%swap3A_1045] {strides = array<i32>} : memref<32768xf32, #tpu.memory_space<vmem>>, vector<16xf32>,
      tpu.vector_store %arg12[%swap3A_1045], %gather3A_684 {strides = array<i32>} : memref<32768xf32, #tpu.memory_space<vmem>>, vector<16xf32>,
      %add3A_1047 = arith.constant 16384 : i32
      %add3A_1048 = arith.addi %add3A_956, %add3A_1047 : i32
      %add3A_1049 = arith.constant 896 : i32
      %add3A_1050 = arith.addi %add3A_1048, %add3A_1049 : i32
      %swap3A_1051 = arith.index_cast %add3A_1050 : i32 to index
      %swap3A_1052 = tpu.vector_load %arg12[%swap3A_1051] {strides = array<i32>} : memref<32768xf32, #tpu.memory_space<vmem>>, vector<16xf32>,
      tpu.vector_store %arg12[%swap3A_1051], %gather3A_688 {strides = array<i32>} : memref<32768xf32, #tpu.memory_space<vmem>>, vector<16xf32>,
      %add3A_1053 = arith.constant 4 : i32
      %add3A_1054 = arith.addi %mul3A_327, %add3A_1053 : i32
      %sub3A_1055 = arith.constant 1 : i32
      %sub3A_1056 = arith.subi %add3A_1054, %sub3A_1055 : i32
      %jit3A_1057 = arith.constant 8 : i32
      %div3A_1058 = arith.divsi %sub3A_1056, %jit3A_1057 : i32
      %sign3A_1059 = arith.constant 0 : i32
      %sign3A_1060 = arith.cmpi sgt, %sub3A_1056, %sign3A_1059 : i32
      %sign3A_1061 = arith.extui %sign3A_1060 : i1 to i32
      %sign3A_1062 = arith.constant 0 : i32
      %sign3A_1063 = arith.cmpi slt, %sub3A_1056, %sign3A_1062 : i32
      %sign3A_1064 = arith.extui %sign3A_1063 : i1 to i32
      %sign3A_1065 = arith.subi %sign3A_1061, %sign3A_1064 : i32
      %sign3A_1066 = arith.constant 0 : i32
      %sign3A_1067 = arith.cmpi sgt, %jit3A_1057, %sign3A_1066 : i32
      %sign3A_1068 = arith.extui %sign3A_1067 : i1 to i32
      %sign3A_1069 = arith.constant 0 : i32
      %sign3A_1070 = arith.cmpi slt, %jit3A_1057, %sign3A_1069 : i32
      %sign3A_1071 = arith.extui %sign3A_1070 : i1 to i32
      %sign3A_1072 = arith.subi %sign3A_1068, %sign3A_1071 : i32
      %ne3A_1073 = arith.cmpi ne, %sign3A_1065, %sign3A_1072 : i32
      %rem3A_1074 = arith.remsi %sub3A_1056, %jit3A_1057 : i32
      %ne3A_1075 = arith.constant 0 : i32
      %ne3A_1076 = arith.cmpi ne, %rem3A_1074, %ne3A_1075 : i32
      %and3A_1077 = arith.andi %ne3A_1073, %ne3A_1076 : i1
      %sub3A_1078 = arith.constant 1 : i32
      %sub3A_1079 = arith.subi %div3A_1058, %sub3A_1078 : i32
      %select_n3A_1080 = arith.select %and3A_1077, %sub3A_1079, %div3A_1058 : i32
      %mul3A_1081 = arith.constant 1024 : i32
      %mul3A_1082 = arith.muli %select_n3A_1080, %mul3A_1081 : i32
      %jit3A_1083 = arith.constant 8 : i32
      %eq3A_1084 = arith.constant 0 : i32
      %eq3A_1085 = arith.cmpi eq, %jit3A_1083, %eq3A_1084 : i32
      %jit3A_1086 = arith.constant 1 : i32
      %select_n3A_1087 = arith.select %eq3A_1085, %jit3A_1086, %jit3A_1083 : i32
      %rem3A_1088 = arith.remsi %sub3A_1056, %select_n3A_1087 : i32
      %ne3A_1089 = arith.constant 0 : i32
      %ne3A_1090 = arith.cmpi ne, %rem3A_1088, %ne3A_1089 : i32
      %lt3A_1091 = arith.constant 0 : i32
      %lt3A_1092 = arith.cmpi slt, %rem3A_1088, %lt3A_1091 : i32
      %lt3A_1093 = arith.constant 0 : i32
      %lt3A_1094 = arith.cmpi slt, %select_n3A_1087, %lt3A_1093 : i32
      %ne3A_1095 = arith.xori %lt3A_1092, %lt3A_1094 : i1
      %and3A_1096 = arith.andi %ne3A_1095, %ne3A_1090 : i1
      %add3A_1097 = arith.addi %rem3A_1088, %select_n3A_1087 : i32
      %select_n3A_1098 = arith.select %and3A_1096, %add3A_1097, %rem3A_1088 : i32
      %mul3A_1099 = arith.constant 16 : i32
      %mul3A_1100 = arith.muli %select_n3A_1098, %mul3A_1099 : i32
      %add3A_1101 = arith.addi %mul3A_1082, %mul3A_1100 : i32
      %add3A_1102 = arith.constant 0 : i32
      %add3A_1103 = arith.addi %add3A_1101, %add3A_1102 : i32
      %add3A_1104 = arith.constant 0 : i32
      %add3A_1105 = arith.addi %add3A_1103, %add3A_1104 : i32
      %swap3A_1106 = arith.index_cast %add3A_1105 : i32 to index
      %swap3A_1107 = tpu.vector_load %arg12[%swap3A_1106] {strides = array<i32>} : memref<32768xf32, #tpu.memory_space<vmem>>, vector<16xf32>,
      tpu.vector_store %arg12[%swap3A_1106], %gather3A_847 {strides = array<i32>} : memref<32768xf32, #tpu.memory_space<vmem>>, vector<16xf32>,
      %add3A_1108 = arith.constant 0 : i32
      %add3A_1109 = arith.addi %add3A_1101, %add3A_1108 : i32
      %add3A_1110 = arith.constant 128 : i32
      %add3A_1111 = arith.addi %add3A_1109, %add3A_1110 : i32
      %swap3A_1112 = arith.index_cast %add3A_1111 : i32 to index
      %swap3A_1113 = tpu.vector_load %arg12[%swap3A_1112] {strides = array<i32>} : memref<32768xf32, #tpu.memory_space<vmem>>, vector<16xf32>,
      tpu.vector_store %arg12[%swap3A_1112], %gather3A_851 {strides = array<i32>} : memref<32768xf32, #tpu.memory_space<vmem>>, vector<16xf32>,
      %add3A_1114 = arith.constant 0 : i32
      %add3A_1115 = arith.addi %add3A_1101, %add3A_1114 : i32
      %add3A_1116 = arith.constant 256 : i32
      %add3A_1117 = arith.addi %add3A_1115, %add3A_1116 : i32
      %swap3A_1118 = arith.index_cast %add3A_1117 : i32 to index
      %swap3A_1119 = tpu.vector_load %arg12[%swap3A_1118] {strides = array<i32>} : memref<32768xf32, #tpu.memory_space<vmem>>, vector<16xf32>,
      tpu.vector_store %arg12[%swap3A_1118], %gather3A_855 {strides = array<i32>} : memref<32768xf32, #tpu.memory_space<vmem>>, vector<16xf32>,
      %add3A_1120 = arith.constant 0 : i32
      %add3A_1121 = arith.addi %add3A_1101, %add3A_1120 : i32
      %add3A_1122 = arith.constant 384 : i32
      %add3A_1123 = arith.addi %add3A_1121, %add3A_1122 : i32
      %swap3A_1124 = arith.index_cast %add3A_1123 : i32 to index
      %swap3A_1125 = tpu.vector_load %arg12[%swap3A_1124] {strides = array<i32>} : memref<32768xf32, #tpu.memory_space<vmem>>, vector<16xf32>,
      tpu.vector_store %arg12[%swap3A_1124], %gather3A_859 {strides = array<i32>} : memref<32768xf32, #tpu.memory_space<vmem>>, vector<16xf32>,
      %add3A_1126 = arith.constant 0 : i32
      %add3A_1127 = arith.addi %add3A_1101, %add3A_1126 : i32
      %add3A_1128 = arith.constant 512 : i32
      %add3A_1129 = arith.addi %add3A_1127, %add3A_1128 : i32
      %swap3A_1130 = arith.index_cast %add3A_1129 : i32 to index
      %swap3A_1131 = tpu.vector_load %arg12[%swap3A_1130] {strides = array<i32>} : memref<32768xf32, #tpu.memory_space<vmem>>, vector<16xf32>,
      tpu.vector_store %arg12[%swap3A_1130], %gather3A_863 {strides = array<i32>} : memref<32768xf32, #tpu.memory_space<vmem>>, vector<16xf32>,
      %add3A_1132 = arith.constant 0 : i32
      %add3A_1133 = arith.addi %add3A_1101, %add3A_1132 : i32
      %add3A_1134 = arith.constant 640 : i32
      %add3A_1135 = arith.addi %add3A_1133, %add3A_1134 : i32
      %swap3A_1136 = arith.index_cast %add3A_1135 : i32 to index
      %swap3A_1137 = tpu.vector_load %arg12[%swap3A_1136] {strides = array<i32>} : memref<32768xf32, #tpu.memory_space<vmem>>, vector<16xf32>,
      tpu.vector_store %arg12[%swap3A_1136], %gather3A_867 {strides = array<i32>} : memref<32768xf32, #tpu.memory_space<vmem>>, vector<16xf32>,
      %add3A_1138 = arith.constant 0 : i32
      %add3A_1139 = arith.addi %add3A_1101, %add3A_1138 : i32
      %add3A_1140 = arith.constant 768 : i32
      %add3A_1141 = arith.addi %add3A_1139, %add3A_1140 : i32
      %swap3A_1142 = arith.index_cast %add3A_1141 : i32 to index
      %swap3A_1143 = tpu.vector_load %arg12[%swap3A_1142] {strides = array<i32>} : memref<32768xf32, #tpu.memory_space<vmem>>, vector<16xf32>,
      tpu.vector_store %arg12[%swap3A_1142], %gather3A_871 {strides = array<i32>} : memref<32768xf32, #tpu.memory_space<vmem>>, vector<16xf32>,
      %add3A_1144 = arith.constant 0 : i32
      %add3A_1145 = arith.addi %add3A_1101, %add3A_1144 : i32
      %add3A_1146 = arith.constant 896 : i32
      %add3A_1147 = arith.addi %add3A_1145, %add3A_1146 : i32
      %swap3A_1148 = arith.index_cast %add3A_1147 : i32 to index
      %swap3A_1149 = tpu.vector_load %arg12[%swap3A_1148] {strides = array<i32>} : memref<32768xf32, #tpu.memory_space<vmem>>, vector<16xf32>,
      tpu.vector_store %arg12[%swap3A_1148], %gather3A_875 {strides = array<i32>} : memref<32768xf32, #tpu.memory_space<vmem>>, vector<16xf32>,
      %add3A_1150 = arith.constant 16384 : i32
      %add3A_1151 = arith.addi %add3A_1101, %add3A_1150 : i32
      %add3A_1152 = arith.constant 0 : i32
      %add3A_1153 = arith.addi %add3A_1151, %add3A_1152 : i32
      %swap3A_1154 = arith.index_cast %add3A_1153 : i32 to index
      %swap3A_1155 = tpu.vector_load %arg12[%swap3A_1154] {strides = array<i32>} : memref<32768xf32, #tpu.memory_space<vmem>>, vector<16xf32>,
      tpu.vector_store %arg12[%swap3A_1154], %gather3A_879 {strides = array<i32>} : memref<32768xf32, #tpu.memory_space<vmem>>, vector<16xf32>,
      %add3A_1156 = arith.constant 16384 : i32
      %add3A_1157 = arith.addi %add3A_1101, %add3A_1156 : i32
      %add3A_1158 = arith.constant 128 : i32
      %add3A_1159 = arith.addi %add3A_1157, %add3A_1158 : i32
      %swap3A_1160 = arith.index_cast %add3A_1159 : i32 to index
      %swap3A_1161 = tpu.vector_load %arg12[%swap3A_1160] {strides = array<i32>} : memref<32768xf32, #tpu.memory_space<vmem>>, vector<16xf32>,
      tpu.vector_store %arg12[%swap3A_1160], %gather3A_883 {strides = array<i32>} : memref<32768xf32, #tpu.memory_space<vmem>>, vector<16xf32>,
      %add3A_1162 = arith.constant 16384 : i32
      %add3A_1163 = arith.addi %add3A_1101, %add3A_1162 : i32
      %add3A_1164 = arith.constant 256 : i32
      %add3A_1165 = arith.addi %add3A_1163, %add3A_1164 : i32
      %swap3A_1166 = arith.index_cast %add3A_1165 : i32 to index
      %swap3A_1167 = tpu.vector_load %arg12[%swap3A_1166] {strides = array<i32>} : memref<32768xf32, #tpu.memory_space<vmem>>, vector<16xf32>,
      tpu.vector_store %arg12[%swap3A_1166], %gather3A_887 {strides = array<i32>} : memref<32768xf32, #tpu.memory_space<vmem>>, vector<16xf32>,
      %add3A_1168 = arith.constant 16384 : i32
      %add3A_1169 = arith.addi %add3A_1101, %add3A_1168 : i32
      %add3A_1170 = arith.constant 384 : i32
      %add3A_1171 = arith.addi %add3A_1169, %add3A_1170 : i32
      %swap3A_1172 = arith.index_cast %add3A_1171 : i32 to index
      %swap3A_1173 = tpu.vector_load %arg12[%swap3A_1172] {strides = array<i32>} : memref<32768xf32, #tpu.memory_space<vmem>>, vector<16xf32>,
      tpu.vector_store %arg12[%swap3A_1172], %gather3A_891 {strides = array<i32>} : memref<32768xf32, #tpu.memory_space<vmem>>, vector<16xf32>,
      %add3A_1174 = arith.constant 16384 : i32
      %add3A_1175 = arith.addi %add3A_1101, %add3A_1174 : i32
      %add3A_1176 = arith.constant 512 : i32
      %add3A_1177 = arith.addi %add3A_1175, %add3A_1176 : i32
      %swap3A_1178 = arith.index_cast %add3A_1177 : i32 to index
      %swap3A_1179 = tpu.vector_load %arg12[%swap3A_1178] {strides = array<i32>} : memref<32768xf32, #tpu.memory_space<vmem>>, vector<16xf32>,
      tpu.vector_store %arg12[%swap3A_1178], %gather3A_895 {strides = array<i32>} : memref<32768xf32, #tpu.memory_space<vmem>>, vector<16xf32>,
      %add3A_1180 = arith.constant 16384 : i32
      %add3A_1181 = arith.addi %add3A_1101, %add3A_1180 : i32
      %add3A_1182 = arith.constant 640 : i32
      %add3A_1183 = arith.addi %add3A_1181, %add3A_1182 : i32
      %swap3A_1184 = arith.index_cast %add3A_1183 : i32 to index
      %swap3A_1185 = tpu.vector_load %arg12[%swap3A_1184] {strides = array<i32>} : memref<32768xf32, #tpu.memory_space<vmem>>, vector<16xf32>,
      tpu.vector_store %arg12[%swap3A_1184], %gather3A_899 {strides = array<i32>} : memref<32768xf32, #tpu.memory_space<vmem>>, vector<16xf32>,
      %add3A_1186 = arith.constant 16384 : i32
      %add3A_1187 = arith.addi %add3A_1101, %add3A_1186 : i32
      %add3A_1188 = arith.constant 768 : i32
      %add3A_1189 = arith.addi %add3A_1187, %add3A_1188 : i32
      %swap3A_1190 = arith.index_cast %add3A_1189 : i32 to index
      %swap3A_1191 = tpu.vector_load %arg12[%swap3A_1190] {strides = array<i32>} : memref<32768xf32, #tpu.memory_space<vmem>>, vector<16xf32>,
      tpu.vector_store %arg12[%swap3A_1190], %gather3A_903 {strides = array<i32>} : memref<32768xf32, #tpu.memory_space<vmem>>, vector<16xf32>,
      %add3A_1192 = arith.constant 16384 : i32
      %add3A_1193 = arith.addi %add3A_1101, %add3A_1192 : i32
      %add3A_1194 = arith.constant 896 : i32
      %add3A_1195 = arith.addi %add3A_1193, %add3A_1194 : i32
      %swap3A_1196 = arith.index_cast %add3A_1195 : i32 to index
      %swap3A_1197 = tpu.vector_load %arg12[%swap3A_1196] {strides = array<i32>} : memref<32768xf32, #tpu.memory_space<vmem>>, vector<16xf32>,
      tpu.vector_store %arg12[%swap3A_1196], %gather3A_907 {strides = array<i32>} : memref<32768xf32, #tpu.memory_space<vmem>>, vector<16xf32>,
      %scan3A_1198 = arith.constant 0 : i32
      scf.yield %scan3A_1198 : i32
    }
    %scan3A_169 = arith.constant 32 : i32
    %add3A_170 = arith.constant 64 : i32
    %add3A_171 = arith.addi %select_n3A_23, %add3A_170 : i32
    %mul3A_172 = arith.constant 128 : i32
    %mul3A_173 = arith.muli %add3A_171, %mul3A_172 : i32
    %dma_start3A_174 = arith.constant 0 : i32
    %dma_start3A_175 = tpu.memref_slice %arg10[%dma_start3A_174] : memref<2048xi32, #tpu.memory_space<vmem>> -> memref<1920xi32, #tpu.memory_space<vmem>>
    %dma_start3A_176 = tpu.memref_slice %arg3[%mul3A_173] : memref<320000xi32, #tpu.memory_space<hbm>> -> memref<1920xi32, #tpu.memory_space<hbm>>
    %dma_start3A_177 = arith.constant 0 : i32
    %dma_start3A_178 = tpu.memref_slice %arg10[%dma_start3A_177] : memref<2048xi32, #tpu.memory_space<vmem>> -> memref<1920xi32, #tpu.memory_space<vmem>>
    %dma_start3A_179 = tpu.memref_slice %arg3[%mul3A_173] : memref<320000xi32, #tpu.memory_space<hbm>> -> memref<1920xi32, #tpu.memory_space<hbm>>
    tpu.enqueue_dma source(%dma_start3A_179 : memref<1920xi32, #tpu.memory_space<hbm>>) target(%dma_start3A_178 : memref<1920xi32, #tpu.memory_space<vmem>>) target_semaphore(%arg18 : memref<!tpu.dma_semaphore, #tpu.memory_space<semaphore_mem>>)
    %add3A_180 = arith.constant 32 : i32
    %add3A_181 = arith.addi %select_n3A_23, %add3A_180 : i32
    %mul3A_182 = arith.constant 1024 : i32
    %mul3A_183 = arith.muli %add3A_181, %mul3A_182 : i32
    %add3A_184 = arith.constant 0 : i32
    %add3A_185 = arith.addi %add3A_184, %mul3A_183 : i32
    %dma_start3A_186 = arith.constant 0 : i32
    %dma_start3A_187 = tpu.memref_slice %arg12[%dma_start3A_186] : memref<32768xf32, #tpu.memory_space<vmem>> -> memref<16384xf32, #tpu.memory_space<vmem>>
    %dma_start3A_188 = tpu.memref_slice %arg7[%add3A_185] : memref<5120000xf32, #tpu.memory_space<hbm>> -> memref<16384xf32, #tpu.memory_space<hbm>>
    %dma_start3A_189 = tpu.memref_slice %arg7[%add3A_185] : memref<5120000xf32, #tpu.memory_space<hbm>> -> memref<16384xf32, #tpu.memory_space<hbm>>
    %dma_start3A_190 = arith.constant 0 : i32
    %dma_start3A_191 = tpu.memref_slice %arg12[%dma_start3A_190] : memref<32768xf32, #tpu.memory_space<vmem>> -> memref<16384xf32, #tpu.memory_space<vmem>>
    tpu.enqueue_dma source(%dma_start3A_191 : memref<16384xf32, #tpu.memory_space<vmem>>) target(%dma_start3A_189 : memref<16384xf32, #tpu.memory_space<hbm>>) target_semaphore(%arg20 : memref<!tpu.dma_semaphore, #tpu.memory_space<semaphore_mem>>)
    %mul3A_192 = arith.constant 1024 : i32
    %mul3A_193 = arith.muli %add3A_181, %mul3A_192 : i32
    %add3A_194 = arith.constant 2560000 : i32
    %add3A_195 = arith.addi %add3A_194, %mul3A_193 : i32
    %dma_start3A_196 = arith.constant 16384 : i32
    %dma_start3A_197 = tpu.memref_slice %arg12[%dma_start3A_196] : memref<32768xf32, #tpu.memory_space<vmem>> -> memref<16384xf32, #tpu.memory_space<vmem>>
    %dma_start3A_198 = tpu.memref_slice %arg7[%add3A_195] : memref<5120000xf32, #tpu.memory_space<hbm>> -> memref<16384xf32, #tpu.memory_space<hbm>>
    %dma_start3A_199 = tpu.memref_slice %arg7[%add3A_195] : memref<5120000xf32, #tpu.memory_space<hbm>> -> memref<16384xf32, #tpu.memory_space<hbm>>
    %dma_start3A_200 = arith.constant 16384 : i32
    %dma_start3A_201 = tpu.memref_slice %arg12[%dma_start3A_200] : memref<32768xf32, #tpu.memory_space<vmem>> -> memref<16384xf32, #tpu.memory_space<vmem>>
    tpu.enqueue_dma source(%dma_start3A_201 : memref<16384xf32, #tpu.memory_space<vmem>>) target(%dma_start3A_199 : memref<16384xf32, #tpu.memory_space<hbm>>) target_semaphore(%arg20 : memref<!tpu.dma_semaphore, #tpu.memory_space<semaphore_mem>>)
    %dma_wait3A_202 = arith.constant 0 : i32
    %dma_wait3A_203 = tpu.memref_slice %arg11[%dma_wait3A_202] : memref<2048xi32, #tpu.memory_space<vmem>> -> memref<2048xi32, #tpu.memory_space<vmem>>
    %dma_wait3A_204 = tpu.memref_slice %arg3[%mul3A_109] : memref<320000xi32, #tpu.memory_space<hbm>> -> memref<2048xi32, #tpu.memory_space<hbm>>
    %dma_wait3A_205 = arith.constant 0 : i32
    %dma_wait3A_206 = tpu.memref_slice %arg11[%dma_wait3A_205] : memref<2048xi32, #tpu.memory_space<vmem>> -> memref<2048xi32, #tpu.memory_space<vmem>>
    %dma_wait3A_207 = tpu.memref_slice %arg3[%mul3A_109] : memref<320000xi32, #tpu.memory_space<hbm>> -> memref<2048xi32, #tpu.memory_space<hbm>>
    tpu.wait_dma2 semaphore(%arg19 : memref<!tpu.dma_semaphore, #tpu.memory_space<semaphore_mem>>) src(%dma_wait3A_207 : memref<2048xi32, #tpu.memory_space<hbm>>) dst(%dma_wait3A_206 : memref<2048xi32, #tpu.memory_space<vmem>>)
    %dma_wait3A_208 = arith.constant 0 : i32
    %dma_wait3A_209 = tpu.memref_slice %arg13[%dma_wait3A_208] : memref<32768xf32, #tpu.memory_space<vmem>> -> memref<16384xf32, #tpu.memory_space<vmem>>
    %dma_wait3A_210 = tpu.memref_slice %arg7[%add3A_121] : memref<5120000xf32, #tpu.memory_space<hbm>> -> memref<16384xf32, #tpu.memory_space<hbm>>
    %dma_wait3A_211 = tpu.memref_slice %arg7[%add3A_121] : memref<5120000xf32, #tpu.memory_space<hbm>> -> memref<16384xf32, #tpu.memory_space<hbm>>
    %dma_wait3A_212 = arith.constant 0 : i32
    %dma_wait3A_213 = tpu.memref_slice %arg13[%dma_wait3A_212] : memref<32768xf32, #tpu.memory_space<vmem>> -> memref<16384xf32, #tpu.memory_space<vmem>>
    tpu.wait_dma2 semaphore(%arg21 : memref<!tpu.dma_semaphore, #tpu.memory_space<semaphore_mem>>) src(%dma_wait3A_213 : memref<16384xf32, #tpu.memory_space<vmem>>) dst(%dma_wait3A_211 : memref<16384xf32, #tpu.memory_space<hbm>>)
    %dma_wait3A_214 = arith.constant 16384 : i32
    %dma_wait3A_215 = tpu.memref_slice %arg13[%dma_wait3A_214] : memref<32768xf32, #tpu.memory_space<vmem>> -> memref<16384xf32, #tpu.memory_space<vmem>>
    %dma_wait3A_216 = tpu.memref_slice %arg7[%add3A_131] : memref<5120000xf32, #tpu.memory_space<hbm>> -> memref<16384xf32, #tpu.memory_space<hbm>>
    %dma_wait3A_217 = tpu.memref_slice %arg7[%add3A_131] : memref<5120000xf32, #tpu.memory_space<hbm>> -> memref<16384xf32, #tpu.memory_space<hbm>>
    %dma_wait3A_218 = arith.constant 16384 : i32
    %dma_wait3A_219 = tpu.memref_slice %arg13[%dma_wait3A_218] : memref<32768xf32, #tpu.memory_space<vmem>> -> memref<16384xf32, #tpu.memory_space<vmem>>
    tpu.wait_dma2 semaphore(%arg21 : memref<!tpu.dma_semaphore, #tpu.memory_space<semaphore_mem>>) src(%dma_wait3A_219 : memref<16384xf32, #tpu.memory_space<vmem>>) dst(%dma_wait3A_217 : memref<16384xf32, #tpu.memory_space<hbm>>)
    %scan3A_220 = arith.constant 0 : i32
    %scan3A_221 = arith.constant 0 : i32
    %scan3A_222 = arith.constant 32 : i32
    %scan3A_223 = arith.addi %scan3A_221, %scan3A_222 : i32
    %scan3A_224 = arith.constant 1 : i32
    %scan3A_225 = scf.for %scan3A_324 = %scan3A_221 to %scan3A_223 step %scan3A_224 iter_args(%scan3A_325 = %scan3A_220) -> (i32)  : i32 {
      %mul3A_326 = arith.constant 4 : i32
      %mul3A_327 = arith.muli %scan3A_324, %mul3A_326 : i32
      %mul3A_328 = arith.constant 16 : i32
      %mul3A_329 = arith.muli %mul3A_327, %mul3A_328 : i32
      %get3A = arith.index_cast %mul3A_329 : i32 to index
      %get3A_330 = tpu.vector_load %arg11[%get3A] {strides = array<i32>} : memref<2048xi32, #tpu.memory_space<vmem>>, vector<16xi32>,
      %mul3A_331 = arith.constant 256 : i32
      %mul3A_332 = vector.broadcast %mul3A_331 : i32 to vector<16xi32>
      %mul3A_333 = arith.muli %get3A_330, %mul3A_332 : vector<16xi32>
      %add3A_334 = arith.addi %mul3A_333, %iota3A : vector<16xi32>
      %add3A_335 = arith.constant 0 : i32
      %add3A_336 = vector.broadcast %add3A_335 : i32 to vector<16xi32>
      %add3A_337 = arith.addi %add3A_334, %add3A_336 : vector<16xi32>
      %gather3A = tpu.vector_load_idx %arg14[%add3A_337] : memref<4096xf32, #tpu.memory_space<vmem>>[vector<16xi32>], vector<16xf32>,
      %add3A_338 = arith.constant 16 : i32
      %add3A_339 = vector.broadcast %add3A_338 : i32 to vector<16xi32>
      %add3A_340 = arith.addi %add3A_334, %add3A_339 : vector<16xi32>
      %gather3A_341 = tpu.vector_load_idx %arg14[%add3A_340] : memref<4096xf32, #tpu.memory_space<vmem>>[vector<16xi32>], vector<16xf32>,
      %add3A_342 = arith.constant 32 : i32
      %add3A_343 = vector.broadcast %add3A_342 : i32 to vector<16xi32>
      %add3A_344 = arith.addi %add3A_334, %add3A_343 : vector<16xi32>
      %gather3A_345 = tpu.vector_load_idx %arg14[%add3A_344] : memref<4096xf32, #tpu.memory_space<vmem>>[vector<16xi32>], vector<16xf32>,
      %add3A_346 = arith.constant 48 : i32
      %add3A_347 = vector.broadcast %add3A_346 : i32 to vector<16xi32>
      %add3A_348 = arith.addi %add3A_334, %add3A_347 : vector<16xi32>
      %gather3A_349 = tpu.vector_load_idx %arg14[%add3A_348] : memref<4096xf32, #tpu.memory_space<vmem>>[vector<16xi32>], vector<16xf32>,
      %add3A_350 = arith.constant 64 : i32
      %add3A_351 = vector.broadcast %add3A_350 : i32 to vector<16xi32>
      %add3A_352 = arith.addi %add3A_334, %add3A_351 : vector<16xi32>
      %gather3A_353 = tpu.vector_load_idx %arg14[%add3A_352] : memref<4096xf32, #tpu.memory_space<vmem>>[vector<16xi32>], vector<16xf32>,
      %add3A_354 = arith.constant 80 : i32
      %add3A_355 = vector.broadcast %add3A_354 : i32 to vector<16xi32>
      %add3A_356 = arith.addi %add3A_334, %add3A_355 : vector<16xi32>
      %gather3A_357 = tpu.vector_load_idx %arg14[%add3A_356] : memref<4096xf32, #tpu.memory_space<vmem>>[vector<16xi32>], vector<16xf32>,
      %add3A_358 = arith.constant 96 : i32
      %add3A_359 = vector.broadcast %add3A_358 : i32 to vector<16xi32>
      %add3A_360 = arith.addi %add3A_334, %add3A_359 : vector<16xi32>
      %gather3A_361 = tpu.vector_load_idx %arg14[%add3A_360] : memref<4096xf32, #tpu.memory_space<vmem>>[vector<16xi32>], vector<16xf32>,
      %add3A_362 = arith.constant 112 : i32
      %add3A_363 = vector.broadcast %add3A_362 : i32 to vector<16xi32>
      %add3A_364 = arith.addi %add3A_334, %add3A_363 : vector<16xi32>
      %gather3A_365 = tpu.vector_load_idx %arg14[%add3A_364] : memref<4096xf32, #tpu.memory_space<vmem>>[vector<16xi32>], vector<16xf32>,
      %add3A_366 = arith.constant 128 : i32
      %add3A_367 = vector.broadcast %add3A_366 : i32 to vector<16xi32>
      %add3A_368 = arith.addi %add3A_334, %add3A_367 : vector<16xi32>
      %gather3A_369 = tpu.vector_load_idx %arg14[%add3A_368] : memref<4096xf32, #tpu.memory_space<vmem>>[vector<16xi32>], vector<16xf32>,
      %add3A_370 = arith.constant 144 : i32
      %add3A_371 = vector.broadcast %add3A_370 : i32 to vector<16xi32>
      %add3A_372 = arith.addi %add3A_334, %add3A_371 : vector<16xi32>
      %gather3A_373 = tpu.vector_load_idx %arg14[%add3A_372] : memref<4096xf32, #tpu.memory_space<vmem>>[vector<16xi32>], vector<16xf32>,
      %add3A_374 = arith.constant 160 : i32
      %add3A_375 = vector.broadcast %add3A_374 : i32 to vector<16xi32>
      %add3A_376 = arith.addi %add3A_334, %add3A_375 : vector<16xi32>
      %gather3A_377 = tpu.vector_load_idx %arg14[%add3A_376] : memref<4096xf32, #tpu.memory_space<vmem>>[vector<16xi32>], vector<16xf32>,
      %add3A_378 = arith.constant 176 : i32
      %add3A_379 = vector.broadcast %add3A_378 : i32 to vector<16xi32>
      %add3A_380 = arith.addi %add3A_334, %add3A_379 : vector<16xi32>
      %gather3A_381 = tpu.vector_load_idx %arg14[%add3A_380] : memref<4096xf32, #tpu.memory_space<vmem>>[vector<16xi32>], vector<16xf32>,
      %add3A_382 = arith.constant 192 : i32
      %add3A_383 = vector.broadcast %add3A_382 : i32 to vector<16xi32>
      %add3A_384 = arith.addi %add3A_334, %add3A_383 : vector<16xi32>
      %gather3A_385 = tpu.vector_load_idx %arg14[%add3A_384] : memref<4096xf32, #tpu.memory_space<vmem>>[vector<16xi32>], vector<16xf32>,
      %add3A_386 = arith.constant 208 : i32
      %add3A_387 = vector.broadcast %add3A_386 : i32 to vector<16xi32>
      %add3A_388 = arith.addi %add3A_334, %add3A_387 : vector<16xi32>
      %gather3A_389 = tpu.vector_load_idx %arg14[%add3A_388] : memref<4096xf32, #tpu.memory_space<vmem>>[vector<16xi32>], vector<16xf32>,
      %add3A_390 = arith.constant 224 : i32
      %add3A_391 = vector.broadcast %add3A_390 : i32 to vector<16xi32>
      %add3A_392 = arith.addi %add3A_334, %add3A_391 : vector<16xi32>
      %gather3A_393 = tpu.vector_load_idx %arg14[%add3A_392] : memref<4096xf32, #tpu.memory_space<vmem>>[vector<16xi32>], vector<16xf32>,
      %add3A_394 = arith.constant 240 : i32
      %add3A_395 = vector.broadcast %add3A_394 : i32 to vector<16xi32>
      %add3A_396 = arith.addi %add3A_334, %add3A_395 : vector<16xi32>
      %gather3A_397 = tpu.vector_load_idx %arg14[%add3A_396] : memref<4096xf32, #tpu.memory_space<vmem>>[vector<16xi32>], vector<16xf32>,
      %add3A_398 = arith.constant 1 : i32
      %add3A_399 = arith.addi %mul3A_327, %add3A_398 : i32
      %mul3A_400 = arith.constant 16 : i32
      %mul3A_401 = arith.muli %add3A_399, %mul3A_400 : i32
      %get3A_402 = arith.index_cast %mul3A_401 : i32 to index
      %get3A_403 = tpu.vector_load %arg11[%get3A_402] {strides = array<i32>} : memref<2048xi32, #tpu.memory_space<vmem>>, vector<16xi32>,
      %mul3A_404 = arith.constant 256 : i32
      %mul3A_405 = vector.broadcast %mul3A_404 : i32 to vector<16xi32>
      %mul3A_406 = arith.muli %get3A_403, %mul3A_405 : vector<16xi32>
      %add3A_407 = arith.addi %mul3A_406, %iota3A : vector<16xi32>
      %add3A_408 = arith.constant 0 : i32
      %add3A_409 = vector.broadcast %add3A_408 : i32 to vector<16xi32>
      %add3A_410 = arith.addi %add3A_407, %add3A_409 : vector<16xi32>
      %gather3A_411 = tpu.vector_load_idx %arg14[%add3A_410] : memref<4096xf32, #tpu.memory_space<vmem>>[vector<16xi32>], vector<16xf32>,
      %add3A_412 = arith.constant 16 : i32
      %add3A_413 = vector.broadcast %add3A_412 : i32 to vector<16xi32>
      %add3A_414 = arith.addi %add3A_407, %add3A_413 : vector<16xi32>
      %gather3A_415 = tpu.vector_load_idx %arg14[%add3A_414] : memref<4096xf32, #tpu.memory_space<vmem>>[vector<16xi32>], vector<16xf32>,
      %add3A_416 = arith.constant 32 : i32
      %add3A_417 = vector.broadcast %add3A_416 : i32 to vector<16xi32>
      %add3A_418 = arith.addi %add3A_407, %add3A_417 : vector<16xi32>
      %gather3A_419 = tpu.vector_load_idx %arg14[%add3A_418] : memref<4096xf32, #tpu.memory_space<vmem>>[vector<16xi32>], vector<16xf32>,
      %add3A_420 = arith.constant 48 : i32
      %add3A_421 = vector.broadcast %add3A_420 : i32 to vector<16xi32>
      %add3A_422 = arith.addi %add3A_407, %add3A_421 : vector<16xi32>
      %gather3A_423 = tpu.vector_load_idx %arg14[%add3A_422] : memref<4096xf32, #tpu.memory_space<vmem>>[vector<16xi32>], vector<16xf32>,
      %add3A_424 = arith.constant 64 : i32
      %add3A_425 = vector.broadcast %add3A_424 : i32 to vector<16xi32>
      %add3A_426 = arith.addi %add3A_407, %add3A_425 : vector<16xi32>
      %gather3A_427 = tpu.vector_load_idx %arg14[%add3A_426] : memref<4096xf32, #tpu.memory_space<vmem>>[vector<16xi32>], vector<16xf32>,
      %add3A_428 = arith.constant 80 : i32
      %add3A_429 = vector.broadcast %add3A_428 : i32 to vector<16xi32>
      %add3A_430 = arith.addi %add3A_407, %add3A_429 : vector<16xi32>
      %gather3A_431 = tpu.vector_load_idx %arg14[%add3A_430] : memref<4096xf32, #tpu.memory_space<vmem>>[vector<16xi32>], vector<16xf32>,
      %add3A_432 = arith.constant 96 : i32
      %add3A_433 = vector.broadcast %add3A_432 : i32 to vector<16xi32>
      %add3A_434 = arith.addi %add3A_407, %add3A_433 : vector<16xi32>
      %gather3A_435 = tpu.vector_load_idx %arg14[%add3A_434] : memref<4096xf32, #tpu.memory_space<vmem>>[vector<16xi32>], vector<16xf32>,
      %add3A_436 = arith.constant 112 : i32
      %add3A_437 = vector.broadcast %add3A_436 : i32 to vector<16xi32>
      %add3A_438 = arith.addi %add3A_407, %add3A_437 : vector<16xi32>
      %gather3A_439 = tpu.vector_load_idx %arg14[%add3A_438] : memref<4096xf32, #tpu.memory_space<vmem>>[vector<16xi32>], vector<16xf32>,
      %add3A_440 = arith.constant 128 : i32
      %add3A_441 = vector.broadcast %add3A_440 : i32 to vector<16xi32>
      %add3A_442 = arith.addi %add3A_407, %add3A_441 : vector<16xi32>
      %gather3A_443 = tpu.vector_load_idx %arg14[%add3A_442] : memref<4096xf32, #tpu.memory_space<vmem>>[vector<16xi32>], vector<16xf32>,
      %add3A_444 = arith.constant 144 : i32
      %add3A_445 = vector.broadcast %add3A_444 : i32 to vector<16xi32>
      %add3A_446 = arith.addi %add3A_407, %add3A_445 : vector<16xi32>
      %gather3A_447 = tpu.vector_load_idx %arg14[%add3A_446] : memref<4096xf32, #tpu.memory_space<vmem>>[vector<16xi32>], vector<16xf32>,
      %add3A_448 = arith.constant 160 : i32
      %add3A_449 = vector.broadcast %add3A_448 : i32 to vector<16xi32>
      %add3A_450 = arith.addi %add3A_407, %add3A_449 : vector<16xi32>
      %gather3A_451 = tpu.vector_load_idx %arg14[%add3A_450] : memref<4096xf32, #tpu.memory_space<vmem>>[vector<16xi32>], vector<16xf32>,
      %add3A_452 = arith.constant 176 : i32
      %add3A_453 = vector.broadcast %add3A_452 : i32 to vector<16xi32>
      %add3A_454 = arith.addi %add3A_407, %add3A_453 : vector<16xi32>
      %gather3A_455 = tpu.vector_load_idx %arg14[%add3A_454] : memref<4096xf32, #tpu.memory_space<vmem>>[vector<16xi32>], vector<16xf32>,
      %add3A_456 = arith.constant 192 : i32
      %add3A_457 = vector.broadcast %add3A_456 : i32 to vector<16xi32>
      %add3A_458 = arith.addi %add3A_407, %add3A_457 : vector<16xi32>
      %gather3A_459 = tpu.vector_load_idx %arg14[%add3A_458] : memref<4096xf32, #tpu.memory_space<vmem>>[vector<16xi32>], vector<16xf32>,
      %add3A_460 = arith.constant 208 : i32
      %add3A_461 = vector.broadcast %add3A_460 : i32 to vector<16xi32>
      %add3A_462 = arith.addi %add3A_407, %add3A_461 : vector<16xi32>
      %gather3A_463 = tpu.vector_load_idx %arg14[%add3A_462] : memref<4096xf32, #tpu.memory_space<vmem>>[vector<16xi32>], vector<16xf32>,
      %add3A_464 = arith.constant 224 : i32
      %add3A_465 = vector.broadcast %add3A_464 : i32 to vector<16xi32>
      %add3A_466 = arith.addi %add3A_407, %add3A_465 : vector<16xi32>
      %gather3A_467 = tpu.vector_load_idx %arg14[%add3A_466] : memref<4096xf32, #tpu.memory_space<vmem>>[vector<16xi32>], vector<16xf32>,
      %add3A_468 = arith.constant 240 : i32
      %add3A_469 = vector.broadcast %add3A_468 : i32 to vector<16xi32>
      %add3A_470 = arith.addi %add3A_407, %add3A_469 : vector<16xi32>
      %gather3A_471 = tpu.vector_load_idx %arg14[%add3A_470] : memref<4096xf32, #tpu.memory_space<vmem>>[vector<16xi32>], vector<16xf32>,
      %add3A_472 = arith.constant 1 : i32
      %add3A_473 = arith.addi %mul3A_327, %add3A_472 : i32
      %sub3A_474 = arith.constant 1 : i32
      %sub3A_475 = arith.subi %add3A_473, %sub3A_474 : i32
      %jit3A_476 = arith.constant 8 : i32
      %div3A_477 = arith.divsi %sub3A_475, %jit3A_476 : i32
      %sign3A_478 = arith.constant 0 : i32
      %sign3A_479 = arith.cmpi sgt, %sub3A_475, %sign3A_478 : i32
      %sign3A_480 = arith.extui %sign3A_479 : i1 to i32
      %sign3A_481 = arith.constant 0 : i32
      %sign3A_482 = arith.cmpi slt, %sub3A_475, %sign3A_481 : i32
      %sign3A_483 = arith.extui %sign3A_482 : i1 to i32
      %sign3A_484 = arith.subi %sign3A_480, %sign3A_483 : i32
      %sign3A_485 = arith.constant 0 : i32
      %sign3A_486 = arith.cmpi sgt, %jit3A_476, %sign3A_485 : i32
      %sign3A_487 = arith.extui %sign3A_486 : i1 to i32
      %sign3A_488 = arith.constant 0 : i32
      %sign3A_489 = arith.cmpi slt, %jit3A_476, %sign3A_488 : i32
      %sign3A_490 = arith.extui %sign3A_489 : i1 to i32
      %sign3A_491 = arith.subi %sign3A_487, %sign3A_490 : i32
      %ne3A_492 = arith.cmpi ne, %sign3A_484, %sign3A_491 : i32
      %rem3A_493 = arith.remsi %sub3A_475, %jit3A_476 : i32
      %ne3A_494 = arith.constant 0 : i32
      %ne3A_495 = arith.cmpi ne, %rem3A_493, %ne3A_494 : i32
      %and3A_496 = arith.andi %ne3A_492, %ne3A_495 : i1
      %sub3A_497 = arith.constant 1 : i32
      %sub3A_498 = arith.subi %div3A_477, %sub3A_497 : i32
      %select_n3A_499 = arith.select %and3A_496, %sub3A_498, %div3A_477 : i32
      %mul3A_500 = arith.constant 1024 : i32
      %mul3A_501 = arith.muli %select_n3A_499, %mul3A_500 : i32
      %jit3A_502 = arith.constant 8 : i32
      %eq3A = arith.constant 0 : i32
      %eq3A_503 = arith.cmpi eq, %jit3A_502, %eq3A : i32
      %jit3A_504 = arith.constant 1 : i32
      %select_n3A_505 = arith.select %eq3A_503, %jit3A_504, %jit3A_502 : i32
      %rem3A_506 = arith.remsi %sub3A_475, %select_n3A_505 : i32
      %ne3A_507 = arith.constant 0 : i32
      %ne3A_508 = arith.cmpi ne, %rem3A_506, %ne3A_507 : i32
      %lt3A_509 = arith.constant 0 : i32
      %lt3A_510 = arith.cmpi slt, %rem3A_506, %lt3A_509 : i32
      %lt3A_511 = arith.constant 0 : i32
      %lt3A_512 = arith.cmpi slt, %select_n3A_505, %lt3A_511 : i32
      %ne3A_513 = arith.xori %lt3A_510, %lt3A_512 : i1
      %and3A_514 = arith.andi %ne3A_513, %ne3A_508 : i1
      %add3A_515 = arith.addi %rem3A_506, %select_n3A_505 : i32
      %select_n3A_516 = arith.select %and3A_514, %add3A_515, %rem3A_506 : i32
      %mul3A_517 = arith.constant 16 : i32
      %mul3A_518 = arith.muli %select_n3A_516, %mul3A_517 : i32
      %add3A_519 = arith.addi %mul3A_501, %mul3A_518 : i32
      %add3A_520 = arith.constant 0 : i32
      %add3A_521 = arith.addi %add3A_519, %add3A_520 : i32
      %add3A_522 = arith.constant 0 : i32
      %add3A_523 = arith.addi %add3A_521, %add3A_522 : i32
      %swap3A = arith.index_cast %add3A_523 : i32 to index
      %swap3A_524 = tpu.vector_load %arg13[%swap3A] {strides = array<i32>} : memref<32768xf32, #tpu.memory_space<vmem>>, vector<16xf32>,
      tpu.vector_store %arg13[%swap3A], %gather3A {strides = array<i32>} : memref<32768xf32, #tpu.memory_space<vmem>>, vector<16xf32>,
      %add3A_525 = arith.constant 0 : i32
      %add3A_526 = arith.addi %add3A_519, %add3A_525 : i32
      %add3A_527 = arith.constant 128 : i32
      %add3A_528 = arith.addi %add3A_526, %add3A_527 : i32
      %swap3A_529 = arith.index_cast %add3A_528 : i32 to index
      %swap3A_530 = tpu.vector_load %arg13[%swap3A_529] {strides = array<i32>} : memref<32768xf32, #tpu.memory_space<vmem>>, vector<16xf32>,
      tpu.vector_store %arg13[%swap3A_529], %gather3A_341 {strides = array<i32>} : memref<32768xf32, #tpu.memory_space<vmem>>, vector<16xf32>,
      %add3A_531 = arith.constant 0 : i32
      %add3A_532 = arith.addi %add3A_519, %add3A_531 : i32
      %add3A_533 = arith.constant 256 : i32
      %add3A_534 = arith.addi %add3A_532, %add3A_533 : i32
      %swap3A_535 = arith.index_cast %add3A_534 : i32 to index
      %swap3A_536 = tpu.vector_load %arg13[%swap3A_535] {strides = array<i32>} : memref<32768xf32, #tpu.memory_space<vmem>>, vector<16xf32>,
      tpu.vector_store %arg13[%swap3A_535], %gather3A_345 {strides = array<i32>} : memref<32768xf32, #tpu.memory_space<vmem>>, vector<16xf32>,
      %add3A_537 = arith.constant 0 : i32
      %add3A_538 = arith.addi %add3A_519, %add3A_537 : i32
      %add3A_539 = arith.constant 384 : i32
      %add3A_540 = arith.addi %add3A_538, %add3A_539 : i32
      %swap3A_541 = arith.index_cast %add3A_540 : i32 to index
      %swap3A_542 = tpu.vector_load %arg13[%swap3A_541] {strides = array<i32>} : memref<32768xf32, #tpu.memory_space<vmem>>, vector<16xf32>,
      tpu.vector_store %arg13[%swap3A_541], %gather3A_349 {strides = array<i32>} : memref<32768xf32, #tpu.memory_space<vmem>>, vector<16xf32>,
      %add3A_543 = arith.constant 0 : i32
      %add3A_544 = arith.addi %add3A_519, %add3A_543 : i32
      %add3A_545 = arith.constant 512 : i32
      %add3A_546 = arith.addi %add3A_544, %add3A_545 : i32
      %swap3A_547 = arith.index_cast %add3A_546 : i32 to index
      %swap3A_548 = tpu.vector_load %arg13[%swap3A_547] {strides = array<i32>} : memref<32768xf32, #tpu.memory_space<vmem>>, vector<16xf32>,
      tpu.vector_store %arg13[%swap3A_547], %gather3A_353 {strides = array<i32>} : memref<32768xf32, #tpu.memory_space<vmem>>, vector<16xf32>,
      %add3A_549 = arith.constant 0 : i32
      %add3A_550 = arith.addi %add3A_519, %add3A_549 : i32
      %add3A_551 = arith.constant 640 : i32
      %add3A_552 = arith.addi %add3A_550, %add3A_551 : i32
      %swap3A_553 = arith.index_cast %add3A_552 : i32 to index
      %swap3A_554 = tpu.vector_load %arg13[%swap3A_553] {strides = array<i32>} : memref<32768xf32, #tpu.memory_space<vmem>>, vector<16xf32>,
      tpu.vector_store %arg13[%swap3A_553], %gather3A_357 {strides = array<i32>} : memref<32768xf32, #tpu.memory_space<vmem>>, vector<16xf32>,
      %add3A_555 = arith.constant 0 : i32
      %add3A_556 = arith.addi %add3A_519, %add3A_555 : i32
      %add3A_557 = arith.constant 768 : i32
      %add3A_558 = arith.addi %add3A_556, %add3A_557 : i32
      %swap3A_559 = arith.index_cast %add3A_558 : i32 to index
      %swap3A_560 = tpu.vector_load %arg13[%swap3A_559] {strides = array<i32>} : memref<32768xf32, #tpu.memory_space<vmem>>, vector<16xf32>,
      tpu.vector_store %arg13[%swap3A_559], %gather3A_361 {strides = array<i32>} : memref<32768xf32, #tpu.memory_space<vmem>>, vector<16xf32>,
      %add3A_561 = arith.constant 0 : i32
      %add3A_562 = arith.addi %add3A_519, %add3A_561 : i32
      %add3A_563 = arith.constant 896 : i32
      %add3A_564 = arith.addi %add3A_562, %add3A_563 : i32
      %swap3A_565 = arith.index_cast %add3A_564 : i32 to index
      %swap3A_566 = tpu.vector_load %arg13[%swap3A_565] {strides = array<i32>} : memref<32768xf32, #tpu.memory_space<vmem>>, vector<16xf32>,
      tpu.vector_store %arg13[%swap3A_565], %gather3A_365 {strides = array<i32>} : memref<32768xf32, #tpu.memory_space<vmem>>, vector<16xf32>,
      %add3A_567 = arith.constant 16384 : i32
      %add3A_568 = arith.addi %add3A_519, %add3A_567 : i32
      %add3A_569 = arith.constant 0 : i32
      %add3A_570 = arith.addi %add3A_568, %add3A_569 : i32
      %swap3A_571 = arith.index_cast %add3A_570 : i32 to index
      %swap3A_572 = tpu.vector_load %arg13[%swap3A_571] {strides = array<i32>} : memref<32768xf32, #tpu.memory_space<vmem>>, vector<16xf32>,
      tpu.vector_store %arg13[%swap3A_571], %gather3A_369 {strides = array<i32>} : memref<32768xf32, #tpu.memory_space<vmem>>, vector<16xf32>,
      %add3A_573 = arith.constant 16384 : i32
      %add3A_574 = arith.addi %add3A_519, %add3A_573 : i32
      %add3A_575 = arith.constant 128 : i32
      %add3A_576 = arith.addi %add3A_574, %add3A_575 : i32
      %swap3A_577 = arith.index_cast %add3A_576 : i32 to index
      %swap3A_578 = tpu.vector_load %arg13[%swap3A_577] {strides = array<i32>} : memref<32768xf32, #tpu.memory_space<vmem>>, vector<16xf32>,
      tpu.vector_store %arg13[%swap3A_577], %gather3A_373 {strides = array<i32>} : memref<32768xf32, #tpu.memory_space<vmem>>, vector<16xf32>,
      %add3A_579 = arith.constant 16384 : i32
      %add3A_580 = arith.addi %add3A_519, %add3A_579 : i32
      %add3A_581 = arith.constant 256 : i32
      %add3A_582 = arith.addi %add3A_580, %add3A_581 : i32
      %swap3A_583 = arith.index_cast %add3A_582 : i32 to index
      %swap3A_584 = tpu.vector_load %arg13[%swap3A_583] {strides = array<i32>} : memref<32768xf32, #tpu.memory_space<vmem>>, vector<16xf32>,
      tpu.vector_store %arg13[%swap3A_583], %gather3A_377 {strides = array<i32>} : memref<32768xf32, #tpu.memory_space<vmem>>, vector<16xf32>,
      %add3A_585 = arith.constant 16384 : i32
      %add3A_586 = arith.addi %add3A_519, %add3A_585 : i32
      %add3A_587 = arith.constant 384 : i32
      %add3A_588 = arith.addi %add3A_586, %add3A_587 : i32
      %swap3A_589 = arith.index_cast %add3A_588 : i32 to index
      %swap3A_590 = tpu.vector_load %arg13[%swap3A_589] {strides = array<i32>} : memref<32768xf32, #tpu.memory_space<vmem>>, vector<16xf32>,
      tpu.vector_store %arg13[%swap3A_589], %gather3A_381 {strides = array<i32>} : memref<32768xf32, #tpu.memory_space<vmem>>, vector<16xf32>,
      %add3A_591 = arith.constant 16384 : i32
      %add3A_592 = arith.addi %add3A_519, %add3A_591 : i32
      %add3A_593 = arith.constant 512 : i32
      %add3A_594 = arith.addi %add3A_592, %add3A_593 : i32
      %swap3A_595 = arith.index_cast %add3A_594 : i32 to index
      %swap3A_596 = tpu.vector_load %arg13[%swap3A_595] {strides = array<i32>} : memref<32768xf32, #tpu.memory_space<vmem>>, vector<16xf32>,
      tpu.vector_store %arg13[%swap3A_595], %gather3A_385 {strides = array<i32>} : memref<32768xf32, #tpu.memory_space<vmem>>, vector<16xf32>,
      %add3A_597 = arith.constant 16384 : i32
      %add3A_598 = arith.addi %add3A_519, %add3A_597 : i32
      %add3A_599 = arith.constant 640 : i32
      %add3A_600 = arith.addi %add3A_598, %add3A_599 : i32
      %swap3A_601 = arith.index_cast %add3A_600 : i32 to index
      %swap3A_602 = tpu.vector_load %arg13[%swap3A_601] {strides = array<i32>} : memref<32768xf32, #tpu.memory_space<vmem>>, vector<16xf32>,
      tpu.vector_store %arg13[%swap3A_601], %gather3A_389 {strides = array<i32>} : memref<32768xf32, #tpu.memory_space<vmem>>, vector<16xf32>,
      %add3A_603 = arith.constant 16384 : i32
      %add3A_604 = arith.addi %add3A_519, %add3A_603 : i32
      %add3A_605 = arith.constant 768 : i32
      %add3A_606 = arith.addi %add3A_604, %add3A_605 : i32
      %swap3A_607 = arith.index_cast %add3A_606 : i32 to index
      %swap3A_608 = tpu.vector_load %arg13[%swap3A_607] {strides = array<i32>} : memref<32768xf32, #tpu.memory_space<vmem>>, vector<16xf32>,
      tpu.vector_store %arg13[%swap3A_607], %gather3A_393 {strides = array<i32>} : memref<32768xf32, #tpu.memory_space<vmem>>, vector<16xf32>,
      %add3A_609 = arith.constant 16384 : i32
      %add3A_610 = arith.addi %add3A_519, %add3A_609 : i32
      %add3A_611 = arith.constant 896 : i32
      %add3A_612 = arith.addi %add3A_610, %add3A_611 : i32
      %swap3A_613 = arith.index_cast %add3A_612 : i32 to index
      %swap3A_614 = tpu.vector_load %arg13[%swap3A_613] {strides = array<i32>} : memref<32768xf32, #tpu.memory_space<vmem>>, vector<16xf32>,
      tpu.vector_store %arg13[%swap3A_613], %gather3A_397 {strides = array<i32>} : memref<32768xf32, #tpu.memory_space<vmem>>, vector<16xf32>,
      %add3A_615 = arith.constant 2 : i32
      %add3A_616 = arith.addi %mul3A_327, %add3A_615 : i32
      %mul3A_617 = arith.constant 16 : i32
      %mul3A_618 = arith.muli %add3A_616, %mul3A_617 : i32
      %get3A_619 = arith.index_cast %mul3A_618 : i32 to index
      %get3A_620 = tpu.vector_load %arg11[%get3A_619] {strides = array<i32>} : memref<2048xi32, #tpu.memory_space<vmem>>, vector<16xi32>,
      %mul3A_621 = arith.constant 256 : i32
      %mul3A_622 = vector.broadcast %mul3A_621 : i32 to vector<16xi32>
      %mul3A_623 = arith.muli %get3A_620, %mul3A_622 : vector<16xi32>
      %add3A_624 = arith.addi %mul3A_623, %iota3A : vector<16xi32>
      %add3A_625 = arith.constant 0 : i32
      %add3A_626 = vector.broadcast %add3A_625 : i32 to vector<16xi32>
      %add3A_627 = arith.addi %add3A_624, %add3A_626 : vector<16xi32>
      %gather3A_628 = tpu.vector_load_idx %arg14[%add3A_627] : memref<4096xf32, #tpu.memory_space<vmem>>[vector<16xi32>], vector<16xf32>,
      %add3A_629 = arith.constant 16 : i32
      %add3A_630 = vector.broadcast %add3A_629 : i32 to vector<16xi32>
      %add3A_631 = arith.addi %add3A_624, %add3A_630 : vector<16xi32>
      %gather3A_632 = tpu.vector_load_idx %arg14[%add3A_631] : memref<4096xf32, #tpu.memory_space<vmem>>[vector<16xi32>], vector<16xf32>,
      %add3A_633 = arith.constant 32 : i32
      %add3A_634 = vector.broadcast %add3A_633 : i32 to vector<16xi32>
      %add3A_635 = arith.addi %add3A_624, %add3A_634 : vector<16xi32>
      %gather3A_636 = tpu.vector_load_idx %arg14[%add3A_635] : memref<4096xf32, #tpu.memory_space<vmem>>[vector<16xi32>], vector<16xf32>,
      %add3A_637 = arith.constant 48 : i32
      %add3A_638 = vector.broadcast %add3A_637 : i32 to vector<16xi32>
      %add3A_639 = arith.addi %add3A_624, %add3A_638 : vector<16xi32>
      %gather3A_640 = tpu.vector_load_idx %arg14[%add3A_639] : memref<4096xf32, #tpu.memory_space<vmem>>[vector<16xi32>], vector<16xf32>,
      %add3A_641 = arith.constant 64 : i32
      %add3A_642 = vector.broadcast %add3A_641 : i32 to vector<16xi32>
      %add3A_643 = arith.addi %add3A_624, %add3A_642 : vector<16xi32>
      %gather3A_644 = tpu.vector_load_idx %arg14[%add3A_643] : memref<4096xf32, #tpu.memory_space<vmem>>[vector<16xi32>], vector<16xf32>,
      %add3A_645 = arith.constant 80 : i32
      %add3A_646 = vector.broadcast %add3A_645 : i32 to vector<16xi32>
      %add3A_647 = arith.addi %add3A_624, %add3A_646 : vector<16xi32>
      %gather3A_648 = tpu.vector_load_idx %arg14[%add3A_647] : memref<4096xf32, #tpu.memory_space<vmem>>[vector<16xi32>], vector<16xf32>,
      %add3A_649 = arith.constant 96 : i32
      %add3A_650 = vector.broadcast %add3A_649 : i32 to vector<16xi32>
      %add3A_651 = arith.addi %add3A_624, %add3A_650 : vector<16xi32>
      %gather3A_652 = tpu.vector_load_idx %arg14[%add3A_651] : memref<4096xf32, #tpu.memory_space<vmem>>[vector<16xi32>], vector<16xf32>,
      %add3A_653 = arith.constant 112 : i32
      %add3A_654 = vector.broadcast %add3A_653 : i32 to vector<16xi32>
      %add3A_655 = arith.addi %add3A_624, %add3A_654 : vector<16xi32>
      %gather3A_656 = tpu.vector_load_idx %arg14[%add3A_655] : memref<4096xf32, #tpu.memory_space<vmem>>[vector<16xi32>], vector<16xf32>,
      %add3A_657 = arith.constant 128 : i32
      %add3A_658 = vector.broadcast %add3A_657 : i32 to vector<16xi32>
      %add3A_659 = arith.addi %add3A_624, %add3A_658 : vector<16xi32>
      %gather3A_660 = tpu.vector_load_idx %arg14[%add3A_659] : memref<4096xf32, #tpu.memory_space<vmem>>[vector<16xi32>], vector<16xf32>,
      %add3A_661 = arith.constant 144 : i32
      %add3A_662 = vector.broadcast %add3A_661 : i32 to vector<16xi32>
      %add3A_663 = arith.addi %add3A_624, %add3A_662 : vector<16xi32>
      %gather3A_664 = tpu.vector_load_idx %arg14[%add3A_663] : memref<4096xf32, #tpu.memory_space<vmem>>[vector<16xi32>], vector<16xf32>,
      %add3A_665 = arith.constant 160 : i32
      %add3A_666 = vector.broadcast %add3A_665 : i32 to vector<16xi32>
      %add3A_667 = arith.addi %add3A_624, %add3A_666 : vector<16xi32>
      %gather3A_668 = tpu.vector_load_idx %arg14[%add3A_667] : memref<4096xf32, #tpu.memory_space<vmem>>[vector<16xi32>], vector<16xf32>,
      %add3A_669 = arith.constant 176 : i32
      %add3A_670 = vector.broadcast %add3A_669 : i32 to vector<16xi32>
      %add3A_671 = arith.addi %add3A_624, %add3A_670 : vector<16xi32>
      %gather3A_672 = tpu.vector_load_idx %arg14[%add3A_671] : memref<4096xf32, #tpu.memory_space<vmem>>[vector<16xi32>], vector<16xf32>,
      %add3A_673 = arith.constant 192 : i32
      %add3A_674 = vector.broadcast %add3A_673 : i32 to vector<16xi32>
      %add3A_675 = arith.addi %add3A_624, %add3A_674 : vector<16xi32>
      %gather3A_676 = tpu.vector_load_idx %arg14[%add3A_675] : memref<4096xf32, #tpu.memory_space<vmem>>[vector<16xi32>], vector<16xf32>,
      %add3A_677 = arith.constant 208 : i32
      %add3A_678 = vector.broadcast %add3A_677 : i32 to vector<16xi32>
      %add3A_679 = arith.addi %add3A_624, %add3A_678 : vector<16xi32>
      %gather3A_680 = tpu.vector_load_idx %arg14[%add3A_679] : memref<4096xf32, #tpu.memory_space<vmem>>[vector<16xi32>], vector<16xf32>,
      %add3A_681 = arith.constant 224 : i32
      %add3A_682 = vector.broadcast %add3A_681 : i32 to vector<16xi32>
      %add3A_683 = arith.addi %add3A_624, %add3A_682 : vector<16xi32>
      %gather3A_684 = tpu.vector_load_idx %arg14[%add3A_683] : memref<4096xf32, #tpu.memory_space<vmem>>[vector<16xi32>], vector<16xf32>,
      %add3A_685 = arith.constant 240 : i32
      %add3A_686 = vector.broadcast %add3A_685 : i32 to vector<16xi32>
      %add3A_687 = arith.addi %add3A_624, %add3A_686 : vector<16xi32>
      %gather3A_688 = tpu.vector_load_idx %arg14[%add3A_687] : memref<4096xf32, #tpu.memory_space<vmem>>[vector<16xi32>], vector<16xf32>,
      %add3A_689 = arith.constant 2 : i32
      %add3A_690 = arith.addi %mul3A_327, %add3A_689 : i32
      %sub3A_691 = arith.constant 1 : i32
      %sub3A_692 = arith.subi %add3A_690, %sub3A_691 : i32
      %jit3A_693 = arith.constant 8 : i32
      %div3A_694 = arith.divsi %sub3A_692, %jit3A_693 : i32
      %sign3A_695 = arith.constant 0 : i32
      %sign3A_696 = arith.cmpi sgt, %sub3A_692, %sign3A_695 : i32
      %sign3A_697 = arith.extui %sign3A_696 : i1 to i32
      %sign3A_698 = arith.constant 0 : i32
      %sign3A_699 = arith.cmpi slt, %sub3A_692, %sign3A_698 : i32
      %sign3A_700 = arith.extui %sign3A_699 : i1 to i32
      %sign3A_701 = arith.subi %sign3A_697, %sign3A_700 : i32
      %sign3A_702 = arith.constant 0 : i32
      %sign3A_703 = arith.cmpi sgt, %jit3A_693, %sign3A_702 : i32
      %sign3A_704 = arith.extui %sign3A_703 : i1 to i32
      %sign3A_705 = arith.constant 0 : i32
      %sign3A_706 = arith.cmpi slt, %jit3A_693, %sign3A_705 : i32
      %sign3A_707 = arith.extui %sign3A_706 : i1 to i32
      %sign3A_708 = arith.subi %sign3A_704, %sign3A_707 : i32
      %ne3A_709 = arith.cmpi ne, %sign3A_701, %sign3A_708 : i32
      %rem3A_710 = arith.remsi %sub3A_692, %jit3A_693 : i32
      %ne3A_711 = arith.constant 0 : i32
      %ne3A_712 = arith.cmpi ne, %rem3A_710, %ne3A_711 : i32
      %and3A_713 = arith.andi %ne3A_709, %ne3A_712 : i1
      %sub3A_714 = arith.constant 1 : i32
      %sub3A_715 = arith.subi %div3A_694, %sub3A_714 : i32
      %select_n3A_716 = arith.select %and3A_713, %sub3A_715, %div3A_694 : i32
      %mul3A_717 = arith.constant 1024 : i32
      %mul3A_718 = arith.muli %select_n3A_716, %mul3A_717 : i32
      %jit3A_719 = arith.constant 8 : i32
      %eq3A_720 = arith.constant 0 : i32
      %eq3A_721 = arith.cmpi eq, %jit3A_719, %eq3A_720 : i32
      %jit3A_722 = arith.constant 1 : i32
      %select_n3A_723 = arith.select %eq3A_721, %jit3A_722, %jit3A_719 : i32
      %rem3A_724 = arith.remsi %sub3A_692, %select_n3A_723 : i32
      %ne3A_725 = arith.constant 0 : i32
      %ne3A_726 = arith.cmpi ne, %rem3A_724, %ne3A_725 : i32
      %lt3A_727 = arith.constant 0 : i32
      %lt3A_728 = arith.cmpi slt, %rem3A_724, %lt3A_727 : i32
      %lt3A_729 = arith.constant 0 : i32
      %lt3A_730 = arith.cmpi slt, %select_n3A_723, %lt3A_729 : i32
      %ne3A_731 = arith.xori %lt3A_728, %lt3A_730 : i1
      %and3A_732 = arith.andi %ne3A_731, %ne3A_726 : i1
      %add3A_733 = arith.addi %rem3A_724, %select_n3A_723 : i32
      %select_n3A_734 = arith.select %and3A_732, %add3A_733, %rem3A_724 : i32
      %mul3A_735 = arith.constant 16 : i32
      %mul3A_736 = arith.muli %select_n3A_734, %mul3A_735 : i32
      %add3A_737 = arith.addi %mul3A_718, %mul3A_736 : i32
      %add3A_738 = arith.constant 0 : i32
      %add3A_739 = arith.addi %add3A_737, %add3A_738 : i32
      %add3A_740 = arith.constant 0 : i32
      %add3A_741 = arith.addi %add3A_739, %add3A_740 : i32
      %swap3A_742 = arith.index_cast %add3A_741 : i32 to index
      %swap3A_743 = tpu.vector_load %arg13[%swap3A_742] {strides = array<i32>} : memref<32768xf32, #tpu.memory_space<vmem>>, vector<16xf32>,
      tpu.vector_store %arg13[%swap3A_742], %gather3A_411 {strides = array<i32>} : memref<32768xf32, #tpu.memory_space<vmem>>, vector<16xf32>,
      %add3A_744 = arith.constant 0 : i32
      %add3A_745 = arith.addi %add3A_737, %add3A_744 : i32
      %add3A_746 = arith.constant 128 : i32
      %add3A_747 = arith.addi %add3A_745, %add3A_746 : i32
      %swap3A_748 = arith.index_cast %add3A_747 : i32 to index
      %swap3A_749 = tpu.vector_load %arg13[%swap3A_748] {strides = array<i32>} : memref<32768xf32, #tpu.memory_space<vmem>>, vector<16xf32>,
      tpu.vector_store %arg13[%swap3A_748], %gather3A_415 {strides = array<i32>} : memref<32768xf32, #tpu.memory_space<vmem>>, vector<16xf32>,
      %add3A_750 = arith.constant 0 : i32
      %add3A_751 = arith.addi %add3A_737, %add3A_750 : i32
      %add3A_752 = arith.constant 256 : i32
      %add3A_753 = arith.addi %add3A_751, %add3A_752 : i32
      %swap3A_754 = arith.index_cast %add3A_753 : i32 to index
      %swap3A_755 = tpu.vector_load %arg13[%swap3A_754] {strides = array<i32>} : memref<32768xf32, #tpu.memory_space<vmem>>, vector<16xf32>,
      tpu.vector_store %arg13[%swap3A_754], %gather3A_419 {strides = array<i32>} : memref<32768xf32, #tpu.memory_space<vmem>>, vector<16xf32>,
      %add3A_756 = arith.constant 0 : i32
      %add3A_757 = arith.addi %add3A_737, %add3A_756 : i32
      %add3A_758 = arith.constant 384 : i32
      %add3A_759 = arith.addi %add3A_757, %add3A_758 : i32
      %swap3A_760 = arith.index_cast %add3A_759 : i32 to index
      %swap3A_761 = tpu.vector_load %arg13[%swap3A_760] {strides = array<i32>} : memref<32768xf32, #tpu.memory_space<vmem>>, vector<16xf32>,
      tpu.vector_store %arg13[%swap3A_760], %gather3A_423 {strides = array<i32>} : memref<32768xf32, #tpu.memory_space<vmem>>, vector<16xf32>,
      %add3A_762 = arith.constant 0 : i32
      %add3A_763 = arith.addi %add3A_737, %add3A_762 : i32
      %add3A_764 = arith.constant 512 : i32
      %add3A_765 = arith.addi %add3A_763, %add3A_764 : i32
      %swap3A_766 = arith.index_cast %add3A_765 : i32 to index
      %swap3A_767 = tpu.vector_load %arg13[%swap3A_766] {strides = array<i32>} : memref<32768xf32, #tpu.memory_space<vmem>>, vector<16xf32>,
      tpu.vector_store %arg13[%swap3A_766], %gather3A_427 {strides = array<i32>} : memref<32768xf32, #tpu.memory_space<vmem>>, vector<16xf32>,
      %add3A_768 = arith.constant 0 : i32
      %add3A_769 = arith.addi %add3A_737, %add3A_768 : i32
      %add3A_770 = arith.constant 640 : i32
      %add3A_771 = arith.addi %add3A_769, %add3A_770 : i32
      %swap3A_772 = arith.index_cast %add3A_771 : i32 to index
      %swap3A_773 = tpu.vector_load %arg13[%swap3A_772] {strides = array<i32>} : memref<32768xf32, #tpu.memory_space<vmem>>, vector<16xf32>,
      tpu.vector_store %arg13[%swap3A_772], %gather3A_431 {strides = array<i32>} : memref<32768xf32, #tpu.memory_space<vmem>>, vector<16xf32>,
      %add3A_774 = arith.constant 0 : i32
      %add3A_775 = arith.addi %add3A_737, %add3A_774 : i32
      %add3A_776 = arith.constant 768 : i32
      %add3A_777 = arith.addi %add3A_775, %add3A_776 : i32
      %swap3A_778 = arith.index_cast %add3A_777 : i32 to index
      %swap3A_779 = tpu.vector_load %arg13[%swap3A_778] {strides = array<i32>} : memref<32768xf32, #tpu.memory_space<vmem>>, vector<16xf32>,
      tpu.vector_store %arg13[%swap3A_778], %gather3A_435 {strides = array<i32>} : memref<32768xf32, #tpu.memory_space<vmem>>, vector<16xf32>,
      %add3A_780 = arith.constant 0 : i32
      %add3A_781 = arith.addi %add3A_737, %add3A_780 : i32
      %add3A_782 = arith.constant 896 : i32
      %add3A_783 = arith.addi %add3A_781, %add3A_782 : i32
      %swap3A_784 = arith.index_cast %add3A_783 : i32 to index
      %swap3A_785 = tpu.vector_load %arg13[%swap3A_784] {strides = array<i32>} : memref<32768xf32, #tpu.memory_space<vmem>>, vector<16xf32>,
      tpu.vector_store %arg13[%swap3A_784], %gather3A_439 {strides = array<i32>} : memref<32768xf32, #tpu.memory_space<vmem>>, vector<16xf32>,
      %add3A_786 = arith.constant 16384 : i32
      %add3A_787 = arith.addi %add3A_737, %add3A_786 : i32
      %add3A_788 = arith.constant 0 : i32
      %add3A_789 = arith.addi %add3A_787, %add3A_788 : i32
      %swap3A_790 = arith.index_cast %add3A_789 : i32 to index
      %swap3A_791 = tpu.vector_load %arg13[%swap3A_790] {strides = array<i32>} : memref<32768xf32, #tpu.memory_space<vmem>>, vector<16xf32>,
      tpu.vector_store %arg13[%swap3A_790], %gather3A_443 {strides = array<i32>} : memref<32768xf32, #tpu.memory_space<vmem>>, vector<16xf32>,
      %add3A_792 = arith.constant 16384 : i32
      %add3A_793 = arith.addi %add3A_737, %add3A_792 : i32
      %add3A_794 = arith.constant 128 : i32
      %add3A_795 = arith.addi %add3A_793, %add3A_794 : i32
      %swap3A_796 = arith.index_cast %add3A_795 : i32 to index
      %swap3A_797 = tpu.vector_load %arg13[%swap3A_796] {strides = array<i32>} : memref<32768xf32, #tpu.memory_space<vmem>>, vector<16xf32>,
      tpu.vector_store %arg13[%swap3A_796], %gather3A_447 {strides = array<i32>} : memref<32768xf32, #tpu.memory_space<vmem>>, vector<16xf32>,
      %add3A_798 = arith.constant 16384 : i32
      %add3A_799 = arith.addi %add3A_737, %add3A_798 : i32
      %add3A_800 = arith.constant 256 : i32
      %add3A_801 = arith.addi %add3A_799, %add3A_800 : i32
      %swap3A_802 = arith.index_cast %add3A_801 : i32 to index
      %swap3A_803 = tpu.vector_load %arg13[%swap3A_802] {strides = array<i32>} : memref<32768xf32, #tpu.memory_space<vmem>>, vector<16xf32>,
      tpu.vector_store %arg13[%swap3A_802], %gather3A_451 {strides = array<i32>} : memref<32768xf32, #tpu.memory_space<vmem>>, vector<16xf32>,
      %add3A_804 = arith.constant 16384 : i32
      %add3A_805 = arith.addi %add3A_737, %add3A_804 : i32
      %add3A_806 = arith.constant 384 : i32
      %add3A_807 = arith.addi %add3A_805, %add3A_806 : i32
      %swap3A_808 = arith.index_cast %add3A_807 : i32 to index
      %swap3A_809 = tpu.vector_load %arg13[%swap3A_808] {strides = array<i32>} : memref<32768xf32, #tpu.memory_space<vmem>>, vector<16xf32>,
      tpu.vector_store %arg13[%swap3A_808], %gather3A_455 {strides = array<i32>} : memref<32768xf32, #tpu.memory_space<vmem>>, vector<16xf32>,
      %add3A_810 = arith.constant 16384 : i32
      %add3A_811 = arith.addi %add3A_737, %add3A_810 : i32
      %add3A_812 = arith.constant 512 : i32
      %add3A_813 = arith.addi %add3A_811, %add3A_812 : i32
      %swap3A_814 = arith.index_cast %add3A_813 : i32 to index
      %swap3A_815 = tpu.vector_load %arg13[%swap3A_814] {strides = array<i32>} : memref<32768xf32, #tpu.memory_space<vmem>>, vector<16xf32>,
      tpu.vector_store %arg13[%swap3A_814], %gather3A_459 {strides = array<i32>} : memref<32768xf32, #tpu.memory_space<vmem>>, vector<16xf32>,
      %add3A_816 = arith.constant 16384 : i32
      %add3A_817 = arith.addi %add3A_737, %add3A_816 : i32
      %add3A_818 = arith.constant 640 : i32
      %add3A_819 = arith.addi %add3A_817, %add3A_818 : i32
      %swap3A_820 = arith.index_cast %add3A_819 : i32 to index
      %swap3A_821 = tpu.vector_load %arg13[%swap3A_820] {strides = array<i32>} : memref<32768xf32, #tpu.memory_space<vmem>>, vector<16xf32>,
      tpu.vector_store %arg13[%swap3A_820], %gather3A_463 {strides = array<i32>} : memref<32768xf32, #tpu.memory_space<vmem>>, vector<16xf32>,
      %add3A_822 = arith.constant 16384 : i32
      %add3A_823 = arith.addi %add3A_737, %add3A_822 : i32
      %add3A_824 = arith.constant 768 : i32
      %add3A_825 = arith.addi %add3A_823, %add3A_824 : i32
      %swap3A_826 = arith.index_cast %add3A_825 : i32 to index
      %swap3A_827 = tpu.vector_load %arg13[%swap3A_826] {strides = array<i32>} : memref<32768xf32, #tpu.memory_space<vmem>>, vector<16xf32>,
      tpu.vector_store %arg13[%swap3A_826], %gather3A_467 {strides = array<i32>} : memref<32768xf32, #tpu.memory_space<vmem>>, vector<16xf32>,
      %add3A_828 = arith.constant 16384 : i32
      %add3A_829 = arith.addi %add3A_737, %add3A_828 : i32
      %add3A_830 = arith.constant 896 : i32
      %add3A_831 = arith.addi %add3A_829, %add3A_830 : i32
      %swap3A_832 = arith.index_cast %add3A_831 : i32 to index
      %swap3A_833 = tpu.vector_load %arg13[%swap3A_832] {strides = array<i32>} : memref<32768xf32, #tpu.memory_space<vmem>>, vector<16xf32>,
      tpu.vector_store %arg13[%swap3A_832], %gather3A_471 {strides = array<i32>} : memref<32768xf32, #tpu.memory_space<vmem>>, vector<16xf32>,
      %add3A_834 = arith.constant 3 : i32
      %add3A_835 = arith.addi %mul3A_327, %add3A_834 : i32
      %mul3A_836 = arith.constant 16 : i32
      %mul3A_837 = arith.muli %add3A_835, %mul3A_836 : i32
      %get3A_838 = arith.index_cast %mul3A_837 : i32 to index
      %get3A_839 = tpu.vector_load %arg11[%get3A_838] {strides = array<i32>} : memref<2048xi32, #tpu.memory_space<vmem>>, vector<16xi32>,
      %mul3A_840 = arith.constant 256 : i32
      %mul3A_841 = vector.broadcast %mul3A_840 : i32 to vector<16xi32>
      %mul3A_842 = arith.muli %get3A_839, %mul3A_841 : vector<16xi32>
      %add3A_843 = arith.addi %mul3A_842, %iota3A : vector<16xi32>
      %add3A_844 = arith.constant 0 : i32
      %add3A_845 = vector.broadcast %add3A_844 : i32 to vector<16xi32>
      %add3A_846 = arith.addi %add3A_843, %add3A_845 : vector<16xi32>
      %gather3A_847 = tpu.vector_load_idx %arg14[%add3A_846] : memref<4096xf32, #tpu.memory_space<vmem>>[vector<16xi32>], vector<16xf32>,
      %add3A_848 = arith.constant 16 : i32
      %add3A_849 = vector.broadcast %add3A_848 : i32 to vector<16xi32>
      %add3A_850 = arith.addi %add3A_843, %add3A_849 : vector<16xi32>
      %gather3A_851 = tpu.vector_load_idx %arg14[%add3A_850] : memref<4096xf32, #tpu.memory_space<vmem>>[vector<16xi32>], vector<16xf32>,
      %add3A_852 = arith.constant 32 : i32
      %add3A_853 = vector.broadcast %add3A_852 : i32 to vector<16xi32>
      %add3A_854 = arith.addi %add3A_843, %add3A_853 : vector<16xi32>
      %gather3A_855 = tpu.vector_load_idx %arg14[%add3A_854] : memref<4096xf32, #tpu.memory_space<vmem>>[vector<16xi32>], vector<16xf32>,
      %add3A_856 = arith.constant 48 : i32
      %add3A_857 = vector.broadcast %add3A_856 : i32 to vector<16xi32>
      %add3A_858 = arith.addi %add3A_843, %add3A_857 : vector<16xi32>
      %gather3A_859 = tpu.vector_load_idx %arg14[%add3A_858] : memref<4096xf32, #tpu.memory_space<vmem>>[vector<16xi32>], vector<16xf32>,
      %add3A_860 = arith.constant 64 : i32
      %add3A_861 = vector.broadcast %add3A_860 : i32 to vector<16xi32>
      %add3A_862 = arith.addi %add3A_843, %add3A_861 : vector<16xi32>
      %gather3A_863 = tpu.vector_load_idx %arg14[%add3A_862] : memref<4096xf32, #tpu.memory_space<vmem>>[vector<16xi32>], vector<16xf32>,
      %add3A_864 = arith.constant 80 : i32
      %add3A_865 = vector.broadcast %add3A_864 : i32 to vector<16xi32>
      %add3A_866 = arith.addi %add3A_843, %add3A_865 : vector<16xi32>
      %gather3A_867 = tpu.vector_load_idx %arg14[%add3A_866] : memref<4096xf32, #tpu.memory_space<vmem>>[vector<16xi32>], vector<16xf32>,
      %add3A_868 = arith.constant 96 : i32
      %add3A_869 = vector.broadcast %add3A_868 : i32 to vector<16xi32>
      %add3A_870 = arith.addi %add3A_843, %add3A_869 : vector<16xi32>
      %gather3A_871 = tpu.vector_load_idx %arg14[%add3A_870] : memref<4096xf32, #tpu.memory_space<vmem>>[vector<16xi32>], vector<16xf32>,
      %add3A_872 = arith.constant 112 : i32
      %add3A_873 = vector.broadcast %add3A_872 : i32 to vector<16xi32>
      %add3A_874 = arith.addi %add3A_843, %add3A_873 : vector<16xi32>
      %gather3A_875 = tpu.vector_load_idx %arg14[%add3A_874] : memref<4096xf32, #tpu.memory_space<vmem>>[vector<16xi32>], vector<16xf32>,
      %add3A_876 = arith.constant 128 : i32
      %add3A_877 = vector.broadcast %add3A_876 : i32 to vector<16xi32>
      %add3A_878 = arith.addi %add3A_843, %add3A_877 : vector<16xi32>
      %gather3A_879 = tpu.vector_load_idx %arg14[%add3A_878] : memref<4096xf32, #tpu.memory_space<vmem>>[vector<16xi32>], vector<16xf32>,
      %add3A_880 = arith.constant 144 : i32
      %add3A_881 = vector.broadcast %add3A_880 : i32 to vector<16xi32>
      %add3A_882 = arith.addi %add3A_843, %add3A_881 : vector<16xi32>
      %gather3A_883 = tpu.vector_load_idx %arg14[%add3A_882] : memref<4096xf32, #tpu.memory_space<vmem>>[vector<16xi32>], vector<16xf32>,
      %add3A_884 = arith.constant 160 : i32
      %add3A_885 = vector.broadcast %add3A_884 : i32 to vector<16xi32>
      %add3A_886 = arith.addi %add3A_843, %add3A_885 : vector<16xi32>
      %gather3A_887 = tpu.vector_load_idx %arg14[%add3A_886] : memref<4096xf32, #tpu.memory_space<vmem>>[vector<16xi32>], vector<16xf32>,
      %add3A_888 = arith.constant 176 : i32
      %add3A_889 = vector.broadcast %add3A_888 : i32 to vector<16xi32>
      %add3A_890 = arith.addi %add3A_843, %add3A_889 : vector<16xi32>
      %gather3A_891 = tpu.vector_load_idx %arg14[%add3A_890] : memref<4096xf32, #tpu.memory_space<vmem>>[vector<16xi32>], vector<16xf32>,
      %add3A_892 = arith.constant 192 : i32
      %add3A_893 = vector.broadcast %add3A_892 : i32 to vector<16xi32>
      %add3A_894 = arith.addi %add3A_843, %add3A_893 : vector<16xi32>
      %gather3A_895 = tpu.vector_load_idx %arg14[%add3A_894] : memref<4096xf32, #tpu.memory_space<vmem>>[vector<16xi32>], vector<16xf32>,
      %add3A_896 = arith.constant 208 : i32
      %add3A_897 = vector.broadcast %add3A_896 : i32 to vector<16xi32>
      %add3A_898 = arith.addi %add3A_843, %add3A_897 : vector<16xi32>
      %gather3A_899 = tpu.vector_load_idx %arg14[%add3A_898] : memref<4096xf32, #tpu.memory_space<vmem>>[vector<16xi32>], vector<16xf32>,
      %add3A_900 = arith.constant 224 : i32
      %add3A_901 = vector.broadcast %add3A_900 : i32 to vector<16xi32>
      %add3A_902 = arith.addi %add3A_843, %add3A_901 : vector<16xi32>
      %gather3A_903 = tpu.vector_load_idx %arg14[%add3A_902] : memref<4096xf32, #tpu.memory_space<vmem>>[vector<16xi32>], vector<16xf32>,
      %add3A_904 = arith.constant 240 : i32
      %add3A_905 = vector.broadcast %add3A_904 : i32 to vector<16xi32>
      %add3A_906 = arith.addi %add3A_843, %add3A_905 : vector<16xi32>
      %gather3A_907 = tpu.vector_load_idx %arg14[%add3A_906] : memref<4096xf32, #tpu.memory_space<vmem>>[vector<16xi32>], vector<16xf32>,
      %add3A_908 = arith.constant 3 : i32
      %add3A_909 = arith.addi %mul3A_327, %add3A_908 : i32
      %sub3A_910 = arith.constant 1 : i32
      %sub3A_911 = arith.subi %add3A_909, %sub3A_910 : i32
      %jit3A_912 = arith.constant 8 : i32
      %div3A_913 = arith.divsi %sub3A_911, %jit3A_912 : i32
      %sign3A_914 = arith.constant 0 : i32
      %sign3A_915 = arith.cmpi sgt, %sub3A_911, %sign3A_914 : i32
      %sign3A_916 = arith.extui %sign3A_915 : i1 to i32
      %sign3A_917 = arith.constant 0 : i32
      %sign3A_918 = arith.cmpi slt, %sub3A_911, %sign3A_917 : i32
      %sign3A_919 = arith.extui %sign3A_918 : i1 to i32
      %sign3A_920 = arith.subi %sign3A_916, %sign3A_919 : i32
      %sign3A_921 = arith.constant 0 : i32
      %sign3A_922 = arith.cmpi sgt, %jit3A_912, %sign3A_921 : i32
      %sign3A_923 = arith.extui %sign3A_922 : i1 to i32
      %sign3A_924 = arith.constant 0 : i32
      %sign3A_925 = arith.cmpi slt, %jit3A_912, %sign3A_924 : i32
      %sign3A_926 = arith.extui %sign3A_925 : i1 to i32
      %sign3A_927 = arith.subi %sign3A_923, %sign3A_926 : i32
      %ne3A_928 = arith.cmpi ne, %sign3A_920, %sign3A_927 : i32
      %rem3A_929 = arith.remsi %sub3A_911, %jit3A_912 : i32
      %ne3A_930 = arith.constant 0 : i32
      %ne3A_931 = arith.cmpi ne, %rem3A_929, %ne3A_930 : i32
      %and3A_932 = arith.andi %ne3A_928, %ne3A_931 : i1
      %sub3A_933 = arith.constant 1 : i32
      %sub3A_934 = arith.subi %div3A_913, %sub3A_933 : i32
      %select_n3A_935 = arith.select %and3A_932, %sub3A_934, %div3A_913 : i32
      %mul3A_936 = arith.constant 1024 : i32
      %mul3A_937 = arith.muli %select_n3A_935, %mul3A_936 : i32
      %jit3A_938 = arith.constant 8 : i32
      %eq3A_939 = arith.constant 0 : i32
      %eq3A_940 = arith.cmpi eq, %jit3A_938, %eq3A_939 : i32
      %jit3A_941 = arith.constant 1 : i32
      %select_n3A_942 = arith.select %eq3A_940, %jit3A_941, %jit3A_938 : i32
      %rem3A_943 = arith.remsi %sub3A_911, %select_n3A_942 : i32
      %ne3A_944 = arith.constant 0 : i32
      %ne3A_945 = arith.cmpi ne, %rem3A_943, %ne3A_944 : i32
      %lt3A_946 = arith.constant 0 : i32
      %lt3A_947 = arith.cmpi slt, %rem3A_943, %lt3A_946 : i32
      %lt3A_948 = arith.constant 0 : i32
      %lt3A_949 = arith.cmpi slt, %select_n3A_942, %lt3A_948 : i32
      %ne3A_950 = arith.xori %lt3A_947, %lt3A_949 : i1
      %and3A_951 = arith.andi %ne3A_950, %ne3A_945 : i1
      %add3A_952 = arith.addi %rem3A_943, %select_n3A_942 : i32
      %select_n3A_953 = arith.select %and3A_951, %add3A_952, %rem3A_943 : i32
      %mul3A_954 = arith.constant 16 : i32
      %mul3A_955 = arith.muli %select_n3A_953, %mul3A_954 : i32
      %add3A_956 = arith.addi %mul3A_937, %mul3A_955 : i32
      %add3A_957 = arith.constant 0 : i32
      %add3A_958 = arith.addi %add3A_956, %add3A_957 : i32
      %add3A_959 = arith.constant 0 : i32
      %add3A_960 = arith.addi %add3A_958, %add3A_959 : i32
      %swap3A_961 = arith.index_cast %add3A_960 : i32 to index
      %swap3A_962 = tpu.vector_load %arg13[%swap3A_961] {strides = array<i32>} : memref<32768xf32, #tpu.memory_space<vmem>>, vector<16xf32>,
      tpu.vector_store %arg13[%swap3A_961], %gather3A_628 {strides = array<i32>} : memref<32768xf32, #tpu.memory_space<vmem>>, vector<16xf32>,
      %add3A_963 = arith.constant 0 : i32
      %add3A_964 = arith.addi %add3A_956, %add3A_963 : i32
      %add3A_965 = arith.constant 128 : i32
      %add3A_966 = arith.addi %add3A_964, %add3A_965 : i32
      %swap3A_967 = arith.index_cast %add3A_966 : i32 to index
      %swap3A_968 = tpu.vector_load %arg13[%swap3A_967] {strides = array<i32>} : memref<32768xf32, #tpu.memory_space<vmem>>, vector<16xf32>,
      tpu.vector_store %arg13[%swap3A_967], %gather3A_632 {strides = array<i32>} : memref<32768xf32, #tpu.memory_space<vmem>>, vector<16xf32>,
      %add3A_969 = arith.constant 0 : i32
      %add3A_970 = arith.addi %add3A_956, %add3A_969 : i32
      %add3A_971 = arith.constant 256 : i32
      %add3A_972 = arith.addi %add3A_970, %add3A_971 : i32
      %swap3A_973 = arith.index_cast %add3A_972 : i32 to index
      %swap3A_974 = tpu.vector_load %arg13[%swap3A_973] {strides = array<i32>} : memref<32768xf32, #tpu.memory_space<vmem>>, vector<16xf32>,
      tpu.vector_store %arg13[%swap3A_973], %gather3A_636 {strides = array<i32>} : memref<32768xf32, #tpu.memory_space<vmem>>, vector<16xf32>,
      %add3A_975 = arith.constant 0 : i32
      %add3A_976 = arith.addi %add3A_956, %add3A_975 : i32
      %add3A_977 = arith.constant 384 : i32
      %add3A_978 = arith.addi %add3A_976, %add3A_977 : i32
      %swap3A_979 = arith.index_cast %add3A_978 : i32 to index
      %swap3A_980 = tpu.vector_load %arg13[%swap3A_979] {strides = array<i32>} : memref<32768xf32, #tpu.memory_space<vmem>>, vector<16xf32>,
      tpu.vector_store %arg13[%swap3A_979], %gather3A_640 {strides = array<i32>} : memref<32768xf32, #tpu.memory_space<vmem>>, vector<16xf32>,
      %add3A_981 = arith.constant 0 : i32
      %add3A_982 = arith.addi %add3A_956, %add3A_981 : i32
      %add3A_983 = arith.constant 512 : i32
      %add3A_984 = arith.addi %add3A_982, %add3A_983 : i32
      %swap3A_985 = arith.index_cast %add3A_984 : i32 to index
      %swap3A_986 = tpu.vector_load %arg13[%swap3A_985] {strides = array<i32>} : memref<32768xf32, #tpu.memory_space<vmem>>, vector<16xf32>,
      tpu.vector_store %arg13[%swap3A_985], %gather3A_644 {strides = array<i32>} : memref<32768xf32, #tpu.memory_space<vmem>>, vector<16xf32>,
      %add3A_987 = arith.constant 0 : i32
      %add3A_988 = arith.addi %add3A_956, %add3A_987 : i32
      %add3A_989 = arith.constant 640 : i32
      %add3A_990 = arith.addi %add3A_988, %add3A_989 : i32
      %swap3A_991 = arith.index_cast %add3A_990 : i32 to index
      %swap3A_992 = tpu.vector_load %arg13[%swap3A_991] {strides = array<i32>} : memref<32768xf32, #tpu.memory_space<vmem>>, vector<16xf32>,
      tpu.vector_store %arg13[%swap3A_991], %gather3A_648 {strides = array<i32>} : memref<32768xf32, #tpu.memory_space<vmem>>, vector<16xf32>,
      %add3A_993 = arith.constant 0 : i32
      %add3A_994 = arith.addi %add3A_956, %add3A_993 : i32
      %add3A_995 = arith.constant 768 : i32
      %add3A_996 = arith.addi %add3A_994, %add3A_995 : i32
      %swap3A_997 = arith.index_cast %add3A_996 : i32 to index
      %swap3A_998 = tpu.vector_load %arg13[%swap3A_997] {strides = array<i32>} : memref<32768xf32, #tpu.memory_space<vmem>>, vector<16xf32>,
      tpu.vector_store %arg13[%swap3A_997], %gather3A_652 {strides = array<i32>} : memref<32768xf32, #tpu.memory_space<vmem>>, vector<16xf32>,
      %add3A_999 = arith.constant 0 : i32
      %add3A_1000 = arith.addi %add3A_956, %add3A_999 : i32
      %add3A_1001 = arith.constant 896 : i32
      %add3A_1002 = arith.addi %add3A_1000, %add3A_1001 : i32
      %swap3A_1003 = arith.index_cast %add3A_1002 : i32 to index
      %swap3A_1004 = tpu.vector_load %arg13[%swap3A_1003] {strides = array<i32>} : memref<32768xf32, #tpu.memory_space<vmem>>, vector<16xf32>,
      tpu.vector_store %arg13[%swap3A_1003], %gather3A_656 {strides = array<i32>} : memref<32768xf32, #tpu.memory_space<vmem>>, vector<16xf32>,
      %add3A_1005 = arith.constant 16384 : i32
      %add3A_1006 = arith.addi %add3A_956, %add3A_1005 : i32
      %add3A_1007 = arith.constant 0 : i32
      %add3A_1008 = arith.addi %add3A_1006, %add3A_1007 : i32
      %swap3A_1009 = arith.index_cast %add3A_1008 : i32 to index
      %swap3A_1010 = tpu.vector_load %arg13[%swap3A_1009] {strides = array<i32>} : memref<32768xf32, #tpu.memory_space<vmem>>, vector<16xf32>,
      tpu.vector_store %arg13[%swap3A_1009], %gather3A_660 {strides = array<i32>} : memref<32768xf32, #tpu.memory_space<vmem>>, vector<16xf32>,
      %add3A_1011 = arith.constant 16384 : i32
      %add3A_1012 = arith.addi %add3A_956, %add3A_1011 : i32
      %add3A_1013 = arith.constant 128 : i32
      %add3A_1014 = arith.addi %add3A_1012, %add3A_1013 : i32
      %swap3A_1015 = arith.index_cast %add3A_1014 : i32 to index
      %swap3A_1016 = tpu.vector_load %arg13[%swap3A_1015] {strides = array<i32>} : memref<32768xf32, #tpu.memory_space<vmem>>, vector<16xf32>,
      tpu.vector_store %arg13[%swap3A_1015], %gather3A_664 {strides = array<i32>} : memref<32768xf32, #tpu.memory_space<vmem>>, vector<16xf32>,
      %add3A_1017 = arith.constant 16384 : i32
      %add3A_1018 = arith.addi %add3A_956, %add3A_1017 : i32
      %add3A_1019 = arith.constant 256 : i32
      %add3A_1020 = arith.addi %add3A_1018, %add3A_1019 : i32
      %swap3A_1021 = arith.index_cast %add3A_1020 : i32 to index
      %swap3A_1022 = tpu.vector_load %arg13[%swap3A_1021] {strides = array<i32>} : memref<32768xf32, #tpu.memory_space<vmem>>, vector<16xf32>,
      tpu.vector_store %arg13[%swap3A_1021], %gather3A_668 {strides = array<i32>} : memref<32768xf32, #tpu.memory_space<vmem>>, vector<16xf32>,
      %add3A_1023 = arith.constant 16384 : i32
      %add3A_1024 = arith.addi %add3A_956, %add3A_1023 : i32
      %add3A_1025 = arith.constant 384 : i32
      %add3A_1026 = arith.addi %add3A_1024, %add3A_1025 : i32
      %swap3A_1027 = arith.index_cast %add3A_1026 : i32 to index
      %swap3A_1028 = tpu.vector_load %arg13[%swap3A_1027] {strides = array<i32>} : memref<32768xf32, #tpu.memory_space<vmem>>, vector<16xf32>,
      tpu.vector_store %arg13[%swap3A_1027], %gather3A_672 {strides = array<i32>} : memref<32768xf32, #tpu.memory_space<vmem>>, vector<16xf32>,
      %add3A_1029 = arith.constant 16384 : i32
      %add3A_1030 = arith.addi %add3A_956, %add3A_1029 : i32
      %add3A_1031 = arith.constant 512 : i32
      %add3A_1032 = arith.addi %add3A_1030, %add3A_1031 : i32
      %swap3A_1033 = arith.index_cast %add3A_1032 : i32 to index
      %swap3A_1034 = tpu.vector_load %arg13[%swap3A_1033] {strides = array<i32>} : memref<32768xf32, #tpu.memory_space<vmem>>, vector<16xf32>,
      tpu.vector_store %arg13[%swap3A_1033], %gather3A_676 {strides = array<i32>} : memref<32768xf32, #tpu.memory_space<vmem>>, vector<16xf32>,
      %add3A_1035 = arith.constant 16384 : i32
      %add3A_1036 = arith.addi %add3A_956, %add3A_1035 : i32
      %add3A_1037 = arith.constant 640 : i32
      %add3A_1038 = arith.addi %add3A_1036, %add3A_1037 : i32
      %swap3A_1039 = arith.index_cast %add3A_1038 : i32 to index
      %swap3A_1040 = tpu.vector_load %arg13[%swap3A_1039] {strides = array<i32>} : memref<32768xf32, #tpu.memory_space<vmem>>, vector<16xf32>,
      tpu.vector_store %arg13[%swap3A_1039], %gather3A_680 {strides = array<i32>} : memref<32768xf32, #tpu.memory_space<vmem>>, vector<16xf32>,
      %add3A_1041 = arith.constant 16384 : i32
      %add3A_1042 = arith.addi %add3A_956, %add3A_1041 : i32
      %add3A_1043 = arith.constant 768 : i32
      %add3A_1044 = arith.addi %add3A_1042, %add3A_1043 : i32
      %swap3A_1045 = arith.index_cast %add3A_1044 : i32 to index
      %swap3A_1046 = tpu.vector_load %arg13[%swap3A_1045] {strides = array<i32>} : memref<32768xf32, #tpu.memory_space<vmem>>, vector<16xf32>,
      tpu.vector_store %arg13[%swap3A_1045], %gather3A_684 {strides = array<i32>} : memref<32768xf32, #tpu.memory_space<vmem>>, vector<16xf32>,
      %add3A_1047 = arith.constant 16384 : i32
      %add3A_1048 = arith.addi %add3A_956, %add3A_1047 : i32
      %add3A_1049 = arith.constant 896 : i32
      %add3A_1050 = arith.addi %add3A_1048, %add3A_1049 : i32
      %swap3A_1051 = arith.index_cast %add3A_1050 : i32 to index
      %swap3A_1052 = tpu.vector_load %arg13[%swap3A_1051] {strides = array<i32>} : memref<32768xf32, #tpu.memory_space<vmem>>, vector<16xf32>,
      tpu.vector_store %arg13[%swap3A_1051], %gather3A_688 {strides = array<i32>} : memref<32768xf32, #tpu.memory_space<vmem>>, vector<16xf32>,
      %add3A_1053 = arith.constant 4 : i32
      %add3A_1054 = arith.addi %mul3A_327, %add3A_1053 : i32
      %sub3A_1055 = arith.constant 1 : i32
      %sub3A_1056 = arith.subi %add3A_1054, %sub3A_1055 : i32
      %jit3A_1057 = arith.constant 8 : i32
      %div3A_1058 = arith.divsi %sub3A_1056, %jit3A_1057 : i32
      %sign3A_1059 = arith.constant 0 : i32
      %sign3A_1060 = arith.cmpi sgt, %sub3A_1056, %sign3A_1059 : i32
      %sign3A_1061 = arith.extui %sign3A_1060 : i1 to i32
      %sign3A_1062 = arith.constant 0 : i32
      %sign3A_1063 = arith.cmpi slt, %sub3A_1056, %sign3A_1062 : i32
      %sign3A_1064 = arith.extui %sign3A_1063 : i1 to i32
      %sign3A_1065 = arith.subi %sign3A_1061, %sign3A_1064 : i32
      %sign3A_1066 = arith.constant 0 : i32
      %sign3A_1067 = arith.cmpi sgt, %jit3A_1057, %sign3A_1066 : i32
      %sign3A_1068 = arith.extui %sign3A_1067 : i1 to i32
      %sign3A_1069 = arith.constant 0 : i32
      %sign3A_1070 = arith.cmpi slt, %jit3A_1057, %sign3A_1069 : i32
      %sign3A_1071 = arith.extui %sign3A_1070 : i1 to i32
      %sign3A_1072 = arith.subi %sign3A_1068, %sign3A_1071 : i32
      %ne3A_1073 = arith.cmpi ne, %sign3A_1065, %sign3A_1072 : i32
      %rem3A_1074 = arith.remsi %sub3A_1056, %jit3A_1057 : i32
      %ne3A_1075 = arith.constant 0 : i32
      %ne3A_1076 = arith.cmpi ne, %rem3A_1074, %ne3A_1075 : i32
      %and3A_1077 = arith.andi %ne3A_1073, %ne3A_1076 : i1
      %sub3A_1078 = arith.constant 1 : i32
      %sub3A_1079 = arith.subi %div3A_1058, %sub3A_1078 : i32
      %select_n3A_1080 = arith.select %and3A_1077, %sub3A_1079, %div3A_1058 : i32
      %mul3A_1081 = arith.constant 1024 : i32
      %mul3A_1082 = arith.muli %select_n3A_1080, %mul3A_1081 : i32
      %jit3A_1083 = arith.constant 8 : i32
      %eq3A_1084 = arith.constant 0 : i32
      %eq3A_1085 = arith.cmpi eq, %jit3A_1083, %eq3A_1084 : i32
      %jit3A_1086 = arith.constant 1 : i32
      %select_n3A_1087 = arith.select %eq3A_1085, %jit3A_1086, %jit3A_1083 : i32
      %rem3A_1088 = arith.remsi %sub3A_1056, %select_n3A_1087 : i32
      %ne3A_1089 = arith.constant 0 : i32
      %ne3A_1090 = arith.cmpi ne, %rem3A_1088, %ne3A_1089 : i32
      %lt3A_1091 = arith.constant 0 : i32
      %lt3A_1092 = arith.cmpi slt, %rem3A_1088, %lt3A_1091 : i32
      %lt3A_1093 = arith.constant 0 : i32
      %lt3A_1094 = arith.cmpi slt, %select_n3A_1087, %lt3A_1093 : i32
      %ne3A_1095 = arith.xori %lt3A_1092, %lt3A_1094 : i1
      %and3A_1096 = arith.andi %ne3A_1095, %ne3A_1090 : i1
      %add3A_1097 = arith.addi %rem3A_1088, %select_n3A_1087 : i32
      %select_n3A_1098 = arith.select %and3A_1096, %add3A_1097, %rem3A_1088 : i32
      %mul3A_1099 = arith.constant 16 : i32
      %mul3A_1100 = arith.muli %select_n3A_1098, %mul3A_1099 : i32
      %add3A_1101 = arith.addi %mul3A_1082, %mul3A_1100 : i32
      %add3A_1102 = arith.constant 0 : i32
      %add3A_1103 = arith.addi %add3A_1101, %add3A_1102 : i32
      %add3A_1104 = arith.constant 0 : i32
      %add3A_1105 = arith.addi %add3A_1103, %add3A_1104 : i32
      %swap3A_1106 = arith.index_cast %add3A_1105 : i32 to index
      %swap3A_1107 = tpu.vector_load %arg13[%swap3A_1106] {strides = array<i32>} : memref<32768xf32, #tpu.memory_space<vmem>>, vector<16xf32>,
      tpu.vector_store %arg13[%swap3A_1106], %gather3A_847 {strides = array<i32>} : memref<32768xf32, #tpu.memory_space<vmem>>, vector<16xf32>,
      %add3A_1108 = arith.constant 0 : i32
      %add3A_1109 = arith.addi %add3A_1101, %add3A_1108 : i32
      %add3A_1110 = arith.constant 128 : i32
      %add3A_1111 = arith.addi %add3A_1109, %add3A_1110 : i32
      %swap3A_1112 = arith.index_cast %add3A_1111 : i32 to index
      %swap3A_1113 = tpu.vector_load %arg13[%swap3A_1112] {strides = array<i32>} : memref<32768xf32, #tpu.memory_space<vmem>>, vector<16xf32>,
      tpu.vector_store %arg13[%swap3A_1112], %gather3A_851 {strides = array<i32>} : memref<32768xf32, #tpu.memory_space<vmem>>, vector<16xf32>,
      %add3A_1114 = arith.constant 0 : i32
      %add3A_1115 = arith.addi %add3A_1101, %add3A_1114 : i32
      %add3A_1116 = arith.constant 256 : i32
      %add3A_1117 = arith.addi %add3A_1115, %add3A_1116 : i32
      %swap3A_1118 = arith.index_cast %add3A_1117 : i32 to index
      %swap3A_1119 = tpu.vector_load %arg13[%swap3A_1118] {strides = array<i32>} : memref<32768xf32, #tpu.memory_space<vmem>>, vector<16xf32>,
      tpu.vector_store %arg13[%swap3A_1118], %gather3A_855 {strides = array<i32>} : memref<32768xf32, #tpu.memory_space<vmem>>, vector<16xf32>,
      %add3A_1120 = arith.constant 0 : i32
      %add3A_1121 = arith.addi %add3A_1101, %add3A_1120 : i32
      %add3A_1122 = arith.constant 384 : i32
      %add3A_1123 = arith.addi %add3A_1121, %add3A_1122 : i32
      %swap3A_1124 = arith.index_cast %add3A_1123 : i32 to index
      %swap3A_1125 = tpu.vector_load %arg13[%swap3A_1124] {strides = array<i32>} : memref<32768xf32, #tpu.memory_space<vmem>>, vector<16xf32>,
      tpu.vector_store %arg13[%swap3A_1124], %gather3A_859 {strides = array<i32>} : memref<32768xf32, #tpu.memory_space<vmem>>, vector<16xf32>,
      %add3A_1126 = arith.constant 0 : i32
      %add3A_1127 = arith.addi %add3A_1101, %add3A_1126 : i32
      %add3A_1128 = arith.constant 512 : i32
      %add3A_1129 = arith.addi %add3A_1127, %add3A_1128 : i32
      %swap3A_1130 = arith.index_cast %add3A_1129 : i32 to index
      %swap3A_1131 = tpu.vector_load %arg13[%swap3A_1130] {strides = array<i32>} : memref<32768xf32, #tpu.memory_space<vmem>>, vector<16xf32>,
      tpu.vector_store %arg13[%swap3A_1130], %gather3A_863 {strides = array<i32>} : memref<32768xf32, #tpu.memory_space<vmem>>, vector<16xf32>,
      %add3A_1132 = arith.constant 0 : i32
      %add3A_1133 = arith.addi %add3A_1101, %add3A_1132 : i32
      %add3A_1134 = arith.constant 640 : i32
      %add3A_1135 = arith.addi %add3A_1133, %add3A_1134 : i32
      %swap3A_1136 = arith.index_cast %add3A_1135 : i32 to index
      %swap3A_1137 = tpu.vector_load %arg13[%swap3A_1136] {strides = array<i32>} : memref<32768xf32, #tpu.memory_space<vmem>>, vector<16xf32>,
      tpu.vector_store %arg13[%swap3A_1136], %gather3A_867 {strides = array<i32>} : memref<32768xf32, #tpu.memory_space<vmem>>, vector<16xf32>,
      %add3A_1138 = arith.constant 0 : i32
      %add3A_1139 = arith.addi %add3A_1101, %add3A_1138 : i32
      %add3A_1140 = arith.constant 768 : i32
      %add3A_1141 = arith.addi %add3A_1139, %add3A_1140 : i32
      %swap3A_1142 = arith.index_cast %add3A_1141 : i32 to index
      %swap3A_1143 = tpu.vector_load %arg13[%swap3A_1142] {strides = array<i32>} : memref<32768xf32, #tpu.memory_space<vmem>>, vector<16xf32>,
      tpu.vector_store %arg13[%swap3A_1142], %gather3A_871 {strides = array<i32>} : memref<32768xf32, #tpu.memory_space<vmem>>, vector<16xf32>,
      %add3A_1144 = arith.constant 0 : i32
      %add3A_1145 = arith.addi %add3A_1101, %add3A_1144 : i32
      %add3A_1146 = arith.constant 896 : i32
      %add3A_1147 = arith.addi %add3A_1145, %add3A_1146 : i32
      %swap3A_1148 = arith.index_cast %add3A_1147 : i32 to index
      %swap3A_1149 = tpu.vector_load %arg13[%swap3A_1148] {strides = array<i32>} : memref<32768xf32, #tpu.memory_space<vmem>>, vector<16xf32>,
      tpu.vector_store %arg13[%swap3A_1148], %gather3A_875 {strides = array<i32>} : memref<32768xf32, #tpu.memory_space<vmem>>, vector<16xf32>,
      %add3A_1150 = arith.constant 16384 : i32
      %add3A_1151 = arith.addi %add3A_1101, %add3A_1150 : i32
      %add3A_1152 = arith.constant 0 : i32
      %add3A_1153 = arith.addi %add3A_1151, %add3A_1152 : i32
      %swap3A_1154 = arith.index_cast %add3A_1153 : i32 to index
      %swap3A_1155 = tpu.vector_load %arg13[%swap3A_1154] {strides = array<i32>} : memref<32768xf32, #tpu.memory_space<vmem>>, vector<16xf32>,
      tpu.vector_store %arg13[%swap3A_1154], %gather3A_879 {strides = array<i32>} : memref<32768xf32, #tpu.memory_space<vmem>>, vector<16xf32>,
      %add3A_1156 = arith.constant 16384 : i32
      %add3A_1157 = arith.addi %add3A_1101, %add3A_1156 : i32
      %add3A_1158 = arith.constant 128 : i32
      %add3A_1159 = arith.addi %add3A_1157, %add3A_1158 : i32
      %swap3A_1160 = arith.index_cast %add3A_1159 : i32 to index
      %swap3A_1161 = tpu.vector_load %arg13[%swap3A_1160] {strides = array<i32>} : memref<32768xf32, #tpu.memory_space<vmem>>, vector<16xf32>,
      tpu.vector_store %arg13[%swap3A_1160], %gather3A_883 {strides = array<i32>} : memref<32768xf32, #tpu.memory_space<vmem>>, vector<16xf32>,
      %add3A_1162 = arith.constant 16384 : i32
      %add3A_1163 = arith.addi %add3A_1101, %add3A_1162 : i32
      %add3A_1164 = arith.constant 256 : i32
      %add3A_1165 = arith.addi %add3A_1163, %add3A_1164 : i32
      %swap3A_1166 = arith.index_cast %add3A_1165 : i32 to index
      %swap3A_1167 = tpu.vector_load %arg13[%swap3A_1166] {strides = array<i32>} : memref<32768xf32, #tpu.memory_space<vmem>>, vector<16xf32>,
      tpu.vector_store %arg13[%swap3A_1166], %gather3A_887 {strides = array<i32>} : memref<32768xf32, #tpu.memory_space<vmem>>, vector<16xf32>,
      %add3A_1168 = arith.constant 16384 : i32
      %add3A_1169 = arith.addi %add3A_1101, %add3A_1168 : i32
      %add3A_1170 = arith.constant 384 : i32
      %add3A_1171 = arith.addi %add3A_1169, %add3A_1170 : i32
      %swap3A_1172 = arith.index_cast %add3A_1171 : i32 to index
      %swap3A_1173 = tpu.vector_load %arg13[%swap3A_1172] {strides = array<i32>} : memref<32768xf32, #tpu.memory_space<vmem>>, vector<16xf32>,
      tpu.vector_store %arg13[%swap3A_1172], %gather3A_891 {strides = array<i32>} : memref<32768xf32, #tpu.memory_space<vmem>>, vector<16xf32>,
      %add3A_1174 = arith.constant 16384 : i32
      %add3A_1175 = arith.addi %add3A_1101, %add3A_1174 : i32
      %add3A_1176 = arith.constant 512 : i32
      %add3A_1177 = arith.addi %add3A_1175, %add3A_1176 : i32
      %swap3A_1178 = arith.index_cast %add3A_1177 : i32 to index
      %swap3A_1179 = tpu.vector_load %arg13[%swap3A_1178] {strides = array<i32>} : memref<32768xf32, #tpu.memory_space<vmem>>, vector<16xf32>,
      tpu.vector_store %arg13[%swap3A_1178], %gather3A_895 {strides = array<i32>} : memref<32768xf32, #tpu.memory_space<vmem>>, vector<16xf32>,
      %add3A_1180 = arith.constant 16384 : i32
      %add3A_1181 = arith.addi %add3A_1101, %add3A_1180 : i32
      %add3A_1182 = arith.constant 640 : i32
      %add3A_1183 = arith.addi %add3A_1181, %add3A_1182 : i32
      %swap3A_1184 = arith.index_cast %add3A_1183 : i32 to index
      %swap3A_1185 = tpu.vector_load %arg13[%swap3A_1184] {strides = array<i32>} : memref<32768xf32, #tpu.memory_space<vmem>>, vector<16xf32>,
      tpu.vector_store %arg13[%swap3A_1184], %gather3A_899 {strides = array<i32>} : memref<32768xf32, #tpu.memory_space<vmem>>, vector<16xf32>,
      %add3A_1186 = arith.constant 16384 : i32
      %add3A_1187 = arith.addi %add3A_1101, %add3A_1186 : i32
      %add3A_1188 = arith.constant 768 : i32
      %add3A_1189 = arith.addi %add3A_1187, %add3A_1188 : i32
      %swap3A_1190 = arith.index_cast %add3A_1189 : i32 to index
      %swap3A_1191 = tpu.vector_load %arg13[%swap3A_1190] {strides = array<i32>} : memref<32768xf32, #tpu.memory_space<vmem>>, vector<16xf32>,
      tpu.vector_store %arg13[%swap3A_1190], %gather3A_903 {strides = array<i32>} : memref<32768xf32, #tpu.memory_space<vmem>>, vector<16xf32>,
      %add3A_1192 = arith.constant 16384 : i32
      %add3A_1193 = arith.addi %add3A_1101, %add3A_1192 : i32
      %add3A_1194 = arith.constant 896 : i32
      %add3A_1195 = arith.addi %add3A_1193, %add3A_1194 : i32
      %swap3A_1196 = arith.index_cast %add3A_1195 : i32 to index
      %swap3A_1197 = tpu.vector_load %arg13[%swap3A_1196] {strides = array<i32>} : memref<32768xf32, #tpu.memory_space<vmem>>, vector<16xf32>,
      tpu.vector_store %arg13[%swap3A_1196], %gather3A_907 {strides = array<i32>} : memref<32768xf32, #tpu.memory_space<vmem>>, vector<16xf32>,
      %scan3A_1198 = arith.constant 0 : i32
      scf.yield %scan3A_1198 : i32
    }
    %scan3A_226 = arith.constant 32 : i32
    %add3A_227 = arith.constant 48 : i32
    %add3A_228 = arith.addi %select_n3A_23, %add3A_227 : i32
    %mul3A_229 = arith.constant 1024 : i32
    %mul3A_230 = arith.muli %add3A_228, %mul3A_229 : i32
    %add3A_231 = arith.constant 0 : i32
    %add3A_232 = arith.addi %add3A_231, %mul3A_230 : i32
    %dma_start3A_233 = arith.constant 0 : i32
    %dma_start3A_234 = tpu.memref_slice %arg13[%dma_start3A_233] : memref<32768xf32, #tpu.memory_space<vmem>> -> memref<16384xf32, #tpu.memory_space<vmem>>
    %dma_start3A_235 = tpu.memref_slice %arg7[%add3A_232] : memref<5120000xf32, #tpu.memory_space<hbm>> -> memref<16384xf32, #tpu.memory_space<hbm>>
    %dma_start3A_236 = tpu.memref_slice %arg7[%add3A_232] : memref<5120000xf32, #tpu.memory_space<hbm>> -> memref<16384xf32, #tpu.memory_space<hbm>>
    %dma_start3A_237 = arith.constant 0 : i32
    %dma_start3A_238 = tpu.memref_slice %arg13[%dma_start3A_237] : memref<32768xf32, #tpu.memory_space<vmem>> -> memref<16384xf32, #tpu.memory_space<vmem>>
    tpu.enqueue_dma source(%dma_start3A_238 : memref<16384xf32, #tpu.memory_space<vmem>>) target(%dma_start3A_236 : memref<16384xf32, #tpu.memory_space<hbm>>) target_semaphore(%arg21 : memref<!tpu.dma_semaphore, #tpu.memory_space<semaphore_mem>>)
    %mul3A_239 = arith.constant 1024 : i32
    %mul3A_240 = arith.muli %add3A_228, %mul3A_239 : i32
    %add3A_241 = arith.constant 2560000 : i32
    %add3A_242 = arith.addi %add3A_241, %mul3A_240 : i32
    %dma_start3A_243 = arith.constant 16384 : i32
    %dma_start3A_244 = tpu.memref_slice %arg13[%dma_start3A_243] : memref<32768xf32, #tpu.memory_space<vmem>> -> memref<16384xf32, #tpu.memory_space<vmem>>
    %dma_start3A_245 = tpu.memref_slice %arg7[%add3A_242] : memref<5120000xf32, #tpu.memory_space<hbm>> -> memref<16384xf32, #tpu.memory_space<hbm>>
    %dma_start3A_246 = tpu.memref_slice %arg7[%add3A_242] : memref<5120000xf32, #tpu.memory_space<hbm>> -> memref<16384xf32, #tpu.memory_space<hbm>>
    %dma_start3A_247 = arith.constant 16384 : i32
    %dma_start3A_248 = tpu.memref_slice %arg13[%dma_start3A_247] : memref<32768xf32, #tpu.memory_space<vmem>> -> memref<16384xf32, #tpu.memory_space<vmem>>
    tpu.enqueue_dma source(%dma_start3A_248 : memref<16384xf32, #tpu.memory_space<vmem>>) target(%dma_start3A_246 : memref<16384xf32, #tpu.memory_space<hbm>>) target_semaphore(%arg21 : memref<!tpu.dma_semaphore, #tpu.memory_space<semaphore_mem>>)
    %dma_wait3A_249 = arith.constant 0 : i32
    %dma_wait3A_250 = tpu.memref_slice %arg10[%dma_wait3A_249] : memref<2048xi32, #tpu.memory_space<vmem>> -> memref<1920xi32, #tpu.memory_space<vmem>>
    %dma_wait3A_251 = tpu.memref_slice %arg3[%mul3A_173] : memref<320000xi32, #tpu.memory_space<hbm>> -> memref<1920xi32, #tpu.memory_space<hbm>>
    %dma_wait3A_252 = arith.constant 0 : i32
    %dma_wait3A_253 = tpu.memref_slice %arg10[%dma_wait3A_252] : memref<2048xi32, #tpu.memory_space<vmem>> -> memref<1920xi32, #tpu.memory_space<vmem>>
    %dma_wait3A_254 = tpu.memref_slice %arg3[%mul3A_173] : memref<320000xi32, #tpu.memory_space<hbm>> -> memref<1920xi32, #tpu.memory_space<hbm>>
    tpu.wait_dma2 semaphore(%arg18 : memref<!tpu.dma_semaphore, #tpu.memory_space<semaphore_mem>>) src(%dma_wait3A_254 : memref<1920xi32, #tpu.memory_space<hbm>>) dst(%dma_wait3A_253 : memref<1920xi32, #tpu.memory_space<vmem>>)
    %dma_wait3A_255 = arith.constant 0 : i32
    %dma_wait3A_256 = tpu.memref_slice %arg12[%dma_wait3A_255] : memref<32768xf32, #tpu.memory_space<vmem>> -> memref<16384xf32, #tpu.memory_space<vmem>>
    %dma_wait3A_257 = tpu.memref_slice %arg7[%add3A_185] : memref<5120000xf32, #tpu.memory_space<hbm>> -> memref<16384xf32, #tpu.memory_space<hbm>>
    %dma_wait3A_258 = tpu.memref_slice %arg7[%add3A_185] : memref<5120000xf32, #tpu.memory_space<hbm>> -> memref<16384xf32, #tpu.memory_space<hbm>>
    %dma_wait3A_259 = arith.constant 0 : i32
    %dma_wait3A_260 = tpu.memref_slice %arg12[%dma_wait3A_259] : memref<32768xf32, #tpu.memory_space<vmem>> -> memref<16384xf32, #tpu.memory_space<vmem>>
    tpu.wait_dma2 semaphore(%arg20 : memref<!tpu.dma_semaphore, #tpu.memory_space<semaphore_mem>>) src(%dma_wait3A_260 : memref<16384xf32, #tpu.memory_space<vmem>>) dst(%dma_wait3A_258 : memref<16384xf32, #tpu.memory_space<hbm>>)
    %dma_wait3A_261 = arith.constant 16384 : i32
    %dma_wait3A_262 = tpu.memref_slice %arg12[%dma_wait3A_261] : memref<32768xf32, #tpu.memory_space<vmem>> -> memref<16384xf32, #tpu.memory_space<vmem>>
    %dma_wait3A_263 = tpu.memref_slice %arg7[%add3A_195] : memref<5120000xf32, #tpu.memory_space<hbm>> -> memref<16384xf32, #tpu.memory_space<hbm>>
    %dma_wait3A_264 = tpu.memref_slice %arg7[%add3A_195] : memref<5120000xf32, #tpu.memory_space<hbm>> -> memref<16384xf32, #tpu.memory_space<hbm>>
    %dma_wait3A_265 = arith.constant 16384 : i32
    %dma_wait3A_266 = tpu.memref_slice %arg12[%dma_wait3A_265] : memref<32768xf32, #tpu.memory_space<vmem>> -> memref<16384xf32, #tpu.memory_space<vmem>>
    tpu.wait_dma2 semaphore(%arg20 : memref<!tpu.dma_semaphore, #tpu.memory_space<semaphore_mem>>) src(%dma_wait3A_266 : memref<16384xf32, #tpu.memory_space<vmem>>) dst(%dma_wait3A_264 : memref<16384xf32, #tpu.memory_space<hbm>>)
    %scan3A_267 = arith.constant 0 : i32
    %scan3A_268 = arith.constant 0 : i32
    %scan3A_269 = arith.constant 30 : i32
    %scan3A_270 = arith.addi %scan3A_268, %scan3A_269 : i32
    %scan3A_271 = arith.constant 1 : i32
    %scan3A_272 = scf.for %scan3A_324 = %scan3A_268 to %scan3A_270 step %scan3A_271 iter_args(%scan3A_325 = %scan3A_267) -> (i32)  : i32 {
      %mul3A_326 = arith.constant 4 : i32
      %mul3A_327 = arith.muli %scan3A_324, %mul3A_326 : i32
      %mul3A_328 = arith.constant 16 : i32
      %mul3A_329 = arith.muli %mul3A_327, %mul3A_328 : i32
      %get3A = arith.index_cast %mul3A_329 : i32 to index
      %get3A_330 = tpu.vector_load %arg10[%get3A] {strides = array<i32>} : memref<2048xi32, #tpu.memory_space<vmem>>, vector<16xi32>,
      %mul3A_331 = arith.constant 256 : i32
      %mul3A_332 = vector.broadcast %mul3A_331 : i32 to vector<16xi32>
      %mul3A_333 = arith.muli %get3A_330, %mul3A_332 : vector<16xi32>
      %add3A_334 = arith.addi %mul3A_333, %iota3A : vector<16xi32>
      %add3A_335 = arith.constant 0 : i32
      %add3A_336 = vector.broadcast %add3A_335 : i32 to vector<16xi32>
      %add3A_337 = arith.addi %add3A_334, %add3A_336 : vector<16xi32>
      %gather3A = tpu.vector_load_idx %arg14[%add3A_337] : memref<4096xf32, #tpu.memory_space<vmem>>[vector<16xi32>], vector<16xf32>,
      %add3A_338 = arith.constant 16 : i32
      %add3A_339 = vector.broadcast %add3A_338 : i32 to vector<16xi32>
      %add3A_340 = arith.addi %add3A_334, %add3A_339 : vector<16xi32>
      %gather3A_341 = tpu.vector_load_idx %arg14[%add3A_340] : memref<4096xf32, #tpu.memory_space<vmem>>[vector<16xi32>], vector<16xf32>,
      %add3A_342 = arith.constant 32 : i32
      %add3A_343 = vector.broadcast %add3A_342 : i32 to vector<16xi32>
      %add3A_344 = arith.addi %add3A_334, %add3A_343 : vector<16xi32>
      %gather3A_345 = tpu.vector_load_idx %arg14[%add3A_344] : memref<4096xf32, #tpu.memory_space<vmem>>[vector<16xi32>], vector<16xf32>,
      %add3A_346 = arith.constant 48 : i32
      %add3A_347 = vector.broadcast %add3A_346 : i32 to vector<16xi32>
      %add3A_348 = arith.addi %add3A_334, %add3A_347 : vector<16xi32>
      %gather3A_349 = tpu.vector_load_idx %arg14[%add3A_348] : memref<4096xf32, #tpu.memory_space<vmem>>[vector<16xi32>], vector<16xf32>,
      %add3A_350 = arith.constant 64 : i32
      %add3A_351 = vector.broadcast %add3A_350 : i32 to vector<16xi32>
      %add3A_352 = arith.addi %add3A_334, %add3A_351 : vector<16xi32>
      %gather3A_353 = tpu.vector_load_idx %arg14[%add3A_352] : memref<4096xf32, #tpu.memory_space<vmem>>[vector<16xi32>], vector<16xf32>,
      %add3A_354 = arith.constant 80 : i32
      %add3A_355 = vector.broadcast %add3A_354 : i32 to vector<16xi32>
      %add3A_356 = arith.addi %add3A_334, %add3A_355 : vector<16xi32>
      %gather3A_357 = tpu.vector_load_idx %arg14[%add3A_356] : memref<4096xf32, #tpu.memory_space<vmem>>[vector<16xi32>], vector<16xf32>,
      %add3A_358 = arith.constant 96 : i32
      %add3A_359 = vector.broadcast %add3A_358 : i32 to vector<16xi32>
      %add3A_360 = arith.addi %add3A_334, %add3A_359 : vector<16xi32>
      %gather3A_361 = tpu.vector_load_idx %arg14[%add3A_360] : memref<4096xf32, #tpu.memory_space<vmem>>[vector<16xi32>], vector<16xf32>,
      %add3A_362 = arith.constant 112 : i32
      %add3A_363 = vector.broadcast %add3A_362 : i32 to vector<16xi32>
      %add3A_364 = arith.addi %add3A_334, %add3A_363 : vector<16xi32>
      %gather3A_365 = tpu.vector_load_idx %arg14[%add3A_364] : memref<4096xf32, #tpu.memory_space<vmem>>[vector<16xi32>], vector<16xf32>,
      %add3A_366 = arith.constant 128 : i32
      %add3A_367 = vector.broadcast %add3A_366 : i32 to vector<16xi32>
      %add3A_368 = arith.addi %add3A_334, %add3A_367 : vector<16xi32>
      %gather3A_369 = tpu.vector_load_idx %arg14[%add3A_368] : memref<4096xf32, #tpu.memory_space<vmem>>[vector<16xi32>], vector<16xf32>,
      %add3A_370 = arith.constant 144 : i32
      %add3A_371 = vector.broadcast %add3A_370 : i32 to vector<16xi32>
      %add3A_372 = arith.addi %add3A_334, %add3A_371 : vector<16xi32>
      %gather3A_373 = tpu.vector_load_idx %arg14[%add3A_372] : memref<4096xf32, #tpu.memory_space<vmem>>[vector<16xi32>], vector<16xf32>,
      %add3A_374 = arith.constant 160 : i32
      %add3A_375 = vector.broadcast %add3A_374 : i32 to vector<16xi32>
      %add3A_376 = arith.addi %add3A_334, %add3A_375 : vector<16xi32>
      %gather3A_377 = tpu.vector_load_idx %arg14[%add3A_376] : memref<4096xf32, #tpu.memory_space<vmem>>[vector<16xi32>], vector<16xf32>,
      %add3A_378 = arith.constant 176 : i32
      %add3A_379 = vector.broadcast %add3A_378 : i32 to vector<16xi32>
      %add3A_380 = arith.addi %add3A_334, %add3A_379 : vector<16xi32>
      %gather3A_381 = tpu.vector_load_idx %arg14[%add3A_380] : memref<4096xf32, #tpu.memory_space<vmem>>[vector<16xi32>], vector<16xf32>,
      %add3A_382 = arith.constant 192 : i32
      %add3A_383 = vector.broadcast %add3A_382 : i32 to vector<16xi32>
      %add3A_384 = arith.addi %add3A_334, %add3A_383 : vector<16xi32>
      %gather3A_385 = tpu.vector_load_idx %arg14[%add3A_384] : memref<4096xf32, #tpu.memory_space<vmem>>[vector<16xi32>], vector<16xf32>,
      %add3A_386 = arith.constant 208 : i32
      %add3A_387 = vector.broadcast %add3A_386 : i32 to vector<16xi32>
      %add3A_388 = arith.addi %add3A_334, %add3A_387 : vector<16xi32>
      %gather3A_389 = tpu.vector_load_idx %arg14[%add3A_388] : memref<4096xf32, #tpu.memory_space<vmem>>[vector<16xi32>], vector<16xf32>,
      %add3A_390 = arith.constant 224 : i32
      %add3A_391 = vector.broadcast %add3A_390 : i32 to vector<16xi32>
      %add3A_392 = arith.addi %add3A_334, %add3A_391 : vector<16xi32>
      %gather3A_393 = tpu.vector_load_idx %arg14[%add3A_392] : memref<4096xf32, #tpu.memory_space<vmem>>[vector<16xi32>], vector<16xf32>,
      %add3A_394 = arith.constant 240 : i32
      %add3A_395 = vector.broadcast %add3A_394 : i32 to vector<16xi32>
      %add3A_396 = arith.addi %add3A_334, %add3A_395 : vector<16xi32>
      %gather3A_397 = tpu.vector_load_idx %arg14[%add3A_396] : memref<4096xf32, #tpu.memory_space<vmem>>[vector<16xi32>], vector<16xf32>,
      %add3A_398 = arith.constant 1 : i32
      %add3A_399 = arith.addi %mul3A_327, %add3A_398 : i32
      %mul3A_400 = arith.constant 16 : i32
      %mul3A_401 = arith.muli %add3A_399, %mul3A_400 : i32
      %get3A_402 = arith.index_cast %mul3A_401 : i32 to index
      %get3A_403 = tpu.vector_load %arg10[%get3A_402] {strides = array<i32>} : memref<2048xi32, #tpu.memory_space<vmem>>, vector<16xi32>,
      %mul3A_404 = arith.constant 256 : i32
      %mul3A_405 = vector.broadcast %mul3A_404 : i32 to vector<16xi32>
      %mul3A_406 = arith.muli %get3A_403, %mul3A_405 : vector<16xi32>
      %add3A_407 = arith.addi %mul3A_406, %iota3A : vector<16xi32>
      %add3A_408 = arith.constant 0 : i32
      %add3A_409 = vector.broadcast %add3A_408 : i32 to vector<16xi32>
      %add3A_410 = arith.addi %add3A_407, %add3A_409 : vector<16xi32>
      %gather3A_411 = tpu.vector_load_idx %arg14[%add3A_410] : memref<4096xf32, #tpu.memory_space<vmem>>[vector<16xi32>], vector<16xf32>,
      %add3A_412 = arith.constant 16 : i32
      %add3A_413 = vector.broadcast %add3A_412 : i32 to vector<16xi32>
      %add3A_414 = arith.addi %add3A_407, %add3A_413 : vector<16xi32>
      %gather3A_415 = tpu.vector_load_idx %arg14[%add3A_414] : memref<4096xf32, #tpu.memory_space<vmem>>[vector<16xi32>], vector<16xf32>,
      %add3A_416 = arith.constant 32 : i32
      %add3A_417 = vector.broadcast %add3A_416 : i32 to vector<16xi32>
      %add3A_418 = arith.addi %add3A_407, %add3A_417 : vector<16xi32>
      %gather3A_419 = tpu.vector_load_idx %arg14[%add3A_418] : memref<4096xf32, #tpu.memory_space<vmem>>[vector<16xi32>], vector<16xf32>,
      %add3A_420 = arith.constant 48 : i32
      %add3A_421 = vector.broadcast %add3A_420 : i32 to vector<16xi32>
      %add3A_422 = arith.addi %add3A_407, %add3A_421 : vector<16xi32>
      %gather3A_423 = tpu.vector_load_idx %arg14[%add3A_422] : memref<4096xf32, #tpu.memory_space<vmem>>[vector<16xi32>], vector<16xf32>,
      %add3A_424 = arith.constant 64 : i32
      %add3A_425 = vector.broadcast %add3A_424 : i32 to vector<16xi32>
      %add3A_426 = arith.addi %add3A_407, %add3A_425 : vector<16xi32>
      %gather3A_427 = tpu.vector_load_idx %arg14[%add3A_426] : memref<4096xf32, #tpu.memory_space<vmem>>[vector<16xi32>], vector<16xf32>,
      %add3A_428 = arith.constant 80 : i32
      %add3A_429 = vector.broadcast %add3A_428 : i32 to vector<16xi32>
      %add3A_430 = arith.addi %add3A_407, %add3A_429 : vector<16xi32>
      %gather3A_431 = tpu.vector_load_idx %arg14[%add3A_430] : memref<4096xf32, #tpu.memory_space<vmem>>[vector<16xi32>], vector<16xf32>,
      %add3A_432 = arith.constant 96 : i32
      %add3A_433 = vector.broadcast %add3A_432 : i32 to vector<16xi32>
      %add3A_434 = arith.addi %add3A_407, %add3A_433 : vector<16xi32>
      %gather3A_435 = tpu.vector_load_idx %arg14[%add3A_434] : memref<4096xf32, #tpu.memory_space<vmem>>[vector<16xi32>], vector<16xf32>,
      %add3A_436 = arith.constant 112 : i32
      %add3A_437 = vector.broadcast %add3A_436 : i32 to vector<16xi32>
      %add3A_438 = arith.addi %add3A_407, %add3A_437 : vector<16xi32>
      %gather3A_439 = tpu.vector_load_idx %arg14[%add3A_438] : memref<4096xf32, #tpu.memory_space<vmem>>[vector<16xi32>], vector<16xf32>,
      %add3A_440 = arith.constant 128 : i32
      %add3A_441 = vector.broadcast %add3A_440 : i32 to vector<16xi32>
      %add3A_442 = arith.addi %add3A_407, %add3A_441 : vector<16xi32>
      %gather3A_443 = tpu.vector_load_idx %arg14[%add3A_442] : memref<4096xf32, #tpu.memory_space<vmem>>[vector<16xi32>], vector<16xf32>,
      %add3A_444 = arith.constant 144 : i32
      %add3A_445 = vector.broadcast %add3A_444 : i32 to vector<16xi32>
      %add3A_446 = arith.addi %add3A_407, %add3A_445 : vector<16xi32>
      %gather3A_447 = tpu.vector_load_idx %arg14[%add3A_446] : memref<4096xf32, #tpu.memory_space<vmem>>[vector<16xi32>], vector<16xf32>,
      %add3A_448 = arith.constant 160 : i32
      %add3A_449 = vector.broadcast %add3A_448 : i32 to vector<16xi32>
      %add3A_450 = arith.addi %add3A_407, %add3A_449 : vector<16xi32>
      %gather3A_451 = tpu.vector_load_idx %arg14[%add3A_450] : memref<4096xf32, #tpu.memory_space<vmem>>[vector<16xi32>], vector<16xf32>,
      %add3A_452 = arith.constant 176 : i32
      %add3A_453 = vector.broadcast %add3A_452 : i32 to vector<16xi32>
      %add3A_454 = arith.addi %add3A_407, %add3A_453 : vector<16xi32>
      %gather3A_455 = tpu.vector_load_idx %arg14[%add3A_454] : memref<4096xf32, #tpu.memory_space<vmem>>[vector<16xi32>], vector<16xf32>,
      %add3A_456 = arith.constant 192 : i32
      %add3A_457 = vector.broadcast %add3A_456 : i32 to vector<16xi32>
      %add3A_458 = arith.addi %add3A_407, %add3A_457 : vector<16xi32>
      %gather3A_459 = tpu.vector_load_idx %arg14[%add3A_458] : memref<4096xf32, #tpu.memory_space<vmem>>[vector<16xi32>], vector<16xf32>,
      %add3A_460 = arith.constant 208 : i32
      %add3A_461 = vector.broadcast %add3A_460 : i32 to vector<16xi32>
      %add3A_462 = arith.addi %add3A_407, %add3A_461 : vector<16xi32>
      %gather3A_463 = tpu.vector_load_idx %arg14[%add3A_462] : memref<4096xf32, #tpu.memory_space<vmem>>[vector<16xi32>], vector<16xf32>,
      %add3A_464 = arith.constant 224 : i32
      %add3A_465 = vector.broadcast %add3A_464 : i32 to vector<16xi32>
      %add3A_466 = arith.addi %add3A_407, %add3A_465 : vector<16xi32>
      %gather3A_467 = tpu.vector_load_idx %arg14[%add3A_466] : memref<4096xf32, #tpu.memory_space<vmem>>[vector<16xi32>], vector<16xf32>,
      %add3A_468 = arith.constant 240 : i32
      %add3A_469 = vector.broadcast %add3A_468 : i32 to vector<16xi32>
      %add3A_470 = arith.addi %add3A_407, %add3A_469 : vector<16xi32>
      %gather3A_471 = tpu.vector_load_idx %arg14[%add3A_470] : memref<4096xf32, #tpu.memory_space<vmem>>[vector<16xi32>], vector<16xf32>,
      %add3A_472 = arith.constant 1 : i32
      %add3A_473 = arith.addi %mul3A_327, %add3A_472 : i32
      %sub3A_474 = arith.constant 1 : i32
      %sub3A_475 = arith.subi %add3A_473, %sub3A_474 : i32
      %jit3A_476 = arith.constant 8 : i32
      %div3A_477 = arith.divsi %sub3A_475, %jit3A_476 : i32
      %sign3A_478 = arith.constant 0 : i32
      %sign3A_479 = arith.cmpi sgt, %sub3A_475, %sign3A_478 : i32
      %sign3A_480 = arith.extui %sign3A_479 : i1 to i32
      %sign3A_481 = arith.constant 0 : i32
      %sign3A_482 = arith.cmpi slt, %sub3A_475, %sign3A_481 : i32
      %sign3A_483 = arith.extui %sign3A_482 : i1 to i32
      %sign3A_484 = arith.subi %sign3A_480, %sign3A_483 : i32
      %sign3A_485 = arith.constant 0 : i32
      %sign3A_486 = arith.cmpi sgt, %jit3A_476, %sign3A_485 : i32
      %sign3A_487 = arith.extui %sign3A_486 : i1 to i32
      %sign3A_488 = arith.constant 0 : i32
      %sign3A_489 = arith.cmpi slt, %jit3A_476, %sign3A_488 : i32
      %sign3A_490 = arith.extui %sign3A_489 : i1 to i32
      %sign3A_491 = arith.subi %sign3A_487, %sign3A_490 : i32
      %ne3A_492 = arith.cmpi ne, %sign3A_484, %sign3A_491 : i32
      %rem3A_493 = arith.remsi %sub3A_475, %jit3A_476 : i32
      %ne3A_494 = arith.constant 0 : i32
      %ne3A_495 = arith.cmpi ne, %rem3A_493, %ne3A_494 : i32
      %and3A_496 = arith.andi %ne3A_492, %ne3A_495 : i1
      %sub3A_497 = arith.constant 1 : i32
      %sub3A_498 = arith.subi %div3A_477, %sub3A_497 : i32
      %select_n3A_499 = arith.select %and3A_496, %sub3A_498, %div3A_477 : i32
      %mul3A_500 = arith.constant 1024 : i32
      %mul3A_501 = arith.muli %select_n3A_499, %mul3A_500 : i32
      %jit3A_502 = arith.constant 8 : i32
      %eq3A = arith.constant 0 : i32
      %eq3A_503 = arith.cmpi eq, %jit3A_502, %eq3A : i32
      %jit3A_504 = arith.constant 1 : i32
      %select_n3A_505 = arith.select %eq3A_503, %jit3A_504, %jit3A_502 : i32
      %rem3A_506 = arith.remsi %sub3A_475, %select_n3A_505 : i32
      %ne3A_507 = arith.constant 0 : i32
      %ne3A_508 = arith.cmpi ne, %rem3A_506, %ne3A_507 : i32
      %lt3A_509 = arith.constant 0 : i32
      %lt3A_510 = arith.cmpi slt, %rem3A_506, %lt3A_509 : i32
      %lt3A_511 = arith.constant 0 : i32
      %lt3A_512 = arith.cmpi slt, %select_n3A_505, %lt3A_511 : i32
      %ne3A_513 = arith.xori %lt3A_510, %lt3A_512 : i1
      %and3A_514 = arith.andi %ne3A_513, %ne3A_508 : i1
      %add3A_515 = arith.addi %rem3A_506, %select_n3A_505 : i32
      %select_n3A_516 = arith.select %and3A_514, %add3A_515, %rem3A_506 : i32
      %mul3A_517 = arith.constant 16 : i32
      %mul3A_518 = arith.muli %select_n3A_516, %mul3A_517 : i32
      %add3A_519 = arith.addi %mul3A_501, %mul3A_518 : i32
      %add3A_520 = arith.constant 0 : i32
      %add3A_521 = arith.addi %add3A_519, %add3A_520 : i32
      %add3A_522 = arith.constant 0 : i32
      %add3A_523 = arith.addi %add3A_521, %add3A_522 : i32
      %swap3A = arith.index_cast %add3A_523 : i32 to index
      %swap3A_524 = tpu.vector_load %arg12[%swap3A] {strides = array<i32>} : memref<32768xf32, #tpu.memory_space<vmem>>, vector<16xf32>,
      tpu.vector_store %arg12[%swap3A], %gather3A {strides = array<i32>} : memref<32768xf32, #tpu.memory_space<vmem>>, vector<16xf32>,
      %add3A_525 = arith.constant 0 : i32
      %add3A_526 = arith.addi %add3A_519, %add3A_525 : i32
      %add3A_527 = arith.constant 128 : i32
      %add3A_528 = arith.addi %add3A_526, %add3A_527 : i32
      %swap3A_529 = arith.index_cast %add3A_528 : i32 to index
      %swap3A_530 = tpu.vector_load %arg12[%swap3A_529] {strides = array<i32>} : memref<32768xf32, #tpu.memory_space<vmem>>, vector<16xf32>,
      tpu.vector_store %arg12[%swap3A_529], %gather3A_341 {strides = array<i32>} : memref<32768xf32, #tpu.memory_space<vmem>>, vector<16xf32>,
      %add3A_531 = arith.constant 0 : i32
      %add3A_532 = arith.addi %add3A_519, %add3A_531 : i32
      %add3A_533 = arith.constant 256 : i32
      %add3A_534 = arith.addi %add3A_532, %add3A_533 : i32
      %swap3A_535 = arith.index_cast %add3A_534 : i32 to index
      %swap3A_536 = tpu.vector_load %arg12[%swap3A_535] {strides = array<i32>} : memref<32768xf32, #tpu.memory_space<vmem>>, vector<16xf32>,
      tpu.vector_store %arg12[%swap3A_535], %gather3A_345 {strides = array<i32>} : memref<32768xf32, #tpu.memory_space<vmem>>, vector<16xf32>,
      %add3A_537 = arith.constant 0 : i32
      %add3A_538 = arith.addi %add3A_519, %add3A_537 : i32
      %add3A_539 = arith.constant 384 : i32
      %add3A_540 = arith.addi %add3A_538, %add3A_539 : i32
      %swap3A_541 = arith.index_cast %add3A_540 : i32 to index
      %swap3A_542 = tpu.vector_load %arg12[%swap3A_541] {strides = array<i32>} : memref<32768xf32, #tpu.memory_space<vmem>>, vector<16xf32>,
      tpu.vector_store %arg12[%swap3A_541], %gather3A_349 {strides = array<i32>} : memref<32768xf32, #tpu.memory_space<vmem>>, vector<16xf32>,
      %add3A_543 = arith.constant 0 : i32
      %add3A_544 = arith.addi %add3A_519, %add3A_543 : i32
      %add3A_545 = arith.constant 512 : i32
      %add3A_546 = arith.addi %add3A_544, %add3A_545 : i32
      %swap3A_547 = arith.index_cast %add3A_546 : i32 to index
      %swap3A_548 = tpu.vector_load %arg12[%swap3A_547] {strides = array<i32>} : memref<32768xf32, #tpu.memory_space<vmem>>, vector<16xf32>,
      tpu.vector_store %arg12[%swap3A_547], %gather3A_353 {strides = array<i32>} : memref<32768xf32, #tpu.memory_space<vmem>>, vector<16xf32>,
      %add3A_549 = arith.constant 0 : i32
      %add3A_550 = arith.addi %add3A_519, %add3A_549 : i32
      %add3A_551 = arith.constant 640 : i32
      %add3A_552 = arith.addi %add3A_550, %add3A_551 : i32
      %swap3A_553 = arith.index_cast %add3A_552 : i32 to index
      %swap3A_554 = tpu.vector_load %arg12[%swap3A_553] {strides = array<i32>} : memref<32768xf32, #tpu.memory_space<vmem>>, vector<16xf32>,
      tpu.vector_store %arg12[%swap3A_553], %gather3A_357 {strides = array<i32>} : memref<32768xf32, #tpu.memory_space<vmem>>, vector<16xf32>,
      %add3A_555 = arith.constant 0 : i32
      %add3A_556 = arith.addi %add3A_519, %add3A_555 : i32
      %add3A_557 = arith.constant 768 : i32
      %add3A_558 = arith.addi %add3A_556, %add3A_557 : i32
      %swap3A_559 = arith.index_cast %add3A_558 : i32 to index
      %swap3A_560 = tpu.vector_load %arg12[%swap3A_559] {strides = array<i32>} : memref<32768xf32, #tpu.memory_space<vmem>>, vector<16xf32>,
      tpu.vector_store %arg12[%swap3A_559], %gather3A_361 {strides = array<i32>} : memref<32768xf32, #tpu.memory_space<vmem>>, vector<16xf32>,
      %add3A_561 = arith.constant 0 : i32
      %add3A_562 = arith.addi %add3A_519, %add3A_561 : i32
      %add3A_563 = arith.constant 896 : i32
      %add3A_564 = arith.addi %add3A_562, %add3A_563 : i32
      %swap3A_565 = arith.index_cast %add3A_564 : i32 to index
      %swap3A_566 = tpu.vector_load %arg12[%swap3A_565] {strides = array<i32>} : memref<32768xf32, #tpu.memory_space<vmem>>, vector<16xf32>,
      tpu.vector_store %arg12[%swap3A_565], %gather3A_365 {strides = array<i32>} : memref<32768xf32, #tpu.memory_space<vmem>>, vector<16xf32>,
      %add3A_567 = arith.constant 16384 : i32
      %add3A_568 = arith.addi %add3A_519, %add3A_567 : i32
      %add3A_569 = arith.constant 0 : i32
      %add3A_570 = arith.addi %add3A_568, %add3A_569 : i32
      %swap3A_571 = arith.index_cast %add3A_570 : i32 to index
      %swap3A_572 = tpu.vector_load %arg12[%swap3A_571] {strides = array<i32>} : memref<32768xf32, #tpu.memory_space<vmem>>, vector<16xf32>,
      tpu.vector_store %arg12[%swap3A_571], %gather3A_369 {strides = array<i32>} : memref<32768xf32, #tpu.memory_space<vmem>>, vector<16xf32>,
      %add3A_573 = arith.constant 16384 : i32
      %add3A_574 = arith.addi %add3A_519, %add3A_573 : i32
      %add3A_575 = arith.constant 128 : i32
      %add3A_576 = arith.addi %add3A_574, %add3A_575 : i32
      %swap3A_577 = arith.index_cast %add3A_576 : i32 to index
      %swap3A_578 = tpu.vector_load %arg12[%swap3A_577] {strides = array<i32>} : memref<32768xf32, #tpu.memory_space<vmem>>, vector<16xf32>,
      tpu.vector_store %arg12[%swap3A_577], %gather3A_373 {strides = array<i32>} : memref<32768xf32, #tpu.memory_space<vmem>>, vector<16xf32>,
      %add3A_579 = arith.constant 16384 : i32
      %add3A_580 = arith.addi %add3A_519, %add3A_579 : i32
      %add3A_581 = arith.constant 256 : i32
      %add3A_582 = arith.addi %add3A_580, %add3A_581 : i32
      %swap3A_583 = arith.index_cast %add3A_582 : i32 to index
      %swap3A_584 = tpu.vector_load %arg12[%swap3A_583] {strides = array<i32>} : memref<32768xf32, #tpu.memory_space<vmem>>, vector<16xf32>,
      tpu.vector_store %arg12[%swap3A_583], %gather3A_377 {strides = array<i32>} : memref<32768xf32, #tpu.memory_space<vmem>>, vector<16xf32>,
      %add3A_585 = arith.constant 16384 : i32
      %add3A_586 = arith.addi %add3A_519, %add3A_585 : i32
      %add3A_587 = arith.constant 384 : i32
      %add3A_588 = arith.addi %add3A_586, %add3A_587 : i32
      %swap3A_589 = arith.index_cast %add3A_588 : i32 to index
      %swap3A_590 = tpu.vector_load %arg12[%swap3A_589] {strides = array<i32>} : memref<32768xf32, #tpu.memory_space<vmem>>, vector<16xf32>,
      tpu.vector_store %arg12[%swap3A_589], %gather3A_381 {strides = array<i32>} : memref<32768xf32, #tpu.memory_space<vmem>>, vector<16xf32>,
      %add3A_591 = arith.constant 16384 : i32
      %add3A_592 = arith.addi %add3A_519, %add3A_591 : i32
      %add3A_593 = arith.constant 512 : i32
      %add3A_594 = arith.addi %add3A_592, %add3A_593 : i32
      %swap3A_595 = arith.index_cast %add3A_594 : i32 to index
      %swap3A_596 = tpu.vector_load %arg12[%swap3A_595] {strides = array<i32>} : memref<32768xf32, #tpu.memory_space<vmem>>, vector<16xf32>,
      tpu.vector_store %arg12[%swap3A_595], %gather3A_385 {strides = array<i32>} : memref<32768xf32, #tpu.memory_space<vmem>>, vector<16xf32>,
      %add3A_597 = arith.constant 16384 : i32
      %add3A_598 = arith.addi %add3A_519, %add3A_597 : i32
      %add3A_599 = arith.constant 640 : i32
      %add3A_600 = arith.addi %add3A_598, %add3A_599 : i32
      %swap3A_601 = arith.index_cast %add3A_600 : i32 to index
      %swap3A_602 = tpu.vector_load %arg12[%swap3A_601] {strides = array<i32>} : memref<32768xf32, #tpu.memory_space<vmem>>, vector<16xf32>,
      tpu.vector_store %arg12[%swap3A_601], %gather3A_389 {strides = array<i32>} : memref<32768xf32, #tpu.memory_space<vmem>>, vector<16xf32>,
      %add3A_603 = arith.constant 16384 : i32
      %add3A_604 = arith.addi %add3A_519, %add3A_603 : i32
      %add3A_605 = arith.constant 768 : i32
      %add3A_606 = arith.addi %add3A_604, %add3A_605 : i32
      %swap3A_607 = arith.index_cast %add3A_606 : i32 to index
      %swap3A_608 = tpu.vector_load %arg12[%swap3A_607] {strides = array<i32>} : memref<32768xf32, #tpu.memory_space<vmem>>, vector<16xf32>,
      tpu.vector_store %arg12[%swap3A_607], %gather3A_393 {strides = array<i32>} : memref<32768xf32, #tpu.memory_space<vmem>>, vector<16xf32>,
      %add3A_609 = arith.constant 16384 : i32
      %add3A_610 = arith.addi %add3A_519, %add3A_609 : i32
      %add3A_611 = arith.constant 896 : i32
      %add3A_612 = arith.addi %add3A_610, %add3A_611 : i32
      %swap3A_613 = arith.index_cast %add3A_612 : i32 to index
      %swap3A_614 = tpu.vector_load %arg12[%swap3A_613] {strides = array<i32>} : memref<32768xf32, #tpu.memory_space<vmem>>, vector<16xf32>,
      tpu.vector_store %arg12[%swap3A_613], %gather3A_397 {strides = array<i32>} : memref<32768xf32, #tpu.memory_space<vmem>>, vector<16xf32>,
      %add3A_615 = arith.constant 2 : i32
      %add3A_616 = arith.addi %mul3A_327, %add3A_615 : i32
      %mul3A_617 = arith.constant 16 : i32
      %mul3A_618 = arith.muli %add3A_616, %mul3A_617 : i32
      %get3A_619 = arith.index_cast %mul3A_618 : i32 to index
      %get3A_620 = tpu.vector_load %arg10[%get3A_619] {strides = array<i32>} : memref<2048xi32, #tpu.memory_space<vmem>>, vector<16xi32>,
      %mul3A_621 = arith.constant 256 : i32
      %mul3A_622 = vector.broadcast %mul3A_621 : i32 to vector<16xi32>
      %mul3A_623 = arith.muli %get3A_620, %mul3A_622 : vector<16xi32>
      %add3A_624 = arith.addi %mul3A_623, %iota3A : vector<16xi32>
      %add3A_625 = arith.constant 0 : i32
      %add3A_626 = vector.broadcast %add3A_625 : i32 to vector<16xi32>
      %add3A_627 = arith.addi %add3A_624, %add3A_626 : vector<16xi32>
      %gather3A_628 = tpu.vector_load_idx %arg14[%add3A_627] : memref<4096xf32, #tpu.memory_space<vmem>>[vector<16xi32>], vector<16xf32>,
      %add3A_629 = arith.constant 16 : i32
      %add3A_630 = vector.broadcast %add3A_629 : i32 to vector<16xi32>
      %add3A_631 = arith.addi %add3A_624, %add3A_630 : vector<16xi32>
      %gather3A_632 = tpu.vector_load_idx %arg14[%add3A_631] : memref<4096xf32, #tpu.memory_space<vmem>>[vector<16xi32>], vector<16xf32>,
      %add3A_633 = arith.constant 32 : i32
      %add3A_634 = vector.broadcast %add3A_633 : i32 to vector<16xi32>
      %add3A_635 = arith.addi %add3A_624, %add3A_634 : vector<16xi32>
      %gather3A_636 = tpu.vector_load_idx %arg14[%add3A_635] : memref<4096xf32, #tpu.memory_space<vmem>>[vector<16xi32>], vector<16xf32>,
      %add3A_637 = arith.constant 48 : i32
      %add3A_638 = vector.broadcast %add3A_637 : i32 to vector<16xi32>
      %add3A_639 = arith.addi %add3A_624, %add3A_638 : vector<16xi32>
      %gather3A_640 = tpu.vector_load_idx %arg14[%add3A_639] : memref<4096xf32, #tpu.memory_space<vmem>>[vector<16xi32>], vector<16xf32>,
      %add3A_641 = arith.constant 64 : i32
      %add3A_642 = vector.broadcast %add3A_641 : i32 to vector<16xi32>
      %add3A_643 = arith.addi %add3A_624, %add3A_642 : vector<16xi32>
      %gather3A_644 = tpu.vector_load_idx %arg14[%add3A_643] : memref<4096xf32, #tpu.memory_space<vmem>>[vector<16xi32>], vector<16xf32>,
      %add3A_645 = arith.constant 80 : i32
      %add3A_646 = vector.broadcast %add3A_645 : i32 to vector<16xi32>
      %add3A_647 = arith.addi %add3A_624, %add3A_646 : vector<16xi32>
      %gather3A_648 = tpu.vector_load_idx %arg14[%add3A_647] : memref<4096xf32, #tpu.memory_space<vmem>>[vector<16xi32>], vector<16xf32>,
      %add3A_649 = arith.constant 96 : i32
      %add3A_650 = vector.broadcast %add3A_649 : i32 to vector<16xi32>
      %add3A_651 = arith.addi %add3A_624, %add3A_650 : vector<16xi32>
      %gather3A_652 = tpu.vector_load_idx %arg14[%add3A_651] : memref<4096xf32, #tpu.memory_space<vmem>>[vector<16xi32>], vector<16xf32>,
      %add3A_653 = arith.constant 112 : i32
      %add3A_654 = vector.broadcast %add3A_653 : i32 to vector<16xi32>
      %add3A_655 = arith.addi %add3A_624, %add3A_654 : vector<16xi32>
      %gather3A_656 = tpu.vector_load_idx %arg14[%add3A_655] : memref<4096xf32, #tpu.memory_space<vmem>>[vector<16xi32>], vector<16xf32>,
      %add3A_657 = arith.constant 128 : i32
      %add3A_658 = vector.broadcast %add3A_657 : i32 to vector<16xi32>
      %add3A_659 = arith.addi %add3A_624, %add3A_658 : vector<16xi32>
      %gather3A_660 = tpu.vector_load_idx %arg14[%add3A_659] : memref<4096xf32, #tpu.memory_space<vmem>>[vector<16xi32>], vector<16xf32>,
      %add3A_661 = arith.constant 144 : i32
      %add3A_662 = vector.broadcast %add3A_661 : i32 to vector<16xi32>
      %add3A_663 = arith.addi %add3A_624, %add3A_662 : vector<16xi32>
      %gather3A_664 = tpu.vector_load_idx %arg14[%add3A_663] : memref<4096xf32, #tpu.memory_space<vmem>>[vector<16xi32>], vector<16xf32>,
      %add3A_665 = arith.constant 160 : i32
      %add3A_666 = vector.broadcast %add3A_665 : i32 to vector<16xi32>
      %add3A_667 = arith.addi %add3A_624, %add3A_666 : vector<16xi32>
      %gather3A_668 = tpu.vector_load_idx %arg14[%add3A_667] : memref<4096xf32, #tpu.memory_space<vmem>>[vector<16xi32>], vector<16xf32>,
      %add3A_669 = arith.constant 176 : i32
      %add3A_670 = vector.broadcast %add3A_669 : i32 to vector<16xi32>
      %add3A_671 = arith.addi %add3A_624, %add3A_670 : vector<16xi32>
      %gather3A_672 = tpu.vector_load_idx %arg14[%add3A_671] : memref<4096xf32, #tpu.memory_space<vmem>>[vector<16xi32>], vector<16xf32>,
      %add3A_673 = arith.constant 192 : i32
      %add3A_674 = vector.broadcast %add3A_673 : i32 to vector<16xi32>
      %add3A_675 = arith.addi %add3A_624, %add3A_674 : vector<16xi32>
      %gather3A_676 = tpu.vector_load_idx %arg14[%add3A_675] : memref<4096xf32, #tpu.memory_space<vmem>>[vector<16xi32>], vector<16xf32>,
      %add3A_677 = arith.constant 208 : i32
      %add3A_678 = vector.broadcast %add3A_677 : i32 to vector<16xi32>
      %add3A_679 = arith.addi %add3A_624, %add3A_678 : vector<16xi32>
      %gather3A_680 = tpu.vector_load_idx %arg14[%add3A_679] : memref<4096xf32, #tpu.memory_space<vmem>>[vector<16xi32>], vector<16xf32>,
      %add3A_681 = arith.constant 224 : i32
      %add3A_682 = vector.broadcast %add3A_681 : i32 to vector<16xi32>
      %add3A_683 = arith.addi %add3A_624, %add3A_682 : vector<16xi32>
      %gather3A_684 = tpu.vector_load_idx %arg14[%add3A_683] : memref<4096xf32, #tpu.memory_space<vmem>>[vector<16xi32>], vector<16xf32>,
      %add3A_685 = arith.constant 240 : i32
      %add3A_686 = vector.broadcast %add3A_685 : i32 to vector<16xi32>
      %add3A_687 = arith.addi %add3A_624, %add3A_686 : vector<16xi32>
      %gather3A_688 = tpu.vector_load_idx %arg14[%add3A_687] : memref<4096xf32, #tpu.memory_space<vmem>>[vector<16xi32>], vector<16xf32>,
      %add3A_689 = arith.constant 2 : i32
      %add3A_690 = arith.addi %mul3A_327, %add3A_689 : i32
      %sub3A_691 = arith.constant 1 : i32
      %sub3A_692 = arith.subi %add3A_690, %sub3A_691 : i32
      %jit3A_693 = arith.constant 8 : i32
      %div3A_694 = arith.divsi %sub3A_692, %jit3A_693 : i32
      %sign3A_695 = arith.constant 0 : i32
      %sign3A_696 = arith.cmpi sgt, %sub3A_692, %sign3A_695 : i32
      %sign3A_697 = arith.extui %sign3A_696 : i1 to i32
      %sign3A_698 = arith.constant 0 : i32
      %sign3A_699 = arith.cmpi slt, %sub3A_692, %sign3A_698 : i32
      %sign3A_700 = arith.extui %sign3A_699 : i1 to i32
      %sign3A_701 = arith.subi %sign3A_697, %sign3A_700 : i32
      %sign3A_702 = arith.constant 0 : i32
      %sign3A_703 = arith.cmpi sgt, %jit3A_693, %sign3A_702 : i32
      %sign3A_704 = arith.extui %sign3A_703 : i1 to i32
      %sign3A_705 = arith.constant 0 : i32
      %sign3A_706 = arith.cmpi slt, %jit3A_693, %sign3A_705 : i32
      %sign3A_707 = arith.extui %sign3A_706 : i1 to i32
      %sign3A_708 = arith.subi %sign3A_704, %sign3A_707 : i32
      %ne3A_709 = arith.cmpi ne, %sign3A_701, %sign3A_708 : i32
      %rem3A_710 = arith.remsi %sub3A_692, %jit3A_693 : i32
      %ne3A_711 = arith.constant 0 : i32
      %ne3A_712 = arith.cmpi ne, %rem3A_710, %ne3A_711 : i32
      %and3A_713 = arith.andi %ne3A_709, %ne3A_712 : i1
      %sub3A_714 = arith.constant 1 : i32
      %sub3A_715 = arith.subi %div3A_694, %sub3A_714 : i32
      %select_n3A_716 = arith.select %and3A_713, %sub3A_715, %div3A_694 : i32
      %mul3A_717 = arith.constant 1024 : i32
      %mul3A_718 = arith.muli %select_n3A_716, %mul3A_717 : i32
      %jit3A_719 = arith.constant 8 : i32
      %eq3A_720 = arith.constant 0 : i32
      %eq3A_721 = arith.cmpi eq, %jit3A_719, %eq3A_720 : i32
      %jit3A_722 = arith.constant 1 : i32
      %select_n3A_723 = arith.select %eq3A_721, %jit3A_722, %jit3A_719 : i32
      %rem3A_724 = arith.remsi %sub3A_692, %select_n3A_723 : i32
      %ne3A_725 = arith.constant 0 : i32
      %ne3A_726 = arith.cmpi ne, %rem3A_724, %ne3A_725 : i32
      %lt3A_727 = arith.constant 0 : i32
      %lt3A_728 = arith.cmpi slt, %rem3A_724, %lt3A_727 : i32
      %lt3A_729 = arith.constant 0 : i32
      %lt3A_730 = arith.cmpi slt, %select_n3A_723, %lt3A_729 : i32
      %ne3A_731 = arith.xori %lt3A_728, %lt3A_730 : i1
      %and3A_732 = arith.andi %ne3A_731, %ne3A_726 : i1
      %add3A_733 = arith.addi %rem3A_724, %select_n3A_723 : i32
      %select_n3A_734 = arith.select %and3A_732, %add3A_733, %rem3A_724 : i32
      %mul3A_735 = arith.constant 16 : i32
      %mul3A_736 = arith.muli %select_n3A_734, %mul3A_735 : i32
      %add3A_737 = arith.addi %mul3A_718, %mul3A_736 : i32
      %add3A_738 = arith.constant 0 : i32
      %add3A_739 = arith.addi %add3A_737, %add3A_738 : i32
      %add3A_740 = arith.constant 0 : i32
      %add3A_741 = arith.addi %add3A_739, %add3A_740 : i32
      %swap3A_742 = arith.index_cast %add3A_741 : i32 to index
      %swap3A_743 = tpu.vector_load %arg12[%swap3A_742] {strides = array<i32>} : memref<32768xf32, #tpu.memory_space<vmem>>, vector<16xf32>,
      tpu.vector_store %arg12[%swap3A_742], %gather3A_411 {strides = array<i32>} : memref<32768xf32, #tpu.memory_space<vmem>>, vector<16xf32>,
      %add3A_744 = arith.constant 0 : i32
      %add3A_745 = arith.addi %add3A_737, %add3A_744 : i32
      %add3A_746 = arith.constant 128 : i32
      %add3A_747 = arith.addi %add3A_745, %add3A_746 : i32
      %swap3A_748 = arith.index_cast %add3A_747 : i32 to index
      %swap3A_749 = tpu.vector_load %arg12[%swap3A_748] {strides = array<i32>} : memref<32768xf32, #tpu.memory_space<vmem>>, vector<16xf32>,
      tpu.vector_store %arg12[%swap3A_748], %gather3A_415 {strides = array<i32>} : memref<32768xf32, #tpu.memory_space<vmem>>, vector<16xf32>,
      %add3A_750 = arith.constant 0 : i32
      %add3A_751 = arith.addi %add3A_737, %add3A_750 : i32
      %add3A_752 = arith.constant 256 : i32
      %add3A_753 = arith.addi %add3A_751, %add3A_752 : i32
      %swap3A_754 = arith.index_cast %add3A_753 : i32 to index
      %swap3A_755 = tpu.vector_load %arg12[%swap3A_754] {strides = array<i32>} : memref<32768xf32, #tpu.memory_space<vmem>>, vector<16xf32>,
      tpu.vector_store %arg12[%swap3A_754], %gather3A_419 {strides = array<i32>} : memref<32768xf32, #tpu.memory_space<vmem>>, vector<16xf32>,
      %add3A_756 = arith.constant 0 : i32
      %add3A_757 = arith.addi %add3A_737, %add3A_756 : i32
      %add3A_758 = arith.constant 384 : i32
      %add3A_759 = arith.addi %add3A_757, %add3A_758 : i32
      %swap3A_760 = arith.index_cast %add3A_759 : i32 to index
      %swap3A_761 = tpu.vector_load %arg12[%swap3A_760] {strides = array<i32>} : memref<32768xf32, #tpu.memory_space<vmem>>, vector<16xf32>,
      tpu.vector_store %arg12[%swap3A_760], %gather3A_423 {strides = array<i32>} : memref<32768xf32, #tpu.memory_space<vmem>>, vector<16xf32>,
      %add3A_762 = arith.constant 0 : i32
      %add3A_763 = arith.addi %add3A_737, %add3A_762 : i32
      %add3A_764 = arith.constant 512 : i32
      %add3A_765 = arith.addi %add3A_763, %add3A_764 : i32
      %swap3A_766 = arith.index_cast %add3A_765 : i32 to index
      %swap3A_767 = tpu.vector_load %arg12[%swap3A_766] {strides = array<i32>} : memref<32768xf32, #tpu.memory_space<vmem>>, vector<16xf32>,
      tpu.vector_store %arg12[%swap3A_766], %gather3A_427 {strides = array<i32>} : memref<32768xf32, #tpu.memory_space<vmem>>, vector<16xf32>,
      %add3A_768 = arith.constant 0 : i32
      %add3A_769 = arith.addi %add3A_737, %add3A_768 : i32
      %add3A_770 = arith.constant 640 : i32
      %add3A_771 = arith.addi %add3A_769, %add3A_770 : i32
      %swap3A_772 = arith.index_cast %add3A_771 : i32 to index
      %swap3A_773 = tpu.vector_load %arg12[%swap3A_772] {strides = array<i32>} : memref<32768xf32, #tpu.memory_space<vmem>>, vector<16xf32>,
      tpu.vector_store %arg12[%swap3A_772], %gather3A_431 {strides = array<i32>} : memref<32768xf32, #tpu.memory_space<vmem>>, vector<16xf32>,
      %add3A_774 = arith.constant 0 : i32
      %add3A_775 = arith.addi %add3A_737, %add3A_774 : i32
      %add3A_776 = arith.constant 768 : i32
      %add3A_777 = arith.addi %add3A_775, %add3A_776 : i32
      %swap3A_778 = arith.index_cast %add3A_777 : i32 to index
      %swap3A_779 = tpu.vector_load %arg12[%swap3A_778] {strides = array<i32>} : memref<32768xf32, #tpu.memory_space<vmem>>, vector<16xf32>,
      tpu.vector_store %arg12[%swap3A_778], %gather3A_435 {strides = array<i32>} : memref<32768xf32, #tpu.memory_space<vmem>>, vector<16xf32>,
      %add3A_780 = arith.constant 0 : i32
      %add3A_781 = arith.addi %add3A_737, %add3A_780 : i32
      %add3A_782 = arith.constant 896 : i32
      %add3A_783 = arith.addi %add3A_781, %add3A_782 : i32
      %swap3A_784 = arith.index_cast %add3A_783 : i32 to index
      %swap3A_785 = tpu.vector_load %arg12[%swap3A_784] {strides = array<i32>} : memref<32768xf32, #tpu.memory_space<vmem>>, vector<16xf32>,
      tpu.vector_store %arg12[%swap3A_784], %gather3A_439 {strides = array<i32>} : memref<32768xf32, #tpu.memory_space<vmem>>, vector<16xf32>,
      %add3A_786 = arith.constant 16384 : i32
      %add3A_787 = arith.addi %add3A_737, %add3A_786 : i32
      %add3A_788 = arith.constant 0 : i32
      %add3A_789 = arith.addi %add3A_787, %add3A_788 : i32
      %swap3A_790 = arith.index_cast %add3A_789 : i32 to index
      %swap3A_791 = tpu.vector_load %arg12[%swap3A_790] {strides = array<i32>} : memref<32768xf32, #tpu.memory_space<vmem>>, vector<16xf32>,
      tpu.vector_store %arg12[%swap3A_790], %gather3A_443 {strides = array<i32>} : memref<32768xf32, #tpu.memory_space<vmem>>, vector<16xf32>,
      %add3A_792 = arith.constant 16384 : i32
      %add3A_793 = arith.addi %add3A_737, %add3A_792 : i32
      %add3A_794 = arith.constant 128 : i32
      %add3A_795 = arith.addi %add3A_793, %add3A_794 : i32
      %swap3A_796 = arith.index_cast %add3A_795 : i32 to index
      %swap3A_797 = tpu.vector_load %arg12[%swap3A_796] {strides = array<i32>} : memref<32768xf32, #tpu.memory_space<vmem>>, vector<16xf32>,
      tpu.vector_store %arg12[%swap3A_796], %gather3A_447 {strides = array<i32>} : memref<32768xf32, #tpu.memory_space<vmem>>, vector<16xf32>,
      %add3A_798 = arith.constant 16384 : i32
      %add3A_799 = arith.addi %add3A_737, %add3A_798 : i32
      %add3A_800 = arith.constant 256 : i32
      %add3A_801 = arith.addi %add3A_799, %add3A_800 : i32
      %swap3A_802 = arith.index_cast %add3A_801 : i32 to index
      %swap3A_803 = tpu.vector_load %arg12[%swap3A_802] {strides = array<i32>} : memref<32768xf32, #tpu.memory_space<vmem>>, vector<16xf32>,
      tpu.vector_store %arg12[%swap3A_802], %gather3A_451 {strides = array<i32>} : memref<32768xf32, #tpu.memory_space<vmem>>, vector<16xf32>,
      %add3A_804 = arith.constant 16384 : i32
      %add3A_805 = arith.addi %add3A_737, %add3A_804 : i32
      %add3A_806 = arith.constant 384 : i32
      %add3A_807 = arith.addi %add3A_805, %add3A_806 : i32
      %swap3A_808 = arith.index_cast %add3A_807 : i32 to index
      %swap3A_809 = tpu.vector_load %arg12[%swap3A_808] {strides = array<i32>} : memref<32768xf32, #tpu.memory_space<vmem>>, vector<16xf32>,
      tpu.vector_store %arg12[%swap3A_808], %gather3A_455 {strides = array<i32>} : memref<32768xf32, #tpu.memory_space<vmem>>, vector<16xf32>,
      %add3A_810 = arith.constant 16384 : i32
      %add3A_811 = arith.addi %add3A_737, %add3A_810 : i32
      %add3A_812 = arith.constant 512 : i32
      %add3A_813 = arith.addi %add3A_811, %add3A_812 : i32
      %swap3A_814 = arith.index_cast %add3A_813 : i32 to index
      %swap3A_815 = tpu.vector_load %arg12[%swap3A_814] {strides = array<i32>} : memref<32768xf32, #tpu.memory_space<vmem>>, vector<16xf32>,
      tpu.vector_store %arg12[%swap3A_814], %gather3A_459 {strides = array<i32>} : memref<32768xf32, #tpu.memory_space<vmem>>, vector<16xf32>,
      %add3A_816 = arith.constant 16384 : i32
      %add3A_817 = arith.addi %add3A_737, %add3A_816 : i32
      %add3A_818 = arith.constant 640 : i32
      %add3A_819 = arith.addi %add3A_817, %add3A_818 : i32
      %swap3A_820 = arith.index_cast %add3A_819 : i32 to index
      %swap3A_821 = tpu.vector_load %arg12[%swap3A_820] {strides = array<i32>} : memref<32768xf32, #tpu.memory_space<vmem>>, vector<16xf32>,
      tpu.vector_store %arg12[%swap3A_820], %gather3A_463 {strides = array<i32>} : memref<32768xf32, #tpu.memory_space<vmem>>, vector<16xf32>,
      %add3A_822 = arith.constant 16384 : i32
      %add3A_823 = arith.addi %add3A_737, %add3A_822 : i32
      %add3A_824 = arith.constant 768 : i32
      %add3A_825 = arith.addi %add3A_823, %add3A_824 : i32
      %swap3A_826 = arith.index_cast %add3A_825 : i32 to index
      %swap3A_827 = tpu.vector_load %arg12[%swap3A_826] {strides = array<i32>} : memref<32768xf32, #tpu.memory_space<vmem>>, vector<16xf32>,
      tpu.vector_store %arg12[%swap3A_826], %gather3A_467 {strides = array<i32>} : memref<32768xf32, #tpu.memory_space<vmem>>, vector<16xf32>,
      %add3A_828 = arith.constant 16384 : i32
      %add3A_829 = arith.addi %add3A_737, %add3A_828 : i32
      %add3A_830 = arith.constant 896 : i32
      %add3A_831 = arith.addi %add3A_829, %add3A_830 : i32
      %swap3A_832 = arith.index_cast %add3A_831 : i32 to index
      %swap3A_833 = tpu.vector_load %arg12[%swap3A_832] {strides = array<i32>} : memref<32768xf32, #tpu.memory_space<vmem>>, vector<16xf32>,
      tpu.vector_store %arg12[%swap3A_832], %gather3A_471 {strides = array<i32>} : memref<32768xf32, #tpu.memory_space<vmem>>, vector<16xf32>,
      %add3A_834 = arith.constant 3 : i32
      %add3A_835 = arith.addi %mul3A_327, %add3A_834 : i32
      %mul3A_836 = arith.constant 16 : i32
      %mul3A_837 = arith.muli %add3A_835, %mul3A_836 : i32
      %get3A_838 = arith.index_cast %mul3A_837 : i32 to index
      %get3A_839 = tpu.vector_load %arg10[%get3A_838] {strides = array<i32>} : memref<2048xi32, #tpu.memory_space<vmem>>, vector<16xi32>,
      %mul3A_840 = arith.constant 256 : i32
      %mul3A_841 = vector.broadcast %mul3A_840 : i32 to vector<16xi32>
      %mul3A_842 = arith.muli %get3A_839, %mul3A_841 : vector<16xi32>
      %add3A_843 = arith.addi %mul3A_842, %iota3A : vector<16xi32>
      %add3A_844 = arith.constant 0 : i32
      %add3A_845 = vector.broadcast %add3A_844 : i32 to vector<16xi32>
      %add3A_846 = arith.addi %add3A_843, %add3A_845 : vector<16xi32>
      %gather3A_847 = tpu.vector_load_idx %arg14[%add3A_846] : memref<4096xf32, #tpu.memory_space<vmem>>[vector<16xi32>], vector<16xf32>,
      %add3A_848 = arith.constant 16 : i32
      %add3A_849 = vector.broadcast %add3A_848 : i32 to vector<16xi32>
      %add3A_850 = arith.addi %add3A_843, %add3A_849 : vector<16xi32>
      %gather3A_851 = tpu.vector_load_idx %arg14[%add3A_850] : memref<4096xf32, #tpu.memory_space<vmem>>[vector<16xi32>], vector<16xf32>,
      %add3A_852 = arith.constant 32 : i32
      %add3A_853 = vector.broadcast %add3A_852 : i32 to vector<16xi32>
      %add3A_854 = arith.addi %add3A_843, %add3A_853 : vector<16xi32>
      %gather3A_855 = tpu.vector_load_idx %arg14[%add3A_854] : memref<4096xf32, #tpu.memory_space<vmem>>[vector<16xi32>], vector<16xf32>,
      %add3A_856 = arith.constant 48 : i32
      %add3A_857 = vector.broadcast %add3A_856 : i32 to vector<16xi32>
      %add3A_858 = arith.addi %add3A_843, %add3A_857 : vector<16xi32>
      %gather3A_859 = tpu.vector_load_idx %arg14[%add3A_858] : memref<4096xf32, #tpu.memory_space<vmem>>[vector<16xi32>], vector<16xf32>,
      %add3A_860 = arith.constant 64 : i32
      %add3A_861 = vector.broadcast %add3A_860 : i32 to vector<16xi32>
      %add3A_862 = arith.addi %add3A_843, %add3A_861 : vector<16xi32>
      %gather3A_863 = tpu.vector_load_idx %arg14[%add3A_862] : memref<4096xf32, #tpu.memory_space<vmem>>[vector<16xi32>], vector<16xf32>,
      %add3A_864 = arith.constant 80 : i32
      %add3A_865 = vector.broadcast %add3A_864 : i32 to vector<16xi32>
      %add3A_866 = arith.addi %add3A_843, %add3A_865 : vector<16xi32>
      %gather3A_867 = tpu.vector_load_idx %arg14[%add3A_866] : memref<4096xf32, #tpu.memory_space<vmem>>[vector<16xi32>], vector<16xf32>,
      %add3A_868 = arith.constant 96 : i32
      %add3A_869 = vector.broadcast %add3A_868 : i32 to vector<16xi32>
      %add3A_870 = arith.addi %add3A_843, %add3A_869 : vector<16xi32>
      %gather3A_871 = tpu.vector_load_idx %arg14[%add3A_870] : memref<4096xf32, #tpu.memory_space<vmem>>[vector<16xi32>], vector<16xf32>,
      %add3A_872 = arith.constant 112 : i32
      %add3A_873 = vector.broadcast %add3A_872 : i32 to vector<16xi32>
      %add3A_874 = arith.addi %add3A_843, %add3A_873 : vector<16xi32>
      %gather3A_875 = tpu.vector_load_idx %arg14[%add3A_874] : memref<4096xf32, #tpu.memory_space<vmem>>[vector<16xi32>], vector<16xf32>,
      %add3A_876 = arith.constant 128 : i32
      %add3A_877 = vector.broadcast %add3A_876 : i32 to vector<16xi32>
      %add3A_878 = arith.addi %add3A_843, %add3A_877 : vector<16xi32>
      %gather3A_879 = tpu.vector_load_idx %arg14[%add3A_878] : memref<4096xf32, #tpu.memory_space<vmem>>[vector<16xi32>], vector<16xf32>,
      %add3A_880 = arith.constant 144 : i32
      %add3A_881 = vector.broadcast %add3A_880 : i32 to vector<16xi32>
      %add3A_882 = arith.addi %add3A_843, %add3A_881 : vector<16xi32>
      %gather3A_883 = tpu.vector_load_idx %arg14[%add3A_882] : memref<4096xf32, #tpu.memory_space<vmem>>[vector<16xi32>], vector<16xf32>,
      %add3A_884 = arith.constant 160 : i32
      %add3A_885 = vector.broadcast %add3A_884 : i32 to vector<16xi32>
      %add3A_886 = arith.addi %add3A_843, %add3A_885 : vector<16xi32>
      %gather3A_887 = tpu.vector_load_idx %arg14[%add3A_886] : memref<4096xf32, #tpu.memory_space<vmem>>[vector<16xi32>], vector<16xf32>,
      %add3A_888 = arith.constant 176 : i32
      %add3A_889 = vector.broadcast %add3A_888 : i32 to vector<16xi32>
      %add3A_890 = arith.addi %add3A_843, %add3A_889 : vector<16xi32>
      %gather3A_891 = tpu.vector_load_idx %arg14[%add3A_890] : memref<4096xf32, #tpu.memory_space<vmem>>[vector<16xi32>], vector<16xf32>,
      %add3A_892 = arith.constant 192 : i32
      %add3A_893 = vector.broadcast %add3A_892 : i32 to vector<16xi32>
      %add3A_894 = arith.addi %add3A_843, %add3A_893 : vector<16xi32>
      %gather3A_895 = tpu.vector_load_idx %arg14[%add3A_894] : memref<4096xf32, #tpu.memory_space<vmem>>[vector<16xi32>], vector<16xf32>,
      %add3A_896 = arith.constant 208 : i32
      %add3A_897 = vector.broadcast %add3A_896 : i32 to vector<16xi32>
      %add3A_898 = arith.addi %add3A_843, %add3A_897 : vector<16xi32>
      %gather3A_899 = tpu.vector_load_idx %arg14[%add3A_898] : memref<4096xf32, #tpu.memory_space<vmem>>[vector<16xi32>], vector<16xf32>,
      %add3A_900 = arith.constant 224 : i32
      %add3A_901 = vector.broadcast %add3A_900 : i32 to vector<16xi32>
      %add3A_902 = arith.addi %add3A_843, %add3A_901 : vector<16xi32>
      %gather3A_903 = tpu.vector_load_idx %arg14[%add3A_902] : memref<4096xf32, #tpu.memory_space<vmem>>[vector<16xi32>], vector<16xf32>,
      %add3A_904 = arith.constant 240 : i32
      %add3A_905 = vector.broadcast %add3A_904 : i32 to vector<16xi32>
      %add3A_906 = arith.addi %add3A_843, %add3A_905 : vector<16xi32>
      %gather3A_907 = tpu.vector_load_idx %arg14[%add3A_906] : memref<4096xf32, #tpu.memory_space<vmem>>[vector<16xi32>], vector<16xf32>,
      %add3A_908 = arith.constant 3 : i32
      %add3A_909 = arith.addi %mul3A_327, %add3A_908 : i32
      %sub3A_910 = arith.constant 1 : i32
      %sub3A_911 = arith.subi %add3A_909, %sub3A_910 : i32
      %jit3A_912 = arith.constant 8 : i32
      %div3A_913 = arith.divsi %sub3A_911, %jit3A_912 : i32
      %sign3A_914 = arith.constant 0 : i32
      %sign3A_915 = arith.cmpi sgt, %sub3A_911, %sign3A_914 : i32
      %sign3A_916 = arith.extui %sign3A_915 : i1 to i32
      %sign3A_917 = arith.constant 0 : i32
      %sign3A_918 = arith.cmpi slt, %sub3A_911, %sign3A_917 : i32
      %sign3A_919 = arith.extui %sign3A_918 : i1 to i32
      %sign3A_920 = arith.subi %sign3A_916, %sign3A_919 : i32
      %sign3A_921 = arith.constant 0 : i32
      %sign3A_922 = arith.cmpi sgt, %jit3A_912, %sign3A_921 : i32
      %sign3A_923 = arith.extui %sign3A_922 : i1 to i32
      %sign3A_924 = arith.constant 0 : i32
      %sign3A_925 = arith.cmpi slt, %jit3A_912, %sign3A_924 : i32
      %sign3A_926 = arith.extui %sign3A_925 : i1 to i32
      %sign3A_927 = arith.subi %sign3A_923, %sign3A_926 : i32
      %ne3A_928 = arith.cmpi ne, %sign3A_920, %sign3A_927 : i32
      %rem3A_929 = arith.remsi %sub3A_911, %jit3A_912 : i32
      %ne3A_930 = arith.constant 0 : i32
      %ne3A_931 = arith.cmpi ne, %rem3A_929, %ne3A_930 : i32
      %and3A_932 = arith.andi %ne3A_928, %ne3A_931 : i1
      %sub3A_933 = arith.constant 1 : i32
      %sub3A_934 = arith.subi %div3A_913, %sub3A_933 : i32
      %select_n3A_935 = arith.select %and3A_932, %sub3A_934, %div3A_913 : i32
      %mul3A_936 = arith.constant 1024 : i32
      %mul3A_937 = arith.muli %select_n3A_935, %mul3A_936 : i32
      %jit3A_938 = arith.constant 8 : i32
      %eq3A_939 = arith.constant 0 : i32
      %eq3A_940 = arith.cmpi eq, %jit3A_938, %eq3A_939 : i32
      %jit3A_941 = arith.constant 1 : i32
      %select_n3A_942 = arith.select %eq3A_940, %jit3A_941, %jit3A_938 : i32
      %rem3A_943 = arith.remsi %sub3A_911, %select_n3A_942 : i32
      %ne3A_944 = arith.constant 0 : i32
      %ne3A_945 = arith.cmpi ne, %rem3A_943, %ne3A_944 : i32
      %lt3A_946 = arith.constant 0 : i32
      %lt3A_947 = arith.cmpi slt, %rem3A_943, %lt3A_946 : i32
      %lt3A_948 = arith.constant 0 : i32
      %lt3A_949 = arith.cmpi slt, %select_n3A_942, %lt3A_948 : i32
      %ne3A_950 = arith.xori %lt3A_947, %lt3A_949 : i1
      %and3A_951 = arith.andi %ne3A_950, %ne3A_945 : i1
      %add3A_952 = arith.addi %rem3A_943, %select_n3A_942 : i32
      %select_n3A_953 = arith.select %and3A_951, %add3A_952, %rem3A_943 : i32
      %mul3A_954 = arith.constant 16 : i32
      %mul3A_955 = arith.muli %select_n3A_953, %mul3A_954 : i32
      %add3A_956 = arith.addi %mul3A_937, %mul3A_955 : i32
      %add3A_957 = arith.constant 0 : i32
      %add3A_958 = arith.addi %add3A_956, %add3A_957 : i32
      %add3A_959 = arith.constant 0 : i32
      %add3A_960 = arith.addi %add3A_958, %add3A_959 : i32
      %swap3A_961 = arith.index_cast %add3A_960 : i32 to index
      %swap3A_962 = tpu.vector_load %arg12[%swap3A_961] {strides = array<i32>} : memref<32768xf32, #tpu.memory_space<vmem>>, vector<16xf32>,
      tpu.vector_store %arg12[%swap3A_961], %gather3A_628 {strides = array<i32>} : memref<32768xf32, #tpu.memory_space<vmem>>, vector<16xf32>,
      %add3A_963 = arith.constant 0 : i32
      %add3A_964 = arith.addi %add3A_956, %add3A_963 : i32
      %add3A_965 = arith.constant 128 : i32
      %add3A_966 = arith.addi %add3A_964, %add3A_965 : i32
      %swap3A_967 = arith.index_cast %add3A_966 : i32 to index
      %swap3A_968 = tpu.vector_load %arg12[%swap3A_967] {strides = array<i32>} : memref<32768xf32, #tpu.memory_space<vmem>>, vector<16xf32>,
      tpu.vector_store %arg12[%swap3A_967], %gather3A_632 {strides = array<i32>} : memref<32768xf32, #tpu.memory_space<vmem>>, vector<16xf32>,
      %add3A_969 = arith.constant 0 : i32
      %add3A_970 = arith.addi %add3A_956, %add3A_969 : i32
      %add3A_971 = arith.constant 256 : i32
      %add3A_972 = arith.addi %add3A_970, %add3A_971 : i32
      %swap3A_973 = arith.index_cast %add3A_972 : i32 to index
      %swap3A_974 = tpu.vector_load %arg12[%swap3A_973] {strides = array<i32>} : memref<32768xf32, #tpu.memory_space<vmem>>, vector<16xf32>,
      tpu.vector_store %arg12[%swap3A_973], %gather3A_636 {strides = array<i32>} : memref<32768xf32, #tpu.memory_space<vmem>>, vector<16xf32>,
      %add3A_975 = arith.constant 0 : i32
      %add3A_976 = arith.addi %add3A_956, %add3A_975 : i32
      %add3A_977 = arith.constant 384 : i32
      %add3A_978 = arith.addi %add3A_976, %add3A_977 : i32
      %swap3A_979 = arith.index_cast %add3A_978 : i32 to index
      %swap3A_980 = tpu.vector_load %arg12[%swap3A_979] {strides = array<i32>} : memref<32768xf32, #tpu.memory_space<vmem>>, vector<16xf32>,
      tpu.vector_store %arg12[%swap3A_979], %gather3A_640 {strides = array<i32>} : memref<32768xf32, #tpu.memory_space<vmem>>, vector<16xf32>,
      %add3A_981 = arith.constant 0 : i32
      %add3A_982 = arith.addi %add3A_956, %add3A_981 : i32
      %add3A_983 = arith.constant 512 : i32
      %add3A_984 = arith.addi %add3A_982, %add3A_983 : i32
      %swap3A_985 = arith.index_cast %add3A_984 : i32 to index
      %swap3A_986 = tpu.vector_load %arg12[%swap3A_985] {strides = array<i32>} : memref<32768xf32, #tpu.memory_space<vmem>>, vector<16xf32>,
      tpu.vector_store %arg12[%swap3A_985], %gather3A_644 {strides = array<i32>} : memref<32768xf32, #tpu.memory_space<vmem>>, vector<16xf32>,
      %add3A_987 = arith.constant 0 : i32
      %add3A_988 = arith.addi %add3A_956, %add3A_987 : i32
      %add3A_989 = arith.constant 640 : i32
      %add3A_990 = arith.addi %add3A_988, %add3A_989 : i32
      %swap3A_991 = arith.index_cast %add3A_990 : i32 to index
      %swap3A_992 = tpu.vector_load %arg12[%swap3A_991] {strides = array<i32>} : memref<32768xf32, #tpu.memory_space<vmem>>, vector<16xf32>,
      tpu.vector_store %arg12[%swap3A_991], %gather3A_648 {strides = array<i32>} : memref<32768xf32, #tpu.memory_space<vmem>>, vector<16xf32>,
      %add3A_993 = arith.constant 0 : i32
      %add3A_994 = arith.addi %add3A_956, %add3A_993 : i32
      %add3A_995 = arith.constant 768 : i32
      %add3A_996 = arith.addi %add3A_994, %add3A_995 : i32
      %swap3A_997 = arith.index_cast %add3A_996 : i32 to index
      %swap3A_998 = tpu.vector_load %arg12[%swap3A_997] {strides = array<i32>} : memref<32768xf32, #tpu.memory_space<vmem>>, vector<16xf32>,
      tpu.vector_store %arg12[%swap3A_997], %gather3A_652 {strides = array<i32>} : memref<32768xf32, #tpu.memory_space<vmem>>, vector<16xf32>,
      %add3A_999 = arith.constant 0 : i32
      %add3A_1000 = arith.addi %add3A_956, %add3A_999 : i32
      %add3A_1001 = arith.constant 896 : i32
      %add3A_1002 = arith.addi %add3A_1000, %add3A_1001 : i32
      %swap3A_1003 = arith.index_cast %add3A_1002 : i32 to index
      %swap3A_1004 = tpu.vector_load %arg12[%swap3A_1003] {strides = array<i32>} : memref<32768xf32, #tpu.memory_space<vmem>>, vector<16xf32>,
      tpu.vector_store %arg12[%swap3A_1003], %gather3A_656 {strides = array<i32>} : memref<32768xf32, #tpu.memory_space<vmem>>, vector<16xf32>,
      %add3A_1005 = arith.constant 16384 : i32
      %add3A_1006 = arith.addi %add3A_956, %add3A_1005 : i32
      %add3A_1007 = arith.constant 0 : i32
      %add3A_1008 = arith.addi %add3A_1006, %add3A_1007 : i32
      %swap3A_1009 = arith.index_cast %add3A_1008 : i32 to index
      %swap3A_1010 = tpu.vector_load %arg12[%swap3A_1009] {strides = array<i32>} : memref<32768xf32, #tpu.memory_space<vmem>>, vector<16xf32>,
      tpu.vector_store %arg12[%swap3A_1009], %gather3A_660 {strides = array<i32>} : memref<32768xf32, #tpu.memory_space<vmem>>, vector<16xf32>,
      %add3A_1011 = arith.constant 16384 : i32
      %add3A_1012 = arith.addi %add3A_956, %add3A_1011 : i32
      %add3A_1013 = arith.constant 128 : i32
      %add3A_1014 = arith.addi %add3A_1012, %add3A_1013 : i32
      %swap3A_1015 = arith.index_cast %add3A_1014 : i32 to index
      %swap3A_1016 = tpu.vector_load %arg12[%swap3A_1015] {strides = array<i32>} : memref<32768xf32, #tpu.memory_space<vmem>>, vector<16xf32>,
      tpu.vector_store %arg12[%swap3A_1015], %gather3A_664 {strides = array<i32>} : memref<32768xf32, #tpu.memory_space<vmem>>, vector<16xf32>,
      %add3A_1017 = arith.constant 16384 : i32
      %add3A_1018 = arith.addi %add3A_956, %add3A_1017 : i32
      %add3A_1019 = arith.constant 256 : i32
      %add3A_1020 = arith.addi %add3A_1018, %add3A_1019 : i32
      %swap3A_1021 = arith.index_cast %add3A_1020 : i32 to index
      %swap3A_1022 = tpu.vector_load %arg12[%swap3A_1021] {strides = array<i32>} : memref<32768xf32, #tpu.memory_space<vmem>>, vector<16xf32>,
      tpu.vector_store %arg12[%swap3A_1021], %gather3A_668 {strides = array<i32>} : memref<32768xf32, #tpu.memory_space<vmem>>, vector<16xf32>,
      %add3A_1023 = arith.constant 16384 : i32
      %add3A_1024 = arith.addi %add3A_956, %add3A_1023 : i32
      %add3A_1025 = arith.constant 384 : i32
      %add3A_1026 = arith.addi %add3A_1024, %add3A_1025 : i32
      %swap3A_1027 = arith.index_cast %add3A_1026 : i32 to index
      %swap3A_1028 = tpu.vector_load %arg12[%swap3A_1027] {strides = array<i32>} : memref<32768xf32, #tpu.memory_space<vmem>>, vector<16xf32>,
      tpu.vector_store %arg12[%swap3A_1027], %gather3A_672 {strides = array<i32>} : memref<32768xf32, #tpu.memory_space<vmem>>, vector<16xf32>,
      %add3A_1029 = arith.constant 16384 : i32
      %add3A_1030 = arith.addi %add3A_956, %add3A_1029 : i32
      %add3A_1031 = arith.constant 512 : i32
      %add3A_1032 = arith.addi %add3A_1030, %add3A_1031 : i32
      %swap3A_1033 = arith.index_cast %add3A_1032 : i32 to index
      %swap3A_1034 = tpu.vector_load %arg12[%swap3A_1033] {strides = array<i32>} : memref<32768xf32, #tpu.memory_space<vmem>>, vector<16xf32>,
      tpu.vector_store %arg12[%swap3A_1033], %gather3A_676 {strides = array<i32>} : memref<32768xf32, #tpu.memory_space<vmem>>, vector<16xf32>,
      %add3A_1035 = arith.constant 16384 : i32
      %add3A_1036 = arith.addi %add3A_956, %add3A_1035 : i32
      %add3A_1037 = arith.constant 640 : i32
      %add3A_1038 = arith.addi %add3A_1036, %add3A_1037 : i32
      %swap3A_1039 = arith.index_cast %add3A_1038 : i32 to index
      %swap3A_1040 = tpu.vector_load %arg12[%swap3A_1039] {strides = array<i32>} : memref<32768xf32, #tpu.memory_space<vmem>>, vector<16xf32>,
      tpu.vector_store %arg12[%swap3A_1039], %gather3A_680 {strides = array<i32>} : memref<32768xf32, #tpu.memory_space<vmem>>, vector<16xf32>,
      %add3A_1041 = arith.constant 16384 : i32
      %add3A_1042 = arith.addi %add3A_956, %add3A_1041 : i32
      %add3A_1043 = arith.constant 768 : i32
      %add3A_1044 = arith.addi %add3A_1042, %add3A_1043 : i32
      %swap3A_1045 = arith.index_cast %add3A_1044 : i32 to index
      %swap3A_1046 = tpu.vector_load %arg12[%swap3A_1045] {strides = array<i32>} : memref<32768xf32, #tpu.memory_space<vmem>>, vector<16xf32>,
      tpu.vector_store %arg12[%swap3A_1045], %gather3A_684 {strides = array<i32>} : memref<32768xf32, #tpu.memory_space<vmem>>, vector<16xf32>,
      %add3A_1047 = arith.constant 16384 : i32
      %add3A_1048 = arith.addi %add3A_956, %add3A_1047 : i32
      %add3A_1049 = arith.constant 896 : i32
      %add3A_1050 = arith.addi %add3A_1048, %add3A_1049 : i32
      %swap3A_1051 = arith.index_cast %add3A_1050 : i32 to index
      %swap3A_1052 = tpu.vector_load %arg12[%swap3A_1051] {strides = array<i32>} : memref<32768xf32, #tpu.memory_space<vmem>>, vector<16xf32>,
      tpu.vector_store %arg12[%swap3A_1051], %gather3A_688 {strides = array<i32>} : memref<32768xf32, #tpu.memory_space<vmem>>, vector<16xf32>,
      %add3A_1053 = arith.constant 4 : i32
      %add3A_1054 = arith.addi %mul3A_327, %add3A_1053 : i32
      %sub3A_1055 = arith.constant 1 : i32
      %sub3A_1056 = arith.subi %add3A_1054, %sub3A_1055 : i32
      %jit3A_1057 = arith.constant 8 : i32
      %div3A_1058 = arith.divsi %sub3A_1056, %jit3A_1057 : i32
      %sign3A_1059 = arith.constant 0 : i32
      %sign3A_1060 = arith.cmpi sgt, %sub3A_1056, %sign3A_1059 : i32
      %sign3A_1061 = arith.extui %sign3A_1060 : i1 to i32
      %sign3A_1062 = arith.constant 0 : i32
      %sign3A_1063 = arith.cmpi slt, %sub3A_1056, %sign3A_1062 : i32
      %sign3A_1064 = arith.extui %sign3A_1063 : i1 to i32
      %sign3A_1065 = arith.subi %sign3A_1061, %sign3A_1064 : i32
      %sign3A_1066 = arith.constant 0 : i32
      %sign3A_1067 = arith.cmpi sgt, %jit3A_1057, %sign3A_1066 : i32
      %sign3A_1068 = arith.extui %sign3A_1067 : i1 to i32
      %sign3A_1069 = arith.constant 0 : i32
      %sign3A_1070 = arith.cmpi slt, %jit3A_1057, %sign3A_1069 : i32
      %sign3A_1071 = arith.extui %sign3A_1070 : i1 to i32
      %sign3A_1072 = arith.subi %sign3A_1068, %sign3A_1071 : i32
      %ne3A_1073 = arith.cmpi ne, %sign3A_1065, %sign3A_1072 : i32
      %rem3A_1074 = arith.remsi %sub3A_1056, %jit3A_1057 : i32
      %ne3A_1075 = arith.constant 0 : i32
      %ne3A_1076 = arith.cmpi ne, %rem3A_1074, %ne3A_1075 : i32
      %and3A_1077 = arith.andi %ne3A_1073, %ne3A_1076 : i1
      %sub3A_1078 = arith.constant 1 : i32
      %sub3A_1079 = arith.subi %div3A_1058, %sub3A_1078 : i32
      %select_n3A_1080 = arith.select %and3A_1077, %sub3A_1079, %div3A_1058 : i32
      %mul3A_1081 = arith.constant 1024 : i32
      %mul3A_1082 = arith.muli %select_n3A_1080, %mul3A_1081 : i32
      %jit3A_1083 = arith.constant 8 : i32
      %eq3A_1084 = arith.constant 0 : i32
      %eq3A_1085 = arith.cmpi eq, %jit3A_1083, %eq3A_1084 : i32
      %jit3A_1086 = arith.constant 1 : i32
      %select_n3A_1087 = arith.select %eq3A_1085, %jit3A_1086, %jit3A_1083 : i32
      %rem3A_1088 = arith.remsi %sub3A_1056, %select_n3A_1087 : i32
      %ne3A_1089 = arith.constant 0 : i32
      %ne3A_1090 = arith.cmpi ne, %rem3A_1088, %ne3A_1089 : i32
      %lt3A_1091 = arith.constant 0 : i32
      %lt3A_1092 = arith.cmpi slt, %rem3A_1088, %lt3A_1091 : i32
      %lt3A_1093 = arith.constant 0 : i32
      %lt3A_1094 = arith.cmpi slt, %select_n3A_1087, %lt3A_1093 : i32
      %ne3A_1095 = arith.xori %lt3A_1092, %lt3A_1094 : i1
      %and3A_1096 = arith.andi %ne3A_1095, %ne3A_1090 : i1
      %add3A_1097 = arith.addi %rem3A_1088, %select_n3A_1087 : i32
      %select_n3A_1098 = arith.select %and3A_1096, %add3A_1097, %rem3A_1088 : i32
      %mul3A_1099 = arith.constant 16 : i32
      %mul3A_1100 = arith.muli %select_n3A_1098, %mul3A_1099 : i32
      %add3A_1101 = arith.addi %mul3A_1082, %mul3A_1100 : i32
      %add3A_1102 = arith.constant 0 : i32
      %add3A_1103 = arith.addi %add3A_1101, %add3A_1102 : i32
      %add3A_1104 = arith.constant 0 : i32
      %add3A_1105 = arith.addi %add3A_1103, %add3A_1104 : i32
      %swap3A_1106 = arith.index_cast %add3A_1105 : i32 to index
      %swap3A_1107 = tpu.vector_load %arg12[%swap3A_1106] {strides = array<i32>} : memref<32768xf32, #tpu.memory_space<vmem>>, vector<16xf32>,
      tpu.vector_store %arg12[%swap3A_1106], %gather3A_847 {strides = array<i32>} : memref<32768xf32, #tpu.memory_space<vmem>>, vector<16xf32>,
      %add3A_1108 = arith.constant 0 : i32
      %add3A_1109 = arith.addi %add3A_1101, %add3A_1108 : i32
      %add3A_1110 = arith.constant 128 : i32
      %add3A_1111 = arith.addi %add3A_1109, %add3A_1110 : i32
      %swap3A_1112 = arith.index_cast %add3A_1111 : i32 to index
      %swap3A_1113 = tpu.vector_load %arg12[%swap3A_1112] {strides = array<i32>} : memref<32768xf32, #tpu.memory_space<vmem>>, vector<16xf32>,
      tpu.vector_store %arg12[%swap3A_1112], %gather3A_851 {strides = array<i32>} : memref<32768xf32, #tpu.memory_space<vmem>>, vector<16xf32>,
      %add3A_1114 = arith.constant 0 : i32
      %add3A_1115 = arith.addi %add3A_1101, %add3A_1114 : i32
      %add3A_1116 = arith.constant 256 : i32
      %add3A_1117 = arith.addi %add3A_1115, %add3A_1116 : i32
      %swap3A_1118 = arith.index_cast %add3A_1117 : i32 to index
      %swap3A_1119 = tpu.vector_load %arg12[%swap3A_1118] {strides = array<i32>} : memref<32768xf32, #tpu.memory_space<vmem>>, vector<16xf32>,
      tpu.vector_store %arg12[%swap3A_1118], %gather3A_855 {strides = array<i32>} : memref<32768xf32, #tpu.memory_space<vmem>>, vector<16xf32>,
      %add3A_1120 = arith.constant 0 : i32
      %add3A_1121 = arith.addi %add3A_1101, %add3A_1120 : i32
      %add3A_1122 = arith.constant 384 : i32
      %add3A_1123 = arith.addi %add3A_1121, %add3A_1122 : i32
      %swap3A_1124 = arith.index_cast %add3A_1123 : i32 to index
      %swap3A_1125 = tpu.vector_load %arg12[%swap3A_1124] {strides = array<i32>} : memref<32768xf32, #tpu.memory_space<vmem>>, vector<16xf32>,
      tpu.vector_store %arg12[%swap3A_1124], %gather3A_859 {strides = array<i32>} : memref<32768xf32, #tpu.memory_space<vmem>>, vector<16xf32>,
      %add3A_1126 = arith.constant 0 : i32
      %add3A_1127 = arith.addi %add3A_1101, %add3A_1126 : i32
      %add3A_1128 = arith.constant 512 : i32
      %add3A_1129 = arith.addi %add3A_1127, %add3A_1128 : i32
      %swap3A_1130 = arith.index_cast %add3A_1129 : i32 to index
      %swap3A_1131 = tpu.vector_load %arg12[%swap3A_1130] {strides = array<i32>} : memref<32768xf32, #tpu.memory_space<vmem>>, vector<16xf32>,
      tpu.vector_store %arg12[%swap3A_1130], %gather3A_863 {strides = array<i32>} : memref<32768xf32, #tpu.memory_space<vmem>>, vector<16xf32>,
      %add3A_1132 = arith.constant 0 : i32
      %add3A_1133 = arith.addi %add3A_1101, %add3A_1132 : i32
      %add3A_1134 = arith.constant 640 : i32
      %add3A_1135 = arith.addi %add3A_1133, %add3A_1134 : i32
      %swap3A_1136 = arith.index_cast %add3A_1135 : i32 to index
      %swap3A_1137 = tpu.vector_load %arg12[%swap3A_1136] {strides = array<i32>} : memref<32768xf32, #tpu.memory_space<vmem>>, vector<16xf32>,
      tpu.vector_store %arg12[%swap3A_1136], %gather3A_867 {strides = array<i32>} : memref<32768xf32, #tpu.memory_space<vmem>>, vector<16xf32>,
      %add3A_1138 = arith.constant 0 : i32
      %add3A_1139 = arith.addi %add3A_1101, %add3A_1138 : i32
      %add3A_1140 = arith.constant 768 : i32
      %add3A_1141 = arith.addi %add3A_1139, %add3A_1140 : i32
      %swap3A_1142 = arith.index_cast %add3A_1141 : i32 to index
      %swap3A_1143 = tpu.vector_load %arg12[%swap3A_1142] {strides = array<i32>} : memref<32768xf32, #tpu.memory_space<vmem>>, vector<16xf32>,
      tpu.vector_store %arg12[%swap3A_1142], %gather3A_871 {strides = array<i32>} : memref<32768xf32, #tpu.memory_space<vmem>>, vector<16xf32>,
      %add3A_1144 = arith.constant 0 : i32
      %add3A_1145 = arith.addi %add3A_1101, %add3A_1144 : i32
      %add3A_1146 = arith.constant 896 : i32
      %add3A_1147 = arith.addi %add3A_1145, %add3A_1146 : i32
      %swap3A_1148 = arith.index_cast %add3A_1147 : i32 to index
      %swap3A_1149 = tpu.vector_load %arg12[%swap3A_1148] {strides = array<i32>} : memref<32768xf32, #tpu.memory_space<vmem>>, vector<16xf32>,
      tpu.vector_store %arg12[%swap3A_1148], %gather3A_875 {strides = array<i32>} : memref<32768xf32, #tpu.memory_space<vmem>>, vector<16xf32>,
      %add3A_1150 = arith.constant 16384 : i32
      %add3A_1151 = arith.addi %add3A_1101, %add3A_1150 : i32
      %add3A_1152 = arith.constant 0 : i32
      %add3A_1153 = arith.addi %add3A_1151, %add3A_1152 : i32
      %swap3A_1154 = arith.index_cast %add3A_1153 : i32 to index
      %swap3A_1155 = tpu.vector_load %arg12[%swap3A_1154] {strides = array<i32>} : memref<32768xf32, #tpu.memory_space<vmem>>, vector<16xf32>,
      tpu.vector_store %arg12[%swap3A_1154], %gather3A_879 {strides = array<i32>} : memref<32768xf32, #tpu.memory_space<vmem>>, vector<16xf32>,
      %add3A_1156 = arith.constant 16384 : i32
      %add3A_1157 = arith.addi %add3A_1101, %add3A_1156 : i32
      %add3A_1158 = arith.constant 128 : i32
      %add3A_1159 = arith.addi %add3A_1157, %add3A_1158 : i32
      %swap3A_1160 = arith.index_cast %add3A_1159 : i32 to index
      %swap3A_1161 = tpu.vector_load %arg12[%swap3A_1160] {strides = array<i32>} : memref<32768xf32, #tpu.memory_space<vmem>>, vector<16xf32>,
      tpu.vector_store %arg12[%swap3A_1160], %gather3A_883 {strides = array<i32>} : memref<32768xf32, #tpu.memory_space<vmem>>, vector<16xf32>,
      %add3A_1162 = arith.constant 16384 : i32
      %add3A_1163 = arith.addi %add3A_1101, %add3A_1162 : i32
      %add3A_1164 = arith.constant 256 : i32
      %add3A_1165 = arith.addi %add3A_1163, %add3A_1164 : i32
      %swap3A_1166 = arith.index_cast %add3A_1165 : i32 to index
      %swap3A_1167 = tpu.vector_load %arg12[%swap3A_1166] {strides = array<i32>} : memref<32768xf32, #tpu.memory_space<vmem>>, vector<16xf32>,
      tpu.vector_store %arg12[%swap3A_1166], %gather3A_887 {strides = array<i32>} : memref<32768xf32, #tpu.memory_space<vmem>>, vector<16xf32>,
      %add3A_1168 = arith.constant 16384 : i32
      %add3A_1169 = arith.addi %add3A_1101, %add3A_1168 : i32
      %add3A_1170 = arith.constant 384 : i32
      %add3A_1171 = arith.addi %add3A_1169, %add3A_1170 : i32
      %swap3A_1172 = arith.index_cast %add3A_1171 : i32 to index
      %swap3A_1173 = tpu.vector_load %arg12[%swap3A_1172] {strides = array<i32>} : memref<32768xf32, #tpu.memory_space<vmem>>, vector<16xf32>,
      tpu.vector_store %arg12[%swap3A_1172], %gather3A_891 {strides = array<i32>} : memref<32768xf32, #tpu.memory_space<vmem>>, vector<16xf32>,
      %add3A_1174 = arith.constant 16384 : i32
      %add3A_1175 = arith.addi %add3A_1101, %add3A_1174 : i32
      %add3A_1176 = arith.constant 512 : i32
      %add3A_1177 = arith.addi %add3A_1175, %add3A_1176 : i32
      %swap3A_1178 = arith.index_cast %add3A_1177 : i32 to index
      %swap3A_1179 = tpu.vector_load %arg12[%swap3A_1178] {strides = array<i32>} : memref<32768xf32, #tpu.memory_space<vmem>>, vector<16xf32>,
      tpu.vector_store %arg12[%swap3A_1178], %gather3A_895 {strides = array<i32>} : memref<32768xf32, #tpu.memory_space<vmem>>, vector<16xf32>,
      %add3A_1180 = arith.constant 16384 : i32
      %add3A_1181 = arith.addi %add3A_1101, %add3A_1180 : i32
      %add3A_1182 = arith.constant 640 : i32
      %add3A_1183 = arith.addi %add3A_1181, %add3A_1182 : i32
      %swap3A_1184 = arith.index_cast %add3A_1183 : i32 to index
      %swap3A_1185 = tpu.vector_load %arg12[%swap3A_1184] {strides = array<i32>} : memref<32768xf32, #tpu.memory_space<vmem>>, vector<16xf32>,
      tpu.vector_store %arg12[%swap3A_1184], %gather3A_899 {strides = array<i32>} : memref<32768xf32, #tpu.memory_space<vmem>>, vector<16xf32>,
      %add3A_1186 = arith.constant 16384 : i32
      %add3A_1187 = arith.addi %add3A_1101, %add3A_1186 : i32
      %add3A_1188 = arith.constant 768 : i32
      %add3A_1189 = arith.addi %add3A_1187, %add3A_1188 : i32
      %swap3A_1190 = arith.index_cast %add3A_1189 : i32 to index
      %swap3A_1191 = tpu.vector_load %arg12[%swap3A_1190] {strides = array<i32>} : memref<32768xf32, #tpu.memory_space<vmem>>, vector<16xf32>,
      tpu.vector_store %arg12[%swap3A_1190], %gather3A_903 {strides = array<i32>} : memref<32768xf32, #tpu.memory_space<vmem>>, vector<16xf32>,
      %add3A_1192 = arith.constant 16384 : i32
      %add3A_1193 = arith.addi %add3A_1101, %add3A_1192 : i32
      %add3A_1194 = arith.constant 896 : i32
      %add3A_1195 = arith.addi %add3A_1193, %add3A_1194 : i32
      %swap3A_1196 = arith.index_cast %add3A_1195 : i32 to index
      %swap3A_1197 = tpu.vector_load %arg12[%swap3A_1196] {strides = array<i32>} : memref<32768xf32, #tpu.memory_space<vmem>>, vector<16xf32>,
      tpu.vector_store %arg12[%swap3A_1196], %gather3A_907 {strides = array<i32>} : memref<32768xf32, #tpu.memory_space<vmem>>, vector<16xf32>,
      %scan3A_1198 = arith.constant 0 : i32
      scf.yield %scan3A_1198 : i32
    }
    %scan3A_273 = arith.constant 30 : i32
    %add3A_274 = arith.constant 64 : i32
    %add3A_275 = arith.addi %select_n3A_23, %add3A_274 : i32
    %mul3A_276 = arith.constant 1024 : i32
    %mul3A_277 = arith.muli %add3A_275, %mul3A_276 : i32
    %add3A_278 = arith.constant 0 : i32
    %add3A_279 = arith.addi %add3A_278, %mul3A_277 : i32
    %dma_start3A_280 = arith.constant 0 : i32
    %dma_start3A_281 = tpu.memref_slice %arg12[%dma_start3A_280] : memref<32768xf32, #tpu.memory_space<vmem>> -> memref<15360xf32, #tpu.memory_space<vmem>>
    %dma_start3A_282 = tpu.memref_slice %arg7[%add3A_279] : memref<5120000xf32, #tpu.memory_space<hbm>> -> memref<15360xf32, #tpu.memory_space<hbm>>
    %dma_start3A_283 = tpu.memref_slice %arg7[%add3A_279] : memref<5120000xf32, #tpu.memory_space<hbm>> -> memref<15360xf32, #tpu.memory_space<hbm>>
    %dma_start3A_284 = arith.constant 0 : i32
    %dma_start3A_285 = tpu.memref_slice %arg12[%dma_start3A_284] : memref<32768xf32, #tpu.memory_space<vmem>> -> memref<15360xf32, #tpu.memory_space<vmem>>
    tpu.enqueue_dma source(%dma_start3A_285 : memref<15360xf32, #tpu.memory_space<vmem>>) target(%dma_start3A_283 : memref<15360xf32, #tpu.memory_space<hbm>>) target_semaphore(%arg20 : memref<!tpu.dma_semaphore, #tpu.memory_space<semaphore_mem>>)
    %mul3A_286 = arith.constant 1024 : i32
    %mul3A_287 = arith.muli %add3A_275, %mul3A_286 : i32
    %add3A_288 = arith.constant 2560000 : i32
    %add3A_289 = arith.addi %add3A_288, %mul3A_287 : i32
    %dma_start3A_290 = arith.constant 16384 : i32
    %dma_start3A_291 = tpu.memref_slice %arg12[%dma_start3A_290] : memref<32768xf32, #tpu.memory_space<vmem>> -> memref<15360xf32, #tpu.memory_space<vmem>>
    %dma_start3A_292 = tpu.memref_slice %arg7[%add3A_289] : memref<5120000xf32, #tpu.memory_space<hbm>> -> memref<15360xf32, #tpu.memory_space<hbm>>
    %dma_start3A_293 = tpu.memref_slice %arg7[%add3A_289] : memref<5120000xf32, #tpu.memory_space<hbm>> -> memref<15360xf32, #tpu.memory_space<hbm>>
    %dma_start3A_294 = arith.constant 16384 : i32
    %dma_start3A_295 = tpu.memref_slice %arg12[%dma_start3A_294] : memref<32768xf32, #tpu.memory_space<vmem>> -> memref<15360xf32, #tpu.memory_space<vmem>>
    tpu.enqueue_dma source(%dma_start3A_295 : memref<15360xf32, #tpu.memory_space<vmem>>) target(%dma_start3A_293 : memref<15360xf32, #tpu.memory_space<hbm>>) target_semaphore(%arg20 : memref<!tpu.dma_semaphore, #tpu.memory_space<semaphore_mem>>)
    %dma_wait3A_296 = arith.constant 0 : i32
    %dma_wait3A_297 = tpu.memref_slice %arg12[%dma_wait3A_296] : memref<32768xf32, #tpu.memory_space<vmem>> -> memref<15360xf32, #tpu.memory_space<vmem>>
    %dma_wait3A_298 = tpu.memref_slice %arg7[%add3A_279] : memref<5120000xf32, #tpu.memory_space<hbm>> -> memref<15360xf32, #tpu.memory_space<hbm>>
    %dma_wait3A_299 = tpu.memref_slice %arg7[%add3A_279] : memref<5120000xf32, #tpu.memory_space<hbm>> -> memref<15360xf32, #tpu.memory_space<hbm>>
    %dma_wait3A_300 = arith.constant 0 : i32
    %dma_wait3A_301 = tpu.memref_slice %arg12[%dma_wait3A_300] : memref<32768xf32, #tpu.memory_space<vmem>> -> memref<15360xf32, #tpu.memory_space<vmem>>
    tpu.wait_dma2 semaphore(%arg20 : memref<!tpu.dma_semaphore, #tpu.memory_space<semaphore_mem>>) src(%dma_wait3A_301 : memref<15360xf32, #tpu.memory_space<vmem>>) dst(%dma_wait3A_299 : memref<15360xf32, #tpu.memory_space<hbm>>)
    %dma_wait3A_302 = arith.constant 16384 : i32
    %dma_wait3A_303 = tpu.memref_slice %arg12[%dma_wait3A_302] : memref<32768xf32, #tpu.memory_space<vmem>> -> memref<15360xf32, #tpu.memory_space<vmem>>
    %dma_wait3A_304 = tpu.memref_slice %arg7[%add3A_289] : memref<5120000xf32, #tpu.memory_space<hbm>> -> memref<15360xf32, #tpu.memory_space<hbm>>
    %dma_wait3A_305 = tpu.memref_slice %arg7[%add3A_289] : memref<5120000xf32, #tpu.memory_space<hbm>> -> memref<15360xf32, #tpu.memory_space<hbm>>
    %dma_wait3A_306 = arith.constant 16384 : i32
    %dma_wait3A_307 = tpu.memref_slice %arg12[%dma_wait3A_306] : memref<32768xf32, #tpu.memory_space<vmem>> -> memref<15360xf32, #tpu.memory_space<vmem>>
    tpu.wait_dma2 semaphore(%arg20 : memref<!tpu.dma_semaphore, #tpu.memory_space<semaphore_mem>>) src(%dma_wait3A_307 : memref<15360xf32, #tpu.memory_space<vmem>>) dst(%dma_wait3A_305 : memref<15360xf32, #tpu.memory_space<hbm>>)
    %dma_wait3A_308 = arith.constant 0 : i32
    %dma_wait3A_309 = tpu.memref_slice %arg13[%dma_wait3A_308] : memref<32768xf32, #tpu.memory_space<vmem>> -> memref<16384xf32, #tpu.memory_space<vmem>>
    %dma_wait3A_310 = tpu.memref_slice %arg7[%add3A_232] : memref<5120000xf32, #tpu.memory_space<hbm>> -> memref<16384xf32, #tpu.memory_space<hbm>>
    %dma_wait3A_311 = tpu.memref_slice %arg7[%add3A_232] : memref<5120000xf32, #tpu.memory_space<hbm>> -> memref<16384xf32, #tpu.memory_space<hbm>>
    %dma_wait3A_312 = arith.constant 0 : i32
    %dma_wait3A_313 = tpu.memref_slice %arg13[%dma_wait3A_312] : memref<32768xf32, #tpu.memory_space<vmem>> -> memref<16384xf32, #tpu.memory_space<vmem>>
    tpu.wait_dma2 semaphore(%arg21 : memref<!tpu.dma_semaphore, #tpu.memory_space<semaphore_mem>>) src(%dma_wait3A_313 : memref<16384xf32, #tpu.memory_space<vmem>>) dst(%dma_wait3A_311 : memref<16384xf32, #tpu.memory_space<hbm>>)
    %dma_wait3A_314 = arith.constant 16384 : i32
    %dma_wait3A_315 = tpu.memref_slice %arg13[%dma_wait3A_314] : memref<32768xf32, #tpu.memory_space<vmem>> -> memref<16384xf32, #tpu.memory_space<vmem>>
    %dma_wait3A_316 = tpu.memref_slice %arg7[%add3A_242] : memref<5120000xf32, #tpu.memory_space<hbm>> -> memref<16384xf32, #tpu.memory_space<hbm>>
    %dma_wait3A_317 = tpu.memref_slice %arg7[%add3A_242] : memref<5120000xf32, #tpu.memory_space<hbm>> -> memref<16384xf32, #tpu.memory_space<hbm>>
    %dma_wait3A_318 = arith.constant 16384 : i32
    %dma_wait3A_319 = tpu.memref_slice %arg13[%dma_wait3A_318] : memref<32768xf32, #tpu.memory_space<vmem>> -> memref<16384xf32, #tpu.memory_space<vmem>>
    tpu.wait_dma2 semaphore(%arg21 : memref<!tpu.dma_semaphore, #tpu.memory_space<semaphore_mem>>) src(%dma_wait3A_319 : memref<16384xf32, #tpu.memory_space<vmem>>) dst(%dma_wait3A_317 : memref<16384xf32, #tpu.memory_space<hbm>>)
    %dma_wait3A_320 = arith.constant 0 : i32
    %dma_wait3A_321 = tpu.memref_slice %arg6[%select_n3A, %dma_wait3A_320] : memref<10000x128xf32, #tpu.memory_space<hbm>> -> memref<320x128xf32, #tpu.memory_space<hbm>>
    %dma_wait3A_322 = arith.constant 0 : i32
    %dma_wait3A_323 = tpu.memref_slice %arg6[%select_n3A, %dma_wait3A_322] : memref<10000x128xf32, #tpu.memory_space<hbm>> -> memref<320x128xf32, #tpu.memory_space<hbm>>
    tpu.wait_dma2 semaphore(%arg17 : memref<!tpu.dma_semaphore, #tpu.memory_space<semaphore_mem>>) src(%arg9 : memref<320x128xf32, #tpu.memory_space<vmem>>) dst(%dma_wait3A_323 : memref<320x128xf32, #tpu.memory_space<hbm>>)
    return
  }
}

</mosaic_0001>

<sc_bundles>
// kernel: kernel.3.cloned.1.call-start
scs
__scs_entry_jumppad:
0x0: {  	(pc) =	sbr.rel $0x88, $3  }
0x1: {  	(tag) =	ssettag $0x0;
	lr =	simm.s32 $0x1  }
0x2: {  	[smem:$0x3F9D] =	sst lr;
	_ =	strace $0xD0000000  }
0x3: {  	_ = 	snop  }
0x4: {  	_ = 	snop  }
0x5: {  	_ = 	snop  }
0x6: {  	_ = 	snop  }
0x7: {  	_ = 	snop  }
__scs_overlays_trampoline_lowered:
0x8: {  	[smem:$0x3FAC] =	sst s0  }
0x9: {  	[smem:$0x3FAD] =	sst s1  }
0xa: {  	[smem:$0x3FAE] =	sst s2  }
0xb: {  	[smem:$0x3FAF] =	sst s3  }
0xc: {  	[smem:$0x3FB0] =	sst s4  }
0xd: {  	[smem:$0x3FB1] =	sst s5  }
0xe: {  	[smem:$0x3FB2] =	sst s6  }
0xf: {  	[smem:$0x3FB3] =	sst s7  }
0x10: {  	[smem:$0x3FB4] =	sst s8  }
0x11: {  	[smem:$0x3FB5] =	sst s9;
	s0 =	simm.s32 @!p0 $0x0  }
0x12: {  	s1 =	sld [smem:$0x3F9B];
	s0 =	simm.s32 @p0 $0x1  }
0x13: {  	[smem:$0x3FB6] =	sst s0;
	s0 =	simm.s32 @!p1 $0x0  }
0x14: {  	s2 =	sld [smem:$0x3F9A];
	s0 =	simm.s32 @p1 $0x1  }
0x15: {  	[smem:$0x3FB7] =	sst s0;
	s0 =	simm.s32 @!p2 $0x0  }
0x16: {  	s3 =	sld [smem:$0x3FDB];
	s0 =	simm.s32 @p2 $0x1  }
0x17: {  	s4 =	simm.s32 $0x1BF5;
	[smem:$0x3FB9] =	sst s0  }
0x18: {  	s0 =	sld [smem:$0x3F9C];
	_ =	swait.ge [sflag:s4], $0x0  }
0x19: {  	s7 =	sld [smem:$0x3F9D]  }
0x1a: {  	s8 =	sadd.s32 $0xFFFFE003, lr  }
0x1b: {  	s9 =	sadd.s32 $0xFFFFFEF7, lr;
	s5 =	simm.s32 $0xFFFFFFFF;
	p2 =	slt.u32 s8, $0xFFFFF086  }
0x1c: {  	p1 =	slt.u32 s9, $0xF7A;
	s5 =	simm.s32 @!p2 $0x0  }
0x1d: {  	s5 =	simm.s32 @p1 $0x1;
	p0 =	seq.s32 s7, s2  }
0x1e: {  	s7 =	smul.u32 @!p0 $0xF7A, s2;
	p2 =	seq.s32 @!p0 s5, $0x0  }
0x1f: {  	s9 =	smul.u32 $0xF7A, s1;
	s8 =	simm.s32 @!p0 $0x1BF5;
	p2 =	por !p2, p0  }
0x20: {  	[sflag:s8] =	ssyncset.s32 @!p0 $0xFFFFF086;
	s6 =	sadd.s32 @!p0 s3, s7;
	s7 =	simm.s32 @!p0 $0x108  }
0x21: {  	s3 =	sadd.s32 s3, s9;
	s6 =	sadd.s32 @!p0 $0x88, s6;
	s7 =	simm.s32 @p2 $0x1082  }
0x22: {  	[simem:s7], [sflag:s8] =	dma.local @!p0 [hbm:s6], $0xF7A  }
0x23: {  	s9 =	sor.u32 $0xD0000000, s2;
	s6 =	simm.s32 $0x108;
	_ =	swait.ge @!p0 [sflag:s8], $0x0  }
0x24: {  	s3 =	sadd.s32 $0x88, s3;
	s6 =	simm.s32 @!p1 $0x1082;
	[sflag:s4] =	ssyncset.s32 $0xFFFFF086  }
0x25: {  	[simem:s6], [sflag:s4] =	dma.local [hbm:s3], $0xF7A  }
0x26: {  	[smem:$0x3F9D] =	sst s1;
	(tag) =	ssettag s2;
	_ =	strace s9  }
0x27: {  	s1 =	sld [smem:$0x3FAD]  }
0x28: {  	s2 =	sld [smem:$0x3FAE]  }
0x29: {  	s4 =	sld [smem:$0x3FB0]  }
0x2a: {  	p0 =	seq.s32 s5, $0x0;
	s5 =	sld [smem:$0x3FB1]  }
0x2b: {  	s6 =	sld [smem:$0x3FB2]  }
0x2c: {  	s7 =	sld [smem:$0x3FB3]  }
0x2d: {  	s3 =	simm.s32 $0x108;
	s8 =	sld [smem:$0x3FB4]  }
0x2e: {  	s3 =	simm.s32 @!p0 $0x1082;
	s9 =	sld [smem:$0x3FB5]  }
0x2f: {  	lr =	sadd.s32 s0, s3;
	s0 =	sld [smem:$0x3FAC]  }
0x30: {  	s3 =	sld [smem:$0x3FAF]  }
0x31: {  	[smem:$0x3FB8] =	sst s10  }
0x32: {  	s10 =	sld [smem:$0x3FB6];
	_ =	sdelay $0x3  }
0x33: {  	p0 =	seq.s32 s10, $0x1;
	s10 =	sld [smem:$0x3FB8];
	_ =	sdelay $0x3  }
0x34: {  	[smem:$0x3FB8] =	sst s10  }
0x35: {  	s10 =	sld [smem:$0x3FB7];
	_ =	sdelay $0x3  }
0x36: {  	p1 =	seq.s32 s10, $0x1;
	s10 =	sld [smem:$0x3FB8];
	_ =	sdelay $0x3  }
0x37: {  	[smem:$0x3FB8] =	sst s10  }
0x38: {  	s10 =	sld [smem:$0x3FB9]  }
0x39: {  	_ = 	snop;
	(pc) =	sbr.ind lr, $3  }
0x3a: {  	_ = 	snop  }
0x3b: {  	_ = 	snop  }
0x3c: {  	p2 =	seq.s32 s10, $0x1;
	s10 =	sld [smem:$0x3FB8]  }
0x3d: {  	_ =	shalt  }
0x3e: {  	_ =	shalt  }
0x3f: {  	_ =	shalt  }
0x40: {  	_ =	shalt  }
0x41: {  	_ =	shalt  }
0x42: {  	_ =	shalt  }
0x43: {  	_ =	shalt  }
0x44: {  	_ =	shalt  }
0x45: {  	_ =	shalt  }
0x46: {  	_ =	shalt  }
0x47: {  	_ =	shalt  }
0x48: {  	_ =	shalt  }
0x49: {  	_ =	shalt  }
0x4a: {  	_ =	shalt  }
0x4b: {  	_ =	shalt  }
0x4c: {  	_ =	shalt  }
0x4d: {  	_ =	shalt  }
0x4e: {  	_ =	shalt  }
0x4f: {  	_ =	shalt  }
0x50: {  	_ =	shalt  }
0x51: {  	_ =	shalt  }
0x52: {  	_ =	shalt  }
0x53: {  	_ =	shalt  }
0x54: {  	_ =	shalt  }
0x55: {  	_ =	shalt  }
0x56: {  	_ =	shalt  }
0x57: {  	_ =	shalt  }
0x58: {  	_ =	shalt  }
0x59: {  	_ =	shalt  }
0x5a: {  	_ =	shalt  }
0x5b: {  	_ =	shalt  }
0x5c: {  	_ =	shalt  }
0x5d: {  	_ =	shalt  }
0x5e: {  	_ =	shalt  }
0x5f: {  	_ =	shalt  }
0x60: {  	_ =	shalt  }
0x61: {  	_ =	shalt  }
0x62: {  	_ =	shalt  }
0x63: {  	_ =	shalt  }
0x64: {  	_ =	shalt  }
0x65: {  	_ =	shalt  }
0x66: {  	_ =	shalt  }
0x67: {  	_ =	shalt  }
0x68: {  	_ =	shalt  }
0x69: {  	_ =	shalt  }
0x6a: {  	_ =	shalt  }
0x6b: {  	_ =	shalt  }
0x6c: {  	_ =	shalt  }
0x6d: {  	_ =	shalt  }
0x6e: {  	_ =	shalt  }
0x6f: {  	_ =	shalt  }
0x70: {  	_ =	shalt  }
0x71: {  	_ =	shalt  }
0x72: {  	_ =	shalt  }
0x73: {  	_ =	shalt  }
0x74: {  	_ =	shalt  }
0x75: {  	_ =	shalt  }
0x76: {  	_ =	shalt  }
0x77: {  	_ =	shalt  }
0x78: {  	_ =	shalt  }
0x79: {  	_ =	shalt  }
0x7a: {  	_ =	shalt  }
0x7b: {  	_ =	shalt  }
0x7c: {  	_ =	shalt  }
0x7d: {  	_ =	shalt  }
0x7e: {  	_ =	shalt  }
0x7f: {  	_ =	shalt  }
0x80: {  	_ =	shalt  }
0x81: {  	_ =	shalt  }
0x82: {  	_ =	shalt  }
0x83: {  	_ =	shalt  }
0x84: {  	_ =	shalt  }
0x85: {  	_ =	shalt  }
0x86: {  	_ =	shalt  }
0x87: {  	_ =	shalt  }
.Lfunc_end0:
.L_simem_size_0:
called_computation_lowered:
.L_overlay_start_0:
0x88: {  	s2 =	sld [smem:$0x3FD9]  }
0x89: {  	s3 =	sld [smem:$0x3FFE];
	_ =	sdelay $0x1  }
0x8a: {  	s1 =	srdreg.scid  }
0x8b: {  	s0 =	sand.u32 $0x1, s1  }
0x8c: {  	s14 =	sshll.u32 s0, $0xA;
	s2 =	sadd.s32 s3, s2  }
0x8d: {  	s2 =	sadd.s32 s2, s14  }
0x8e: {  	[smem:$0x3FC4] =	sst s2  }
0x8f: {  	_ = 	snop  }
0x90: {  	s2 =	sld [smem:$0x3FD0]  }
0x91: {  	s15 =	sld [smem:$0x3FC9]  }
0x92: {  	s4 =	sld [smem:$0x3FC8]  }
0x93: {  	s6 =	simm.s32 $0xA;
	s7 =	simm.s32 $0x10;
	s5 =	sld [smem:$0x3FC7]  }
0x94: {  	[smem:s7], [sflag:s6] =	dma.local [hbm:s2], $0x1  }
0x95: {  	_ =	swait.eq [sflag:s6], $0x1  }
0x96: {  	[sflag:s6] =	ssyncset.done $0x0  }
0x97: {  	s16 =	sld [smem:$0x10];
	[sflag:s6] =	ssyncadd.s32 $0xFFFFFFFF  }
0x98: {  	s17 =	sld [smem:$0x11];
	(tm) =	ssettm $0x1  }
0x99: {  	s18 =	sld [smem:$0x3FFB];
	_ =	sdelay $0x3  }
0x9a: {  	_ =	strace s18  }
0x9b: {  	s7 =	sld [smem:$0x3FFC];
	_ =	sdelay $0x3  }
0x9c: {  	_ =	strace s7  }
0x9d: {  	s7 =	sld [smem:$0x3FFD];
	_ =	sdelay $0x3  }
0x9e: {  	_ =	strace s7  }
0x9f: {  	_ =	strace $0x8FFFFFFF  }
0xa0: {  	s19 =	sld [smem:$0x3FDB];
	_ =	sdelay $0x1  }
0xa1: {  	s8 =	simm.s32 $_scs_section_size  }
0xa2: {  	s9 =	simm.s32 $_size__tile_overlayer_lowered;
	s10 =	simm.s32 $_tile_overlayer_lowered  }
0xa3: {  	s22 =	simm.s32 $0x1BFF;
	s21 =	sshll.u32 s10, $0x1;
	s7 =	sadd.s32 s8, s19  }
0xa4: {  	s11 =	simm.s32 $0x0;
	s20 =	sshll.u32 s9, $0x1;
	s9 =	sadd.s32 s21, s7  }
0xa5: {  	[timem:s11], [sflag:s22] =	dma.local [hbm:s9], s20  }
0xa6: {  	_ =	swait.ge [sflag:s22], s20  }
0xa7: {  	s8 =	ssub.s32 $0x0, s20;
	[sflag:s22] =	ssyncset.done $0x0  }
0xa8: {  	[sflag:s22] =	ssyncadd.s32 s8;
	_ =	sdelay $0x1  }
0xa9: {  	s23 =	simm.s32 $0x1B8B  }
0xaa: {  	_ =	swait.ge [sflag:s23], $0x1  }
0xab: {  	[sflag:s23] =	ssyncset.done $0x0  }
0xac: {  	s25 =	simm.s32 $0x1B8E;
	s24 =	sld [smem:$0x3FFE];
	[sflag:s23] =	ssyncadd.s32 $0xFFFFFFFF  }
0xad: {  	s26 =	simm.s32 $execute0_lowered;
	[smem:$0x3FD2] =	sst s25  }
0xae: {  	s9 =	sshll.u32 s26, $0x1;
	_ =	strace $0x80000046;
	[dreg:$0x1] =	wrdreg $0xFFFFFFFF  }
0xaf: {  	s28 =	simm.s32 $_size_execute0_lowered;
	s7 =	sadd.s32 s7, s9;
	[dreg:$0x0] =	wrdreg $0x0  }
0xb0: {  	s9 =	sshll.u32 s28, $0x1;
	[dreg:$0x2] =	wrdreg s7  }
0xb1: {  	[dreg:$0x3] =	wrdreg s9  }
0xb2: {  	[dreg:$0x4] =	wrdreg $0xC0  }
0xb3: {  	_ =	task [dreg:s11], $0x5FFFF  }
0xb4: {  	[dreg:$0x1] =	wrdreg $0xFFFFFFFF  }
0xb5: {  	[dreg:$0x0] =	wrdreg $0x60  }
0xb6: {  	[dreg:$0x2] =	wrdreg s15  }
0xb7: {  	[dreg:$0x3] =	wrdreg s4  }
0xb8: {  	[dreg:$0x4] =	wrdreg s5  }
0xb9: {  	[dreg:$0x5] =	wrdreg s24  }
0xba: {  	[dreg:$0x6] =	wrdreg s16  }
0xbb: {  	[dreg:$0x7] =	wrdreg s17  }
0xbc: {  	[dreg:$0x8] =	wrdreg $0x9  }
0xbd: {  	_ =	task.clear_ibuf [dreg:s11], $0x9FFFF;
	_ =	strace $0x90000046  }
0xbe: {  	s29 =	simm.s32 $0x9;
	_ =	strace $0x80000048  }
0xbf: {  	_ =	swait.ge [sflag:s29], $0x1  }
0xc0: {  	[sflag:s29] =	ssyncadd.s32 $0xFFFFFFFF  }
0xc1: {  	_ =	strace $0x90000048  }
0xc2: {  	_ =	sfence  }
0xc3: {  	s30 =	sld [smem:$0x0];
	_ =	sdelay $0x2  }
0xc4: {  	s31 =	sshll.u32 s1, $0xD;
	s1 =	sshrl.u32 s1, $0x2  }
0xc5: {  	s3 =	sand.u32 $0x4000, s31;
	s1 =	sadd.s32 s1, s30  }
0xc6: {  	s0 =	sor.u32 s3, s0;
	s1 =	sshll.u32 s1, $0x11  }
0xc7: {  	s0 =	sor.u32 s1, s0  }
0xc8: {  	s0 =	sadd.s32 $0x8F2B, s0  }
0xc9: {  	[sflag:s0] =	ssyncadd.remote.s32 $0x1  }
0xca: {  	_ =	sfence.sel $0xFFFF  }
0xcb: {  	[dreg:$0x0] =	wrdreg $0xFFFFFFFF;
	(pc) =	sbr.abs _section_cstart, $3  }
0xcc: {  	[dreg:$0x1] =	wrdreg $0xFFFFFFFF  }
0xcd: {  	_ =	task.clear_ibuf [dreg:s11], $0x2FFFF;
	_ =	strace $0x9FFFFFFF  }
0xce: {  	(tm) =	ssettm $0x7FFFFFFF  }
0xcf: {  	_ =	shalt  }
tec
execute0_lowered:
.L_overlay_start_1:
0x0: {  	(tag) =	ssettag $0x1  }
0x1: {  	s0 =	rddreg [dreg:$0x0]  }
0x2: {  	s1 =	rddreg [dreg:$0x1]  }
0x3: {  	s2 =	rddreg [dreg:$0x3]  }
0x4: {  	s4 =	rddreg [dreg:$0x4]  }
0x5: {  	s5 =	rddreg [dreg:$0x5]  }
0x6: {  	s6 =	srdreg.scid;
	s7 =	stileid.u32;
	s3 =	simm.s32 $0x0  }
0x7: {  	s28 =	simm.s32 $0x1;
	s31 =	simm.s32 $0x4;
	s29 =	simm.s32 $0x13180  }
0x8: {  	s6 =	sand.u32 $0x1, s6;
	s7 =	sshll.u32 s7, $0x1;
	[smem:$0x7FF] =	sst s3  }
0x9: {  	s2 =	sadd.s32 $0x800, s2;
	s15 =	sadd.s32 $0x4E200, s5;
	s7 =	sor.u32 s6, s7  }
0xa: {  	_ =	strace $0x80000047;
	s6 =	ssub.s32 $0x2, s6;
	s8 =	smul.u32 $0x140, s7  }
0xb: {  	p0 =	seq.s32 s7, $0x1F;
	s7 =	smul.u32 $0x9C4, s7;
	s24 =	sshrl.u32 s6, $0x1  }
0xc: {  	[dreg:$0x7] =	wrdreg s2;
	s2 =	ssub.s32 s6, s24;
	s8 =	simm.s32 @p0 $0x25D0  }
0xd: {  	s25 =	sshrl.u32 s7, $0x5;
	s7 =	sshrl.u32 s7, $0x1;
	s9 =	sshrl.u32 s8, $0x3  }
0xe: {  	s26 =	sadd.s32 $0x10, s25;
	s30 =	sadd.s32 $0x20, s25;
	s7 =	sand.u32 $0xFFF0, s7  }
0xf: {  	s14 =	sshll.u32 s25, $0x7;
	s16 =	sadd.s32 $0x30, s25;
	s6 =	sadd.s32 $0x40, s25  }
0x10: {  	s20 =	sshll.u32 s8, $0x4;
	s8 =	simm.s32 $0x3;
	s0 =	sadd.s32 s0, s9  }
0x11: {  	s10 =	sshll.u32 s26, $0x4;
	s11 =	sshll.u32 s30, $0x4;
	s7 =	sadd.s32 s1, s7  }
0x12: {  	s17 =	sshll.u32 s16, $0x4;
	s19 =	sshll.u32 s6, $0x4;
	s22 =	sshll.u32 s30, $0x7  }
0x13: {  	s24 =	sshll.u32 s16, $0x7;
	s9 =	simm.s32 $0x0;
	[dreg:$0x8] =	wrdreg s0  }
0x14: {  	s10 =	sand.u32 $0x1FFFFFF0, s10;
	[dreg:$0x9] =	wrdreg s7;
	s7 =	sadd.s32 s14, s15  }
0x15: {  	s11 =	sand.u32 $0x1FFFFFF0, s11;
	s23 =	sadd.s32 s5, s22;
	[dreg:$0xd] =	wrdreg s7  }
0x16: {  	s0 =	sshll.u32 s26, $0x7;
	s25 =	sadd.s32 s5, s24;
	[dreg:$0x13] =	wrdreg s23  }
0x17: {  	s26 =	sshll.u32 s6, $0x7;
	s12 =	sadd.s32 s1, s10;
	[dreg:$0x15] =	wrdreg s25  }
0x18: {  	s6 =	simm.s32 $0x6;
	s13 =	sadd.s32 s1, s11;
	[dreg:$0xa] =	wrdreg s12  }
0x19: {  	s7 =	sand.u32 $0x1FFFFFF0, s17;
	s18 =	sadd.s32 s5, s0;
	[dreg:$0xb] =	wrdreg s13  }
0x1a: {  	s0 =	sadd.s32 s0, s15;
	s30 =	sadd.s32 s5, s26;
	[dreg:$0xf] =	wrdreg s18  }
0x1b: {  	s23 =	simm.s32 $0xA180;
	s25 =	simm.s32 $0x1B180;
	[dreg:$0x10] =	wrdreg s0  }
0x1c: {  	s12 =	sadd.s32 s5, s14;
	s7 =	sadd.s32 s1, s7;
	[dreg:$0x17] =	wrdreg s30  }
0x1d: {  	s0 =	sadd.s32 s4, s20;
	s4 =	simm.s32 $0x17180;
	[dreg:$0xc] =	wrdreg s12  }
0x1e: {  	v0 =	vlaneseq.u32;
	s5 =	simm.s32 $0x2;
	[dreg:$0xe] =	wrdreg s7;
	s7 =	sand.u32 $0x1FFFFFF0, s19  }
0x1f: {  	v1 =	vor.u32 $0x10, v0;
	v2 =	vor.u32 $0x20, v0;
	v3 =	vor.u32 $0x30, v0;
	[dreg:$0x11] =	wrdreg s0;
	s0 =	sadd.s32 s22, s15;
	s22 =	smax.u32 s2, $0x1  }
0x20: {  	v4 =	vor.u32 $0x40, v0;
	v5 =	vor.u32 $0x50, v0;
	v6 =	vor.u32 $0x60, v0;
	s2 =	simm.s32 $0xF180;
	s21 =	sadd.s32 s1, s7;
	[dreg:$0x14] =	wrdreg s0  }
0x21: {  	v7 =	vor.u32 $0x70, v0;
	v8 =	vor.u32 $0x80, v0;
	v9 =	vor.u32 $0x90, v0;
	s0 =	sadd.s32 s24, s15;
	s1 =	simm.s32 $0x5;
	[dreg:$0x12] =	wrdreg s21  }
0x22: {  	v10 =	vor.u32 $0xA0, v0;
	v11 =	vor.u32 $0xB0, v0;
	v12 =	vor.u32 $0xC0, v0;
	s7 =	simm.s32 $0x7;
	[dreg:$0x16] =	wrdreg s0;
	s0 =	sadd.s32 s26, s15  }
0x23: {  	v13 =	vor.u32 $0xD0, v0;
	v14 =	vor.u32 $0xE0, v0;
	v15 =	vor.u32 $0xF0, v0;
	s26 =	simm.s32 $0x8;
	[dreg:$0x18] =	wrdreg s0;
	s0 =	simm.s32 $0xB180  }
.LBB2_1:
0x24: {  	s10 =	rddreg [dreg:$0x8]  }
0x25: {  	[tilespmem:s3], [sflag:$0x1] =	stream.linear.gather [hbm4b:s10+s3], $0x140, $0x38;
	[tilespmem:$0x1C180] =	vst v63  }
0x26: {  	s19 =	rddreg [dreg:$0x9]  }
0x27: {  	[tilespmem:s23], [sflag:$0x4] =	stream.linear.gather [hbm4b:s19+s3], $0x800, $0x38;
	[tilespmem:$0x1C180] =	vst v63  }
0x28: {  	s20 =	rddreg [dreg:$0xa];
	s11 =	simm.s32 $0xA980  }
0x29: {  	[tilespmem:s11], [sflag:$0x5] =	stream.linear.gather [hbm4b:s20+s3], $0x800, $0x38;
	[tilespmem:$0x1C180] =	vst v63  }
0x2a: {  	s21 =	rddreg [dreg:$0x7]  }
0x2b: {  	[tilespmem:s25], [sflag:$0x8] =	stream.linear.gather [hbm4b:s21+s3], $0x1000, $0x38;
	[tilespmem:$0x1C180] =	vst v63  }
0x2c: {  	_ =	swait.ge [sflag:s26], $0x1000  }
0x2d: {  	[sflag:s26] =	ssyncset.done $0x0  }
0x2e: {  	[sflag:s26] =	ssyncadd.s32 $0xFFFFF000  }
0x2f: {  	_ =	swait.ge [sflag:s28], $0x140  }
0x30: {  	[sflag:s28] =	ssyncset.done $0x0  }
0x31: {  	[sflag:s28] =	ssyncadd.s32 $0xFFFFFEC0  }
0x32: {  	s30 =	simm.s32 $0x140;
	s12 =	simm.s32 $0x180;
	s24 =	rddreg [dreg:$0x2]  }
0x33: {  	[tilespmem:s12], [sflag:$0x2] =	stream.indirect.gather [hbm4b:s24+s30], $0x80, s3, s30, $0xb8;
	[tilespmem:$0x1C180] =	vst v63  }
0x34: {  	_ =	swait.ge [sflag:s31], $0x800  }
0x35: {  	s10 =	simm.s32 $0x30;
	[sflag:s31] =	ssyncset.done $0x0  }
0x36: {  	s11 =	simm.s32 $0x0;
	s24 =	simm.s32 $0xA1A0;
	[sflag:s31] =	ssyncadd.s32 $0xFFFFF800  }
.LBB2_2:
0x37: {  	v16 =	vld [tilespmem:s24+$0xFFFFFFE0];
	_ =	sdelay $0x4  }
0x38: {  	v16 =	vshll.u32 v16, $0x8  }
0x39: {  	v17 =	vor.u32 v0, v16  }
0x3a: {  	v18 =	vor.u32 v1, v16  }
0x3b: {  	v19 =	vor.u32 v2, v16  }
0x3c: {  	v20 =	vor.u32 v3, v16  }
0x3d: {  	v28 =	vld [tilespmem:s24+$0xFFFFFFF0];
	v21 =	vor.u32 v4, v16  }
0x3e: {  	v22 =	vor.u32 v5, v16;
	v17 =	vld.idx.msk [tilespmem:v17+s25+$0x0], $0xffff  }
0x3f: {  	v23 =	vor.u32 v6, v16;
	v18 =	vld.idx.msk [tilespmem:v18+s25+$0x0], $0xffff  }
0x40: {  	v24 =	vor.u32 v7, v16;
	v19 =	vld.idx.msk [tilespmem:v19+s25+$0x0], $0xffff  }
0x41: {  	v25 =	vor.u32 v8, v16;
	v20 =	vld.idx.msk [tilespmem:v20+s25+$0x0], $0xffff  }
0x42: {  	v26 =	vor.u32 v9, v16;
	v21 =	vld.idx.msk [tilespmem:v21+s25+$0x0], $0xffff  }
0x43: {  	v27 =	vor.u32 v10, v16;
	v22 =	vld.idx.msk [tilespmem:v22+s25+$0x0], $0xffff  }
0x44: {  	v29 =	vor.u32 v11, v16;
	v23 =	vld.idx.msk [tilespmem:v23+s25+$0x0], $0xffff  }
0x45: {  	v30 =	vor.u32 v12, v16;
	v24 =	vld.idx.msk [tilespmem:v24+s25+$0x0], $0xffff  }
0x46: {  	v31 =	vor.u32 v13, v16;
	v25 =	vld.idx.msk [tilespmem:v25+s25+$0x0], $0xffff  }
0x47: {  	v32 =	vor.u32 v14, v16;
	v26 =	vld.idx.msk [tilespmem:v26+s25+$0x0], $0xffff  }
0x48: {  	v28 =	vshll.u32 v28, $0x8;
	v16 =	vor.u32 v15, v16;
	v27 =	vld.idx.msk [tilespmem:v27+s25+$0x0], $0xffff  }
0x49: {  	v33 =	vor.u32 v0, v28;
	v29 =	vld.idx.msk [tilespmem:v29+s25+$0x0], $0xffff  }
0x4a: {  	v34 =	vor.u32 v1, v28;
	v30 =	vld.idx.msk [tilespmem:v30+s25+$0x0], $0xffff  }
0x4b: {  	v35 =	vor.u32 v2, v28;
	v31 =	vld.idx.msk [tilespmem:v31+s25+$0x0], $0xffff  }
0x4c: {  	v36 =	vor.u32 v3, v28;
	v32 =	vld.idx.msk [tilespmem:v32+s25+$0x0], $0xffff  }
0x4d: {  	v37 =	vor.u32 v4, v28;
	v16 =	vld.idx.msk [tilespmem:v16+s25+$0x0], $0xffff  }
0x4e: {  	v38 =	vor.u32 v5, v28;
	v33 =	vld.idx.msk [tilespmem:v33+s25+$0x0], $0xffff  }
0x4f: {  	v39 =	vor.u32 v6, v28;
	v34 =	vld.idx.msk [tilespmem:v34+s25+$0x0], $0xffff  }
0x50: {  	v40 =	vor.u32 v7, v28;
	v35 =	vld.idx.msk [tilespmem:v35+s25+$0x0], $0xffff  }
0x51: {  	v41 =	vor.u32 v8, v28;
	v36 =	vld.idx.msk [tilespmem:v36+s25+$0x0], $0xffff  }
0x52: {  	v42 =	vor.u32 v9, v28;
	v37 =	vld.idx.msk [tilespmem:v37+s25+$0x0], $0xffff  }
0x53: {  	v43 =	vor.u32 v10, v28;
	v38 =	vld.idx.msk [tilespmem:v38+s25+$0x0], $0xffff  }
0x54: {  	v44 =	vor.u32 v11, v28;
	v39 =	vld.idx.msk [tilespmem:v39+s25+$0x0], $0xffff  }
0x55: {  	v45 =	vor.u32 v12, v28;
	v40 =	vld.idx.msk [tilespmem:v40+s25+$0x0], $0xffff  }
0x56: {  	v46 =	vor.u32 v13, v28;
	v41 =	vld.idx.msk [tilespmem:v41+s25+$0x0], $0xffff  }
0x57: {  	v47 =	vor.u32 v14, v28;
	v42 =	vld.idx.msk [tilespmem:v42+s25+$0x0], $0xffff  }
0x58: {  	v28 =	vor.u32 v15, v28;
	v43 =	vld.idx.msk [tilespmem:v43+s25+$0x0], $0xffff  }
0x59: {  	v44 =	vld.idx.msk [tilespmem:v44+s25+$0x0], $0xffff  }
0x5a: {  	s19 =	sand.u32 $0x3C00, s11;
	s12 =	sadd.s32 $0xFFFFFFD0, s10;
	v45 =	vld.idx.msk [tilespmem:v45+s25+$0x0], $0xffff  }
0x5b: {  	s20 =	sand.u32 $0x40, s12;
	s12 =	sadd.s32 $0xB180, s19;
	v46 =	vld.idx.msk [tilespmem:v46+s25+$0x0], $0xffff  }
0x5c: {  	s14 =	sor.u32 s20, s12;
	v47 =	vld.idx.msk [tilespmem:v47+s25+$0x0], $0xffff  }
0x5d: {  	v28 =	vld.idx.msk [tilespmem:v28+s25+$0x0], $0xffff;
	[tilespmem:s14+$0x0] =	vst v17  }
0x5e: {  	[tilespmem:s14+$0x80] =	vst v18  }
0x5f: {  	[tilespmem:s14+$0x100] =	vst v19  }
0x60: {  	[tilespmem:s14+$0x180] =	vst v20  }
0x61: {  	[tilespmem:s14+$0x200] =	vst v21  }
0x62: {  	[tilespmem:s14+$0x280] =	vst v22  }
0x63: {  	s13 =	sadd.s32 $0xF180, s19;
	[tilespmem:s14+$0x300] =	vst v23  }
0x64: {  	s15 =	sor.u32 s20, s13;
	[tilespmem:s14+$0x380] =	vst v24;
	s14 =	sadd.s32 $0xF200, s19  }
0x65: {  	[tilespmem:s15+$0x0] =	vst v25;
	s16 =	sor.u32 s20, s14;
	s15 =	sadd.s32 $0xF280, s19  }
0x66: {  	s30 =	sadd.s32 $0xF300, s19;
	[tilespmem:s16+$0x0] =	vst v26;
	s18 =	sor.u32 s20, s15  }
0x67: {  	s17 =	sor.u32 s20, s30;
	s16 =	sadd.s32 $0xF380, s19;
	[tilespmem:s18+$0x0] =	vst v27  }
0x68: {  	s18 =	sor.u32 s20, s16;
	[tilespmem:s17+$0x0] =	vst v29;
	s17 =	sadd.s32 $0xF400, s19  }
0x69: {  	[tilespmem:s18+$0x0] =	vst v30;
	s21 =	sor.u32 s20, s17;
	s18 =	sadd.s32 $0xF480, s19  }
0x6a: {  	s19 =	sadd.s32 $0xF500, s19;
	[tilespmem:s21+$0x0] =	vst v31;
	s21 =	sor.u32 s20, s18  }
0x6b: {  	s20 =	sor.u32 s20, s19;
	[tilespmem:s21+$0x0] =	vst v32  }
0x6c: {  	[tilespmem:s20+$0x0] =	vst v16  }
0x6d: {  	v16 =	vld [tilespmem:s24+$0x0];
	_ =	sdelay $0x4  }
0x6e: {  	v16 =	vshll.u32 v16, $0x8  }
0x6f: {  	v17 =	vor.u32 v0, v16  }
0x70: {  	v51 =	vor.u32 v1, v16  }
0x71: {  	v52 =	vor.u32 v2, v16  }
0x72: {  	v53 =	vor.u32 v3, v16  }
0x73: {  	v54 =	vor.u32 v4, v16  }
0x74: {  	v55 =	vor.u32 v5, v16;
	v17 =	vld.idx.msk [tilespmem:v17+s25+$0x0], $0xffff  }
0x75: {  	v56 =	vor.u32 v6, v16;
	v18 =	vld.idx.msk [tilespmem:v51+s25+$0x0], $0xffff  }
0x76: {  	v57 =	vor.u32 v7, v16;
	v19 =	vld.idx.msk [tilespmem:v52+s25+$0x0], $0xffff  }
0x77: {  	v58 =	vor.u32 v8, v16;
	v20 =	vld.idx.msk [tilespmem:v53+s25+$0x0], $0xffff  }
0x78: {  	v59 =	vor.u32 v9, v16;
	v21 =	vld.idx.msk [tilespmem:v54+s25+$0x0], $0xffff  }
0x79: {  	v60 =	vor.u32 v10, v16;
	v22 =	vld.idx.msk [tilespmem:v55+s25+$0x0], $0xffff  }
0x7a: {  	v61 =	vor.u32 v11, v16;
	v23 =	vld.idx.msk [tilespmem:v56+s25+$0x0], $0xffff  }
0x7b: {  	v62 =	vor.u32 v12, v16;
	v24 =	vld.idx.msk [tilespmem:v57+s25+$0x0], $0xffff  }
0x7c: {  	v63 =	vor.u32 v13, v16;
	v25 =	vld.idx.msk [tilespmem:v58+s25+$0x0], $0xffff  }
0x7d: {  	v48 =	vor.u32 v14, v16;
	v26 =	vld.idx.msk [tilespmem:v59+s25+$0x0], $0xffff  }
0x7e: {  	v16 =	vor.u32 v15, v16;
	v27 =	vld.idx.msk [tilespmem:v60+s25+$0x0], $0xffff  }
0x7f: {  	v29 =	vld.idx.msk [tilespmem:v61+s25+$0x0], $0xffff  }
0x80: {  	s21 =	sadd.s32 $0xFFFFFFE0, s10;
	v30 =	vld.idx.msk [tilespmem:v62+s25+$0x0], $0xffff  }
0x81: {  	s20 =	sand.u32 $0x50, s21;
	v31 =	vld.idx.msk [tilespmem:v63+s25+$0x0], $0xffff  }
0x82: {  	s21 =	sor.u32 s20, s12;
	v32 =	vld.idx.msk [tilespmem:v48+s25+$0x0], $0xffff  }
0x83: {  	v16 =	vld.idx.msk [tilespmem:v16+s25+$0x0], $0xffff;
	[tilespmem:s21+$0x0] =	vst v33  }
0x84: {  	[tilespmem:s21+$0x80] =	vst v34  }
0x85: {  	[tilespmem:s21+$0x100] =	vst v35  }
0x86: {  	[tilespmem:s21+$0x180] =	vst v36  }
0x87: {  	[tilespmem:s21+$0x200] =	vst v37  }
0x88: {  	[tilespmem:s21+$0x280] =	vst v38  }
0x89: {  	[tilespmem:s21+$0x300] =	vst v39  }
0x8a: {  	[tilespmem:s21+$0x380] =	vst v40;
	s21 =	sor.u32 s20, s13  }
0x8b: {  	[tilespmem:s21+$0x0] =	vst v41;
	s21 =	sor.u32 s20, s14  }
0x8c: {  	[tilespmem:s21+$0x0] =	vst v42;
	s21 =	sor.u32 s20, s15  }
0x8d: {  	[tilespmem:s21+$0x0] =	vst v43;
	s21 =	sor.u32 s20, s30  }
0x8e: {  	[tilespmem:s21+$0x0] =	vst v44;
	s21 =	sor.u32 s20, s16  }
0x8f: {  	[tilespmem:s21+$0x0] =	vst v45;
	s21 =	sor.u32 s20, s17  }
0x90: {  	[tilespmem:s21+$0x0] =	vst v46;
	s21 =	sor.u32 s20, s18  }
0x91: {  	s20 =	sor.u32 s20, s19;
	[tilespmem:s21+$0x0] =	vst v47  }
0x92: {  	[tilespmem:s20+$0x0] =	vst v28  }
0x93: {  	v28 =	vld [tilespmem:s24+$0x10];
	_ =	sdelay $0x4  }
0x94: {  	v28 =	vshll.u32 v28, $0x8  }
0x95: {  	v49 =	vor.u32 v0, v28  }
0x96: {  	v50 =	vor.u32 v1, v28  }
0x97: {  	v51 =	vor.u32 v2, v28  }
0x98: {  	v52 =	vor.u32 v3, v28  }
0x99: {  	v53 =	vor.u32 v4, v28  }
0x9a: {  	v54 =	vor.u32 v5, v28;
	v33 =	vld.idx.msk [tilespmem:v49+s25+$0x0], $0xffff  }
0x9b: {  	v55 =	vor.u32 v6, v28;
	v34 =	vld.idx.msk [tilespmem:v50+s25+$0x0], $0xffff  }
0x9c: {  	v56 =	vor.u32 v7, v28;
	v35 =	vld.idx.msk [tilespmem:v51+s25+$0x0], $0xffff  }
0x9d: {  	v57 =	vor.u32 v8, v28;
	v36 =	vld.idx.msk [tilespmem:v52+s25+$0x0], $0xffff  }
0x9e: {  	v58 =	vor.u32 v9, v28;
	v37 =	vld.idx.msk [tilespmem:v53+s25+$0x0], $0xffff  }
0x9f: {  	v59 =	vor.u32 v10, v28;
	v38 =	vld.idx.msk [tilespmem:v54+s25+$0x0], $0xffff  }
0xa0: {  	v60 =	vor.u32 v11, v28;
	v39 =	vld.idx.msk [tilespmem:v55+s25+$0x0], $0xffff  }
0xa1: {  	v61 =	vor.u32 v12, v28;
	v40 =	vld.idx.msk [tilespmem:v56+s25+$0x0], $0xffff  }
0xa2: {  	v62 =	vor.u32 v13, v28;
	v41 =	vld.idx.msk [tilespmem:v57+s25+$0x0], $0xffff  }
0xa3: {  	v63 =	vor.u32 v14, v28;
	v42 =	vld.idx.msk [tilespmem:v58+s25+$0x0], $0xffff  }
0xa4: {  	v28 =	vor.u32 v15, v28;
	v43 =	vld.idx.msk [tilespmem:v59+s25+$0x0], $0xffff  }
0xa5: {  	v44 =	vld.idx.msk [tilespmem:v60+s25+$0x0], $0xffff  }
0xa6: {  	s21 =	sadd.s32 $0xFFFFFFF0, s10;
	v45 =	vld.idx.msk [tilespmem:v61+s25+$0x0], $0xffff  }
0xa7: {  	s20 =	sand.u32 $0x60, s21;
	v46 =	vld.idx.msk [tilespmem:v62+s25+$0x0], $0xffff  }
0xa8: {  	s21 =	sor.u32 s20, s12;
	v47 =	vld.idx.msk [tilespmem:v63+s25+$0x0], $0xffff  }
0xa9: {  	v28 =	vld.idx.msk [tilespmem:v28+s25+$0x0], $0xffff;
	[tilespmem:s21+$0x0] =	vst v17  }
0xaa: {  	[tilespmem:s21+$0x80] =	vst v18  }
0xab: {  	[tilespmem:s21+$0x100] =	vst v19  }
0xac: {  	[tilespmem:s21+$0x180] =	vst v20  }
0xad: {  	[tilespmem:s21+$0x200] =	vst v21  }
0xae: {  	[tilespmem:s21+$0x280] =	vst v22  }
0xaf: {  	[tilespmem:s21+$0x300] =	vst v23  }
0xb0: {  	[tilespmem:s21+$0x380] =	vst v24;
	s21 =	sor.u32 s20, s13  }
0xb1: {  	[tilespmem:s21+$0x0] =	vst v25;
	s21 =	sor.u32 s20, s14  }
0xb2: {  	[tilespmem:s21+$0x0] =	vst v26;
	s21 =	sor.u32 s20, s15  }
0xb3: {  	[tilespmem:s21+$0x0] =	vst v27;
	s21 =	sor.u32 s20, s30  }
0xb4: {  	[tilespmem:s21+$0x0] =	vst v29;
	s21 =	sor.u32 s20, s16  }
0xb5: {  	[tilespmem:s21+$0x0] =	vst v30;
	s21 =	sor.u32 s20, s17  }
0xb6: {  	[tilespmem:s21+$0x0] =	vst v31;
	s21 =	sor.u32 s20, s18  }
0xb7: {  	s20 =	sor.u32 s20, s19;
	[tilespmem:s21+$0x0] =	vst v32;
	s21 =	sand.u32 $0x70, s10  }
0xb8: {  	[tilespmem:s20+$0x0] =	vst v16;
	s12 =	sor.u32 s21, s12  }
0xb9: {  	[tilespmem:s12+$0x0] =	vst v33  }
0xba: {  	[tilespmem:s12+$0x80] =	vst v34  }
0xbb: {  	[tilespmem:s12+$0x100] =	vst v35  }
0xbc: {  	[tilespmem:s12+$0x180] =	vst v36  }
0xbd: {  	[tilespmem:s12+$0x200] =	vst v37  }
0xbe: {  	[tilespmem:s12+$0x280] =	vst v38  }
0xbf: {  	[tilespmem:s12+$0x300] =	vst v39  }
0xc0: {  	s20 =	sor.u32 s21, s13;
	[tilespmem:s12+$0x380] =	vst v40  }
0xc1: {  	s13 =	sor.u32 s21, s14;
	[tilespmem:s20+$0x0] =	vst v41  }
0xc2: {  	s14 =	sor.u32 s21, s15;
	[tilespmem:s13+$0x0] =	vst v42  }
0xc3: {  	p0 =	sne.s32 s10, $0x7F0;
	s15 =	sor.u32 s21, s30;
	[tilespmem:s14+$0x0] =	vst v43  }
.Ltmp0:
0xc4: {  	s16 =	sor.u32 s21, s16;
	[tilespmem:s15+$0x0] =	vst v44;
	(pc) =	sbr.rel @p0 .LBB2_2-.Ltmp0, $4  }
0xc5: {  	s17 =	sor.u32 s21, s17;
	[tilespmem:s16+$0x0] =	vst v45  }
0xc6: {  	s20 =	sor.u32 s21, s18;
	[tilespmem:s17+$0x0] =	vst v46  }
0xc7: {  	s30 =	sor.u32 s21, s19;
	[tilespmem:s20+$0x0] =	vst v47  }
0xc8: {  	s11 =	sadd.s32 $0x200, s11;
	s24 =	sadd.s32 $0x40, s24;
	s10 =	sadd.s32 $0x40, s10;
	[tilespmem:s30+$0x0] =	vst v28  }
0xc9: {  	s10 =	simm.s32 $0x0;
	s11 =	rddreg [dreg:$0xb]  }
0xca: {  	[tilespmem:s23], [sflag:$0x4] =	stream.linear.gather [hbm4b:s11+s10], $0x800, $0x38;
	[tilespmem:$0x1C180] =	vst v63  }
0xcb: {  	s24 =	rddreg [dreg:$0xc]  }
0xcc: {  	[hbm4b:s24+s10] =	stream.linear.scatter [tilespmem:s0], [sflag:$0x6], $0x4000, $0x38;
	[tilespmem:$0x1C180] =	vst v63  }
0xcd: {  	s30 =	rddreg [dreg:$0xd]  }
0xce: {  	[hbm4b:s30+s10] =	stream.linear.scatter [tilespmem:s2], [sflag:$0x6], $0x4000, $0x38;
	[tilespmem:$0x1C180] =	vst v63  }
0xcf: {  	_ =	swait.ge [sflag:s1], $0x800  }
0xd0: {  	[sflag:s1] =	ssyncset.done $0x0  }
0xd1: {  	s11 =	simm.s32 $0xA9A0;
	s24 =	simm.s32 $0x30;
	[sflag:s1] =	ssyncadd.s32 $0xFFFFF800  }
.LBB2_4:
0xd2: {  	v16 =	vld [tilespmem:s11+$0xFFFFFFE0];
	_ =	sdelay $0x4  }
0xd3: {  	v16 =	vshll.u32 v16, $0x8  }
0xd4: {  	v17 =	vor.u32 v0, v16  }
0xd5: {  	v18 =	vor.u32 v1, v16  }
0xd6: {  	v19 =	vor.u32 v2, v16  }
0xd7: {  	v20 =	vor.u32 v3, v16  }
0xd8: {  	v28 =	vld [tilespmem:s11+$0xFFFFFFF0];
	v21 =	vor.u32 v4, v16  }
0xd9: {  	v22 =	vor.u32 v5, v16;
	v17 =	vld.idx.msk [tilespmem:v17+s25+$0x0], $0xffff  }
0xda: {  	v23 =	vor.u32 v6, v16;
	v18 =	vld.idx.msk [tilespmem:v18+s25+$0x0], $0xffff  }
0xdb: {  	v24 =	vor.u32 v7, v16;
	v19 =	vld.idx.msk [tilespmem:v19+s25+$0x0], $0xffff  }
0xdc: {  	v25 =	vor.u32 v8, v16;
	v20 =	vld.idx.msk [tilespmem:v20+s25+$0x0], $0xffff  }
0xdd: {  	v26 =	vor.u32 v9, v16;
	v21 =	vld.idx.msk [tilespmem:v21+s25+$0x0], $0xffff  }
0xde: {  	v27 =	vor.u32 v10, v16;
	v22 =	vld.idx.msk [tilespmem:v22+s25+$0x0], $0xffff  }
0xdf: {  	v29 =	vor.u32 v11, v16;
	v23 =	vld.idx.msk [tilespmem:v23+s25+$0x0], $0xffff  }
0xe0: {  	v30 =	vor.u32 v12, v16;
	v24 =	vld.idx.msk [tilespmem:v24+s25+$0x0], $0xffff  }
0xe1: {  	v31 =	vor.u32 v13, v16;
	v25 =	vld.idx.msk [tilespmem:v25+s25+$0x0], $0xffff  }
0xe2: {  	v32 =	vor.u32 v14, v16;
	v26 =	vld.idx.msk [tilespmem:v26+s25+$0x0], $0xffff  }
0xe3: {  	v28 =	vshll.u32 v28, $0x8;
	v16 =	vor.u32 v15, v16;
	v27 =	vld.idx.msk [tilespmem:v27+s25+$0x0], $0xffff  }
0xe4: {  	v33 =	vor.u32 v0, v28;
	v29 =	vld.idx.msk [tilespmem:v29+s25+$0x0], $0xffff  }
0xe5: {  	v34 =	vor.u32 v1, v28;
	v30 =	vld.idx.msk [tilespmem:v30+s25+$0x0], $0xffff  }
0xe6: {  	v35 =	vor.u32 v2, v28;
	v31 =	vld.idx.msk [tilespmem:v31+s25+$0x0], $0xffff  }
0xe7: {  	v36 =	vor.u32 v3, v28;
	v32 =	vld.idx.msk [tilespmem:v32+s25+$0x0], $0xffff  }
0xe8: {  	v37 =	vor.u32 v4, v28;
	v16 =	vld.idx.msk [tilespmem:v16+s25+$0x0], $0xffff  }
0xe9: {  	v38 =	vor.u32 v5, v28;
	v33 =	vld.idx.msk [tilespmem:v33+s25+$0x0], $0xffff  }
0xea: {  	v39 =	vor.u32 v6, v28;
	v34 =	vld.idx.msk [tilespmem:v34+s25+$0x0], $0xffff  }
0xeb: {  	v40 =	vor.u32 v7, v28;
	v35 =	vld.idx.msk [tilespmem:v35+s25+$0x0], $0xffff  }
0xec: {  	v41 =	vor.u32 v8, v28;
	v36 =	vld.idx.msk [tilespmem:v36+s25+$0x0], $0xffff  }
0xed: {  	v42 =	vor.u32 v9, v28;
	v37 =	vld.idx.msk [tilespmem:v37+s25+$0x0], $0xffff  }
0xee: {  	v43 =	vor.u32 v10, v28;
	v38 =	vld.idx.msk [tilespmem:v38+s25+$0x0], $0xffff  }
0xef: {  	v44 =	vor.u32 v11, v28;
	v39 =	vld.idx.msk [tilespmem:v39+s25+$0x0], $0xffff  }
0xf0: {  	v45 =	vor.u32 v12, v28;
	v40 =	vld.idx.msk [tilespmem:v40+s25+$0x0], $0xffff  }
0xf1: {  	v46 =	vor.u32 v13, v28;
	v41 =	vld.idx.msk [tilespmem:v41+s25+$0x0], $0xffff  }
0xf2: {  	v47 =	vor.u32 v14, v28;
	v42 =	vld.idx.msk [tilespmem:v42+s25+$0x0], $0xffff  }
0xf3: {  	v28 =	vor.u32 v15, v28;
	v43 =	vld.idx.msk [tilespmem:v43+s25+$0x0], $0xffff  }
0xf4: {  	v44 =	vld.idx.msk [tilespmem:v44+s25+$0x0], $0xffff  }
0xf5: {  	s19 =	sand.u32 $0x3C00, s10;
	s12 =	sadd.s32 $0xFFFFFFD0, s24;
	v45 =	vld.idx.msk [tilespmem:v45+s25+$0x0], $0xffff  }
0xf6: {  	s20 =	sand.u32 $0x40, s12;
	s12 =	sadd.s32 $0x13180, s19;
	v46 =	vld.idx.msk [tilespmem:v46+s25+$0x0], $0xffff  }
0xf7: {  	s14 =	sor.u32 s20, s12;
	v47 =	vld.idx.msk [tilespmem:v47+s25+$0x0], $0xffff  }
0xf8: {  	v28 =	vld.idx.msk [tilespmem:v28+s25+$0x0], $0xffff;
	[tilespmem:s14+$0x0] =	vst v17  }
0xf9: {  	[tilespmem:s14+$0x80] =	vst v18  }
0xfa: {  	[tilespmem:s14+$0x100] =	vst v19  }
0xfb: {  	[tilespmem:s14+$0x180] =	vst v20  }
0xfc: {  	[tilespmem:s14+$0x200] =	vst v21  }
0xfd: {  	[tilespmem:s14+$0x280] =	vst v22  }
0xfe: {  	s13 =	sadd.s32 $0x17180, s19;
	[tilespmem:s14+$0x300] =	vst v23  }
0xff: {  	s15 =	sor.u32 s20, s13;
	[tilespmem:s14+$0x380] =	vst v24;
	s14 =	sadd.s32 $0x17200, s19  }
0x100: {  	[tilespmem:s15+$0x0] =	vst v25;
	s16 =	sor.u32 s20, s14;
	s15 =	sadd.s32 $0x17280, s19  }
0x101: {  	s30 =	sadd.s32 $0x17300, s19;
	[tilespmem:s16+$0x0] =	vst v26;
	s18 =	sor.u32 s20, s15  }
0x102: {  	s17 =	sor.u32 s20, s30;
	s16 =	sadd.s32 $0x17380, s19;
	[tilespmem:s18+$0x0] =	vst v27  }
0x103: {  	s18 =	sor.u32 s20, s16;
	[tilespmem:s17+$0x0] =	vst v29;
	s17 =	sadd.s32 $0x17400, s19  }
0x104: {  	[tilespmem:s18+$0x0] =	vst v30;
	s21 =	sor.u32 s20, s17;
	s18 =	sadd.s32 $0x17480, s19  }
0x105: {  	s19 =	sadd.s32 $0x17500, s19;
	[tilespmem:s21+$0x0] =	vst v31;
	s21 =	sor.u32 s20, s18  }
0x106: {  	s20 =	sor.u32 s20, s19;
	[tilespmem:s21+$0x0] =	vst v32  }
0x107: {  	[tilespmem:s20+$0x0] =	vst v16  }
0x108: {  	v16 =	vld [tilespmem:s11+$0x0];
	_ =	sdelay $0x4  }
0x109: {  	v16 =	vshll.u32 v16, $0x8  }
0x10a: {  	v17 =	vor.u32 v0, v16  }
0x10b: {  	v51 =	vor.u32 v1, v16  }
0x10c: {  	v52 =	vor.u32 v2, v16  }
0x10d: {  	v53 =	vor.u32 v3, v16  }
0x10e: {  	v54 =	vor.u32 v4, v16  }
0x10f: {  	v55 =	vor.u32 v5, v16;
	v17 =	vld.idx.msk [tilespmem:v17+s25+$0x0], $0xffff  }
0x110: {  	v56 =	vor.u32 v6, v16;
	v18 =	vld.idx.msk [tilespmem:v51+s25+$0x0], $0xffff  }
0x111: {  	v57 =	vor.u32 v7, v16;
	v19 =	vld.idx.msk [tilespmem:v52+s25+$0x0], $0xffff  }
0x112: {  	v58 =	vor.u32 v8, v16;
	v20 =	vld.idx.msk [tilespmem:v53+s25+$0x0], $0xffff  }
0x113: {  	v59 =	vor.u32 v9, v16;
	v21 =	vld.idx.msk [tilespmem:v54+s25+$0x0], $0xffff  }
0x114: {  	v60 =	vor.u32 v10, v16;
	v22 =	vld.idx.msk [tilespmem:v55+s25+$0x0], $0xffff  }
0x115: {  	v61 =	vor.u32 v11, v16;
	v23 =	vld.idx.msk [tilespmem:v56+s25+$0x0], $0xffff  }
0x116: {  	v62 =	vor.u32 v12, v16;
	v24 =	vld.idx.msk [tilespmem:v57+s25+$0x0], $0xffff  }
0x117: {  	v63 =	vor.u32 v13, v16;
	v25 =	vld.idx.msk [tilespmem:v58+s25+$0x0], $0xffff  }
0x118: {  	v48 =	vor.u32 v14, v16;
	v26 =	vld.idx.msk [tilespmem:v59+s25+$0x0], $0xffff  }
0x119: {  	v16 =	vor.u32 v15, v16;
	v27 =	vld.idx.msk [tilespmem:v60+s25+$0x0], $0xffff  }
0x11a: {  	v29 =	vld.idx.msk [tilespmem:v61+s25+$0x0], $0xffff  }
0x11b: {  	s21 =	sadd.s32 $0xFFFFFFE0, s24;
	v30 =	vld.idx.msk [tilespmem:v62+s25+$0x0], $0xffff  }
0x11c: {  	s20 =	sand.u32 $0x50, s21;
	v31 =	vld.idx.msk [tilespmem:v63+s25+$0x0], $0xffff  }
0x11d: {  	s21 =	sor.u32 s20, s12;
	v32 =	vld.idx.msk [tilespmem:v48+s25+$0x0], $0xffff  }
0x11e: {  	v16 =	vld.idx.msk [tilespmem:v16+s25+$0x0], $0xffff;
	[tilespmem:s21+$0x0] =	vst v33  }
0x11f: {  	[tilespmem:s21+$0x80] =	vst v34  }
0x120: {  	[tilespmem:s21+$0x100] =	vst v35  }
0x121: {  	[tilespmem:s21+$0x180] =	vst v36  }
0x122: {  	[tilespmem:s21+$0x200] =	vst v37  }
0x123: {  	[tilespmem:s21+$0x280] =	vst v38  }
0x124: {  	[tilespmem:s21+$0x300] =	vst v39  }
0x125: {  	[tilespmem:s21+$0x380] =	vst v40;
	s21 =	sor.u32 s20, s13  }
0x126: {  	[tilespmem:s21+$0x0] =	vst v41;
	s21 =	sor.u32 s20, s14  }
0x127: {  	[tilespmem:s21+$0x0] =	vst v42;
	s21 =	sor.u32 s20, s15  }
0x128: {  	[tilespmem:s21+$0x0] =	vst v43;
	s21 =	sor.u32 s20, s30  }
0x129: {  	[tilespmem:s21+$0x0] =	vst v44;
	s21 =	sor.u32 s20, s16  }
0x12a: {  	[tilespmem:s21+$0x0] =	vst v45;
	s21 =	sor.u32 s20, s17  }
0x12b: {  	[tilespmem:s21+$0x0] =	vst v46;
	s21 =	sor.u32 s20, s18  }
0x12c: {  	s20 =	sor.u32 s20, s19;
	[tilespmem:s21+$0x0] =	vst v47  }
0x12d: {  	[tilespmem:s20+$0x0] =	vst v28  }
0x12e: {  	v28 =	vld [tilespmem:s11+$0x10];
	_ =	sdelay $0x4  }
0x12f: {  	v28 =	vshll.u32 v28, $0x8  }
0x130: {  	v49 =	vor.u32 v0, v28  }
0x131: {  	v50 =	vor.u32 v1, v28  }
0x132: {  	v51 =	vor.u32 v2, v28  }
0x133: {  	v52 =	vor.u32 v3, v28  }
0x134: {  	v53 =	vor.u32 v4, v28  }
0x135: {  	v54 =	vor.u32 v5, v28;
	v33 =	vld.idx.msk [tilespmem:v49+s25+$0x0], $0xffff  }
0x136: {  	v55 =	vor.u32 v6, v28;
	v34 =	vld.idx.msk [tilespmem:v50+s25+$0x0], $0xffff  }
0x137: {  	v56 =	vor.u32 v7, v28;
	v35 =	vld.idx.msk [tilespmem:v51+s25+$0x0], $0xffff  }
0x138: {  	v57 =	vor.u32 v8, v28;
	v36 =	vld.idx.msk [tilespmem:v52+s25+$0x0], $0xffff  }
0x139: {  	v58 =	vor.u32 v9, v28;
	v37 =	vld.idx.msk [tilespmem:v53+s25+$0x0], $0xffff  }
0x13a: {  	v59 =	vor.u32 v10, v28;
	v38 =	vld.idx.msk [tilespmem:v54+s25+$0x0], $0xffff  }
0x13b: {  	v60 =	vor.u32 v11, v28;
	v39 =	vld.idx.msk [tilespmem:v55+s25+$0x0], $0xffff  }
0x13c: {  	v61 =	vor.u32 v12, v28;
	v40 =	vld.idx.msk [tilespmem:v56+s25+$0x0], $0xffff  }
0x13d: {  	v62 =	vor.u32 v13, v28;
	v41 =	vld.idx.msk [tilespmem:v57+s25+$0x0], $0xffff  }
0x13e: {  	v63 =	vor.u32 v14, v28;
	v42 =	vld.idx.msk [tilespmem:v58+s25+$0x0], $0xffff  }
0x13f: {  	v28 =	vor.u32 v15, v28;
	v43 =	vld.idx.msk [tilespmem:v59+s25+$0x0], $0xffff  }
0x140: {  	v44 =	vld.idx.msk [tilespmem:v60+s25+$0x0], $0xffff  }
0x141: {  	s21 =	sadd.s32 $0xFFFFFFF0, s24;
	v45 =	vld.idx.msk [tilespmem:v61+s25+$0x0], $0xffff  }
0x142: {  	s20 =	sand.u32 $0x60, s21;
	v46 =	vld.idx.msk [tilespmem:v62+s25+$0x0], $0xffff  }
0x143: {  	s21 =	sor.u32 s20, s12;
	v47 =	vld.idx.msk [tilespmem:v63+s25+$0x0], $0xffff  }
0x144: {  	v28 =	vld.idx.msk [tilespmem:v28+s25+$0x0], $0xffff;
	[tilespmem:s21+$0x0] =	vst v17  }
0x145: {  	[tilespmem:s21+$0x80] =	vst v18  }
0x146: {  	[tilespmem:s21+$0x100] =	vst v19  }
0x147: {  	[tilespmem:s21+$0x180] =	vst v20  }
0x148: {  	[tilespmem:s21+$0x200] =	vst v21  }
0x149: {  	[tilespmem:s21+$0x280] =	vst v22  }
0x14a: {  	[tilespmem:s21+$0x300] =	vst v23  }
0x14b: {  	[tilespmem:s21+$0x380] =	vst v24;
	s21 =	sor.u32 s20, s13  }
0x14c: {  	[tilespmem:s21+$0x0] =	vst v25;
	s21 =	sor.u32 s20, s14  }
0x14d: {  	[tilespmem:s21+$0x0] =	vst v26;
	s21 =	sor.u32 s20, s15  }
0x14e: {  	[tilespmem:s21+$0x0] =	vst v27;
	s21 =	sor.u32 s20, s30  }
0x14f: {  	[tilespmem:s21+$0x0] =	vst v29;
	s21 =	sor.u32 s20, s16  }
0x150: {  	[tilespmem:s21+$0x0] =	vst v30;
	s21 =	sor.u32 s20, s17  }
0x151: {  	[tilespmem:s21+$0x0] =	vst v31;
	s21 =	sor.u32 s20, s18  }
0x152: {  	s20 =	sor.u32 s20, s19;
	[tilespmem:s21+$0x0] =	vst v32;
	s21 =	sand.u32 $0x70, s24  }
0x153: {  	[tilespmem:s20+$0x0] =	vst v16;
	s12 =	sor.u32 s21, s12  }
0x154: {  	[tilespmem:s12+$0x0] =	vst v33  }
0x155: {  	[tilespmem:s12+$0x80] =	vst v34  }
0x156: {  	[tilespmem:s12+$0x100] =	vst v35  }
0x157: {  	[tilespmem:s12+$0x180] =	vst v36  }
0x158: {  	[tilespmem:s12+$0x200] =	vst v37  }
0x159: {  	[tilespmem:s12+$0x280] =	vst v38  }
0x15a: {  	[tilespmem:s12+$0x300] =	vst v39  }
0x15b: {  	s20 =	sor.u32 s21, s13;
	[tilespmem:s12+$0x380] =	vst v40  }
0x15c: {  	s13 =	sor.u32 s21, s14;
	[tilespmem:s20+$0x0] =	vst v41  }
0x15d: {  	s14 =	sor.u32 s21, s15;
	[tilespmem:s13+$0x0] =	vst v42  }
0x15e: {  	p0 =	sne.s32 s24, $0x7F0;
	s15 =	sor.u32 s21, s30;
	[tilespmem:s14+$0x0] =	vst v43  }
.Ltmp1:
0x15f: {  	s16 =	sor.u32 s21, s16;
	[tilespmem:s15+$0x0] =	vst v44;
	(pc) =	sbr.rel @p0 .LBB2_4-.Ltmp1, $4  }
0x160: {  	s17 =	sor.u32 s21, s17;
	[tilespmem:s16+$0x0] =	vst v45  }
0x161: {  	s20 =	sor.u32 s21, s18;
	[tilespmem:s17+$0x0] =	vst v46  }
0x162: {  	s30 =	sor.u32 s21, s19;
	[tilespmem:s20+$0x0] =	vst v47  }
0x163: {  	s10 =	sadd.s32 $0x200, s10;
	s11 =	sadd.s32 $0x40, s11;
	s24 =	sadd.s32 $0x40, s24;
	[tilespmem:s30+$0x0] =	vst v28  }
0x164: {  	s10 =	simm.s32 $0x0;
	s11 =	rddreg [dreg:$0xe];
	s12 =	simm.s32 $0xA980  }
0x165: {  	[tilespmem:s12], [sflag:$0x5] =	stream.linear.gather [hbm4b:s11+s10], $0x800, $0x38;
	[tilespmem:$0x1C180] =	vst v63  }
0x166: {  	s20 =	rddreg [dreg:$0xf]  }
0x167: {  	[hbm4b:s20+s10] =	stream.linear.scatter [tilespmem:s29], [sflag:$0x7], $0x4000, $0x38;
	[tilespmem:$0x1C180] =	vst v63  }
0x168: {  	s21 =	rddreg [dreg:$0x10]  }
0x169: {  	[hbm4b:s21+s10] =	stream.linear.scatter [tilespmem:s4], [sflag:$0x7], $0x4000, $0x38;
	[tilespmem:$0x1C180] =	vst v63  }
0x16a: {  	_ =	swait.ge [sflag:s5], $0xA000  }
0x16b: {  	[sflag:s5] =	ssyncset.done $0x0  }
0x16c: {  	s30 =	simm.s32 $0x180;
	s24 =	rddreg [dreg:$0x11];
	[sflag:s5] =	ssyncadd.s32 $0xFFFF6000  }
0x16d: {  	[hbm4b:s24+s10] =	stream.linear.scatter [tilespmem:s30], [sflag:$0x3], $0xA000, $0x38;
	[tilespmem:$0x1C180] =	vst v63  }
0x16e: {  	_ =	swait.ge [sflag:s31], $0x800  }
0x16f: {  	[sflag:s31] =	ssyncset.done $0x0  }
0x170: {  	[sflag:s31] =	ssyncadd.s32 $0xFFFFF800  }
0x171: {  	_ =	swait.ge [sflag:s6], $0x4000  }
0x172: {  	[sflag:s6] =	ssyncset.done $0x0  }
0x173: {  	[sflag:s6] =	ssyncadd.s32 $0xFFFFC000  }
0x174: {  	_ =	swait.ge [sflag:s6], $0x4000  }
0x175: {  	[sflag:s6] =	ssyncset.done $0x0  }
0x176: {  	s11 =	simm.s32 $0xA1A0;
	s24 =	simm.s32 $0x30;
	[sflag:s6] =	ssyncadd.s32 $0xFFFFC000  }
.LBB2_6:
0x177: {  	v16 =	vld [tilespmem:s11+$0xFFFFFFE0];
	_ =	sdelay $0x4  }
0x178: {  	v16 =	vshll.u32 v16, $0x8  }
0x179: {  	v17 =	vor.u32 v0, v16  }
0x17a: {  	v18 =	vor.u32 v1, v16  }
0x17b: {  	v19 =	vor.u32 v2, v16  }
0x17c: {  	v20 =	vor.u32 v3, v16  }
0x17d: {  	v28 =	vld [tilespmem:s11+$0xFFFFFFF0];
	v21 =	vor.u32 v4, v16  }
0x17e: {  	v22 =	vor.u32 v5, v16;
	v17 =	vld.idx.msk [tilespmem:v17+s25+$0x0], $0xffff  }
0x17f: {  	v23 =	vor.u32 v6, v16;
	v18 =	vld.idx.msk [tilespmem:v18+s25+$0x0], $0xffff  }
0x180: {  	v24 =	vor.u32 v7, v16;
	v19 =	vld.idx.msk [tilespmem:v19+s25+$0x0], $0xffff  }
0x181: {  	v25 =	vor.u32 v8, v16;
	v20 =	vld.idx.msk [tilespmem:v20+s25+$0x0], $0xffff  }
0x182: {  	v26 =	vor.u32 v9, v16;
	v21 =	vld.idx.msk [tilespmem:v21+s25+$0x0], $0xffff  }
0x183: {  	v27 =	vor.u32 v10, v16;
	v22 =	vld.idx.msk [tilespmem:v22+s25+$0x0], $0xffff  }
0x184: {  	v29 =	vor.u32 v11, v16;
	v23 =	vld.idx.msk [tilespmem:v23+s25+$0x0], $0xffff  }
0x185: {  	v30 =	vor.u32 v12, v16;
	v24 =	vld.idx.msk [tilespmem:v24+s25+$0x0], $0xffff  }
0x186: {  	v31 =	vor.u32 v13, v16;
	v25 =	vld.idx.msk [tilespmem:v25+s25+$0x0], $0xffff  }
0x187: {  	v32 =	vor.u32 v14, v16;
	v26 =	vld.idx.msk [tilespmem:v26+s25+$0x0], $0xffff  }
0x188: {  	v28 =	vshll.u32 v28, $0x8;
	v16 =	vor.u32 v15, v16;
	v27 =	vld.idx.msk [tilespmem:v27+s25+$0x0], $0xffff  }
0x189: {  	v33 =	vor.u32 v0, v28;
	v29 =	vld.idx.msk [tilespmem:v29+s25+$0x0], $0xffff  }
0x18a: {  	v34 =	vor.u32 v1, v28;
	v30 =	vld.idx.msk [tilespmem:v30+s25+$0x0], $0xffff  }
0x18b: {  	v35 =	vor.u32 v2, v28;
	v31 =	vld.idx.msk [tilespmem:v31+s25+$0x0], $0xffff  }
0x18c: {  	v36 =	vor.u32 v3, v28;
	v32 =	vld.idx.msk [tilespmem:v32+s25+$0x0], $0xffff  }
0x18d: {  	v37 =	vor.u32 v4, v28;
	v16 =	vld.idx.msk [tilespmem:v16+s25+$0x0], $0xffff  }
0x18e: {  	v38 =	vor.u32 v5, v28;
	v33 =	vld.idx.msk [tilespmem:v33+s25+$0x0], $0xffff  }
0x18f: {  	v39 =	vor.u32 v6, v28;
	v34 =	vld.idx.msk [tilespmem:v34+s25+$0x0], $0xffff  }
0x190: {  	v40 =	vor.u32 v7, v28;
	v35 =	vld.idx.msk [tilespmem:v35+s25+$0x0], $0xffff  }
0x191: {  	v41 =	vor.u32 v8, v28;
	v36 =	vld.idx.msk [tilespmem:v36+s25+$0x0], $0xffff  }
0x192: {  	v42 =	vor.u32 v9, v28;
	v37 =	vld.idx.msk [tilespmem:v37+s25+$0x0], $0xffff  }
0x193: {  	v43 =	vor.u32 v10, v28;
	v38 =	vld.idx.msk [tilespmem:v38+s25+$0x0], $0xffff  }
0x194: {  	v44 =	vor.u32 v11, v28;
	v39 =	vld.idx.msk [tilespmem:v39+s25+$0x0], $0xffff  }
0x195: {  	v45 =	vor.u32 v12, v28;
	v40 =	vld.idx.msk [tilespmem:v40+s25+$0x0], $0xffff  }
0x196: {  	v46 =	vor.u32 v13, v28;
	v41 =	vld.idx.msk [tilespmem:v41+s25+$0x0], $0xffff  }
0x197: {  	v47 =	vor.u32 v14, v28;
	v42 =	vld.idx.msk [tilespmem:v42+s25+$0x0], $0xffff  }
0x198: {  	v28 =	vor.u32 v15, v28;
	v43 =	vld.idx.msk [tilespmem:v43+s25+$0x0], $0xffff  }
0x199: {  	v44 =	vld.idx.msk [tilespmem:v44+s25+$0x0], $0xffff  }
0x19a: {  	s19 =	sand.u32 $0x3C00, s10;
	s12 =	sadd.s32 $0xFFFFFFD0, s24;
	v45 =	vld.idx.msk [tilespmem:v45+s25+$0x0], $0xffff  }
0x19b: {  	s20 =	sand.u32 $0x40, s12;
	s12 =	sadd.s32 $0xB180, s19;
	v46 =	vld.idx.msk [tilespmem:v46+s25+$0x0], $0xffff  }
0x19c: {  	s14 =	sor.u32 s20, s12;
	v47 =	vld.idx.msk [tilespmem:v47+s25+$0x0], $0xffff  }
0x19d: {  	v28 =	vld.idx.msk [tilespmem:v28+s25+$0x0], $0xffff;
	[tilespmem:s14+$0x0] =	vst v17  }
0x19e: {  	[tilespmem:s14+$0x80] =	vst v18  }
0x19f: {  	[tilespmem:s14+$0x100] =	vst v19  }
0x1a0: {  	[tilespmem:s14+$0x180] =	vst v20  }
0x1a1: {  	[tilespmem:s14+$0x200] =	vst v21  }
0x1a2: {  	[tilespmem:s14+$0x280] =	vst v22  }
0x1a3: {  	s13 =	sadd.s32 $0xF180, s19;
	[tilespmem:s14+$0x300] =	vst v23  }
0x1a4: {  	s15 =	sor.u32 s20, s13;
	[tilespmem:s14+$0x380] =	vst v24;
	s14 =	sadd.s32 $0xF200, s19  }
0x1a5: {  	[tilespmem:s15+$0x0] =	vst v25;
	s16 =	sor.u32 s20, s14;
	s15 =	sadd.s32 $0xF280, s19  }
0x1a6: {  	s30 =	sadd.s32 $0xF300, s19;
	[tilespmem:s16+$0x0] =	vst v26;
	s18 =	sor.u32 s20, s15  }
0x1a7: {  	s17 =	sor.u32 s20, s30;
	s16 =	sadd.s32 $0xF380, s19;
	[tilespmem:s18+$0x0] =	vst v27  }
0x1a8: {  	s18 =	sor.u32 s20, s16;
	[tilespmem:s17+$0x0] =	vst v29;
	s17 =	sadd.s32 $0xF400, s19  }
0x1a9: {  	[tilespmem:s18+$0x0] =	vst v30;
	s21 =	sor.u32 s20, s17;
	s18 =	sadd.s32 $0xF480, s19  }
0x1aa: {  	s19 =	sadd.s32 $0xF500, s19;
	[tilespmem:s21+$0x0] =	vst v31;
	s21 =	sor.u32 s20, s18  }
0x1ab: {  	s20 =	sor.u32 s20, s19;
	[tilespmem:s21+$0x0] =	vst v32  }
0x1ac: {  	[tilespmem:s20+$0x0] =	vst v16  }
0x1ad: {  	v16 =	vld [tilespmem:s11+$0x0];
	_ =	sdelay $0x4  }
0x1ae: {  	v16 =	vshll.u32 v16, $0x8  }
0x1af: {  	v17 =	vor.u32 v0, v16  }
0x1b0: {  	v51 =	vor.u32 v1, v16  }
0x1b1: {  	v52 =	vor.u32 v2, v16  }
0x1b2: {  	v53 =	vor.u32 v3, v16  }
0x1b3: {  	v54 =	vor.u32 v4, v16  }
0x1b4: {  	v55 =	vor.u32 v5, v16;
	v17 =	vld.idx.msk [tilespmem:v17+s25+$0x0], $0xffff  }
0x1b5: {  	v56 =	vor.u32 v6, v16;
	v18 =	vld.idx.msk [tilespmem:v51+s25+$0x0], $0xffff  }
0x1b6: {  	v57 =	vor.u32 v7, v16;
	v19 =	vld.idx.msk [tilespmem:v52+s25+$0x0], $0xffff  }
0x1b7: {  	v58 =	vor.u32 v8, v16;
	v20 =	vld.idx.msk [tilespmem:v53+s25+$0x0], $0xffff  }
0x1b8: {  	v59 =	vor.u32 v9, v16;
	v21 =	vld.idx.msk [tilespmem:v54+s25+$0x0], $0xffff  }
0x1b9: {  	v60 =	vor.u32 v10, v16;
	v22 =	vld.idx.msk [tilespmem:v55+s25+$0x0], $0xffff  }
0x1ba: {  	v61 =	vor.u32 v11, v16;
	v23 =	vld.idx.msk [tilespmem:v56+s25+$0x0], $0xffff  }
0x1bb: {  	v62 =	vor.u32 v12, v16;
	v24 =	vld.idx.msk [tilespmem:v57+s25+$0x0], $0xffff  }
0x1bc: {  	v63 =	vor.u32 v13, v16;
	v25 =	vld.idx.msk [tilespmem:v58+s25+$0x0], $0xffff  }
0x1bd: {  	v48 =	vor.u32 v14, v16;
	v26 =	vld.idx.msk [tilespmem:v59+s25+$0x0], $0xffff  }
0x1be: {  	v16 =	vor.u32 v15, v16;
	v27 =	vld.idx.msk [tilespmem:v60+s25+$0x0], $0xffff  }
0x1bf: {  	v29 =	vld.idx.msk [tilespmem:v61+s25+$0x0], $0xffff  }
0x1c0: {  	s21 =	sadd.s32 $0xFFFFFFE0, s24;
	v30 =	vld.idx.msk [tilespmem:v62+s25+$0x0], $0xffff  }
0x1c1: {  	s20 =	sand.u32 $0x50, s21;
	v31 =	vld.idx.msk [tilespmem:v63+s25+$0x0], $0xffff  }
0x1c2: {  	s21 =	sor.u32 s20, s12;
	v32 =	vld.idx.msk [tilespmem:v48+s25+$0x0], $0xffff  }
0x1c3: {  	v16 =	vld.idx.msk [tilespmem:v16+s25+$0x0], $0xffff;
	[tilespmem:s21+$0x0] =	vst v33  }
0x1c4: {  	[tilespmem:s21+$0x80] =	vst v34  }
0x1c5: {  	[tilespmem:s21+$0x100] =	vst v35  }
0x1c6: {  	[tilespmem:s21+$0x180] =	vst v36  }
0x1c7: {  	[tilespmem:s21+$0x200] =	vst v37  }
0x1c8: {  	[tilespmem:s21+$0x280] =	vst v38  }
0x1c9: {  	[tilespmem:s21+$0x300] =	vst v39  }
0x1ca: {  	[tilespmem:s21+$0x380] =	vst v40;
	s21 =	sor.u32 s20, s13  }
0x1cb: {  	[tilespmem:s21+$0x0] =	vst v41;
	s21 =	sor.u32 s20, s14  }
0x1cc: {  	[tilespmem:s21+$0x0] =	vst v42;
	s21 =	sor.u32 s20, s15  }
0x1cd: {  	[tilespmem:s21+$0x0] =	vst v43;
	s21 =	sor.u32 s20, s30  }
0x1ce: {  	[tilespmem:s21+$0x0] =	vst v44;
	s21 =	sor.u32 s20, s16  }
0x1cf: {  	[tilespmem:s21+$0x0] =	vst v45;
	s21 =	sor.u32 s20, s17  }
0x1d0: {  	[tilespmem:s21+$0x0] =	vst v46;
	s21 =	sor.u32 s20, s18  }
0x1d1: {  	s20 =	sor.u32 s20, s19;
	[tilespmem:s21+$0x0] =	vst v47  }
0x1d2: {  	[tilespmem:s20+$0x0] =	vst v28  }
0x1d3: {  	v28 =	vld [tilespmem:s11+$0x10];
	_ =	sdelay $0x4  }
0x1d4: {  	v28 =	vshll.u32 v28, $0x8  }
0x1d5: {  	v49 =	vor.u32 v0, v28  }
0x1d6: {  	v50 =	vor.u32 v1, v28  }
0x1d7: {  	v51 =	vor.u32 v2, v28  }
0x1d8: {  	v52 =	vor.u32 v3, v28  }
0x1d9: {  	v53 =	vor.u32 v4, v28  }
0x1da: {  	v54 =	vor.u32 v5, v28;
	v33 =	vld.idx.msk [tilespmem:v49+s25+$0x0], $0xffff  }
0x1db: {  	v55 =	vor.u32 v6, v28;
	v34 =	vld.idx.msk [tilespmem:v50+s25+$0x0], $0xffff  }
0x1dc: {  	v56 =	vor.u32 v7, v28;
	v35 =	vld.idx.msk [tilespmem:v51+s25+$0x0], $0xffff  }
0x1dd: {  	v57 =	vor.u32 v8, v28;
	v36 =	vld.idx.msk [tilespmem:v52+s25+$0x0], $0xffff  }
0x1de: {  	v58 =	vor.u32 v9, v28;
	v37 =	vld.idx.msk [tilespmem:v53+s25+$0x0], $0xffff  }
0x1df: {  	v59 =	vor.u32 v10, v28;
	v38 =	vld.idx.msk [tilespmem:v54+s25+$0x0], $0xffff  }
0x1e0: {  	v60 =	vor.u32 v11, v28;
	v39 =	vld.idx.msk [tilespmem:v55+s25+$0x0], $0xffff  }
0x1e1: {  	v61 =	vor.u32 v12, v28;
	v40 =	vld.idx.msk [tilespmem:v56+s25+$0x0], $0xffff  }
0x1e2: {  	v62 =	vor.u32 v13, v28;
	v41 =	vld.idx.msk [tilespmem:v57+s25+$0x0], $0xffff  }
0x1e3: {  	v63 =	vor.u32 v14, v28;
	v42 =	vld.idx.msk [tilespmem:v58+s25+$0x0], $0xffff  }
0x1e4: {  	v28 =	vor.u32 v15, v28;
	v43 =	vld.idx.msk [tilespmem:v59+s25+$0x0], $0xffff  }
0x1e5: {  	v44 =	vld.idx.msk [tilespmem:v60+s25+$0x0], $0xffff  }
0x1e6: {  	s21 =	sadd.s32 $0xFFFFFFF0, s24;
	v45 =	vld.idx.msk [tilespmem:v61+s25+$0x0], $0xffff  }
0x1e7: {  	s20 =	sand.u32 $0x60, s21;
	v46 =	vld.idx.msk [tilespmem:v62+s25+$0x0], $0xffff  }
0x1e8: {  	s21 =	sor.u32 s20, s12;
	v47 =	vld.idx.msk [tilespmem:v63+s25+$0x0], $0xffff  }
0x1e9: {  	v28 =	vld.idx.msk [tilespmem:v28+s25+$0x0], $0xffff;
	[tilespmem:s21+$0x0] =	vst v17  }
0x1ea: {  	[tilespmem:s21+$0x80] =	vst v18  }
0x1eb: {  	[tilespmem:s21+$0x100] =	vst v19  }
0x1ec: {  	[tilespmem:s21+$0x180] =	vst v20  }
0x1ed: {  	[tilespmem:s21+$0x200] =	vst v21  }
0x1ee: {  	[tilespmem:s21+$0x280] =	vst v22  }
0x1ef: {  	[tilespmem:s21+$0x300] =	vst v23  }
0x1f0: {  	[tilespmem:s21+$0x380] =	vst v24;
	s21 =	sor.u32 s20, s13  }
0x1f1: {  	[tilespmem:s21+$0x0] =	vst v25;
	s21 =	sor.u32 s20, s14  }
0x1f2: {  	[tilespmem:s21+$0x0] =	vst v26;
	s21 =	sor.u32 s20, s15  }
0x1f3: {  	[tilespmem:s21+$0x0] =	vst v27;
	s21 =	sor.u32 s20, s30  }
0x1f4: {  	[tilespmem:s21+$0x0] =	vst v29;
	s21 =	sor.u32 s20, s16  }
0x1f5: {  	[tilespmem:s21+$0x0] =	vst v30;
	s21 =	sor.u32 s20, s17  }
0x1f6: {  	[tilespmem:s21+$0x0] =	vst v31;
	s21 =	sor.u32 s20, s18  }
0x1f7: {  	s20 =	sor.u32 s20, s19;
	[tilespmem:s21+$0x0] =	vst v32;
	s21 =	sand.u32 $0x70, s24  }
0x1f8: {  	[tilespmem:s20+$0x0] =	vst v16;
	s12 =	sor.u32 s21, s12  }
0x1f9: {  	[tilespmem:s12+$0x0] =	vst v33  }
0x1fa: {  	[tilespmem:s12+$0x80] =	vst v34  }
0x1fb: {  	[tilespmem:s12+$0x100] =	vst v35  }
0x1fc: {  	[tilespmem:s12+$0x180] =	vst v36  }
0x1fd: {  	[tilespmem:s12+$0x200] =	vst v37  }
0x1fe: {  	[tilespmem:s12+$0x280] =	vst v38  }
0x1ff: {  	[tilespmem:s12+$0x300] =	vst v39  }
0x200: {  	s20 =	sor.u32 s21, s13;
	[tilespmem:s12+$0x380] =	vst v40  }
0x201: {  	s13 =	sor.u32 s21, s14;
	[tilespmem:s20+$0x0] =	vst v41  }
0x202: {  	s14 =	sor.u32 s21, s15;
	[tilespmem:s13+$0x0] =	vst v42  }
0x203: {  	p0 =	sne.s32 s24, $0x7F0;
	s15 =	sor.u32 s21, s30;
	[tilespmem:s14+$0x0] =	vst v43  }
.Ltmp2:
0x204: {  	s16 =	sor.u32 s21, s16;
	[tilespmem:s15+$0x0] =	vst v44;
	(pc) =	sbr.rel @p0 .LBB2_6-.Ltmp2, $4  }
0x205: {  	s17 =	sor.u32 s21, s17;
	[tilespmem:s16+$0x0] =	vst v45  }
0x206: {  	s20 =	sor.u32 s21, s18;
	[tilespmem:s17+$0x0] =	vst v46  }
0x207: {  	s30 =	sor.u32 s21, s19;
	[tilespmem:s20+$0x0] =	vst v47  }
0x208: {  	s10 =	sadd.s32 $0x200, s10;
	s11 =	sadd.s32 $0x40, s11;
	s24 =	sadd.s32 $0x40, s24;
	[tilespmem:s30+$0x0] =	vst v28  }
0x209: {  	s10 =	simm.s32 $0x0;
	s11 =	rddreg [dreg:$0x12]  }
0x20a: {  	[tilespmem:s23], [sflag:$0x4] =	stream.linear.gather [hbm4b:s11+s10], $0x780, $0x38;
	[tilespmem:$0x1C180] =	vst v63  }
0x20b: {  	s24 =	rddreg [dreg:$0x13]  }
0x20c: {  	[hbm4b:s24+s10] =	stream.linear.scatter [tilespmem:s0], [sflag:$0x6], $0x4000, $0x38;
	[tilespmem:$0x1C180] =	vst v63  }
0x20d: {  	s30 =	rddreg [dreg:$0x14]  }
0x20e: {  	[hbm4b:s30+s10] =	stream.linear.scatter [tilespmem:s2], [sflag:$0x6], $0x4000, $0x38;
	[tilespmem:$0x1C180] =	vst v63  }
0x20f: {  	_ =	swait.ge [sflag:s1], $0x800  }
0x210: {  	[sflag:s1] =	ssyncset.done $0x0  }
0x211: {  	[sflag:s1] =	ssyncadd.s32 $0xFFFFF800  }
0x212: {  	_ =	swait.ge [sflag:s7], $0x4000  }
0x213: {  	[sflag:s7] =	ssyncset.done $0x0  }
0x214: {  	[sflag:s7] =	ssyncadd.s32 $0xFFFFC000  }
0x215: {  	_ =	swait.ge [sflag:s7], $0x4000  }
0x216: {  	[sflag:s7] =	ssyncset.done $0x0  }
0x217: {  	s11 =	simm.s32 $0xA9A0;
	s24 =	simm.s32 $0x30;
	[sflag:s7] =	ssyncadd.s32 $0xFFFFC000  }
.LBB2_8:
0x218: {  	v16 =	vld [tilespmem:s11+$0xFFFFFFE0];
	_ =	sdelay $0x4  }
0x219: {  	v16 =	vshll.u32 v16, $0x8  }
0x21a: {  	v17 =	vor.u32 v0, v16  }
0x21b: {  	v18 =	vor.u32 v1, v16  }
0x21c: {  	v19 =	vor.u32 v2, v16  }
0x21d: {  	v20 =	vor.u32 v3, v16  }
0x21e: {  	v28 =	vld [tilespmem:s11+$0xFFFFFFF0];
	v21 =	vor.u32 v4, v16  }
0x21f: {  	v22 =	vor.u32 v5, v16;
	v17 =	vld.idx.msk [tilespmem:v17+s25+$0x0], $0xffff  }
0x220: {  	v23 =	vor.u32 v6, v16;
	v18 =	vld.idx.msk [tilespmem:v18+s25+$0x0], $0xffff  }
0x221: {  	v24 =	vor.u32 v7, v16;
	v19 =	vld.idx.msk [tilespmem:v19+s25+$0x0], $0xffff  }
0x222: {  	v25 =	vor.u32 v8, v16;
	v20 =	vld.idx.msk [tilespmem:v20+s25+$0x0], $0xffff  }
0x223: {  	v26 =	vor.u32 v9, v16;
	v21 =	vld.idx.msk [tilespmem:v21+s25+$0x0], $0xffff  }
0x224: {  	v27 =	vor.u32 v10, v16;
	v22 =	vld.idx.msk [tilespmem:v22+s25+$0x0], $0xffff  }
0x225: {  	v29 =	vor.u32 v11, v16;
	v23 =	vld.idx.msk [tilespmem:v23+s25+$0x0], $0xffff  }
0x226: {  	v30 =	vor.u32 v12, v16;
	v24 =	vld.idx.msk [tilespmem:v24+s25+$0x0], $0xffff  }
0x227: {  	v31 =	vor.u32 v13, v16;
	v25 =	vld.idx.msk [tilespmem:v25+s25+$0x0], $0xffff  }
0x228: {  	v32 =	vor.u32 v14, v16;
	v26 =	vld.idx.msk [tilespmem:v26+s25+$0x0], $0xffff  }
0x229: {  	v28 =	vshll.u32 v28, $0x8;
	v16 =	vor.u32 v15, v16;
	v27 =	vld.idx.msk [tilespmem:v27+s25+$0x0], $0xffff  }
0x22a: {  	v33 =	vor.u32 v0, v28;
	v29 =	vld.idx.msk [tilespmem:v29+s25+$0x0], $0xffff  }
0x22b: {  	v34 =	vor.u32 v1, v28;
	v30 =	vld.idx.msk [tilespmem:v30+s25+$0x0], $0xffff  }
0x22c: {  	v35 =	vor.u32 v2, v28;
	v31 =	vld.idx.msk [tilespmem:v31+s25+$0x0], $0xffff  }
0x22d: {  	v36 =	vor.u32 v3, v28;
	v32 =	vld.idx.msk [tilespmem:v32+s25+$0x0], $0xffff  }
0x22e: {  	v37 =	vor.u32 v4, v28;
	v16 =	vld.idx.msk [tilespmem:v16+s25+$0x0], $0xffff  }
0x22f: {  	v38 =	vor.u32 v5, v28;
	v33 =	vld.idx.msk [tilespmem:v33+s25+$0x0], $0xffff  }
0x230: {  	v39 =	vor.u32 v6, v28;
	v34 =	vld.idx.msk [tilespmem:v34+s25+$0x0], $0xffff  }
0x231: {  	v40 =	vor.u32 v7, v28;
	v35 =	vld.idx.msk [tilespmem:v35+s25+$0x0], $0xffff  }
0x232: {  	v41 =	vor.u32 v8, v28;
	v36 =	vld.idx.msk [tilespmem:v36+s25+$0x0], $0xffff  }
0x233: {  	v42 =	vor.u32 v9, v28;
	v37 =	vld.idx.msk [tilespmem:v37+s25+$0x0], $0xffff  }
0x234: {  	v43 =	vor.u32 v10, v28;
	v38 =	vld.idx.msk [tilespmem:v38+s25+$0x0], $0xffff  }
0x235: {  	v44 =	vor.u32 v11, v28;
	v39 =	vld.idx.msk [tilespmem:v39+s25+$0x0], $0xffff  }
0x236: {  	v45 =	vor.u32 v12, v28;
	v40 =	vld.idx.msk [tilespmem:v40+s25+$0x0], $0xffff  }
0x237: {  	v46 =	vor.u32 v13, v28;
	v41 =	vld.idx.msk [tilespmem:v41+s25+$0x0], $0xffff  }
0x238: {  	v47 =	vor.u32 v14, v28;
	v42 =	vld.idx.msk [tilespmem:v42+s25+$0x0], $0xffff  }
0x239: {  	v28 =	vor.u32 v15, v28;
	v43 =	vld.idx.msk [tilespmem:v43+s25+$0x0], $0xffff  }
0x23a: {  	v44 =	vld.idx.msk [tilespmem:v44+s25+$0x0], $0xffff  }
0x23b: {  	s19 =	sand.u32 $0x3C00, s10;
	s12 =	sadd.s32 $0xFFFFFFD0, s24;
	v45 =	vld.idx.msk [tilespmem:v45+s25+$0x0], $0xffff  }
0x23c: {  	s20 =	sand.u32 $0x40, s12;
	s12 =	sadd.s32 $0x13180, s19;
	v46 =	vld.idx.msk [tilespmem:v46+s25+$0x0], $0xffff  }
0x23d: {  	s14 =	sor.u32 s20, s12;
	v47 =	vld.idx.msk [tilespmem:v47+s25+$0x0], $0xffff  }
0x23e: {  	v28 =	vld.idx.msk [tilespmem:v28+s25+$0x0], $0xffff;
	[tilespmem:s14+$0x0] =	vst v17  }
0x23f: {  	[tilespmem:s14+$0x80] =	vst v18  }
0x240: {  	[tilespmem:s14+$0x100] =	vst v19  }
0x241: {  	[tilespmem:s14+$0x180] =	vst v20  }
0x242: {  	[tilespmem:s14+$0x200] =	vst v21  }
0x243: {  	[tilespmem:s14+$0x280] =	vst v22  }
0x244: {  	s13 =	sadd.s32 $0x17180, s19;
	[tilespmem:s14+$0x300] =	vst v23  }
0x245: {  	s15 =	sor.u32 s20, s13;
	[tilespmem:s14+$0x380] =	vst v24;
	s14 =	sadd.s32 $0x17200, s19  }
0x246: {  	[tilespmem:s15+$0x0] =	vst v25;
	s16 =	sor.u32 s20, s14;
	s15 =	sadd.s32 $0x17280, s19  }
0x247: {  	s30 =	sadd.s32 $0x17300, s19;
	[tilespmem:s16+$0x0] =	vst v26;
	s18 =	sor.u32 s20, s15  }
0x248: {  	s17 =	sor.u32 s20, s30;
	s16 =	sadd.s32 $0x17380, s19;
	[tilespmem:s18+$0x0] =	vst v27  }
0x249: {  	s18 =	sor.u32 s20, s16;
	[tilespmem:s17+$0x0] =	vst v29;
	s17 =	sadd.s32 $0x17400, s19  }
0x24a: {  	[tilespmem:s18+$0x0] =	vst v30;
	s21 =	sor.u32 s20, s17;
	s18 =	sadd.s32 $0x17480, s19  }
0x24b: {  	s19 =	sadd.s32 $0x17500, s19;
	[tilespmem:s21+$0x0] =	vst v31;
	s21 =	sor.u32 s20, s18  }
0x24c: {  	s20 =	sor.u32 s20, s19;
	[tilespmem:s21+$0x0] =	vst v32  }
0x24d: {  	[tilespmem:s20+$0x0] =	vst v16  }
0x24e: {  	v16 =	vld [tilespmem:s11+$0x0];
	_ =	sdelay $0x4  }
0x24f: {  	v16 =	vshll.u32 v16, $0x8  }
0x250: {  	v17 =	vor.u32 v0, v16  }
0x251: {  	v51 =	vor.u32 v1, v16  }
0x252: {  	v52 =	vor.u32 v2, v16  }
0x253: {  	v53 =	vor.u32 v3, v16  }
0x254: {  	v54 =	vor.u32 v4, v16  }
0x255: {  	v55 =	vor.u32 v5, v16;
	v17 =	vld.idx.msk [tilespmem:v17+s25+$0x0], $0xffff  }
0x256: {  	v56 =	vor.u32 v6, v16;
	v18 =	vld.idx.msk [tilespmem:v51+s25+$0x0], $0xffff  }
0x257: {  	v57 =	vor.u32 v7, v16;
	v19 =	vld.idx.msk [tilespmem:v52+s25+$0x0], $0xffff  }
0x258: {  	v58 =	vor.u32 v8, v16;
	v20 =	vld.idx.msk [tilespmem:v53+s25+$0x0], $0xffff  }
0x259: {  	v59 =	vor.u32 v9, v16;
	v21 =	vld.idx.msk [tilespmem:v54+s25+$0x0], $0xffff  }
0x25a: {  	v60 =	vor.u32 v10, v16;
	v22 =	vld.idx.msk [tilespmem:v55+s25+$0x0], $0xffff  }
0x25b: {  	v61 =	vor.u32 v11, v16;
	v23 =	vld.idx.msk [tilespmem:v56+s25+$0x0], $0xffff  }
0x25c: {  	v62 =	vor.u32 v12, v16;
	v24 =	vld.idx.msk [tilespmem:v57+s25+$0x0], $0xffff  }
0x25d: {  	v63 =	vor.u32 v13, v16;
	v25 =	vld.idx.msk [tilespmem:v58+s25+$0x0], $0xffff  }
0x25e: {  	v48 =	vor.u32 v14, v16;
	v26 =	vld.idx.msk [tilespmem:v59+s25+$0x0], $0xffff  }
0x25f: {  	v16 =	vor.u32 v15, v16;
	v27 =	vld.idx.msk [tilespmem:v60+s25+$0x0], $0xffff  }
0x260: {  	v29 =	vld.idx.msk [tilespmem:v61+s25+$0x0], $0xffff  }
0x261: {  	s21 =	sadd.s32 $0xFFFFFFE0, s24;
	v30 =	vld.idx.msk [tilespmem:v62+s25+$0x0], $0xffff  }
0x262: {  	s20 =	sand.u32 $0x50, s21;
	v31 =	vld.idx.msk [tilespmem:v63+s25+$0x0], $0xffff  }
0x263: {  	s21 =	sor.u32 s20, s12;
	v32 =	vld.idx.msk [tilespmem:v48+s25+$0x0], $0xffff  }
0x264: {  	v16 =	vld.idx.msk [tilespmem:v16+s25+$0x0], $0xffff;
	[tilespmem:s21+$0x0] =	vst v33  }
0x265: {  	[tilespmem:s21+$0x80] =	vst v34  }
0x266: {  	[tilespmem:s21+$0x100] =	vst v35  }
0x267: {  	[tilespmem:s21+$0x180] =	vst v36  }
0x268: {  	[tilespmem:s21+$0x200] =	vst v37  }
0x269: {  	[tilespmem:s21+$0x280] =	vst v38  }
0x26a: {  	[tilespmem:s21+$0x300] =	vst v39  }
0x26b: {  	[tilespmem:s21+$0x380] =	vst v40;
	s21 =	sor.u32 s20, s13  }
0x26c: {  	[tilespmem:s21+$0x0] =	vst v41;
	s21 =	sor.u32 s20, s14  }
0x26d: {  	[tilespmem:s21+$0x0] =	vst v42;
	s21 =	sor.u32 s20, s15  }
0x26e: {  	[tilespmem:s21+$0x0] =	vst v43;
	s21 =	sor.u32 s20, s30  }
0x26f: {  	[tilespmem:s21+$0x0] =	vst v44;
	s21 =	sor.u32 s20, s16  }
0x270: {  	[tilespmem:s21+$0x0] =	vst v45;
	s21 =	sor.u32 s20, s17  }
0x271: {  	[tilespmem:s21+$0x0] =	vst v46;
	s21 =	sor.u32 s20, s18  }
0x272: {  	s20 =	sor.u32 s20, s19;
	[tilespmem:s21+$0x0] =	vst v47  }
0x273: {  	[tilespmem:s20+$0x0] =	vst v28  }
0x274: {  	v28 =	vld [tilespmem:s11+$0x10];
	_ =	sdelay $0x4  }
0x275: {  	v28 =	vshll.u32 v28, $0x8  }
0x276: {  	v49 =	vor.u32 v0, v28  }
0x277: {  	v50 =	vor.u32 v1, v28  }
0x278: {  	v51 =	vor.u32 v2, v28  }
0x279: {  	v52 =	vor.u32 v3, v28  }
0x27a: {  	v53 =	vor.u32 v4, v28  }
0x27b: {  	v54 =	vor.u32 v5, v28;
	v33 =	vld.idx.msk [tilespmem:v49+s25+$0x0], $0xffff  }
0x27c: {  	v55 =	vor.u32 v6, v28;
	v34 =	vld.idx.msk [tilespmem:v50+s25+$0x0], $0xffff  }
0x27d: {  	v56 =	vor.u32 v7, v28;
	v35 =	vld.idx.msk [tilespmem:v51+s25+$0x0], $0xffff  }
0x27e: {  	v57 =	vor.u32 v8, v28;
	v36 =	vld.idx.msk [tilespmem:v52+s25+$0x0], $0xffff  }
0x27f: {  	v58 =	vor.u32 v9, v28;
	v37 =	vld.idx.msk [tilespmem:v53+s25+$0x0], $0xffff  }
0x280: {  	v59 =	vor.u32 v10, v28;
	v38 =	vld.idx.msk [tilespmem:v54+s25+$0x0], $0xffff  }
0x281: {  	v60 =	vor.u32 v11, v28;
	v39 =	vld.idx.msk [tilespmem:v55+s25+$0x0], $0xffff  }
0x282: {  	v61 =	vor.u32 v12, v28;
	v40 =	vld.idx.msk [tilespmem:v56+s25+$0x0], $0xffff  }
0x283: {  	v62 =	vor.u32 v13, v28;
	v41 =	vld.idx.msk [tilespmem:v57+s25+$0x0], $0xffff  }
0x284: {  	v63 =	vor.u32 v14, v28;
	v42 =	vld.idx.msk [tilespmem:v58+s25+$0x0], $0xffff  }
0x285: {  	v28 =	vor.u32 v15, v28;
	v43 =	vld.idx.msk [tilespmem:v59+s25+$0x0], $0xffff  }
0x286: {  	v44 =	vld.idx.msk [tilespmem:v60+s25+$0x0], $0xffff  }
0x287: {  	s21 =	sadd.s32 $0xFFFFFFF0, s24;
	v45 =	vld.idx.msk [tilespmem:v61+s25+$0x0], $0xffff  }
0x288: {  	s20 =	sand.u32 $0x60, s21;
	v46 =	vld.idx.msk [tilespmem:v62+s25+$0x0], $0xffff  }
0x289: {  	s21 =	sor.u32 s20, s12;
	v47 =	vld.idx.msk [tilespmem:v63+s25+$0x0], $0xffff  }
0x28a: {  	v28 =	vld.idx.msk [tilespmem:v28+s25+$0x0], $0xffff;
	[tilespmem:s21+$0x0] =	vst v17  }
0x28b: {  	[tilespmem:s21+$0x80] =	vst v18  }
0x28c: {  	[tilespmem:s21+$0x100] =	vst v19  }
0x28d: {  	[tilespmem:s21+$0x180] =	vst v20  }
0x28e: {  	[tilespmem:s21+$0x200] =	vst v21  }
0x28f: {  	[tilespmem:s21+$0x280] =	vst v22  }
0x290: {  	[tilespmem:s21+$0x300] =	vst v23  }
0x291: {  	[tilespmem:s21+$0x380] =	vst v24;
	s21 =	sor.u32 s20, s13  }
0x292: {  	[tilespmem:s21+$0x0] =	vst v25;
	s21 =	sor.u32 s20, s14  }
0x293: {  	[tilespmem:s21+$0x0] =	vst v26;
	s21 =	sor.u32 s20, s15  }
0x294: {  	[tilespmem:s21+$0x0] =	vst v27;
	s21 =	sor.u32 s20, s30  }
0x295: {  	[tilespmem:s21+$0x0] =	vst v29;
	s21 =	sor.u32 s20, s16  }
0x296: {  	[tilespmem:s21+$0x0] =	vst v30;
	s21 =	sor.u32 s20, s17  }
0x297: {  	[tilespmem:s21+$0x0] =	vst v31;
	s21 =	sor.u32 s20, s18  }
0x298: {  	s20 =	sor.u32 s20, s19;
	[tilespmem:s21+$0x0] =	vst v32;
	s21 =	sand.u32 $0x70, s24  }
0x299: {  	[tilespmem:s20+$0x0] =	vst v16;
	s12 =	sor.u32 s21, s12  }
0x29a: {  	[tilespmem:s12+$0x0] =	vst v33  }
0x29b: {  	[tilespmem:s12+$0x80] =	vst v34  }
0x29c: {  	[tilespmem:s12+$0x100] =	vst v35  }
0x29d: {  	[tilespmem:s12+$0x180] =	vst v36  }
0x29e: {  	[tilespmem:s12+$0x200] =	vst v37  }
0x29f: {  	[tilespmem:s12+$0x280] =	vst v38  }
0x2a0: {  	[tilespmem:s12+$0x300] =	vst v39  }
0x2a1: {  	s20 =	sor.u32 s21, s13;
	[tilespmem:s12+$0x380] =	vst v40  }
0x2a2: {  	s13 =	sor.u32 s21, s14;
	[tilespmem:s20+$0x0] =	vst v41  }
0x2a3: {  	s14 =	sor.u32 s21, s15;
	[tilespmem:s13+$0x0] =	vst v42  }
0x2a4: {  	p0 =	sne.s32 s24, $0x7F0;
	s15 =	sor.u32 s21, s30;
	[tilespmem:s14+$0x0] =	vst v43  }
.Ltmp3:
0x2a5: {  	s16 =	sor.u32 s21, s16;
	[tilespmem:s15+$0x0] =	vst v44;
	(pc) =	sbr.rel @p0 .LBB2_8-.Ltmp3, $4  }
0x2a6: {  	s17 =	sor.u32 s21, s17;
	[tilespmem:s16+$0x0] =	vst v45  }
0x2a7: {  	s20 =	sor.u32 s21, s18;
	[tilespmem:s17+$0x0] =	vst v46  }
0x2a8: {  	s30 =	sor.u32 s21, s19;
	[tilespmem:s20+$0x0] =	vst v47  }
0x2a9: {  	s10 =	sadd.s32 $0x200, s10;
	s11 =	sadd.s32 $0x40, s11;
	s24 =	sadd.s32 $0x40, s24;
	[tilespmem:s30+$0x0] =	vst v28  }
0x2aa: {  	s10 =	simm.s32 $0x0;
	s11 =	rddreg [dreg:$0x15]  }
0x2ab: {  	[hbm4b:s11+s10] =	stream.linear.scatter [tilespmem:s29], [sflag:$0x7], $0x4000, $0x38;
	[tilespmem:$0x1C180] =	vst v63  }
0x2ac: {  	s30 =	rddreg [dreg:$0x16]  }
0x2ad: {  	[hbm4b:s30+s10] =	stream.linear.scatter [tilespmem:s4], [sflag:$0x7], $0x4000, $0x38;
	[tilespmem:$0x1C180] =	vst v63  }
0x2ae: {  	_ =	swait.ge [sflag:s31], $0x780  }
0x2af: {  	[sflag:s31] =	ssyncset.done $0x0  }
0x2b0: {  	[sflag:s31] =	ssyncadd.s32 $0xFFFFF880  }
0x2b1: {  	_ =	swait.ge [sflag:s6], $0x4000  }
0x2b2: {  	[sflag:s6] =	ssyncset.done $0x0  }
0x2b3: {  	[sflag:s6] =	ssyncadd.s32 $0xFFFFC000  }
0x2b4: {  	_ =	swait.ge [sflag:s6], $0x4000  }
0x2b5: {  	[sflag:s6] =	ssyncset.done $0x0  }
0x2b6: {  	s24 =	simm.s32 $0x30;
	s11 =	simm.s32 $0xA1A0;
	[sflag:s6] =	ssyncadd.s32 $0xFFFFC000  }
.LBB2_10:
0x2b7: {  	v16 =	vld [tilespmem:s11+$0xFFFFFFE0];
	_ =	sdelay $0x4  }
0x2b8: {  	v16 =	vshll.u32 v16, $0x8  }
0x2b9: {  	v17 =	vor.u32 v0, v16  }
0x2ba: {  	v18 =	vor.u32 v1, v16  }
0x2bb: {  	v19 =	vor.u32 v2, v16  }
0x2bc: {  	v20 =	vor.u32 v3, v16  }
0x2bd: {  	v28 =	vld [tilespmem:s11+$0xFFFFFFF0];
	v21 =	vor.u32 v4, v16  }
0x2be: {  	v22 =	vor.u32 v5, v16;
	v17 =	vld.idx.msk [tilespmem:v17+s25+$0x0], $0xffff  }
0x2bf: {  	v23 =	vor.u32 v6, v16;
	v18 =	vld.idx.msk [tilespmem:v18+s25+$0x0], $0xffff  }
0x2c0: {  	v24 =	vor.u32 v7, v16;
	v19 =	vld.idx.msk [tilespmem:v19+s25+$0x0], $0xffff  }
0x2c1: {  	v25 =	vor.u32 v8, v16;
	v20 =	vld.idx.msk [tilespmem:v20+s25+$0x0], $0xffff  }
0x2c2: {  	v26 =	vor.u32 v9, v16;
	v21 =	vld.idx.msk [tilespmem:v21+s25+$0x0], $0xffff  }
0x2c3: {  	v27 =	vor.u32 v10, v16;
	v22 =	vld.idx.msk [tilespmem:v22+s25+$0x0], $0xffff  }
0x2c4: {  	v29 =	vor.u32 v11, v16;
	v23 =	vld.idx.msk [tilespmem:v23+s25+$0x0], $0xffff  }
0x2c5: {  	v30 =	vor.u32 v12, v16;
	v24 =	vld.idx.msk [tilespmem:v24+s25+$0x0], $0xffff  }
0x2c6: {  	v31 =	vor.u32 v13, v16;
	v25 =	vld.idx.msk [tilespmem:v25+s25+$0x0], $0xffff  }
0x2c7: {  	v32 =	vor.u32 v14, v16;
	v26 =	vld.idx.msk [tilespmem:v26+s25+$0x0], $0xffff  }
0x2c8: {  	v28 =	vshll.u32 v28, $0x8;
	v16 =	vor.u32 v15, v16;
	v27 =	vld.idx.msk [tilespmem:v27+s25+$0x0], $0xffff  }
0x2c9: {  	v33 =	vor.u32 v0, v28;
	v29 =	vld.idx.msk [tilespmem:v29+s25+$0x0], $0xffff  }
0x2ca: {  	v34 =	vor.u32 v1, v28;
	v30 =	vld.idx.msk [tilespmem:v30+s25+$0x0], $0xffff  }
0x2cb: {  	v35 =	vor.u32 v2, v28;
	v31 =	vld.idx.msk [tilespmem:v31+s25+$0x0], $0xffff  }
0x2cc: {  	v36 =	vor.u32 v3, v28;
	v32 =	vld.idx.msk [tilespmem:v32+s25+$0x0], $0xffff  }
0x2cd: {  	v37 =	vor.u32 v4, v28;
	v16 =	vld.idx.msk [tilespmem:v16+s25+$0x0], $0xffff  }
0x2ce: {  	v38 =	vor.u32 v5, v28;
	v33 =	vld.idx.msk [tilespmem:v33+s25+$0x0], $0xffff  }
0x2cf: {  	v39 =	vor.u32 v6, v28;
	v34 =	vld.idx.msk [tilespmem:v34+s25+$0x0], $0xffff  }
0x2d0: {  	v40 =	vor.u32 v7, v28;
	v35 =	vld.idx.msk [tilespmem:v35+s25+$0x0], $0xffff  }
0x2d1: {  	v41 =	vor.u32 v8, v28;
	v36 =	vld.idx.msk [tilespmem:v36+s25+$0x0], $0xffff  }
0x2d2: {  	v42 =	vor.u32 v9, v28;
	v37 =	vld.idx.msk [tilespmem:v37+s25+$0x0], $0xffff  }
0x2d3: {  	v43 =	vor.u32 v10, v28;
	v38 =	vld.idx.msk [tilespmem:v38+s25+$0x0], $0xffff  }
0x2d4: {  	v44 =	vor.u32 v11, v28;
	v39 =	vld.idx.msk [tilespmem:v39+s25+$0x0], $0xffff  }
0x2d5: {  	v45 =	vor.u32 v12, v28;
	v40 =	vld.idx.msk [tilespmem:v40+s25+$0x0], $0xffff  }
0x2d6: {  	v46 =	vor.u32 v13, v28;
	v41 =	vld.idx.msk [tilespmem:v41+s25+$0x0], $0xffff  }
0x2d7: {  	v47 =	vor.u32 v14, v28;
	v42 =	vld.idx.msk [tilespmem:v42+s25+$0x0], $0xffff  }
0x2d8: {  	v28 =	vor.u32 v15, v28;
	v43 =	vld.idx.msk [tilespmem:v43+s25+$0x0], $0xffff  }
0x2d9: {  	v44 =	vld.idx.msk [tilespmem:v44+s25+$0x0], $0xffff  }
0x2da: {  	s19 =	sand.u32 $0x3C00, s10;
	s12 =	sadd.s32 $0xFFFFFFD0, s24;
	v45 =	vld.idx.msk [tilespmem:v45+s25+$0x0], $0xffff  }
0x2db: {  	s20 =	sand.u32 $0x40, s12;
	s12 =	sadd.s32 $0xB180, s19;
	v46 =	vld.idx.msk [tilespmem:v46+s25+$0x0], $0xffff  }
0x2dc: {  	s14 =	sor.u32 s20, s12;
	v47 =	vld.idx.msk [tilespmem:v47+s25+$0x0], $0xffff  }
0x2dd: {  	v28 =	vld.idx.msk [tilespmem:v28+s25+$0x0], $0xffff;
	[tilespmem:s14+$0x0] =	vst v17  }
0x2de: {  	[tilespmem:s14+$0x80] =	vst v18  }
0x2df: {  	[tilespmem:s14+$0x100] =	vst v19  }
0x2e0: {  	[tilespmem:s14+$0x180] =	vst v20  }
0x2e1: {  	[tilespmem:s14+$0x200] =	vst v21  }
0x2e2: {  	[tilespmem:s14+$0x280] =	vst v22  }
0x2e3: {  	s13 =	sadd.s32 $0xF180, s19;
	[tilespmem:s14+$0x300] =	vst v23  }
0x2e4: {  	s15 =	sor.u32 s20, s13;
	[tilespmem:s14+$0x380] =	vst v24;
	s14 =	sadd.s32 $0xF200, s19  }
0x2e5: {  	[tilespmem:s15+$0x0] =	vst v25;
	s16 =	sor.u32 s20, s14;
	s15 =	sadd.s32 $0xF280, s19  }
0x2e6: {  	s30 =	sadd.s32 $0xF300, s19;
	[tilespmem:s16+$0x0] =	vst v26;
	s18 =	sor.u32 s20, s15  }
0x2e7: {  	s17 =	sor.u32 s20, s30;
	s16 =	sadd.s32 $0xF380, s19;
	[tilespmem:s18+$0x0] =	vst v27  }
0x2e8: {  	s18 =	sor.u32 s20, s16;
	[tilespmem:s17+$0x0] =	vst v29;
	s17 =	sadd.s32 $0xF400, s19  }
0x2e9: {  	[tilespmem:s18+$0x0] =	vst v30;
	s21 =	sor.u32 s20, s17;
	s18 =	sadd.s32 $0xF480, s19  }
0x2ea: {  	s19 =	sadd.s32 $0xF500, s19;
	[tilespmem:s21+$0x0] =	vst v31;
	s21 =	sor.u32 s20, s18  }
0x2eb: {  	s20 =	sor.u32 s20, s19;
	[tilespmem:s21+$0x0] =	vst v32  }
0x2ec: {  	[tilespmem:s20+$0x0] =	vst v16  }
0x2ed: {  	v16 =	vld [tilespmem:s11+$0x0];
	_ =	sdelay $0x4  }
0x2ee: {  	v16 =	vshll.u32 v16, $0x8  }
0x2ef: {  	v17 =	vor.u32 v0, v16  }
0x2f0: {  	v51 =	vor.u32 v1, v16  }
0x2f1: {  	v52 =	vor.u32 v2, v16  }
0x2f2: {  	v53 =	vor.u32 v3, v16  }
0x2f3: {  	v54 =	vor.u32 v4, v16  }
0x2f4: {  	v55 =	vor.u32 v5, v16;
	v17 =	vld.idx.msk [tilespmem:v17+s25+$0x0], $0xffff  }
0x2f5: {  	v56 =	vor.u32 v6, v16;
	v18 =	vld.idx.msk [tilespmem:v51+s25+$0x0], $0xffff  }
0x2f6: {  	v57 =	vor.u32 v7, v16;
	v19 =	vld.idx.msk [tilespmem:v52+s25+$0x0], $0xffff  }
0x2f7: {  	v58 =	vor.u32 v8, v16;
	v20 =	vld.idx.msk [tilespmem:v53+s25+$0x0], $0xffff  }
0x2f8: {  	v59 =	vor.u32 v9, v16;
	v21 =	vld.idx.msk [tilespmem:v54+s25+$0x0], $0xffff  }
0x2f9: {  	v60 =	vor.u32 v10, v16;
	v22 =	vld.idx.msk [tilespmem:v55+s25+$0x0], $0xffff  }
0x2fa: {  	v61 =	vor.u32 v11, v16;
	v23 =	vld.idx.msk [tilespmem:v56+s25+$0x0], $0xffff  }
0x2fb: {  	v62 =	vor.u32 v12, v16;
	v24 =	vld.idx.msk [tilespmem:v57+s25+$0x0], $0xffff  }
0x2fc: {  	v63 =	vor.u32 v13, v16;
	v25 =	vld.idx.msk [tilespmem:v58+s25+$0x0], $0xffff  }
0x2fd: {  	v48 =	vor.u32 v14, v16;
	v26 =	vld.idx.msk [tilespmem:v59+s25+$0x0], $0xffff  }
0x2fe: {  	v16 =	vor.u32 v15, v16;
	v27 =	vld.idx.msk [tilespmem:v60+s25+$0x0], $0xffff  }
0x2ff: {  	v29 =	vld.idx.msk [tilespmem:v61+s25+$0x0], $0xffff  }
0x300: {  	s21 =	sadd.s32 $0xFFFFFFE0, s24;
	v30 =	vld.idx.msk [tilespmem:v62+s25+$0x0], $0xffff  }
0x301: {  	s20 =	sand.u32 $0x50, s21;
	v31 =	vld.idx.msk [tilespmem:v63+s25+$0x0], $0xffff  }
0x302: {  	s21 =	sor.u32 s20, s12;
	v32 =	vld.idx.msk [tilespmem:v48+s25+$0x0], $0xffff  }
0x303: {  	v16 =	vld.idx.msk [tilespmem:v16+s25+$0x0], $0xffff;
	[tilespmem:s21+$0x0] =	vst v33  }
0x304: {  	[tilespmem:s21+$0x80] =	vst v34  }
0x305: {  	[tilespmem:s21+$0x100] =	vst v35  }
0x306: {  	[tilespmem:s21+$0x180] =	vst v36  }
0x307: {  	[tilespmem:s21+$0x200] =	vst v37  }
0x308: {  	[tilespmem:s21+$0x280] =	vst v38  }
0x309: {  	[tilespmem:s21+$0x300] =	vst v39  }
0x30a: {  	[tilespmem:s21+$0x380] =	vst v40;
	s21 =	sor.u32 s20, s13  }
0x30b: {  	[tilespmem:s21+$0x0] =	vst v41;
	s21 =	sor.u32 s20, s14  }
0x30c: {  	[tilespmem:s21+$0x0] =	vst v42;
	s21 =	sor.u32 s20, s15  }
0x30d: {  	[tilespmem:s21+$0x0] =	vst v43;
	s21 =	sor.u32 s20, s30  }
0x30e: {  	[tilespmem:s21+$0x0] =	vst v44;
	s21 =	sor.u32 s20, s16  }
0x30f: {  	[tilespmem:s21+$0x0] =	vst v45;
	s21 =	sor.u32 s20, s17  }
0x310: {  	[tilespmem:s21+$0x0] =	vst v46;
	s21 =	sor.u32 s20, s18  }
0x311: {  	s20 =	sor.u32 s20, s19;
	[tilespmem:s21+$0x0] =	vst v47  }
0x312: {  	[tilespmem:s20+$0x0] =	vst v28  }
0x313: {  	v28 =	vld [tilespmem:s11+$0x10];
	_ =	sdelay $0x4  }
0x314: {  	v28 =	vshll.u32 v28, $0x8  }
0x315: {  	v49 =	vor.u32 v0, v28  }
0x316: {  	v50 =	vor.u32 v1, v28  }
0x317: {  	v51 =	vor.u32 v2, v28  }
0x318: {  	v52 =	vor.u32 v3, v28  }
0x319: {  	v53 =	vor.u32 v4, v28  }
0x31a: {  	v54 =	vor.u32 v5, v28;
	v33 =	vld.idx.msk [tilespmem:v49+s25+$0x0], $0xffff  }
0x31b: {  	v55 =	vor.u32 v6, v28;
	v34 =	vld.idx.msk [tilespmem:v50+s25+$0x0], $0xffff  }
0x31c: {  	v56 =	vor.u32 v7, v28;
	v35 =	vld.idx.msk [tilespmem:v51+s25+$0x0], $0xffff  }
0x31d: {  	v57 =	vor.u32 v8, v28;
	v36 =	vld.idx.msk [tilespmem:v52+s25+$0x0], $0xffff  }
0x31e: {  	v58 =	vor.u32 v9, v28;
	v37 =	vld.idx.msk [tilespmem:v53+s25+$0x0], $0xffff  }
0x31f: {  	v59 =	vor.u32 v10, v28;
	v38 =	vld.idx.msk [tilespmem:v54+s25+$0x0], $0xffff  }
0x320: {  	v60 =	vor.u32 v11, v28;
	v39 =	vld.idx.msk [tilespmem:v55+s25+$0x0], $0xffff  }
0x321: {  	v61 =	vor.u32 v12, v28;
	v40 =	vld.idx.msk [tilespmem:v56+s25+$0x0], $0xffff  }
0x322: {  	v62 =	vor.u32 v13, v28;
	v41 =	vld.idx.msk [tilespmem:v57+s25+$0x0], $0xffff  }
0x323: {  	v63 =	vor.u32 v14, v28;
	v42 =	vld.idx.msk [tilespmem:v58+s25+$0x0], $0xffff  }
0x324: {  	v28 =	vor.u32 v15, v28;
	v43 =	vld.idx.msk [tilespmem:v59+s25+$0x0], $0xffff  }
0x325: {  	v44 =	vld.idx.msk [tilespmem:v60+s25+$0x0], $0xffff  }
0x326: {  	s21 =	sadd.s32 $0xFFFFFFF0, s24;
	v45 =	vld.idx.msk [tilespmem:v61+s25+$0x0], $0xffff  }
0x327: {  	s20 =	sand.u32 $0x60, s21;
	v46 =	vld.idx.msk [tilespmem:v62+s25+$0x0], $0xffff  }
0x328: {  	s21 =	sor.u32 s20, s12;
	v47 =	vld.idx.msk [tilespmem:v63+s25+$0x0], $0xffff  }
0x329: {  	v28 =	vld.idx.msk [tilespmem:v28+s25+$0x0], $0xffff;
	[tilespmem:s21+$0x0] =	vst v17  }
0x32a: {  	[tilespmem:s21+$0x80] =	vst v18  }
0x32b: {  	[tilespmem:s21+$0x100] =	vst v19  }
0x32c: {  	[tilespmem:s21+$0x180] =	vst v20  }
0x32d: {  	[tilespmem:s21+$0x200] =	vst v21  }
0x32e: {  	[tilespmem:s21+$0x280] =	vst v22  }
0x32f: {  	[tilespmem:s21+$0x300] =	vst v23  }
0x330: {  	[tilespmem:s21+$0x380] =	vst v24;
	s21 =	sor.u32 s20, s13  }
0x331: {  	[tilespmem:s21+$0x0] =	vst v25;
	s21 =	sor.u32 s20, s14  }
0x332: {  	[tilespmem:s21+$0x0] =	vst v26;
	s21 =	sor.u32 s20, s15  }
0x333: {  	[tilespmem:s21+$0x0] =	vst v27;
	s21 =	sor.u32 s20, s30  }
0x334: {  	[tilespmem:s21+$0x0] =	vst v29;
	s21 =	sor.u32 s20, s16  }
0x335: {  	[tilespmem:s21+$0x0] =	vst v30;
	s21 =	sor.u32 s20, s17  }
0x336: {  	[tilespmem:s21+$0x0] =	vst v31;
	s21 =	sor.u32 s20, s18  }
0x337: {  	s20 =	sor.u32 s20, s19;
	[tilespmem:s21+$0x0] =	vst v32;
	s21 =	sand.u32 $0x70, s24  }
0x338: {  	[tilespmem:s20+$0x0] =	vst v16;
	s12 =	sor.u32 s21, s12  }
0x339: {  	[tilespmem:s12+$0x0] =	vst v33  }
0x33a: {  	[tilespmem:s12+$0x80] =	vst v34  }
0x33b: {  	[tilespmem:s12+$0x100] =	vst v35  }
0x33c: {  	[tilespmem:s12+$0x180] =	vst v36  }
0x33d: {  	[tilespmem:s12+$0x200] =	vst v37  }
0x33e: {  	[tilespmem:s12+$0x280] =	vst v38  }
0x33f: {  	[tilespmem:s12+$0x300] =	vst v39  }
0x340: {  	s20 =	sor.u32 s21, s13;
	[tilespmem:s12+$0x380] =	vst v40  }
0x341: {  	s13 =	sor.u32 s21, s14;
	[tilespmem:s20+$0x0] =	vst v41  }
0x342: {  	s14 =	sor.u32 s21, s15;
	[tilespmem:s13+$0x0] =	vst v42  }
0x343: {  	p0 =	sne.s32 s24, $0x770;
	s15 =	sor.u32 s21, s30;
	[tilespmem:s14+$0x0] =	vst v43  }
.Ltmp4:
0x344: {  	s16 =	sor.u32 s21, s16;
	[tilespmem:s15+$0x0] =	vst v44;
	(pc) =	sbr.rel @p0 .LBB2_10-.Ltmp4, $4  }
0x345: {  	s17 =	sor.u32 s21, s17;
	[tilespmem:s16+$0x0] =	vst v45  }
0x346: {  	s20 =	sor.u32 s21, s18;
	[tilespmem:s17+$0x0] =	vst v46  }
0x347: {  	s30 =	sor.u32 s21, s19;
	[tilespmem:s20+$0x0] =	vst v47  }
0x348: {  	s10 =	sadd.s32 $0x200, s10;
	s11 =	sadd.s32 $0x40, s11;
	s24 =	sadd.s32 $0x40, s24;
	[tilespmem:s30+$0x0] =	vst v28  }
0x349: {  	s10 =	rddreg [dreg:$0x17]  }
0x34a: {  	[hbm4b:s10+s3] =	stream.linear.scatter [tilespmem:s0], [sflag:$0x6], $0x3C00, $0x38;
	[tilespmem:$0x1C180] =	vst v63  }
0x34b: {  	s30 =	rddreg [dreg:$0x18]  }
0x34c: {  	[hbm4b:s30+s3] =	stream.linear.scatter [tilespmem:s2], [sflag:$0x6], $0x3C00, $0x38;
	[tilespmem:$0x1C180] =	vst v63  }
0x34d: {  	_ =	swait.ge [sflag:s6], $0x3C00  }
0x34e: {  	[sflag:s6] =	ssyncset.done $0x0  }
0x34f: {  	[sflag:s6] =	ssyncadd.s32 $0xFFFFC400  }
0x350: {  	_ =	swait.ge [sflag:s6], $0x3C00  }
0x351: {  	[sflag:s6] =	ssyncset.done $0x0  }
0x352: {  	[sflag:s6] =	ssyncadd.s32 $0xFFFFC400  }
0x353: {  	_ =	swait.ge [sflag:s7], $0x4000  }
0x354: {  	[sflag:s7] =	ssyncset.done $0x0  }
0x355: {  	s9 =	sadd.s32 $0x1, s9;
	[sflag:s7] =	ssyncadd.s32 $0xFFFFC000  }
0x356: {  	p0 =	sne.s32 s9, s22;
	_ =	swait.ge [sflag:s7], $0x4000  }
.Ltmp5:
0x357: {  	[sflag:s7] =	ssyncset.done $0x0;
	(pc) =	sbr.rel @p0 .LBB2_1-.Ltmp5, $4  }
0x358: {  	[sflag:s7] =	ssyncadd.s32 $0xFFFFC000  }
0x359: {  	_ =	swait.ge [sflag:s8], $0xA000  }
0x35a: {  	[sflag:s8] =	ssyncset.done $0x0  }
0x35b: {  	[sflag:s8] =	ssyncadd.s32 $0xFFFF6000  }
0x35c: {  	_ =	sfence.sel $0x180000  }
0x35d: {  	[bflag:$0x0] =	sbarrier.arrive $0xFFFF  }
0x35e: {  	_ =	strace $0x90000047  }
0x35f: {  	s0 =	stileid.u32;
	[bflag:$0x2] =	sbarrier.arrive $0xFFFF  }
0x360: {  	p0 =	sne.s32 s0, $0x0;
	s0 =	rddreg [dreg:$0x6]  }
0x361: {  	s0 =	sadd.s32 @!p0 $0x100000, s0  }
0x362: {  	[sflag:s0] =	ssyncadd.tile.s32 @!p0 $0x1;
	_ =	shalt  }
.Lfunc_end2:
_tile_overlayer_lowered:
.L_overlay_start_2:
0x363: {  	(tag) =	ssettag $0x2  }
0x364: {  	s0 =	rddreg [dreg:$0x0];
	s2 =	stileid.u32  }
0x365: {  	s1 =	rddreg [dreg:$0x1];
	p0 =	sne.s32 s2, $0x0  }
0x366: {  	s3 =	rddreg [dreg:$0x2];
	[bflag:$0x3] =	sbarrier.arrive $0xFFFF;
	s2 =	simm.s32 @!p0 $0x1C08  }
0x367: {  	[timem:s3], [sflag:s2] =	dma.local @!p0 [hbm:s0], s1  }
0x368: {  	s0 =	simm.s32 @!p0 $0x8  }
0x369: {  	_ =	swait.ge @!p0 [sflag:s0], s1  }
0x36a: {  	s1 =	ssub.s32 @!p0 $0x0, s1;
	[sflag:s0] =	ssyncset.done @!p0 $0x0  }
0x36b: {  	[sflag:s0] =	ssyncadd.s32 @!p0 s1  }
0x36c: {  	[bflag:$0x3] =	sbarrier.arrive $0xFFFF  }
0x36d: {  	_ =	shalt  }

</sc_bundles>
